<compile_context>
chip_gen: v7x
topology: tpu7x:2x2x1
jax: 0.10.2.dev20260603
libtpu: 0.0.44.dev20260713+nightly
codegen_flags: <defaults>
</compile_context>

<pallas_src>
import jax
import jax.numpy as jnp
from jax import lax
from jax.experimental import pallas as pl
from jax.experimental.pallas import tpu as pltpu
from jax.experimental.pallas import tpu_sc as plsc

_N = 10000
_D = 128
_E = 320000

_NC = 2
_NS = 16
_NW = _NC * _NS
_NSLOT = 3
_CH = 128
_NCHUNK = 78
_EPW = _E // _NW
_TAIL = _EPW - _NCHUNK * _CH
_ROWS = 10112
_RPS = _ROWS // _NS
def _mk_blocks():
    b, r0 = [], 0
    while r0 < _RPS:
        n = min(_CH, _RPS - r0)
        b.append((r0, n))
        r0 += n
    return tuple(b)


_BLOCKS = _mk_blocks()


def _segsum_phase(h_hbm, src_hbm, dst_hbm, out_hbm, acc, slots, ist, idt,
                  c, s, wid):
    rows0, g0 = slots[0][0], slots[0][3]

    def _zrow(r, _):
        def _zcol(k, __):
            rows0[r, pl.ds(k * 16, 16)] = jnp.zeros((16,), jnp.float32)
            return 0
        return lax.fori_loop(0, _D // 16, _zcol, 0)
    lax.fori_loop(0, _CH, _zrow, 0)
    for r0b, nb in _BLOCKS:
        pltpu.async_copy(rows0.at[pl.ds(0, nb)],
                         acc.at[pl.ds(s * _RPS + r0b, nb)], g0)
    for r0b, nb in _BLOCKS:
        pltpu.make_async_copy(rows0.at[pl.ds(0, nb)],
                              acc.at[pl.ds(s * _RPS + r0b, nb)], g0).wait()
    plsc.subcore_barrier()

    e0 = wid * _EPW
    for k, (rw, isk, idk, gk, sk) in enumerate(slots):
        off = e0 + k * _CH
        pltpu.sync_copy(src_hbm.at[pl.ds(off, _CH)], isk)
        pltpu.sync_copy(dst_hbm.at[pl.ds(off, _CH)], idk)
        pltpu.async_copy(h_hbm.at[isk], rw, gk)

    def _iter(i, _):
        for rw, isk, idk, gk, sk in slots:
            pltpu.make_async_copy(h_hbm.at[isk], rw, gk).wait()
            pltpu.async_copy(rw, acc.at[idk], sk, add=True)
        for k, (rw, isk, idk, gk, sk) in enumerate(slots):
            jn = _NSLOT * i + k + _NSLOT

            @pl.when(jn < _NCHUNK)
            def _(rw=rw, isk=isk, idk=idk, gk=gk, sk=sk, jn=jn):
                pltpu.make_async_copy(rw, acc.at[idk], sk).wait()
                off = e0 + jn * _CH
                pltpu.sync_copy(src_hbm.at[pl.ds(off, _CH)], isk)
                pltpu.sync_copy(dst_hbm.at[pl.ds(off, _CH)], idk)
                pltpu.async_copy(h_hbm.at[isk], rw, gk)
        return 0
    lax.fori_loop(0, _NCHUNK // _NSLOT, _iter, 0)
    for rw, isk, idk, gk, sk in slots:
        pltpu.make_async_copy(rw, acc.at[idk], sk).wait()

    ot = e0 + _NCHUNK * _CH
    pltpu.sync_copy(src_hbm.at[pl.ds(ot, _TAIL)], ist)
    pltpu.sync_copy(dst_hbm.at[pl.ds(ot, _TAIL)], idt)
    pltpu.async_copy(h_hbm.at[ist], rows0.at[pl.ds(0, _TAIL)], g0).wait()
    pltpu.sync_copy(rows0.at[pl.ds(0, _TAIL)], acc.at[idt], add=True)
    plsc.subcore_barrier()

    def _wb_in(idx):
        r0b, nb = _BLOCKS[idx]
        rw = slots[idx % _NSLOT][0]
        return (acc.at[pl.ds(s * _RPS + r0b, nb)], rw.at[pl.ds(0, nb)],
                slots[idx % _NSLOT][3])
    def _wb_out(idx):
        r0b, nb = _BLOCKS[idx]
        rw = slots[idx % _NSLOT][0]
        return (rw.at[pl.ds(0, nb)], out_hbm.at[c, pl.ds(s * _RPS + r0b, nb)],
                slots[idx % _NSLOT][4])
    for idx in range(len(_BLOCKS)):
        if idx >= _NSLOT:
            pltpu.make_async_copy(*_wb_out(idx - _NSLOT)).wait()
        pltpu.async_copy(*_wb_in(idx))
        pltpu.make_async_copy(*_wb_in(idx)).wait()
        pltpu.async_copy(*_wb_out(idx))
    for idx in range(max(0, len(_BLOCKS) - _NSLOT), len(_BLOCKS)):
        pltpu.make_async_copy(*_wb_out(idx)).wait()


def _unpack_scr(scr):
    slots = tuple(scr[5 * k:5 * k + 5] for k in range(_NSLOT))
    return slots, scr[5 * _NSLOT], scr[5 * _NSLOT + 1]


def _ids():
    c = lax.axis_index("c")
    s = lax.axis_index("s")
    return c, s, s * _NC + c


def _segsum_body(h_hbm, src_hbm, dst_hbm, out_hbm, acc, *scr):
    slots, ist, idt = _unpack_scr(scr)
    c, s, wid = _ids()
    _segsum_phase(h_hbm, src_hbm, dst_hbm, out_hbm, acc, slots, ist, idt,
                  c, s, wid)


_SCRATCH = ([
    pltpu.VMEM_SHARED((_ROWS, _D), jnp.float32),
] + [
    t for _k in range(_NSLOT) for t in (
        pltpu.VMEM((_CH, _D), jnp.float32),
        pltpu.VMEM((_CH,), jnp.int32),
        pltpu.VMEM((_CH,), jnp.int32),
        pltpu.SemaphoreType.DMA,
        pltpu.SemaphoreType.DMA,
    )
] + [
    pltpu.VMEM((_TAIL,), jnp.int32),
    pltpu.VMEM((_TAIL,), jnp.int32),
])


def _segsum(h, src, dst):
    mesh = plsc.VectorSubcoreMesh(core_axis_name="c", subcore_axis_name="s")
    f = pl.kernel(
        _segsum_body,
        mesh=mesh,
        out_type=jax.ShapeDtypeStruct((_NC, _ROWS, _D), jnp.float32),
        scratch_types=list(_SCRATCH),
    )
    return f(h, src, dst)


def _matmul_t(x, w):
    return lax.dot_general(x, w, (((1,), (1,)), ((), ())),
                           preferred_element_type=jnp.float32)


def _lin_body(x_ref, w_ref, b_ref, o_ref):
    o_ref[...] = _matmul_t(x_ref[...], w_ref[...]) + b_ref[...]


def _lin(x, p):
    return pl.pallas_call(
        _lin_body,
        out_shape=jax.ShapeDtypeStruct((_N, _D), jnp.float32),
    )(x, p["W"], p["b"].reshape(1, -1))


def _mlp_core(x_ref, a_ref, eps_ref, w1_ref, b1_ref, g_ref, be_ref, w2_ref, b2_ref):
    agg = a_ref[0, 0:_N, :] + a_ref[1, 0:_N, :]
    h = (1.0 + eps_ref[0]) * x_ref[...] + agg
    t = _matmul_t(h, w1_ref[...]) + b1_ref[...]
    mean = jnp.mean(t, axis=0, keepdims=True)
    var = jnp.mean((t - mean) ** 2, axis=0, keepdims=True)
    t = (t - mean) * lax.rsqrt(var + 1e-5) * g_ref[...] + be_ref[...]
    t = jnp.maximum(t, 0.0)
    t = _matmul_t(t, w2_ref[...]) + b2_ref[...]
    return jnp.maximum(t, 0.0)


def _gin_mlp_body(x_ref, a_ref, eps_ref, w1_ref, b1_ref, g_ref, be_ref,
                  w2_ref, b2_ref, o_ref):
    o_ref[...] = _mlp_core(x_ref, a_ref, eps_ref, w1_ref, b1_ref, g_ref,
                           be_ref, w2_ref, b2_ref)


def _gin_mlp_final_body(x_ref, a_ref, eps_ref, w1_ref, b1_ref, g_ref, be_ref,
                        w2_ref, b2_ref, wf_ref, bf_ref, o_ref):
    t = _mlp_core(x_ref, a_ref, eps_ref, w1_ref, b1_ref, g_ref,
                  be_ref, w2_ref, b2_ref)
    o_ref[...] = _matmul_t(t, wf_ref[...]) + bf_ref[...]


def _mlp_args(x, agg, p):
    return (x, agg, p["eps"].reshape(1),
            p["W1"], p["b1"].reshape(1, -1),
            p["gamma"].reshape(1, -1), p["beta"].reshape(1, -1),
            p["W2"], p["b2"].reshape(1, -1))


_SMEM1 = pl.BlockSpec(memory_space=pltpu.SMEM)


def _gin_mlp(x, agg, p):
    specs = [None, None, _SMEM1] + [None] * 6
    specs = [s if s is not None else pl.BlockSpec() for s in specs]
    return pl.pallas_call(
        _gin_mlp_body,
        in_specs=specs,
        out_shape=jax.ShapeDtypeStruct((_N, _D), jnp.float32),
    )(*_mlp_args(x, agg, p))


def _gin_mlp_final(x, agg, p, pf):
    specs = [None, None, _SMEM1] + [None] * 8
    specs = [s if s is not None else pl.BlockSpec() for s in specs]
    return pl.pallas_call(
        _gin_mlp_final_body,
        in_specs=specs,
        out_shape=jax.ShapeDtypeStruct((_N, pf["W"].shape[0]), jnp.float32),
    )(*_mlp_args(x, agg, p), pf["W"], pf["b"].reshape(1, -1))


def kernel(x_author, x_paper, params, ei_writes, ei_written):
    p = params
    src_w, dst_w = ei_writes[0], ei_writes[1]
    src_n, dst_n = ei_written[0], ei_written[1]

    h_a = _lin(x_author, p["lin_author"])
    h_p = _lin(x_paper, p["lin_paper"])

    l1, l2 = p["layers"][0], p["layers"][1]
    agg_p = _segsum(h_a, src_w, dst_w)
    agg_a = _segsum(h_p, src_n, dst_n)
    h_p1 = _gin_mlp(h_p, agg_p, l1["writes"])
    h_a1 = _gin_mlp(h_a, agg_a, l1["written"])

    agg_a2 = _segsum(h_p1, src_n, dst_n)
    return _gin_mlp_final(h_a1, agg_a2, l2["written"], p["final"])

# --- scband reference (transcript-rebuilt; emitter-appended) ---
"""Pipeline reference for scband-hetero-gin-24137716203677 (READ-ONLY COPY).

The authoritative reference and input builder live on the scoring server;
editing this copy changes nothing except your own understanding.
"""

import jax, jax.numpy as jnp
import numpy as np

N_A = 10000
N_P = 10000
D = 128
H = 128
E = 320000
C = 40


def _gin_params(k1, k2):
    return {
        "eps": jnp.zeros((), jnp.float32),
        "W1": jax.random.normal(k1, (H, H), jnp.float32) * 0.05,
        "b1": jnp.zeros((H,), jnp.float32),
        "gamma": jnp.ones((H,), jnp.float32),
        "beta": jnp.zeros((H,), jnp.float32),
        "W2": jax.random.normal(k2, (H, H), jnp.float32) * 0.05,
        "b2": jnp.zeros((H,), jnp.float32),
    }


def setup_inputs(seed: int = 0):
    key = jax.random.key(seed)
    ks = jax.random.split(key, 20)
    x_author = jax.random.normal(ks[0], (N_A, D), jnp.float32)
    x_paper = jax.random.normal(ks[1], (N_P, D), jnp.float32)
    ei_writes = jnp.stack([
        jax.random.randint(ks[2], (E,), 0, N_A, jnp.int32),
        jax.random.randint(ks[3], (E,), 0, N_P, jnp.int32),
    ])
    ei_written = jnp.stack([
        jax.random.randint(ks[4], (E,), 0, N_P, jnp.int32),
        jax.random.randint(ks[5], (E,), 0, N_A, jnp.int32),
    ])
    params = {
        "lin_author": {"W": jax.random.normal(ks[6], (H, D), jnp.float32) * 0.05, "b": jnp.zeros((H,), jnp.float32)},
        "lin_paper": {"W": jax.random.normal(ks[7], (H, D), jnp.float32) * 0.05, "b": jnp.zeros((H,), jnp.float32)},
        "layers": [
            {"writes": _gin_params(ks[8], ks[9]), "written": _gin_params(ks[10], ks[11])},
            {"writes": _gin_params(ks[12], ks[13]), "written": _gin_params(ks[14], ks[15])},
        ],
        "final": {"W": jax.random.normal(ks[16], (C, H), jnp.float32) * 0.05, "b": jnp.zeros((C,), jnp.float32)},
    }
    return {"x_author": x_author, "x_paper": x_paper, "params": params, "ei_writes": ei_writes, "ei_written": ei_written}


def _gin_conv(x_src, x_dst, edge_index, p):
    src = edge_index[0]
    dst = edge_index[1]
    msg = jnp.take(x_src, src, axis=0)
    agg = jnp.zeros_like(x_dst).at[dst].add(msg)
    h = (1.0 + p["eps"]) * x_dst + agg
    h = h @ p["W1"].T + p["b1"]
    mean = jnp.mean(h, axis=0)
    var = jnp.var(h, axis=0)
    h = (h - mean) / jnp.sqrt(var + 1e-5) * p["gamma"] + p["beta"]
    h = jax.nn.relu(h)
    h = h @ p["W2"].T + p["b2"]
    return h


def _forward(x_author, x_paper, params, ei_writes, ei_written):
    h_a = x_author @ params["lin_author"]["W"].T + params["lin_author"]["b"]
    h_p = x_paper @ params["lin_paper"]["W"].T + params["lin_paper"]["b"]
    for lp in params["layers"]:
        out_p = _gin_conv(h_a, h_p, ei_writes, lp["writes"])
        out_a = _gin_conv(h_p, h_a, ei_written, lp["written"])
        h_a = jax.nn.relu(out_a)
        h_p = jax.nn.relu(out_p)
    return h_a @ params["final"]["W"].T + params["final"]["b"]


def reference(x_author, x_paper, params, ei_writes, ei_written):
    return _forward(x_author, x_paper, params, ei_writes, ei_written)

if __name__ == "__main__":
    import jax
    _d = setup_inputs()
    print(jax.jit(kernel)(*tuple(_d.values())))

</pallas_src>

<mosaic_0001>
#map = affine_map<(d0, d1) -> (0, 0)>
#map1 = affine_map<(d0, d1) -> (0)>
#map2 = affine_map<(d0, d1) -> (0, 0, 0)>
module attributes {stable_mosaic.version = 14 : i64} {
  func.func @_segsum_body(%arg0: i32, %arg1: i32, %arg2: memref<10000x128xf32, #tpu.memory_space<hbm>>, %arg3: memref<320000xi32, #tpu.memory_space<hbm>>, %arg4: memref<320000xi32, #tpu.memory_space<hbm>>, %arg5: memref<2x10112x128xf32, #tpu.memory_space<hbm>>, %arg6: memref<10112x128xf32, #tpu.memory_space<vmem_shared>>, %arg7: memref<128x128xf32, #tpu.memory_space<vmem>>, %arg8: memref<128xi32, #tpu.memory_space<vmem>>, %arg9: memref<128xi32, #tpu.memory_space<vmem>>, %arg10: memref<!tpu.dma_semaphore, #tpu.memory_space<semaphore_mem>>, %arg11: memref<!tpu.dma_semaphore, #tpu.memory_space<semaphore_mem>>, %arg12: memref<128x128xf32, #tpu.memory_space<vmem>>, %arg13: memref<128xi32, #tpu.memory_space<vmem>>, %arg14: memref<128xi32, #tpu.memory_space<vmem>>, %arg15: memref<!tpu.dma_semaphore, #tpu.memory_space<semaphore_mem>>, %arg16: memref<!tpu.dma_semaphore, #tpu.memory_space<semaphore_mem>>, %arg17: memref<128x128xf32, #tpu.memory_space<vmem>>, %arg18: memref<128xi32, #tpu.memory_space<vmem>>, %arg19: memref<128xi32, #tpu.memory_space<vmem>>, %arg20: memref<!tpu.dma_semaphore, #tpu.memory_space<semaphore_mem>>, %arg21: memref<!tpu.dma_semaphore, #tpu.memory_space<semaphore_mem>>, %arg22: memref<16xi32, #tpu.memory_space<vmem>>, %arg23: memref<16xi32, #tpu.memory_space<vmem>>) attributes {dimension_semantics = [#tpu.dimension_semantics<core_parallel>, #tpu.dimension_semantics<subcore_parallel>], iteration_bounds = array<i64: 2, 16>, scalar_prefetch = 0 : i64, scratch_operands = 18 : i64, tpu.core_type = #tpu.core_type<sc_vector_subcore>, window_params = [{transform_indices = #map}, {transform_indices = #map1}, {transform_indices = #map1}, {transform_indices = #map2}]} {
    %mul3A = arith.constant 2 : i32
    %mul3A_0 = arith.muli %arg1, %mul3A : i32
    %add3A = arith.addi %mul3A_0, %arg0 : i32
    %scan3A = arith.constant 0 : i32
    %scan3A_1 = arith.constant 0 : i32
    %scan3A_2 = arith.constant 128 : i32
    %scan3A_3 = arith.addi %scan3A_1, %scan3A_2 : i32
    %scan3A_4 = arith.constant 1 : i32
    %scan3A_5 = scf.for %scan3A_493 = %scan3A_1 to %scan3A_3 step %scan3A_4 iter_args(%scan3A_494 = %scan3A) -> (i32)  : i32 {
      %scan3A_495 = arith.constant 0 : i32
      %scan3A_496 = arith.constant 0 : i32
      %scan3A_497 = arith.constant 8 : i32
      %scan3A_498 = arith.addi %scan3A_496, %scan3A_497 : i32
      %scan3A_499 = arith.constant 1 : i32
      %scan3A_500 = scf.for %scan3A_502 = %scan3A_496 to %scan3A_498 step %scan3A_499 iter_args(%scan3A_503 = %scan3A_495) -> (i32)  : i32 {
        %broadcast_in_dim3A = arith.constant 0.000000e+00 : f32
        %broadcast_in_dim3A_504 = vector.broadcast %broadcast_in_dim3A : f32 to vector<16xf32>
        %mul3A_505 = arith.constant 16 : i32
        %mul3A_506 = arith.muli %scan3A_502, %mul3A_505 : i32
        %swap3A = arith.index_cast %scan3A_493 : i32 to index
        %swap3A_507 = arith.index_cast %mul3A_506 : i32 to index
        %swap3A_508 = tpu.vector_load %arg7[%swap3A, %swap3A_507] {strides = array<i32>} : memref<128x128xf32, #tpu.memory_space<vmem>>, vector<1x16xf32>,
        %swap3A_509 = vector.shape_cast %swap3A_508 : vector<1x16xf32> to vector<16xf32>
        %swap3A_510 = vector.shape_cast %broadcast_in_dim3A_504 : vector<16xf32> to vector<1x16xf32>
        tpu.vector_store %arg7[%swap3A, %swap3A_507], %swap3A_510 {strides = array<i32>} : memref<128x128xf32, #tpu.memory_space<vmem>>, vector<1x16xf32>,
        %scan3A_511 = arith.constant 0 : i32
        scf.yield %scan3A_511 : i32
      }
      %scan3A_501 = arith.constant 8 : i32
      scf.yield %scan3A_500 : i32
    }
    %scan3A_6 = arith.constant 128 : i32
    %mul3A_7 = arith.constant 632 : i32
    %mul3A_8 = arith.muli %arg1, %mul3A_7 : i32
    %add3A_9 = arith.constant 0 : i32
    %add3A_10 = arith.addi %mul3A_8, %add3A_9 : i32
    %dma_start3A = arith.constant 0 : i32
    %dma_start3A_11 = arith.constant 0 : i32
    %dma_start3A_12 = tpu.memref_slice %arg7[%dma_start3A, %dma_start3A_11] : memref<128x128xf32, #tpu.memory_space<vmem>> -> memref<128x128xf32, #tpu.memory_space<vmem>>
    %dma_start3A_13 = arith.constant 0 : i32
    %dma_start3A_14 = tpu.memref_slice %arg6[%add3A_10, %dma_start3A_13] : memref<10112x128xf32, #tpu.memory_space<vmem_shared>> -> memref<128x128xf32, #tpu.memory_space<vmem_shared>>
    %dma_start3A_15 = arith.constant 0 : i32
    %dma_start3A_16 = tpu.memref_slice %arg6[%add3A_10, %dma_start3A_15] : memref<10112x128xf32, #tpu.memory_space<vmem_shared>> -> memref<128x128xf32, #tpu.memory_space<vmem_shared>>
    %dma_start3A_17 = arith.constant 0 : i32
    %dma_start3A_18 = arith.constant 0 : i32
    %dma_start3A_19 = tpu.memref_slice %arg7[%dma_start3A_17, %dma_start3A_18] : memref<128x128xf32, #tpu.memory_space<vmem>> -> memref<128x128xf32, #tpu.memory_space<vmem>>
    tpu.enqueue_dma source(%dma_start3A_19 : memref<128x128xf32, #tpu.memory_space<vmem>>) target(%dma_start3A_16 : memref<128x128xf32, #tpu.memory_space<vmem_shared>>) target_semaphore(%arg10 : memref<!tpu.dma_semaphore, #tpu.memory_space<semaphore_mem>>)
    %mul3A_20 = arith.constant 632 : i32
    %mul3A_21 = arith.muli %arg1, %mul3A_20 : i32
    %add3A_22 = arith.constant 128 : i32
    %add3A_23 = arith.addi %mul3A_21, %add3A_22 : i32
    %dma_start3A_24 = arith.constant 0 : i32
    %dma_start3A_25 = arith.constant 0 : i32
    %dma_start3A_26 = tpu.memref_slice %arg7[%dma_start3A_24, %dma_start3A_25] : memref<128x128xf32, #tpu.memory_space<vmem>> -> memref<128x128xf32, #tpu.memory_space<vmem>>
    %dma_start3A_27 = arith.constant 0 : i32
    %dma_start3A_28 = tpu.memref_slice %arg6[%add3A_23, %dma_start3A_27] : memref<10112x128xf32, #tpu.memory_space<vmem_shared>> -> memref<128x128xf32, #tpu.memory_space<vmem_shared>>
    %dma_start3A_29 = arith.constant 0 : i32
    %dma_start3A_30 = tpu.memref_slice %arg6[%add3A_23, %dma_start3A_29] : memref<10112x128xf32, #tpu.memory_space<vmem_shared>> -> memref<128x128xf32, #tpu.memory_space<vmem_shared>>
    %dma_start3A_31 = arith.constant 0 : i32
    %dma_start3A_32 = arith.constant 0 : i32
    %dma_start3A_33 = tpu.memref_slice %arg7[%dma_start3A_31, %dma_start3A_32] : memref<128x128xf32, #tpu.memory_space<vmem>> -> memref<128x128xf32, #tpu.memory_space<vmem>>
    tpu.enqueue_dma source(%dma_start3A_33 : memref<128x128xf32, #tpu.memory_space<vmem>>) target(%dma_start3A_30 : memref<128x128xf32, #tpu.memory_space<vmem_shared>>) target_semaphore(%arg10 : memref<!tpu.dma_semaphore, #tpu.memory_space<semaphore_mem>>)
    %mul3A_34 = arith.constant 632 : i32
    %mul3A_35 = arith.muli %arg1, %mul3A_34 : i32
    %add3A_36 = arith.constant 256 : i32
    %add3A_37 = arith.addi %mul3A_35, %add3A_36 : i32
    %dma_start3A_38 = arith.constant 0 : i32
    %dma_start3A_39 = arith.constant 0 : i32
    %dma_start3A_40 = tpu.memref_slice %arg7[%dma_start3A_38, %dma_start3A_39] : memref<128x128xf32, #tpu.memory_space<vmem>> -> memref<128x128xf32, #tpu.memory_space<vmem>>
    %dma_start3A_41 = arith.constant 0 : i32
    %dma_start3A_42 = tpu.memref_slice %arg6[%add3A_37, %dma_start3A_41] : memref<10112x128xf32, #tpu.memory_space<vmem_shared>> -> memref<128x128xf32, #tpu.memory_space<vmem_shared>>
    %dma_start3A_43 = arith.constant 0 : i32
    %dma_start3A_44 = tpu.memref_slice %arg6[%add3A_37, %dma_start3A_43] : memref<10112x128xf32, #tpu.memory_space<vmem_shared>> -> memref<128x128xf32, #tpu.memory_space<vmem_shared>>
    %dma_start3A_45 = arith.constant 0 : i32
    %dma_start3A_46 = arith.constant 0 : i32
    %dma_start3A_47 = tpu.memref_slice %arg7[%dma_start3A_45, %dma_start3A_46] : memref<128x128xf32, #tpu.memory_space<vmem>> -> memref<128x128xf32, #tpu.memory_space<vmem>>
    tpu.enqueue_dma source(%dma_start3A_47 : memref<128x128xf32, #tpu.memory_space<vmem>>) target(%dma_start3A_44 : memref<128x128xf32, #tpu.memory_space<vmem_shared>>) target_semaphore(%arg10 : memref<!tpu.dma_semaphore, #tpu.memory_space<semaphore_mem>>)
    %mul3A_48 = arith.constant 632 : i32
    %mul3A_49 = arith.muli %arg1, %mul3A_48 : i32
    %add3A_50 = arith.constant 384 : i32
    %add3A_51 = arith.addi %mul3A_49, %add3A_50 : i32
    %dma_start3A_52 = arith.constant 0 : i32
    %dma_start3A_53 = arith.constant 0 : i32
    %dma_start3A_54 = tpu.memref_slice %arg7[%dma_start3A_52, %dma_start3A_53] : memref<128x128xf32, #tpu.memory_space<vmem>> -> memref<128x128xf32, #tpu.memory_space<vmem>>
    %dma_start3A_55 = arith.constant 0 : i32
    %dma_start3A_56 = tpu.memref_slice %arg6[%add3A_51, %dma_start3A_55] : memref<10112x128xf32, #tpu.memory_space<vmem_shared>> -> memref<128x128xf32, #tpu.memory_space<vmem_shared>>
    %dma_start3A_57 = arith.constant 0 : i32
    %dma_start3A_58 = tpu.memref_slice %arg6[%add3A_51, %dma_start3A_57] : memref<10112x128xf32, #tpu.memory_space<vmem_shared>> -> memref<128x128xf32, #tpu.memory_space<vmem_shared>>
    %dma_start3A_59 = arith.constant 0 : i32
    %dma_start3A_60 = arith.constant 0 : i32
    %dma_start3A_61 = tpu.memref_slice %arg7[%dma_start3A_59, %dma_start3A_60] : memref<128x128xf32, #tpu.memory_space<vmem>> -> memref<128x128xf32, #tpu.memory_space<vmem>>
    tpu.enqueue_dma source(%dma_start3A_61 : memref<128x128xf32, #tpu.memory_space<vmem>>) target(%dma_start3A_58 : memref<128x128xf32, #tpu.memory_space<vmem_shared>>) target_semaphore(%arg10 : memref<!tpu.dma_semaphore, #tpu.memory_space<semaphore_mem>>)
    %mul3A_62 = arith.constant 632 : i32
    %mul3A_63 = arith.muli %arg1, %mul3A_62 : i32
    %add3A_64 = arith.constant 512 : i32
    %add3A_65 = arith.addi %mul3A_63, %add3A_64 : i32
    %dma_start3A_66 = arith.constant 0 : i32
    %dma_start3A_67 = arith.constant 0 : i32
    %dma_start3A_68 = tpu.memref_slice %arg7[%dma_start3A_66, %dma_start3A_67] : memref<128x128xf32, #tpu.memory_space<vmem>> -> memref<120x128xf32, #tpu.memory_space<vmem>>
    %dma_start3A_69 = arith.constant 0 : i32
    %dma_start3A_70 = tpu.memref_slice %arg6[%add3A_65, %dma_start3A_69] : memref<10112x128xf32, #tpu.memory_space<vmem_shared>> -> memref<120x128xf32, #tpu.memory_space<vmem_shared>>
    %dma_start3A_71 = arith.constant 0 : i32
    %dma_start3A_72 = tpu.memref_slice %arg6[%add3A_65, %dma_start3A_71] : memref<10112x128xf32, #tpu.memory_space<vmem_shared>> -> memref<120x128xf32, #tpu.memory_space<vmem_shared>>
    %dma_start3A_73 = arith.constant 0 : i32
    %dma_start3A_74 = arith.constant 0 : i32
    %dma_start3A_75 = tpu.memref_slice %arg7[%dma_start3A_73, %dma_start3A_74] : memref<128x128xf32, #tpu.memory_space<vmem>> -> memref<120x128xf32, #tpu.memory_space<vmem>>
    tpu.enqueue_dma source(%dma_start3A_75 : memref<120x128xf32, #tpu.memory_space<vmem>>) target(%dma_start3A_72 : memref<120x128xf32, #tpu.memory_space<vmem_shared>>) target_semaphore(%arg10 : memref<!tpu.dma_semaphore, #tpu.memory_space<semaphore_mem>>)
    %mul3A_76 = arith.constant 632 : i32
    %mul3A_77 = arith.muli %arg1, %mul3A_76 : i32
    %add3A_78 = arith.constant 0 : i32
    %add3A_79 = arith.addi %mul3A_77, %add3A_78 : i32
    %dma_wait3A = arith.constant 0 : i32
    %dma_wait3A_80 = arith.constant 0 : i32
    %dma_wait3A_81 = tpu.memref_slice %arg7[%dma_wait3A, %dma_wait3A_80] : memref<128x128xf32, #tpu.memory_space<vmem>> -> memref<128x128xf32, #tpu.memory_space<vmem>>
    %dma_wait3A_82 = arith.constant 0 : i32
    %dma_wait3A_83 = tpu.memref_slice %arg6[%add3A_79, %dma_wait3A_82] : memref<10112x128xf32, #tpu.memory_space<vmem_shared>> -> memref<128x128xf32, #tpu.memory_space<vmem_shared>>
    %dma_wait3A_84 = arith.constant 0 : i32
    %dma_wait3A_85 = tpu.memref_slice %arg6[%add3A_79, %dma_wait3A_84] : memref<10112x128xf32, #tpu.memory_space<vmem_shared>> -> memref<128x128xf32, #tpu.memory_space<vmem_shared>>
    %dma_wait3A_86 = arith.constant 0 : i32
    %dma_wait3A_87 = arith.constant 0 : i32
    %dma_wait3A_88 = tpu.memref_slice %arg7[%dma_wait3A_86, %dma_wait3A_87] : memref<128x128xf32, #tpu.memory_space<vmem>> -> memref<128x128xf32, #tpu.memory_space<vmem>>
    tpu.wait_dma2 semaphore(%arg10 : memref<!tpu.dma_semaphore, #tpu.memory_space<semaphore_mem>>) src(%dma_wait3A_88 : memref<128x128xf32, #tpu.memory_space<vmem>>) dst(%dma_wait3A_85 : memref<128x128xf32, #tpu.memory_space<vmem_shared>>)
    %mul3A_89 = arith.constant 632 : i32
    %mul3A_90 = arith.muli %arg1, %mul3A_89 : i32
    %add3A_91 = arith.constant 128 : i32
    %add3A_92 = arith.addi %mul3A_90, %add3A_91 : i32
    %dma_wait3A_93 = arith.constant 0 : i32
    %dma_wait3A_94 = arith.constant 0 : i32
    %dma_wait3A_95 = tpu.memref_slice %arg7[%dma_wait3A_93, %dma_wait3A_94] : memref<128x128xf32, #tpu.memory_space<vmem>> -> memref<128x128xf32, #tpu.memory_space<vmem>>
    %dma_wait3A_96 = arith.constant 0 : i32
    %dma_wait3A_97 = tpu.memref_slice %arg6[%add3A_92, %dma_wait3A_96] : memref<10112x128xf32, #tpu.memory_space<vmem_shared>> -> memref<128x128xf32, #tpu.memory_space<vmem_shared>>
    %dma_wait3A_98 = arith.constant 0 : i32
    %dma_wait3A_99 = tpu.memref_slice %arg6[%add3A_92, %dma_wait3A_98] : memref<10112x128xf32, #tpu.memory_space<vmem_shared>> -> memref<128x128xf32, #tpu.memory_space<vmem_shared>>
    %dma_wait3A_100 = arith.constant 0 : i32
    %dma_wait3A_101 = arith.constant 0 : i32
    %dma_wait3A_102 = tpu.memref_slice %arg7[%dma_wait3A_100, %dma_wait3A_101] : memref<128x128xf32, #tpu.memory_space<vmem>> -> memref<128x128xf32, #tpu.memory_space<vmem>>
    tpu.wait_dma2 semaphore(%arg10 : memref<!tpu.dma_semaphore, #tpu.memory_space<semaphore_mem>>) src(%dma_wait3A_102 : memref<128x128xf32, #tpu.memory_space<vmem>>) dst(%dma_wait3A_99 : memref<128x128xf32, #tpu.memory_space<vmem_shared>>)
    %mul3A_103 = arith.constant 632 : i32
    %mul3A_104 = arith.muli %arg1, %mul3A_103 : i32
    %add3A_105 = arith.constant 256 : i32
    %add3A_106 = arith.addi %mul3A_104, %add3A_105 : i32
    %dma_wait3A_107 = arith.constant 0 : i32
    %dma_wait3A_108 = arith.constant 0 : i32
    %dma_wait3A_109 = tpu.memref_slice %arg7[%dma_wait3A_107, %dma_wait3A_108] : memref<128x128xf32, #tpu.memory_space<vmem>> -> memref<128x128xf32, #tpu.memory_space<vmem>>
    %dma_wait3A_110 = arith.constant 0 : i32
    %dma_wait3A_111 = tpu.memref_slice %arg6[%add3A_106, %dma_wait3A_110] : memref<10112x128xf32, #tpu.memory_space<vmem_shared>> -> memref<128x128xf32, #tpu.memory_space<vmem_shared>>
    %dma_wait3A_112 = arith.constant 0 : i32
    %dma_wait3A_113 = tpu.memref_slice %arg6[%add3A_106, %dma_wait3A_112] : memref<10112x128xf32, #tpu.memory_space<vmem_shared>> -> memref<128x128xf32, #tpu.memory_space<vmem_shared>>
    %dma_wait3A_114 = arith.constant 0 : i32
    %dma_wait3A_115 = arith.constant 0 : i32
    %dma_wait3A_116 = tpu.memref_slice %arg7[%dma_wait3A_114, %dma_wait3A_115] : memref<128x128xf32, #tpu.memory_space<vmem>> -> memref<128x128xf32, #tpu.memory_space<vmem>>
    tpu.wait_dma2 semaphore(%arg10 : memref<!tpu.dma_semaphore, #tpu.memory_space<semaphore_mem>>) src(%dma_wait3A_116 : memref<128x128xf32, #tpu.memory_space<vmem>>) dst(%dma_wait3A_113 : memref<128x128xf32, #tpu.memory_space<vmem_shared>>)
    %mul3A_117 = arith.constant 632 : i32
    %mul3A_118 = arith.muli %arg1, %mul3A_117 : i32
    %add3A_119 = arith.constant 384 : i32
    %add3A_120 = arith.addi %mul3A_118, %add3A_119 : i32
    %dma_wait3A_121 = arith.constant 0 : i32
    %dma_wait3A_122 = arith.constant 0 : i32
    %dma_wait3A_123 = tpu.memref_slice %arg7[%dma_wait3A_121, %dma_wait3A_122] : memref<128x128xf32, #tpu.memory_space<vmem>> -> memref<128x128xf32, #tpu.memory_space<vmem>>
    %dma_wait3A_124 = arith.constant 0 : i32
    %dma_wait3A_125 = tpu.memref_slice %arg6[%add3A_120, %dma_wait3A_124] : memref<10112x128xf32, #tpu.memory_space<vmem_shared>> -> memref<128x128xf32, #tpu.memory_space<vmem_shared>>
    %dma_wait3A_126 = arith.constant 0 : i32
    %dma_wait3A_127 = tpu.memref_slice %arg6[%add3A_120, %dma_wait3A_126] : memref<10112x128xf32, #tpu.memory_space<vmem_shared>> -> memref<128x128xf32, #tpu.memory_space<vmem_shared>>
    %dma_wait3A_128 = arith.constant 0 : i32
    %dma_wait3A_129 = arith.constant 0 : i32
    %dma_wait3A_130 = tpu.memref_slice %arg7[%dma_wait3A_128, %dma_wait3A_129] : memref<128x128xf32, #tpu.memory_space<vmem>> -> memref<128x128xf32, #tpu.memory_space<vmem>>
    tpu.wait_dma2 semaphore(%arg10 : memref<!tpu.dma_semaphore, #tpu.memory_space<semaphore_mem>>) src(%dma_wait3A_130 : memref<128x128xf32, #tpu.memory_space<vmem>>) dst(%dma_wait3A_127 : memref<128x128xf32, #tpu.memory_space<vmem_shared>>)
    %mul3A_131 = arith.constant 632 : i32
    %mul3A_132 = arith.muli %arg1, %mul3A_131 : i32
    %add3A_133 = arith.constant 512 : i32
    %add3A_134 = arith.addi %mul3A_132, %add3A_133 : i32
    %dma_wait3A_135 = arith.constant 0 : i32
    %dma_wait3A_136 = arith.constant 0 : i32
    %dma_wait3A_137 = tpu.memref_slice %arg7[%dma_wait3A_135, %dma_wait3A_136] : memref<128x128xf32, #tpu.memory_space<vmem>> -> memref<120x128xf32, #tpu.memory_space<vmem>>
    %dma_wait3A_138 = arith.constant 0 : i32
    %dma_wait3A_139 = tpu.memref_slice %arg6[%add3A_134, %dma_wait3A_138] : memref<10112x128xf32, #tpu.memory_space<vmem_shared>> -> memref<120x128xf32, #tpu.memory_space<vmem_shared>>
    %dma_wait3A_140 = arith.constant 0 : i32
    %dma_wait3A_141 = tpu.memref_slice %arg6[%add3A_134, %dma_wait3A_140] : memref<10112x128xf32, #tpu.memory_space<vmem_shared>> -> memref<120x128xf32, #tpu.memory_space<vmem_shared>>
    %dma_wait3A_142 = arith.constant 0 : i32
    %dma_wait3A_143 = arith.constant 0 : i32
    %dma_wait3A_144 = tpu.memref_slice %arg7[%dma_wait3A_142, %dma_wait3A_143] : memref<128x128xf32, #tpu.memory_space<vmem>> -> memref<120x128xf32, #tpu.memory_space<vmem>>
    tpu.wait_dma2 semaphore(%arg10 : memref<!tpu.dma_semaphore, #tpu.memory_space<semaphore_mem>>) src(%dma_wait3A_144 : memref<120x128xf32, #tpu.memory_space<vmem>>) dst(%dma_wait3A_141 : memref<120x128xf32, #tpu.memory_space<vmem_shared>>)
    %barrier3A = arith.constant 0 : index
    tpu.barrier barrier_id(%barrier3A)
    %mul3A_145 = arith.constant 10000 : i32
    %mul3A_146 = arith.muli %add3A, %mul3A_145 : i32
    %add3A_147 = arith.constant 0 : i32
    %add3A_148 = arith.addi %mul3A_146, %add3A_147 : i32
    "tpu.region"() ({
      %run_scoped3A = tpu.sem_alloc : memref<!tpu.dma_semaphore, #tpu.memory_space<semaphore_mem>>
      %dma_start3A_493 = tpu.memref_slice %arg3[%add3A_148] : memref<320000xi32, #tpu.memory_space<hbm>> -> memref<128xi32, #tpu.memory_space<hbm>>
      %dma_start3A_494 = tpu.memref_slice %arg3[%add3A_148] : memref<320000xi32, #tpu.memory_space<hbm>> -> memref<128xi32, #tpu.memory_space<hbm>>
      tpu.enqueue_dma source(%dma_start3A_494 : memref<128xi32, #tpu.memory_space<hbm>>) target(%arg8 : memref<128xi32, #tpu.memory_space<vmem>>) target_semaphore(%run_scoped3A : memref<!tpu.dma_semaphore, #tpu.memory_space<semaphore_mem>>)
      %dma_wait3A_495 = tpu.memref_slice %arg3[%add3A_148] : memref<320000xi32, #tpu.memory_space<hbm>> -> memref<128xi32, #tpu.memory_space<hbm>>
      %dma_wait3A_496 = tpu.memref_slice %arg3[%add3A_148] : memref<320000xi32, #tpu.memory_space<hbm>> -> memref<128xi32, #tpu.memory_space<hbm>>
      tpu.wait_dma2 semaphore(%run_scoped3A : memref<!tpu.dma_semaphore, #tpu.memory_space<semaphore_mem>>) src(%dma_wait3A_496 : memref<128xi32, #tpu.memory_space<hbm>>) dst(%arg8 : memref<128xi32, #tpu.memory_space<vmem>>)
      tpu.yield
    }) : () -> ()
    "tpu.region"() ({
      %run_scoped3A = tpu.sem_alloc : memref<!tpu.dma_semaphore, #tpu.memory_space<semaphore_mem>>
      %dma_start3A_493 = tpu.memref_slice %arg4[%add3A_148] : memref<320000xi32, #tpu.memory_space<hbm>> -> memref<128xi32, #tpu.memory_space<hbm>>
      %dma_start3A_494 = tpu.memref_slice %arg4[%add3A_148] : memref<320000xi32, #tpu.memory_space<hbm>> -> memref<128xi32, #tpu.memory_space<hbm>>
      tpu.enqueue_dma source(%dma_start3A_494 : memref<128xi32, #tpu.memory_space<hbm>>) target(%arg9 : memref<128xi32, #tpu.memory_space<vmem>>) target_semaphore(%run_scoped3A : memref<!tpu.dma_semaphore, #tpu.memory_space<semaphore_mem>>)
      %dma_wait3A_495 = tpu.memref_slice %arg4[%add3A_148] : memref<320000xi32, #tpu.memory_space<hbm>> -> memref<128xi32, #tpu.memory_space<hbm>>
      %dma_wait3A_496 = tpu.memref_slice %arg4[%add3A_148] : memref<320000xi32, #tpu.memory_space<hbm>> -> memref<128xi32, #tpu.memory_space<hbm>>
      tpu.wait_dma2 semaphore(%run_scoped3A : memref<!tpu.dma_semaphore, #tpu.memory_space<semaphore_mem>>) src(%dma_wait3A_496 : memref<128xi32, #tpu.memory_space<hbm>>) dst(%arg9 : memref<128xi32, #tpu.memory_space<vmem>>)
      tpu.yield
    }) : () -> ()
    %dma_start3A_149 = arith.constant 0 : i32
    %dma_start3A_150 = arith.constant 0 : i32
    %dma_start3A_151 = tpu.memref_slice %arg2[%dma_start3A_149, %dma_start3A_150] : memref<10000x128xf32, #tpu.memory_space<hbm>> -> memref<10000x128xf32, #tpu.memory_space<hbm>>
    tpu.enqueue_indirect_dma source(%dma_start3A_151 : memref<10000x128xf32, #tpu.memory_space<hbm>>) target(%arg7 : memref<128x128xf32, #tpu.memory_space<vmem>>) offsets(%arg8 : memref<128xi32, #tpu.memory_space<vmem>>) semaphore(%arg10 : memref<!tpu.dma_semaphore, #tpu.memory_space<semaphore_mem>>)
    %add3A_152 = arith.constant 128 : i32
    %add3A_153 = arith.addi %mul3A_146, %add3A_152 : i32
    "tpu.region"() ({
      %run_scoped3A = tpu.sem_alloc : memref<!tpu.dma_semaphore, #tpu.memory_space<semaphore_mem>>
      %dma_start3A_493 = tpu.memref_slice %arg3[%add3A_153] : memref<320000xi32, #tpu.memory_space<hbm>> -> memref<128xi32, #tpu.memory_space<hbm>>
      %dma_start3A_494 = tpu.memref_slice %arg3[%add3A_153] : memref<320000xi32, #tpu.memory_space<hbm>> -> memref<128xi32, #tpu.memory_space<hbm>>
      tpu.enqueue_dma source(%dma_start3A_494 : memref<128xi32, #tpu.memory_space<hbm>>) target(%arg13 : memref<128xi32, #tpu.memory_space<vmem>>) target_semaphore(%run_scoped3A : memref<!tpu.dma_semaphore, #tpu.memory_space<semaphore_mem>>)
      %dma_wait3A_495 = tpu.memref_slice %arg3[%add3A_153] : memref<320000xi32, #tpu.memory_space<hbm>> -> memref<128xi32, #tpu.memory_space<hbm>>
      %dma_wait3A_496 = tpu.memref_slice %arg3[%add3A_153] : memref<320000xi32, #tpu.memory_space<hbm>> -> memref<128xi32, #tpu.memory_space<hbm>>
      tpu.wait_dma2 semaphore(%run_scoped3A : memref<!tpu.dma_semaphore, #tpu.memory_space<semaphore_mem>>) src(%dma_wait3A_496 : memref<128xi32, #tpu.memory_space<hbm>>) dst(%arg13 : memref<128xi32, #tpu.memory_space<vmem>>)
      tpu.yield
    }) : () -> ()
    "tpu.region"() ({
      %run_scoped3A = tpu.sem_alloc : memref<!tpu.dma_semaphore, #tpu.memory_space<semaphore_mem>>
      %dma_start3A_493 = tpu.memref_slice %arg4[%add3A_153] : memref<320000xi32, #tpu.memory_space<hbm>> -> memref<128xi32, #tpu.memory_space<hbm>>
      %dma_start3A_494 = tpu.memref_slice %arg4[%add3A_153] : memref<320000xi32, #tpu.memory_space<hbm>> -> memref<128xi32, #tpu.memory_space<hbm>>
      tpu.enqueue_dma source(%dma_start3A_494 : memref<128xi32, #tpu.memory_space<hbm>>) target(%arg14 : memref<128xi32, #tpu.memory_space<vmem>>) target_semaphore(%run_scoped3A : memref<!tpu.dma_semaphore, #tpu.memory_space<semaphore_mem>>)
      %dma_wait3A_495 = tpu.memref_slice %arg4[%add3A_153] : memref<320000xi32, #tpu.memory_space<hbm>> -> memref<128xi32, #tpu.memory_space<hbm>>
      %dma_wait3A_496 = tpu.memref_slice %arg4[%add3A_153] : memref<320000xi32, #tpu.memory_space<hbm>> -> memref<128xi32, #tpu.memory_space<hbm>>
      tpu.wait_dma2 semaphore(%run_scoped3A : memref<!tpu.dma_semaphore, #tpu.memory_space<semaphore_mem>>) src(%dma_wait3A_496 : memref<128xi32, #tpu.memory_space<hbm>>) dst(%arg14 : memref<128xi32, #tpu.memory_space<vmem>>)
      tpu.yield
    }) : () -> ()
    %dma_start3A_154 = arith.constant 0 : i32
    %dma_start3A_155 = arith.constant 0 : i32
    %dma_start3A_156 = tpu.memref_slice %arg2[%dma_start3A_154, %dma_start3A_155] : memref<10000x128xf32, #tpu.memory_space<hbm>> -> memref<10000x128xf32, #tpu.memory_space<hbm>>
    tpu.enqueue_indirect_dma source(%dma_start3A_156 : memref<10000x128xf32, #tpu.memory_space<hbm>>) target(%arg12 : memref<128x128xf32, #tpu.memory_space<vmem>>) offsets(%arg13 : memref<128xi32, #tpu.memory_space<vmem>>) semaphore(%arg15 : memref<!tpu.dma_semaphore, #tpu.memory_space<semaphore_mem>>)
    %add3A_157 = arith.constant 256 : i32
    %add3A_158 = arith.addi %mul3A_146, %add3A_157 : i32
    "tpu.region"() ({
      %run_scoped3A = tpu.sem_alloc : memref<!tpu.dma_semaphore, #tpu.memory_space<semaphore_mem>>
      %dma_start3A_493 = tpu.memref_slice %arg3[%add3A_158] : memref<320000xi32, #tpu.memory_space<hbm>> -> memref<128xi32, #tpu.memory_space<hbm>>
      %dma_start3A_494 = tpu.memref_slice %arg3[%add3A_158] : memref<320000xi32, #tpu.memory_space<hbm>> -> memref<128xi32, #tpu.memory_space<hbm>>
      tpu.enqueue_dma source(%dma_start3A_494 : memref<128xi32, #tpu.memory_space<hbm>>) target(%arg18 : memref<128xi32, #tpu.memory_space<vmem>>) target_semaphore(%run_scoped3A : memref<!tpu.dma_semaphore, #tpu.memory_space<semaphore_mem>>)
      %dma_wait3A_495 = tpu.memref_slice %arg3[%add3A_158] : memref<320000xi32, #tpu.memory_space<hbm>> -> memref<128xi32, #tpu.memory_space<hbm>>
      %dma_wait3A_496 = tpu.memref_slice %arg3[%add3A_158] : memref<320000xi32, #tpu.memory_space<hbm>> -> memref<128xi32, #tpu.memory_space<hbm>>
      tpu.wait_dma2 semaphore(%run_scoped3A : memref<!tpu.dma_semaphore, #tpu.memory_space<semaphore_mem>>) src(%dma_wait3A_496 : memref<128xi32, #tpu.memory_space<hbm>>) dst(%arg18 : memref<128xi32, #tpu.memory_space<vmem>>)
      tpu.yield
    }) : () -> ()
    "tpu.region"() ({
      %run_scoped3A = tpu.sem_alloc : memref<!tpu.dma_semaphore, #tpu.memory_space<semaphore_mem>>
      %dma_start3A_493 = tpu.memref_slice %arg4[%add3A_158] : memref<320000xi32, #tpu.memory_space<hbm>> -> memref<128xi32, #tpu.memory_space<hbm>>
      %dma_start3A_494 = tpu.memref_slice %arg4[%add3A_158] : memref<320000xi32, #tpu.memory_space<hbm>> -> memref<128xi32, #tpu.memory_space<hbm>>
      tpu.enqueue_dma source(%dma_start3A_494 : memref<128xi32, #tpu.memory_space<hbm>>) target(%arg19 : memref<128xi32, #tpu.memory_space<vmem>>) target_semaphore(%run_scoped3A : memref<!tpu.dma_semaphore, #tpu.memory_space<semaphore_mem>>)
      %dma_wait3A_495 = tpu.memref_slice %arg4[%add3A_158] : memref<320000xi32, #tpu.memory_space<hbm>> -> memref<128xi32, #tpu.memory_space<hbm>>
      %dma_wait3A_496 = tpu.memref_slice %arg4[%add3A_158] : memref<320000xi32, #tpu.memory_space<hbm>> -> memref<128xi32, #tpu.memory_space<hbm>>
      tpu.wait_dma2 semaphore(%run_scoped3A : memref<!tpu.dma_semaphore, #tpu.memory_space<semaphore_mem>>) src(%dma_wait3A_496 : memref<128xi32, #tpu.memory_space<hbm>>) dst(%arg19 : memref<128xi32, #tpu.memory_space<vmem>>)
      tpu.yield
    }) : () -> ()
    %dma_start3A_159 = arith.constant 0 : i32
    %dma_start3A_160 = arith.constant 0 : i32
    %dma_start3A_161 = tpu.memref_slice %arg2[%dma_start3A_159, %dma_start3A_160] : memref<10000x128xf32, #tpu.memory_space<hbm>> -> memref<10000x128xf32, #tpu.memory_space<hbm>>
    tpu.enqueue_indirect_dma source(%dma_start3A_161 : memref<10000x128xf32, #tpu.memory_space<hbm>>) target(%arg17 : memref<128x128xf32, #tpu.memory_space<vmem>>) offsets(%arg18 : memref<128xi32, #tpu.memory_space<vmem>>) semaphore(%arg20 : memref<!tpu.dma_semaphore, #tpu.memory_space<semaphore_mem>>)
    %scan3A_162 = arith.constant 0 : i32
    %scan3A_163 = arith.constant 0 : i32
    %scan3A_164 = arith.constant 26 : i32
    %scan3A_165 = arith.addi %scan3A_163, %scan3A_164 : i32
    %scan3A_166 = arith.constant 1 : i32
    %scan3A_167 = scf.for %scan3A_493 = %scan3A_163 to %scan3A_165 step %scan3A_166 iter_args(%scan3A_494 = %scan3A_162) -> (i32)  : i32 {
      %dma_wait3A_495 = arith.constant 0 : i32
      %dma_wait3A_496 = arith.constant 0 : i32
      %dma_wait3A_497 = tpu.memref_slice %arg2[%dma_wait3A_495, %dma_wait3A_496] : memref<10000x128xf32, #tpu.memory_space<hbm>> -> memref<10000x128xf32, #tpu.memory_space<hbm>>
      tpu.wait_indirect_dma semaphore(%arg10 : memref<!tpu.dma_semaphore, #tpu.memory_space<semaphore_mem>>) src(%dma_wait3A_497 : memref<10000x128xf32, #tpu.memory_space<hbm>>) dst(%arg7 : memref<128x128xf32, #tpu.memory_space<vmem>>)
      %dma_start3A_498 = arith.constant 0 : i32
      %dma_start3A_499 = arith.constant 0 : i32
      %dma_start3A_500 = tpu.memref_slice %arg6[%dma_start3A_498, %dma_start3A_499] : memref<10112x128xf32, #tpu.memory_space<vmem_shared>> -> memref<10112x128xf32, #tpu.memory_space<vmem_shared>>
      tpu.enqueue_indirect_dma source(%arg7 : memref<128x128xf32, #tpu.memory_space<vmem>>) target(%dma_start3A_500 : memref<10112x128xf32, #tpu.memory_space<vmem_shared>>) offsets(%arg9 : memref<128xi32, #tpu.memory_space<vmem>>) semaphore(%arg11 : memref<!tpu.dma_semaphore, #tpu.memory_space<semaphore_mem>>) {add = true}
      %dma_wait3A_501 = arith.constant 0 : i32
      %dma_wait3A_502 = arith.constant 0 : i32
      %dma_wait3A_503 = tpu.memref_slice %arg2[%dma_wait3A_501, %dma_wait3A_502] : memref<10000x128xf32, #tpu.memory_space<hbm>> -> memref<10000x128xf32, #tpu.memory_space<hbm>>
      tpu.wait_indirect_dma semaphore(%arg15 : memref<!tpu.dma_semaphore, #tpu.memory_space<semaphore_mem>>) src(%dma_wait3A_503 : memref<10000x128xf32, #tpu.memory_space<hbm>>) dst(%arg12 : memref<128x128xf32, #tpu.memory_space<vmem>>)
      %dma_start3A_504 = arith.constant 0 : i32
      %dma_start3A_505 = arith.constant 0 : i32
      %dma_start3A_506 = tpu.memref_slice %arg6[%dma_start3A_504, %dma_start3A_505] : memref<10112x128xf32, #tpu.memory_space<vmem_shared>> -> memref<10112x128xf32, #tpu.memory_space<vmem_shared>>
      tpu.enqueue_indirect_dma source(%arg12 : memref<128x128xf32, #tpu.memory_space<vmem>>) target(%dma_start3A_506 : memref<10112x128xf32, #tpu.memory_space<vmem_shared>>) offsets(%arg14 : memref<128xi32, #tpu.memory_space<vmem>>) semaphore(%arg16 : memref<!tpu.dma_semaphore, #tpu.memory_space<semaphore_mem>>) {add = true}
      %dma_wait3A_507 = arith.constant 0 : i32
      %dma_wait3A_508 = arith.constant 0 : i32
      %dma_wait3A_509 = tpu.memref_slice %arg2[%dma_wait3A_507, %dma_wait3A_508] : memref<10000x128xf32, #tpu.memory_space<hbm>> -> memref<10000x128xf32, #tpu.memory_space<hbm>>
      tpu.wait_indirect_dma semaphore(%arg20 : memref<!tpu.dma_semaphore, #tpu.memory_space<semaphore_mem>>) src(%dma_wait3A_509 : memref<10000x128xf32, #tpu.memory_space<hbm>>) dst(%arg17 : memref<128x128xf32, #tpu.memory_space<vmem>>)
      %dma_start3A_510 = arith.constant 0 : i32
      %dma_start3A_511 = arith.constant 0 : i32
      %dma_start3A_512 = tpu.memref_slice %arg6[%dma_start3A_510, %dma_start3A_511] : memref<10112x128xf32, #tpu.memory_space<vmem_shared>> -> memref<10112x128xf32, #tpu.memory_space<vmem_shared>>
      tpu.enqueue_indirect_dma source(%arg17 : memref<128x128xf32, #tpu.memory_space<vmem>>) target(%dma_start3A_512 : memref<10112x128xf32, #tpu.memory_space<vmem_shared>>) offsets(%arg19 : memref<128xi32, #tpu.memory_space<vmem>>) semaphore(%arg21 : memref<!tpu.dma_semaphore, #tpu.memory_space<semaphore_mem>>) {add = true}
      %mul3A_513 = arith.constant 3 : i32
      %mul3A_514 = arith.muli %mul3A_513, %scan3A_493 : i32
      %add3A_515 = arith.constant 0 : i32
      %add3A_516 = arith.addi %mul3A_514, %add3A_515 : i32
      %add3A_517 = arith.constant 3 : i32
      %add3A_518 = arith.addi %add3A_516, %add3A_517 : i32
      %lt3A = arith.constant 78 : i32
      %lt3A_519 = arith.cmpi slt, %add3A_518, %lt3A : i32
      %convert_element_type3A = arith.extui %lt3A_519 : i1 to i32
      %cond3A = arith.constant 0 : i32
      %cond3A_520 = arith.cmpi ne, %convert_element_type3A, %cond3A : i32
      scf.if %cond3A_520 {
        %dma_wait3A_544 = arith.constant 0 : i32
        %dma_wait3A_545 = arith.constant 0 : i32
        %dma_wait3A_546 = tpu.memref_slice %arg6[%dma_wait3A_544, %dma_wait3A_545] : memref<10112x128xf32, #tpu.memory_space<vmem_shared>> -> memref<10112x128xf32, #tpu.memory_space<vmem_shared>>
        tpu.wait_indirect_dma semaphore(%arg11 : memref<!tpu.dma_semaphore, #tpu.memory_space<semaphore_mem>>) src(%arg7 : memref<128x128xf32, #tpu.memory_space<vmem>>) dst(%dma_wait3A_546 : memref<10112x128xf32, #tpu.memory_space<vmem_shared>>)
        %mul3A_547 = arith.constant 128 : i32
        %mul3A_548 = arith.muli %add3A_518, %mul3A_547 : i32
        %add3A_549 = arith.addi %mul3A_146, %mul3A_548 : i32
        "tpu.region"() ({
          %run_scoped3A = tpu.sem_alloc : memref<!tpu.dma_semaphore, #tpu.memory_space<semaphore_mem>>
          %dma_start3A_553 = tpu.memref_slice %arg3[%add3A_549] : memref<320000xi32, #tpu.memory_space<hbm>> -> memref<128xi32, #tpu.memory_space<hbm>>
          %dma_start3A_554 = tpu.memref_slice %arg3[%add3A_549] : memref<320000xi32, #tpu.memory_space<hbm>> -> memref<128xi32, #tpu.memory_space<hbm>>
          tpu.enqueue_dma source(%dma_start3A_554 : memref<128xi32, #tpu.memory_space<hbm>>) target(%arg8 : memref<128xi32, #tpu.memory_space<vmem>>) target_semaphore(%run_scoped3A : memref<!tpu.dma_semaphore, #tpu.memory_space<semaphore_mem>>)
          %dma_wait3A_555 = tpu.memref_slice %arg3[%add3A_549] : memref<320000xi32, #tpu.memory_space<hbm>> -> memref<128xi32, #tpu.memory_space<hbm>>
          %dma_wait3A_556 = tpu.memref_slice %arg3[%add3A_549] : memref<320000xi32, #tpu.memory_space<hbm>> -> memref<128xi32, #tpu.memory_space<hbm>>
          tpu.wait_dma2 semaphore(%run_scoped3A : memref<!tpu.dma_semaphore, #tpu.memory_space<semaphore_mem>>) src(%dma_wait3A_556 : memref<128xi32, #tpu.memory_space<hbm>>) dst(%arg8 : memref<128xi32, #tpu.memory_space<vmem>>)
          tpu.yield
        }) : () -> ()
        "tpu.region"() ({
          %run_scoped3A = tpu.sem_alloc : memref<!tpu.dma_semaphore, #tpu.memory_space<semaphore_mem>>
          %dma_start3A_553 = tpu.memref_slice %arg4[%add3A_549] : memref<320000xi32, #tpu.memory_space<hbm>> -> memref<128xi32, #tpu.memory_space<hbm>>
          %dma_start3A_554 = tpu.memref_slice %arg4[%add3A_549] : memref<320000xi32, #tpu.memory_space<hbm>> -> memref<128xi32, #tpu.memory_space<hbm>>
          tpu.enqueue_dma source(%dma_start3A_554 : memref<128xi32, #tpu.memory_space<hbm>>) target(%arg9 : memref<128xi32, #tpu.memory_space<vmem>>) target_semaphore(%run_scoped3A : memref<!tpu.dma_semaphore, #tpu.memory_space<semaphore_mem>>)
          %dma_wait3A_555 = tpu.memref_slice %arg4[%add3A_549] : memref<320000xi32, #tpu.memory_space<hbm>> -> memref<128xi32, #tpu.memory_space<hbm>>
          %dma_wait3A_556 = tpu.memref_slice %arg4[%add3A_549] : memref<320000xi32, #tpu.memory_space<hbm>> -> memref<128xi32, #tpu.memory_space<hbm>>
          tpu.wait_dma2 semaphore(%run_scoped3A : memref<!tpu.dma_semaphore, #tpu.memory_space<semaphore_mem>>) src(%dma_wait3A_556 : memref<128xi32, #tpu.memory_space<hbm>>) dst(%arg9 : memref<128xi32, #tpu.memory_space<vmem>>)
          tpu.yield
        }) : () -> ()
        %dma_start3A_550 = arith.constant 0 : i32
        %dma_start3A_551 = arith.constant 0 : i32
        %dma_start3A_552 = tpu.memref_slice %arg2[%dma_start3A_550, %dma_start3A_551] : memref<10000x128xf32, #tpu.memory_space<hbm>> -> memref<10000x128xf32, #tpu.memory_space<hbm>>
        tpu.enqueue_indirect_dma source(%dma_start3A_552 : memref<10000x128xf32, #tpu.memory_space<hbm>>) target(%arg7 : memref<128x128xf32, #tpu.memory_space<vmem>>) offsets(%arg8 : memref<128xi32, #tpu.memory_space<vmem>>) semaphore(%arg10 : memref<!tpu.dma_semaphore, #tpu.memory_space<semaphore_mem>>)
      } else {
      }
      %mul3A_521 = arith.constant 3 : i32
      %mul3A_522 = arith.muli %mul3A_521, %scan3A_493 : i32
      %add3A_523 = arith.constant 1 : i32
      %add3A_524 = arith.addi %mul3A_522, %add3A_523 : i32
      %add3A_525 = arith.constant 3 : i32
      %add3A_526 = arith.addi %add3A_524, %add3A_525 : i32
      %lt3A_527 = arith.constant 78 : i32
      %lt3A_528 = arith.cmpi slt, %add3A_526, %lt3A_527 : i32
      %convert_element_type3A_529 = arith.extui %lt3A_528 : i1 to i32
      %cond3A_530 = arith.constant 0 : i32
      %cond3A_531 = arith.cmpi ne, %convert_element_type3A_529, %cond3A_530 : i32
      scf.if %cond3A_531 {
        %dma_wait3A_544 = arith.constant 0 : i32
        %dma_wait3A_545 = arith.constant 0 : i32
        %dma_wait3A_546 = tpu.memref_slice %arg6[%dma_wait3A_544, %dma_wait3A_545] : memref<10112x128xf32, #tpu.memory_space<vmem_shared>> -> memref<10112x128xf32, #tpu.memory_space<vmem_shared>>
        tpu.wait_indirect_dma semaphore(%arg16 : memref<!tpu.dma_semaphore, #tpu.memory_space<semaphore_mem>>) src(%arg12 : memref<128x128xf32, #tpu.memory_space<vmem>>) dst(%dma_wait3A_546 : memref<10112x128xf32, #tpu.memory_space<vmem_shared>>)
        %mul3A_547 = arith.constant 128 : i32
        %mul3A_548 = arith.muli %add3A_526, %mul3A_547 : i32
        %add3A_549 = arith.addi %mul3A_146, %mul3A_548 : i32
        "tpu.region"() ({
          %run_scoped3A = tpu.sem_alloc : memref<!tpu.dma_semaphore, #tpu.memory_space<semaphore_mem>>
          %dma_start3A_553 = tpu.memref_slice %arg3[%add3A_549] : memref<320000xi32, #tpu.memory_space<hbm>> -> memref<128xi32, #tpu.memory_space<hbm>>
          %dma_start3A_554 = tpu.memref_slice %arg3[%add3A_549] : memref<320000xi32, #tpu.memory_space<hbm>> -> memref<128xi32, #tpu.memory_space<hbm>>
          tpu.enqueue_dma source(%dma_start3A_554 : memref<128xi32, #tpu.memory_space<hbm>>) target(%arg13 : memref<128xi32, #tpu.memory_space<vmem>>) target_semaphore(%run_scoped3A : memref<!tpu.dma_semaphore, #tpu.memory_space<semaphore_mem>>)
          %dma_wait3A_555 = tpu.memref_slice %arg3[%add3A_549] : memref<320000xi32, #tpu.memory_space<hbm>> -> memref<128xi32, #tpu.memory_space<hbm>>
          %dma_wait3A_556 = tpu.memref_slice %arg3[%add3A_549] : memref<320000xi32, #tpu.memory_space<hbm>> -> memref<128xi32, #tpu.memory_space<hbm>>
          tpu.wait_dma2 semaphore(%run_scoped3A : memref<!tpu.dma_semaphore, #tpu.memory_space<semaphore_mem>>) src(%dma_wait3A_556 : memref<128xi32, #tpu.memory_space<hbm>>) dst(%arg13 : memref<128xi32, #tpu.memory_space<vmem>>)
          tpu.yield
        }) : () -> ()
        "tpu.region"() ({
          %run_scoped3A = tpu.sem_alloc : memref<!tpu.dma_semaphore, #tpu.memory_space<semaphore_mem>>
          %dma_start3A_553 = tpu.memref_slice %arg4[%add3A_549] : memref<320000xi32, #tpu.memory_space<hbm>> -> memref<128xi32, #tpu.memory_space<hbm>>
          %dma_start3A_554 = tpu.memref_slice %arg4[%add3A_549] : memref<320000xi32, #tpu.memory_space<hbm>> -> memref<128xi32, #tpu.memory_space<hbm>>
          tpu.enqueue_dma source(%dma_start3A_554 : memref<128xi32, #tpu.memory_space<hbm>>) target(%arg14 : memref<128xi32, #tpu.memory_space<vmem>>) target_semaphore(%run_scoped3A : memref<!tpu.dma_semaphore, #tpu.memory_space<semaphore_mem>>)
          %dma_wait3A_555 = tpu.memref_slice %arg4[%add3A_549] : memref<320000xi32, #tpu.memory_space<hbm>> -> memref<128xi32, #tpu.memory_space<hbm>>
          %dma_wait3A_556 = tpu.memref_slice %arg4[%add3A_549] : memref<320000xi32, #tpu.memory_space<hbm>> -> memref<128xi32, #tpu.memory_space<hbm>>
          tpu.wait_dma2 semaphore(%run_scoped3A : memref<!tpu.dma_semaphore, #tpu.memory_space<semaphore_mem>>) src(%dma_wait3A_556 : memref<128xi32, #tpu.memory_space<hbm>>) dst(%arg14 : memref<128xi32, #tpu.memory_space<vmem>>)
          tpu.yield
        }) : () -> ()
        %dma_start3A_550 = arith.constant 0 : i32
        %dma_start3A_551 = arith.constant 0 : i32
        %dma_start3A_552 = tpu.memref_slice %arg2[%dma_start3A_550, %dma_start3A_551] : memref<10000x128xf32, #tpu.memory_space<hbm>> -> memref<10000x128xf32, #tpu.memory_space<hbm>>
        tpu.enqueue_indirect_dma source(%dma_start3A_552 : memref<10000x128xf32, #tpu.memory_space<hbm>>) target(%arg12 : memref<128x128xf32, #tpu.memory_space<vmem>>) offsets(%arg13 : memref<128xi32, #tpu.memory_space<vmem>>) semaphore(%arg15 : memref<!tpu.dma_semaphore, #tpu.memory_space<semaphore_mem>>)
      } else {
      }
      %mul3A_532 = arith.constant 3 : i32
      %mul3A_533 = arith.muli %mul3A_532, %scan3A_493 : i32
      %add3A_534 = arith.constant 2 : i32
      %add3A_535 = arith.addi %mul3A_533, %add3A_534 : i32
      %add3A_536 = arith.constant 3 : i32
      %add3A_537 = arith.addi %add3A_535, %add3A_536 : i32
      %lt3A_538 = arith.constant 78 : i32
      %lt3A_539 = arith.cmpi slt, %add3A_537, %lt3A_538 : i32
      %convert_element_type3A_540 = arith.extui %lt3A_539 : i1 to i32
      %cond3A_541 = arith.constant 0 : i32
      %cond3A_542 = arith.cmpi ne, %convert_element_type3A_540, %cond3A_541 : i32
      scf.if %cond3A_542 {
        %dma_wait3A_544 = arith.constant 0 : i32
        %dma_wait3A_545 = arith.constant 0 : i32
        %dma_wait3A_546 = tpu.memref_slice %arg6[%dma_wait3A_544, %dma_wait3A_545] : memref<10112x128xf32, #tpu.memory_space<vmem_shared>> -> memref<10112x128xf32, #tpu.memory_space<vmem_shared>>
        tpu.wait_indirect_dma semaphore(%arg21 : memref<!tpu.dma_semaphore, #tpu.memory_space<semaphore_mem>>) src(%arg17 : memref<128x128xf32, #tpu.memory_space<vmem>>) dst(%dma_wait3A_546 : memref<10112x128xf32, #tpu.memory_space<vmem_shared>>)
        %mul3A_547 = arith.constant 128 : i32
        %mul3A_548 = arith.muli %add3A_537, %mul3A_547 : i32
        %add3A_549 = arith.addi %mul3A_146, %mul3A_548 : i32
        "tpu.region"() ({
          %run_scoped3A = tpu.sem_alloc : memref<!tpu.dma_semaphore, #tpu.memory_space<semaphore_mem>>
          %dma_start3A_553 = tpu.memref_slice %arg3[%add3A_549] : memref<320000xi32, #tpu.memory_space<hbm>> -> memref<128xi32, #tpu.memory_space<hbm>>
          %dma_start3A_554 = tpu.memref_slice %arg3[%add3A_549] : memref<320000xi32, #tpu.memory_space<hbm>> -> memref<128xi32, #tpu.memory_space<hbm>>
          tpu.enqueue_dma source(%dma_start3A_554 : memref<128xi32, #tpu.memory_space<hbm>>) target(%arg18 : memref<128xi32, #tpu.memory_space<vmem>>) target_semaphore(%run_scoped3A : memref<!tpu.dma_semaphore, #tpu.memory_space<semaphore_mem>>)
          %dma_wait3A_555 = tpu.memref_slice %arg3[%add3A_549] : memref<320000xi32, #tpu.memory_space<hbm>> -> memref<128xi32, #tpu.memory_space<hbm>>
          %dma_wait3A_556 = tpu.memref_slice %arg3[%add3A_549] : memref<320000xi32, #tpu.memory_space<hbm>> -> memref<128xi32, #tpu.memory_space<hbm>>
          tpu.wait_dma2 semaphore(%run_scoped3A : memref<!tpu.dma_semaphore, #tpu.memory_space<semaphore_mem>>) src(%dma_wait3A_556 : memref<128xi32, #tpu.memory_space<hbm>>) dst(%arg18 : memref<128xi32, #tpu.memory_space<vmem>>)
          tpu.yield
        }) : () -> ()
        "tpu.region"() ({
          %run_scoped3A = tpu.sem_alloc : memref<!tpu.dma_semaphore, #tpu.memory_space<semaphore_mem>>
          %dma_start3A_553 = tpu.memref_slice %arg4[%add3A_549] : memref<320000xi32, #tpu.memory_space<hbm>> -> memref<128xi32, #tpu.memory_space<hbm>>
          %dma_start3A_554 = tpu.memref_slice %arg4[%add3A_549] : memref<320000xi32, #tpu.memory_space<hbm>> -> memref<128xi32, #tpu.memory_space<hbm>>
          tpu.enqueue_dma source(%dma_start3A_554 : memref<128xi32, #tpu.memory_space<hbm>>) target(%arg19 : memref<128xi32, #tpu.memory_space<vmem>>) target_semaphore(%run_scoped3A : memref<!tpu.dma_semaphore, #tpu.memory_space<semaphore_mem>>)
          %dma_wait3A_555 = tpu.memref_slice %arg4[%add3A_549] : memref<320000xi32, #tpu.memory_space<hbm>> -> memref<128xi32, #tpu.memory_space<hbm>>
          %dma_wait3A_556 = tpu.memref_slice %arg4[%add3A_549] : memref<320000xi32, #tpu.memory_space<hbm>> -> memref<128xi32, #tpu.memory_space<hbm>>
          tpu.wait_dma2 semaphore(%run_scoped3A : memref<!tpu.dma_semaphore, #tpu.memory_space<semaphore_mem>>) src(%dma_wait3A_556 : memref<128xi32, #tpu.memory_space<hbm>>) dst(%arg19 : memref<128xi32, #tpu.memory_space<vmem>>)
          tpu.yield
        }) : () -> ()
        %dma_start3A_550 = arith.constant 0 : i32
        %dma_start3A_551 = arith.constant 0 : i32
        %dma_start3A_552 = tpu.memref_slice %arg2[%dma_start3A_550, %dma_start3A_551] : memref<10000x128xf32, #tpu.memory_space<hbm>> -> memref<10000x128xf32, #tpu.memory_space<hbm>>
        tpu.enqueue_indirect_dma source(%dma_start3A_552 : memref<10000x128xf32, #tpu.memory_space<hbm>>) target(%arg17 : memref<128x128xf32, #tpu.memory_space<vmem>>) offsets(%arg18 : memref<128xi32, #tpu.memory_space<vmem>>) semaphore(%arg20 : memref<!tpu.dma_semaphore, #tpu.memory_space<semaphore_mem>>)
      } else {
      }
      %scan3A_543 = arith.constant 0 : i32
      scf.yield %scan3A_543 : i32
    }
    %scan3A_168 = arith.constant 26 : i32
    %dma_wait3A_169 = arith.constant 0 : i32
    %dma_wait3A_170 = arith.constant 0 : i32
    %dma_wait3A_171 = tpu.memref_slice %arg6[%dma_wait3A_169, %dma_wait3A_170] : memref<10112x128xf32, #tpu.memory_space<vmem_shared>> -> memref<10112x128xf32, #tpu.memory_space<vmem_shared>>
    tpu.wait_indirect_dma semaphore(%arg11 : memref<!tpu.dma_semaphore, #tpu.memory_space<semaphore_mem>>) src(%arg7 : memref<128x128xf32, #tpu.memory_space<vmem>>) dst(%dma_wait3A_171 : memref<10112x128xf32, #tpu.memory_space<vmem_shared>>)
    %dma_wait3A_172 = arith.constant 0 : i32
    %dma_wait3A_173 = arith.constant 0 : i32
    %dma_wait3A_174 = tpu.memref_slice %arg6[%dma_wait3A_172, %dma_wait3A_173] : memref<10112x128xf32, #tpu.memory_space<vmem_shared>> -> memref<10112x128xf32, #tpu.memory_space<vmem_shared>>
    tpu.wait_indirect_dma semaphore(%arg16 : memref<!tpu.dma_semaphore, #tpu.memory_space<semaphore_mem>>) src(%arg12 : memref<128x128xf32, #tpu.memory_space<vmem>>) dst(%dma_wait3A_174 : memref<10112x128xf32, #tpu.memory_space<vmem_shared>>)
    %dma_wait3A_175 = arith.constant 0 : i32
    %dma_wait3A_176 = arith.constant 0 : i32
    %dma_wait3A_177 = tpu.memref_slice %arg6[%dma_wait3A_175, %dma_wait3A_176] : memref<10112x128xf32, #tpu.memory_space<vmem_shared>> -> memref<10112x128xf32, #tpu.memory_space<vmem_shared>>
    tpu.wait_indirect_dma semaphore(%arg21 : memref<!tpu.dma_semaphore, #tpu.memory_space<semaphore_mem>>) src(%arg17 : memref<128x128xf32, #tpu.memory_space<vmem>>) dst(%dma_wait3A_177 : memref<10112x128xf32, #tpu.memory_space<vmem_shared>>)
    %add3A_178 = arith.constant 9984 : i32
    %add3A_179 = arith.addi %mul3A_146, %add3A_178 : i32
    "tpu.region"() ({
      %run_scoped3A = tpu.sem_alloc : memref<!tpu.dma_semaphore, #tpu.memory_space<semaphore_mem>>
      %dma_start3A_493 = tpu.memref_slice %arg3[%add3A_179] : memref<320000xi32, #tpu.memory_space<hbm>> -> memref<16xi32, #tpu.memory_space<hbm>>
      %dma_start3A_494 = tpu.memref_slice %arg3[%add3A_179] : memref<320000xi32, #tpu.memory_space<hbm>> -> memref<16xi32, #tpu.memory_space<hbm>>
      tpu.enqueue_dma source(%dma_start3A_494 : memref<16xi32, #tpu.memory_space<hbm>>) target(%arg22 : memref<16xi32, #tpu.memory_space<vmem>>) target_semaphore(%run_scoped3A : memref<!tpu.dma_semaphore, #tpu.memory_space<semaphore_mem>>)
      %dma_wait3A_495 = tpu.memref_slice %arg3[%add3A_179] : memref<320000xi32, #tpu.memory_space<hbm>> -> memref<16xi32, #tpu.memory_space<hbm>>
      %dma_wait3A_496 = tpu.memref_slice %arg3[%add3A_179] : memref<320000xi32, #tpu.memory_space<hbm>> -> memref<16xi32, #tpu.memory_space<hbm>>
      tpu.wait_dma2 semaphore(%run_scoped3A : memref<!tpu.dma_semaphore, #tpu.memory_space<semaphore_mem>>) src(%dma_wait3A_496 : memref<16xi32, #tpu.memory_space<hbm>>) dst(%arg22 : memref<16xi32, #tpu.memory_space<vmem>>)
      tpu.yield
    }) : () -> ()
    "tpu.region"() ({
      %run_scoped3A = tpu.sem_alloc : memref<!tpu.dma_semaphore, #tpu.memory_space<semaphore_mem>>
      %dma_start3A_493 = tpu.memref_slice %arg4[%add3A_179] : memref<320000xi32, #tpu.memory_space<hbm>> -> memref<16xi32, #tpu.memory_space<hbm>>
      %dma_start3A_494 = tpu.memref_slice %arg4[%add3A_179] : memref<320000xi32, #tpu.memory_space<hbm>> -> memref<16xi32, #tpu.memory_space<hbm>>
      tpu.enqueue_dma source(%dma_start3A_494 : memref<16xi32, #tpu.memory_space<hbm>>) target(%arg23 : memref<16xi32, #tpu.memory_space<vmem>>) target_semaphore(%run_scoped3A : memref<!tpu.dma_semaphore, #tpu.memory_space<semaphore_mem>>)
      %dma_wait3A_495 = tpu.memref_slice %arg4[%add3A_179] : memref<320000xi32, #tpu.memory_space<hbm>> -> memref<16xi32, #tpu.memory_space<hbm>>
      %dma_wait3A_496 = tpu.memref_slice %arg4[%add3A_179] : memref<320000xi32, #tpu.memory_space<hbm>> -> memref<16xi32, #tpu.memory_space<hbm>>
      tpu.wait_dma2 semaphore(%run_scoped3A : memref<!tpu.dma_semaphore, #tpu.memory_space<semaphore_mem>>) src(%dma_wait3A_496 : memref<16xi32, #tpu.memory_space<hbm>>) dst(%arg23 : memref<16xi32, #tpu.memory_space<vmem>>)
      tpu.yield
    }) : () -> ()
    %dma_start3A_180 = arith.constant 0 : i32
    %dma_start3A_181 = arith.constant 0 : i32
    %dma_start3A_182 = tpu.memref_slice %arg7[%dma_start3A_180, %dma_start3A_181] : memref<128x128xf32, #tpu.memory_space<vmem>> -> memref<16x128xf32, #tpu.memory_space<vmem>>
    %dma_start3A_183 = arith.constant 0 : i32
    %dma_start3A_184 = arith.constant 0 : i32
    %dma_start3A_185 = tpu.memref_slice %arg2[%dma_start3A_183, %dma_start3A_184] : memref<10000x128xf32, #tpu.memory_space<hbm>> -> memref<10000x128xf32, #tpu.memory_space<hbm>>
    tpu.enqueue_indirect_dma source(%dma_start3A_185 : memref<10000x128xf32, #tpu.memory_space<hbm>>) target(%dma_start3A_182 : memref<16x128xf32, #tpu.memory_space<vmem>>) offsets(%arg22 : memref<16xi32, #tpu.memory_space<vmem>>) semaphore(%arg10 : memref<!tpu.dma_semaphore, #tpu.memory_space<semaphore_mem>>)
    %dma_wait3A_186 = arith.constant 0 : i32
    %dma_wait3A_187 = arith.constant 0 : i32
    %dma_wait3A_188 = tpu.memref_slice %arg7[%dma_wait3A_186, %dma_wait3A_187] : memref<128x128xf32, #tpu.memory_space<vmem>> -> memref<16x128xf32, #tpu.memory_space<vmem>>
    %dma_wait3A_189 = arith.constant 0 : i32
    %dma_wait3A_190 = arith.constant 0 : i32
    %dma_wait3A_191 = tpu.memref_slice %arg2[%dma_wait3A_189, %dma_wait3A_190] : memref<10000x128xf32, #tpu.memory_space<hbm>> -> memref<10000x128xf32, #tpu.memory_space<hbm>>
    tpu.wait_indirect_dma semaphore(%arg10 : memref<!tpu.dma_semaphore, #tpu.memory_space<semaphore_mem>>) src(%dma_wait3A_191 : memref<10000x128xf32, #tpu.memory_space<hbm>>) dst(%dma_wait3A_188 : memref<16x128xf32, #tpu.memory_space<vmem>>)
    "tpu.region"() ({
      %run_scoped3A = tpu.sem_alloc : memref<!tpu.dma_semaphore, #tpu.memory_space<semaphore_mem>>
      %dma_start3A_493 = arith.constant 0 : i32
      %dma_start3A_494 = arith.constant 0 : i32
      %dma_start3A_495 = tpu.memref_slice %arg7[%dma_start3A_493, %dma_start3A_494] : memref<128x128xf32, #tpu.memory_space<vmem>> -> memref<16x128xf32, #tpu.memory_space<vmem>>
      %dma_start3A_496 = arith.constant 0 : i32
      %dma_start3A_497 = arith.constant 0 : i32
      %dma_start3A_498 = tpu.memref_slice %arg6[%dma_start3A_496, %dma_start3A_497] : memref<10112x128xf32, #tpu.memory_space<vmem_shared>> -> memref<10112x128xf32, #tpu.memory_space<vmem_shared>>
      tpu.enqueue_indirect_dma source(%dma_start3A_495 : memref<16x128xf32, #tpu.memory_space<vmem>>) target(%dma_start3A_498 : memref<10112x128xf32, #tpu.memory_space<vmem_shared>>) offsets(%arg23 : memref<16xi32, #tpu.memory_space<vmem>>) semaphore(%run_scoped3A : memref<!tpu.dma_semaphore, #tpu.memory_space<semaphore_mem>>) {add = true}
      %dma_wait3A_499 = arith.constant 0 : i32
      %dma_wait3A_500 = arith.constant 0 : i32
      %dma_wait3A_501 = tpu.memref_slice %arg7[%dma_wait3A_499, %dma_wait3A_500] : memref<128x128xf32, #tpu.memory_space<vmem>> -> memref<16x128xf32, #tpu.memory_space<vmem>>
      %dma_wait3A_502 = arith.constant 0 : i32
      %dma_wait3A_503 = arith.constant 0 : i32
      %dma_wait3A_504 = tpu.memref_slice %arg6[%dma_wait3A_502, %dma_wait3A_503] : memref<10112x128xf32, #tpu.memory_space<vmem_shared>> -> memref<10112x128xf32, #tpu.memory_space<vmem_shared>>
      tpu.wait_indirect_dma semaphore(%run_scoped3A : memref<!tpu.dma_semaphore, #tpu.memory_space<semaphore_mem>>) src(%dma_wait3A_501 : memref<16x128xf32, #tpu.memory_space<vmem>>) dst(%dma_wait3A_504 : memref<10112x128xf32, #tpu.memory_space<vmem_shared>>)
      tpu.yield
    }) : () -> ()
    %barrier3A_192 = arith.constant 0 : index
    tpu.barrier barrier_id(%barrier3A_192)
    %mul3A_193 = arith.constant 632 : i32
    %mul3A_194 = arith.muli %arg1, %mul3A_193 : i32
    %add3A_195 = arith.constant 0 : i32
    %add3A_196 = arith.addi %mul3A_194, %add3A_195 : i32
    %dma_start3A_197 = arith.constant 0 : i32
    %dma_start3A_198 = arith.constant 0 : i32
    %dma_start3A_199 = tpu.memref_slice %arg7[%dma_start3A_197, %dma_start3A_198] : memref<128x128xf32, #tpu.memory_space<vmem>> -> memref<128x128xf32, #tpu.memory_space<vmem>>
    %dma_start3A_200 = arith.constant 0 : i32
    %dma_start3A_201 = tpu.memref_slice %arg6[%add3A_196, %dma_start3A_200] : memref<10112x128xf32, #tpu.memory_space<vmem_shared>> -> memref<128x128xf32, #tpu.memory_space<vmem_shared>>
    %dma_start3A_202 = arith.constant 0 : i32
    %dma_start3A_203 = arith.constant 0 : i32
    %dma_start3A_204 = tpu.memref_slice %arg7[%dma_start3A_202, %dma_start3A_203] : memref<128x128xf32, #tpu.memory_space<vmem>> -> memref<128x128xf32, #tpu.memory_space<vmem>>
    %dma_start3A_205 = arith.constant 0 : i32
    %dma_start3A_206 = tpu.memref_slice %arg6[%add3A_196, %dma_start3A_205] : memref<10112x128xf32, #tpu.memory_space<vmem_shared>> -> memref<128x128xf32, #tpu.memory_space<vmem_shared>>
    tpu.enqueue_dma source(%dma_start3A_206 : memref<128x128xf32, #tpu.memory_space<vmem_shared>>) target(%dma_start3A_204 : memref<128x128xf32, #tpu.memory_space<vmem>>) target_semaphore(%arg10 : memref<!tpu.dma_semaphore, #tpu.memory_space<semaphore_mem>>)
    %mul3A_207 = arith.constant 632 : i32
    %mul3A_208 = arith.muli %arg1, %mul3A_207 : i32
    %add3A_209 = arith.constant 0 : i32
    %add3A_210 = arith.addi %mul3A_208, %add3A_209 : i32
    %dma_wait3A_211 = arith.constant 0 : i32
    %dma_wait3A_212 = arith.constant 0 : i32
    %dma_wait3A_213 = tpu.memref_slice %arg7[%dma_wait3A_211, %dma_wait3A_212] : memref<128x128xf32, #tpu.memory_space<vmem>> -> memref<128x128xf32, #tpu.memory_space<vmem>>
    %dma_wait3A_214 = arith.constant 0 : i32
    %dma_wait3A_215 = tpu.memref_slice %arg6[%add3A_210, %dma_wait3A_214] : memref<10112x128xf32, #tpu.memory_space<vmem_shared>> -> memref<128x128xf32, #tpu.memory_space<vmem_shared>>
    %dma_wait3A_216 = arith.constant 0 : i32
    %dma_wait3A_217 = arith.constant 0 : i32
    %dma_wait3A_218 = tpu.memref_slice %arg7[%dma_wait3A_216, %dma_wait3A_217] : memref<128x128xf32, #tpu.memory_space<vmem>> -> memref<128x128xf32, #tpu.memory_space<vmem>>
    %dma_wait3A_219 = arith.constant 0 : i32
    %dma_wait3A_220 = tpu.memref_slice %arg6[%add3A_210, %dma_wait3A_219] : memref<10112x128xf32, #tpu.memory_space<vmem_shared>> -> memref<128x128xf32, #tpu.memory_space<vmem_shared>>
    tpu.wait_dma2 semaphore(%arg10 : memref<!tpu.dma_semaphore, #tpu.memory_space<semaphore_mem>>) src(%dma_wait3A_220 : memref<128x128xf32, #tpu.memory_space<vmem_shared>>) dst(%dma_wait3A_218 : memref<128x128xf32, #tpu.memory_space<vmem>>)
    %mul3A_221 = arith.constant 632 : i32
    %mul3A_222 = arith.muli %arg1, %mul3A_221 : i32
    %add3A_223 = arith.constant 0 : i32
    %add3A_224 = arith.addi %mul3A_222, %add3A_223 : i32
    %dma_start3A_225 = arith.constant 0 : i32
    %dma_start3A_226 = arith.constant 0 : i32
    %dma_start3A_227 = tpu.memref_slice %arg7[%dma_start3A_225, %dma_start3A_226] : memref<128x128xf32, #tpu.memory_space<vmem>> -> memref<128x128xf32, #tpu.memory_space<vmem>>
    %dma_start3A_228 = arith.constant 0 : i32
    %dma_start3A_229 = tpu.memref_slice %arg5[%arg0, %add3A_224, %dma_start3A_228] : memref<2x10112x128xf32, #tpu.memory_space<hbm>> -> memref<1x128x128xf32, #tpu.memory_space<hbm>>
    %dma_start3A_230 = tpu.memref_squeeze %dma_start3A_229 : memref<1x128x128xf32, #tpu.memory_space<hbm>> -> memref<128x128xf32, #tpu.memory_space<hbm>>
    %dma_start3A_231 = arith.constant 0 : i32
    %dma_start3A_232 = tpu.memref_slice %arg5[%arg0, %add3A_224, %dma_start3A_231] : memref<2x10112x128xf32, #tpu.memory_space<hbm>> -> memref<1x128x128xf32, #tpu.memory_space<hbm>>
    %dma_start3A_233 = tpu.memref_squeeze %dma_start3A_232 : memref<1x128x128xf32, #tpu.memory_space<hbm>> -> memref<128x128xf32, #tpu.memory_space<hbm>>
    %dma_start3A_234 = arith.constant 0 : i32
    %dma_start3A_235 = arith.constant 0 : i32
    %dma_start3A_236 = tpu.memref_slice %arg7[%dma_start3A_234, %dma_start3A_235] : memref<128x128xf32, #tpu.memory_space<vmem>> -> memref<128x128xf32, #tpu.memory_space<vmem>>
    tpu.enqueue_dma source(%dma_start3A_236 : memref<128x128xf32, #tpu.memory_space<vmem>>) target(%dma_start3A_233 : memref<128x128xf32, #tpu.memory_space<hbm>>) target_semaphore(%arg11 : memref<!tpu.dma_semaphore, #tpu.memory_space<semaphore_mem>>)
    %mul3A_237 = arith.constant 632 : i32
    %mul3A_238 = arith.muli %arg1, %mul3A_237 : i32
    %add3A_239 = arith.constant 128 : i32
    %add3A_240 = arith.addi %mul3A_238, %add3A_239 : i32
    %dma_start3A_241 = arith.constant 0 : i32
    %dma_start3A_242 = arith.constant 0 : i32
    %dma_start3A_243 = tpu.memref_slice %arg12[%dma_start3A_241, %dma_start3A_242] : memref<128x128xf32, #tpu.memory_space<vmem>> -> memref<128x128xf32, #tpu.memory_space<vmem>>
    %dma_start3A_244 = arith.constant 0 : i32
    %dma_start3A_245 = tpu.memref_slice %arg6[%add3A_240, %dma_start3A_244] : memref<10112x128xf32, #tpu.memory_space<vmem_shared>> -> memref<128x128xf32, #tpu.memory_space<vmem_shared>>
    %dma_start3A_246 = arith.constant 0 : i32
    %dma_start3A_247 = arith.constant 0 : i32
    %dma_start3A_248 = tpu.memref_slice %arg12[%dma_start3A_246, %dma_start3A_247] : memref<128x128xf32, #tpu.memory_space<vmem>> -> memref<128x128xf32, #tpu.memory_space<vmem>>
    %dma_start3A_249 = arith.constant 0 : i32
    %dma_start3A_250 = tpu.memref_slice %arg6[%add3A_240, %dma_start3A_249] : memref<10112x128xf32, #tpu.memory_space<vmem_shared>> -> memref<128x128xf32, #tpu.memory_space<vmem_shared>>
    tpu.enqueue_dma source(%dma_start3A_250 : memref<128x128xf32, #tpu.memory_space<vmem_shared>>) target(%dma_start3A_248 : memref<128x128xf32, #tpu.memory_space<vmem>>) target_semaphore(%arg15 : memref<!tpu.dma_semaphore, #tpu.memory_space<semaphore_mem>>)
    %mul3A_251 = arith.constant 632 : i32
    %mul3A_252 = arith.muli %arg1, %mul3A_251 : i32
    %add3A_253 = arith.constant 128 : i32
    %add3A_254 = arith.addi %mul3A_252, %add3A_253 : i32
    %dma_wait3A_255 = arith.constant 0 : i32
    %dma_wait3A_256 = arith.constant 0 : i32
    %dma_wait3A_257 = tpu.memref_slice %arg12[%dma_wait3A_255, %dma_wait3A_256] : memref<128x128xf32, #tpu.memory_space<vmem>> -> memref<128x128xf32, #tpu.memory_space<vmem>>
    %dma_wait3A_258 = arith.constant 0 : i32
    %dma_wait3A_259 = tpu.memref_slice %arg6[%add3A_254, %dma_wait3A_258] : memref<10112x128xf32, #tpu.memory_space<vmem_shared>> -> memref<128x128xf32, #tpu.memory_space<vmem_shared>>
    %dma_wait3A_260 = arith.constant 0 : i32
    %dma_wait3A_261 = arith.constant 0 : i32
    %dma_wait3A_262 = tpu.memref_slice %arg12[%dma_wait3A_260, %dma_wait3A_261] : memref<128x128xf32, #tpu.memory_space<vmem>> -> memref<128x128xf32, #tpu.memory_space<vmem>>
    %dma_wait3A_263 = arith.constant 0 : i32
    %dma_wait3A_264 = tpu.memref_slice %arg6[%add3A_254, %dma_wait3A_263] : memref<10112x128xf32, #tpu.memory_space<vmem_shared>> -> memref<128x128xf32, #tpu.memory_space<vmem_shared>>
    tpu.wait_dma2 semaphore(%arg15 : memref<!tpu.dma_semaphore, #tpu.memory_space<semaphore_mem>>) src(%dma_wait3A_264 : memref<128x128xf32, #tpu.memory_space<vmem_shared>>) dst(%dma_wait3A_262 : memref<128x128xf32, #tpu.memory_space<vmem>>)
    %mul3A_265 = arith.constant 632 : i32
    %mul3A_266 = arith.muli %arg1, %mul3A_265 : i32
    %add3A_267 = arith.constant 128 : i32
    %add3A_268 = arith.addi %mul3A_266, %add3A_267 : i32
    %dma_start3A_269 = arith.constant 0 : i32
    %dma_start3A_270 = arith.constant 0 : i32
    %dma_start3A_271 = tpu.memref_slice %arg12[%dma_start3A_269, %dma_start3A_270] : memref<128x128xf32, #tpu.memory_space<vmem>> -> memref<128x128xf32, #tpu.memory_space<vmem>>
    %dma_start3A_272 = arith.constant 0 : i32
    %dma_start3A_273 = tpu.memref_slice %arg5[%arg0, %add3A_268, %dma_start3A_272] : memref<2x10112x128xf32, #tpu.memory_space<hbm>> -> memref<1x128x128xf32, #tpu.memory_space<hbm>>
    %dma_start3A_274 = tpu.memref_squeeze %dma_start3A_273 : memref<1x128x128xf32, #tpu.memory_space<hbm>> -> memref<128x128xf32, #tpu.memory_space<hbm>>
    %dma_start3A_275 = arith.constant 0 : i32
    %dma_start3A_276 = tpu.memref_slice %arg5[%arg0, %add3A_268, %dma_start3A_275] : memref<2x10112x128xf32, #tpu.memory_space<hbm>> -> memref<1x128x128xf32, #tpu.memory_space<hbm>>
    %dma_start3A_277 = tpu.memref_squeeze %dma_start3A_276 : memref<1x128x128xf32, #tpu.memory_space<hbm>> -> memref<128x128xf32, #tpu.memory_space<hbm>>
    %dma_start3A_278 = arith.constant 0 : i32
    %dma_start3A_279 = arith.constant 0 : i32
    %dma_start3A_280 = tpu.memref_slice %arg12[%dma_start3A_278, %dma_start3A_279] : memref<128x128xf32, #tpu.memory_space<vmem>> -> memref<128x128xf32, #tpu.memory_space<vmem>>
    tpu.enqueue_dma source(%dma_start3A_280 : memref<128x128xf32, #tpu.memory_space<vmem>>) target(%dma_start3A_277 : memref<128x128xf32, #tpu.memory_space<hbm>>) target_semaphore(%arg16 : memref<!tpu.dma_semaphore, #tpu.memory_space<semaphore_mem>>)
    %mul3A_281 = arith.constant 632 : i32
    %mul3A_282 = arith.muli %arg1, %mul3A_281 : i32
    %add3A_283 = arith.constant 256 : i32
    %add3A_284 = arith.addi %mul3A_282, %add3A_283 : i32
    %dma_start3A_285 = arith.constant 0 : i32
    %dma_start3A_286 = arith.constant 0 : i32
    %dma_start3A_287 = tpu.memref_slice %arg17[%dma_start3A_285, %dma_start3A_286] : memref<128x128xf32, #tpu.memory_space<vmem>> -> memref<128x128xf32, #tpu.memory_space<vmem>>
    %dma_start3A_288 = arith.constant 0 : i32
    %dma_start3A_289 = tpu.memref_slice %arg6[%add3A_284, %dma_start3A_288] : memref<10112x128xf32, #tpu.memory_space<vmem_shared>> -> memref<128x128xf32, #tpu.memory_space<vmem_shared>>
    %dma_start3A_290 = arith.constant 0 : i32
    %dma_start3A_291 = arith.constant 0 : i32
    %dma_start3A_292 = tpu.memref_slice %arg17[%dma_start3A_290, %dma_start3A_291] : memref<128x128xf32, #tpu.memory_space<vmem>> -> memref<128x128xf32, #tpu.memory_space<vmem>>
    %dma_start3A_293 = arith.constant 0 : i32
    %dma_start3A_294 = tpu.memref_slice %arg6[%add3A_284, %dma_start3A_293] : memref<10112x128xf32, #tpu.memory_space<vmem_shared>> -> memref<128x128xf32, #tpu.memory_space<vmem_shared>>
    tpu.enqueue_dma source(%dma_start3A_294 : memref<128x128xf32, #tpu.memory_space<vmem_shared>>) target(%dma_start3A_292 : memref<128x128xf32, #tpu.memory_space<vmem>>) target_semaphore(%arg20 : memref<!tpu.dma_semaphore, #tpu.memory_space<semaphore_mem>>)
    %mul3A_295 = arith.constant 632 : i32
    %mul3A_296 = arith.muli %arg1, %mul3A_295 : i32
    %add3A_297 = arith.constant 256 : i32
    %add3A_298 = arith.addi %mul3A_296, %add3A_297 : i32
    %dma_wait3A_299 = arith.constant 0 : i32
    %dma_wait3A_300 = arith.constant 0 : i32
    %dma_wait3A_301 = tpu.memref_slice %arg17[%dma_wait3A_299, %dma_wait3A_300] : memref<128x128xf32, #tpu.memory_space<vmem>> -> memref<128x128xf32, #tpu.memory_space<vmem>>
    %dma_wait3A_302 = arith.constant 0 : i32
    %dma_wait3A_303 = tpu.memref_slice %arg6[%add3A_298, %dma_wait3A_302] : memref<10112x128xf32, #tpu.memory_space<vmem_shared>> -> memref<128x128xf32, #tpu.memory_space<vmem_shared>>
    %dma_wait3A_304 = arith.constant 0 : i32
    %dma_wait3A_305 = arith.constant 0 : i32
    %dma_wait3A_306 = tpu.memref_slice %arg17[%dma_wait3A_304, %dma_wait3A_305] : memref<128x128xf32, #tpu.memory_space<vmem>> -> memref<128x128xf32, #tpu.memory_space<vmem>>
    %dma_wait3A_307 = arith.constant 0 : i32
    %dma_wait3A_308 = tpu.memref_slice %arg6[%add3A_298, %dma_wait3A_307] : memref<10112x128xf32, #tpu.memory_space<vmem_shared>> -> memref<128x128xf32, #tpu.memory_space<vmem_shared>>
    tpu.wait_dma2 semaphore(%arg20 : memref<!tpu.dma_semaphore, #tpu.memory_space<semaphore_mem>>) src(%dma_wait3A_308 : memref<128x128xf32, #tpu.memory_space<vmem_shared>>) dst(%dma_wait3A_306 : memref<128x128xf32, #tpu.memory_space<vmem>>)
    %mul3A_309 = arith.constant 632 : i32
    %mul3A_310 = arith.muli %arg1, %mul3A_309 : i32
    %add3A_311 = arith.constant 256 : i32
    %add3A_312 = arith.addi %mul3A_310, %add3A_311 : i32
    %dma_start3A_313 = arith.constant 0 : i32
    %dma_start3A_314 = arith.constant 0 : i32
    %dma_start3A_315 = tpu.memref_slice %arg17[%dma_start3A_313, %dma_start3A_314] : memref<128x128xf32, #tpu.memory_space<vmem>> -> memref<128x128xf32, #tpu.memory_space<vmem>>
    %dma_start3A_316 = arith.constant 0 : i32
    %dma_start3A_317 = tpu.memref_slice %arg5[%arg0, %add3A_312, %dma_start3A_316] : memref<2x10112x128xf32, #tpu.memory_space<hbm>> -> memref<1x128x128xf32, #tpu.memory_space<hbm>>
    %dma_start3A_318 = tpu.memref_squeeze %dma_start3A_317 : memref<1x128x128xf32, #tpu.memory_space<hbm>> -> memref<128x128xf32, #tpu.memory_space<hbm>>
    %dma_start3A_319 = arith.constant 0 : i32
    %dma_start3A_320 = tpu.memref_slice %arg5[%arg0, %add3A_312, %dma_start3A_319] : memref<2x10112x128xf32, #tpu.memory_space<hbm>> -> memref<1x128x128xf32, #tpu.memory_space<hbm>>
    %dma_start3A_321 = tpu.memref_squeeze %dma_start3A_320 : memref<1x128x128xf32, #tpu.memory_space<hbm>> -> memref<128x128xf32, #tpu.memory_space<hbm>>
    %dma_start3A_322 = arith.constant 0 : i32
    %dma_start3A_323 = arith.constant 0 : i32
    %dma_start3A_324 = tpu.memref_slice %arg17[%dma_start3A_322, %dma_start3A_323] : memref<128x128xf32, #tpu.memory_space<vmem>> -> memref<128x128xf32, #tpu.memory_space<vmem>>
    tpu.enqueue_dma source(%dma_start3A_324 : memref<128x128xf32, #tpu.memory_space<vmem>>) target(%dma_start3A_321 : memref<128x128xf32, #tpu.memory_space<hbm>>) target_semaphore(%arg21 : memref<!tpu.dma_semaphore, #tpu.memory_space<semaphore_mem>>)
    %mul3A_325 = arith.constant 632 : i32
    %mul3A_326 = arith.muli %arg1, %mul3A_325 : i32
    %add3A_327 = arith.constant 0 : i32
    %add3A_328 = arith.addi %mul3A_326, %add3A_327 : i32
    %dma_wait3A_329 = arith.constant 0 : i32
    %dma_wait3A_330 = arith.constant 0 : i32
    %dma_wait3A_331 = tpu.memref_slice %arg7[%dma_wait3A_329, %dma_wait3A_330] : memref<128x128xf32, #tpu.memory_space<vmem>> -> memref<128x128xf32, #tpu.memory_space<vmem>>
    %dma_wait3A_332 = arith.constant 0 : i32
    %dma_wait3A_333 = tpu.memref_slice %arg5[%arg0, %add3A_328, %dma_wait3A_332] : memref<2x10112x128xf32, #tpu.memory_space<hbm>> -> memref<1x128x128xf32, #tpu.memory_space<hbm>>
    %dma_wait3A_334 = tpu.memref_squeeze %dma_wait3A_333 : memref<1x128x128xf32, #tpu.memory_space<hbm>> -> memref<128x128xf32, #tpu.memory_space<hbm>>
    %dma_wait3A_335 = arith.constant 0 : i32
    %dma_wait3A_336 = tpu.memref_slice %arg5[%arg0, %add3A_328, %dma_wait3A_335] : memref<2x10112x128xf32, #tpu.memory_space<hbm>> -> memref<1x128x128xf32, #tpu.memory_space<hbm>>
    %dma_wait3A_337 = tpu.memref_squeeze %dma_wait3A_336 : memref<1x128x128xf32, #tpu.memory_space<hbm>> -> memref<128x128xf32, #tpu.memory_space<hbm>>
    %dma_wait3A_338 = arith.constant 0 : i32
    %dma_wait3A_339 = arith.constant 0 : i32
    %dma_wait3A_340 = tpu.memref_slice %arg7[%dma_wait3A_338, %dma_wait3A_339] : memref<128x128xf32, #tpu.memory_space<vmem>> -> memref<128x128xf32, #tpu.memory_space<vmem>>
    tpu.wait_dma2 semaphore(%arg11 : memref<!tpu.dma_semaphore, #tpu.memory_space<semaphore_mem>>) src(%dma_wait3A_340 : memref<128x128xf32, #tpu.memory_space<vmem>>) dst(%dma_wait3A_337 : memref<128x128xf32, #tpu.memory_space<hbm>>)
    %mul3A_341 = arith.constant 632 : i32
    %mul3A_342 = arith.muli %arg1, %mul3A_341 : i32
    %add3A_343 = arith.constant 384 : i32
    %add3A_344 = arith.addi %mul3A_342, %add3A_343 : i32
    %dma_start3A_345 = arith.constant 0 : i32
    %dma_start3A_346 = arith.constant 0 : i32
    %dma_start3A_347 = tpu.memref_slice %arg7[%dma_start3A_345, %dma_start3A_346] : memref<128x128xf32, #tpu.memory_space<vmem>> -> memref<128x128xf32, #tpu.memory_space<vmem>>
    %dma_start3A_348 = arith.constant 0 : i32
    %dma_start3A_349 = tpu.memref_slice %arg6[%add3A_344, %dma_start3A_348] : memref<10112x128xf32, #tpu.memory_space<vmem_shared>> -> memref<128x128xf32, #tpu.memory_space<vmem_shared>>
    %dma_start3A_350 = arith.constant 0 : i32
    %dma_start3A_351 = arith.constant 0 : i32
    %dma_start3A_352 = tpu.memref_slice %arg7[%dma_start3A_350, %dma_start3A_351] : memref<128x128xf32, #tpu.memory_space<vmem>> -> memref<128x128xf32, #tpu.memory_space<vmem>>
    %dma_start3A_353 = arith.constant 0 : i32
    %dma_start3A_354 = tpu.memref_slice %arg6[%add3A_344, %dma_start3A_353] : memref<10112x128xf32, #tpu.memory_space<vmem_shared>> -> memref<128x128xf32, #tpu.memory_space<vmem_shared>>
    tpu.enqueue_dma source(%dma_start3A_354 : memref<128x128xf32, #tpu.memory_space<vmem_shared>>) target(%dma_start3A_352 : memref<128x128xf32, #tpu.memory_space<vmem>>) target_semaphore(%arg10 : memref<!tpu.dma_semaphore, #tpu.memory_space<semaphore_mem>>)
    %mul3A_355 = arith.constant 632 : i32
    %mul3A_356 = arith.muli %arg1, %mul3A_355 : i32
    %add3A_357 = arith.constant 384 : i32
    %add3A_358 = arith.addi %mul3A_356, %add3A_357 : i32
    %dma_wait3A_359 = arith.constant 0 : i32
    %dma_wait3A_360 = arith.constant 0 : i32
    %dma_wait3A_361 = tpu.memref_slice %arg7[%dma_wait3A_359, %dma_wait3A_360] : memref<128x128xf32, #tpu.memory_space<vmem>> -> memref<128x128xf32, #tpu.memory_space<vmem>>
    %dma_wait3A_362 = arith.constant 0 : i32
    %dma_wait3A_363 = tpu.memref_slice %arg6[%add3A_358, %dma_wait3A_362] : memref<10112x128xf32, #tpu.memory_space<vmem_shared>> -> memref<128x128xf32, #tpu.memory_space<vmem_shared>>
    %dma_wait3A_364 = arith.constant 0 : i32
    %dma_wait3A_365 = arith.constant 0 : i32
    %dma_wait3A_366 = tpu.memref_slice %arg7[%dma_wait3A_364, %dma_wait3A_365] : memref<128x128xf32, #tpu.memory_space<vmem>> -> memref<128x128xf32, #tpu.memory_space<vmem>>
    %dma_wait3A_367 = arith.constant 0 : i32
    %dma_wait3A_368 = tpu.memref_slice %arg6[%add3A_358, %dma_wait3A_367] : memref<10112x128xf32, #tpu.memory_space<vmem_shared>> -> memref<128x128xf32, #tpu.memory_space<vmem_shared>>
    tpu.wait_dma2 semaphore(%arg10 : memref<!tpu.dma_semaphore, #tpu.memory_space<semaphore_mem>>) src(%dma_wait3A_368 : memref<128x128xf32, #tpu.memory_space<vmem_shared>>) dst(%dma_wait3A_366 : memref<128x128xf32, #tpu.memory_space<vmem>>)
    %mul3A_369 = arith.constant 632 : i32
    %mul3A_370 = arith.muli %arg1, %mul3A_369 : i32
    %add3A_371 = arith.constant 384 : i32
    %add3A_372 = arith.addi %mul3A_370, %add3A_371 : i32
    %dma_start3A_373 = arith.constant 0 : i32
    %dma_start3A_374 = arith.constant 0 : i32
    %dma_start3A_375 = tpu.memref_slice %arg7[%dma_start3A_373, %dma_start3A_374] : memref<128x128xf32, #tpu.memory_space<vmem>> -> memref<128x128xf32, #tpu.memory_space<vmem>>
    %dma_start3A_376 = arith.constant 0 : i32
    %dma_start3A_377 = tpu.memref_slice %arg5[%arg0, %add3A_372, %dma_start3A_376] : memref<2x10112x128xf32, #tpu.memory_space<hbm>> -> memref<1x128x128xf32, #tpu.memory_space<hbm>>
    %dma_start3A_378 = tpu.memref_squeeze %dma_start3A_377 : memref<1x128x128xf32, #tpu.memory_space<hbm>> -> memref<128x128xf32, #tpu.memory_space<hbm>>
    %dma_start3A_379 = arith.constant 0 : i32
    %dma_start3A_380 = tpu.memref_slice %arg5[%arg0, %add3A_372, %dma_start3A_379] : memref<2x10112x128xf32, #tpu.memory_space<hbm>> -> memref<1x128x128xf32, #tpu.memory_space<hbm>>
    %dma_start3A_381 = tpu.memref_squeeze %dma_start3A_380 : memref<1x128x128xf32, #tpu.memory_space<hbm>> -> memref<128x128xf32, #tpu.memory_space<hbm>>
    %dma_start3A_382 = arith.constant 0 : i32
    %dma_start3A_383 = arith.constant 0 : i32
    %dma_start3A_384 = tpu.memref_slice %arg7[%dma_start3A_382, %dma_start3A_383] : memref<128x128xf32, #tpu.memory_space<vmem>> -> memref<128x128xf32, #tpu.memory_space<vmem>>
    tpu.enqueue_dma source(%dma_start3A_384 : memref<128x128xf32, #tpu.memory_space<vmem>>) target(%dma_start3A_381 : memref<128x128xf32, #tpu.memory_space<hbm>>) target_semaphore(%arg11 : memref<!tpu.dma_semaphore, #tpu.memory_space<semaphore_mem>>)
    %mul3A_385 = arith.constant 632 : i32
    %mul3A_386 = arith.muli %arg1, %mul3A_385 : i32
    %add3A_387 = arith.constant 128 : i32
    %add3A_388 = arith.addi %mul3A_386, %add3A_387 : i32
    %dma_wait3A_389 = arith.constant 0 : i32
    %dma_wait3A_390 = arith.constant 0 : i32
    %dma_wait3A_391 = tpu.memref_slice %arg12[%dma_wait3A_389, %dma_wait3A_390] : memref<128x128xf32, #tpu.memory_space<vmem>> -> memref<128x128xf32, #tpu.memory_space<vmem>>
    %dma_wait3A_392 = arith.constant 0 : i32
    %dma_wait3A_393 = tpu.memref_slice %arg5[%arg0, %add3A_388, %dma_wait3A_392] : memref<2x10112x128xf32, #tpu.memory_space<hbm>> -> memref<1x128x128xf32, #tpu.memory_space<hbm>>
    %dma_wait3A_394 = tpu.memref_squeeze %dma_wait3A_393 : memref<1x128x128xf32, #tpu.memory_space<hbm>> -> memref<128x128xf32, #tpu.memory_space<hbm>>
    %dma_wait3A_395 = arith.constant 0 : i32
    %dma_wait3A_396 = tpu.memref_slice %arg5[%arg0, %add3A_388, %dma_wait3A_395] : memref<2x10112x128xf32, #tpu.memory_space<hbm>> -> memref<1x128x128xf32, #tpu.memory_space<hbm>>
    %dma_wait3A_397 = tpu.memref_squeeze %dma_wait3A_396 : memref<1x128x128xf32, #tpu.memory_space<hbm>> -> memref<128x128xf32, #tpu.memory_space<hbm>>
    %dma_wait3A_398 = arith.constant 0 : i32
    %dma_wait3A_399 = arith.constant 0 : i32
    %dma_wait3A_400 = tpu.memref_slice %arg12[%dma_wait3A_398, %dma_wait3A_399] : memref<128x128xf32, #tpu.memory_space<vmem>> -> memref<128x128xf32, #tpu.memory_space<vmem>>
    tpu.wait_dma2 semaphore(%arg16 : memref<!tpu.dma_semaphore, #tpu.memory_space<semaphore_mem>>) src(%dma_wait3A_400 : memref<128x128xf32, #tpu.memory_space<vmem>>) dst(%dma_wait3A_397 : memref<128x128xf32, #tpu.memory_space<hbm>>)
    %mul3A_401 = arith.constant 632 : i32
    %mul3A_402 = arith.muli %arg1, %mul3A_401 : i32
    %add3A_403 = arith.constant 512 : i32
    %add3A_404 = arith.addi %mul3A_402, %add3A_403 : i32
    %dma_start3A_405 = arith.constant 0 : i32
    %dma_start3A_406 = arith.constant 0 : i32
    %dma_start3A_407 = tpu.memref_slice %arg12[%dma_start3A_405, %dma_start3A_406] : memref<128x128xf32, #tpu.memory_space<vmem>> -> memref<120x128xf32, #tpu.memory_space<vmem>>
    %dma_start3A_408 = arith.constant 0 : i32
    %dma_start3A_409 = tpu.memref_slice %arg6[%add3A_404, %dma_start3A_408] : memref<10112x128xf32, #tpu.memory_space<vmem_shared>> -> memref<120x128xf32, #tpu.memory_space<vmem_shared>>
    %dma_start3A_410 = arith.constant 0 : i32
    %dma_start3A_411 = arith.constant 0 : i32
    %dma_start3A_412 = tpu.memref_slice %arg12[%dma_start3A_410, %dma_start3A_411] : memref<128x128xf32, #tpu.memory_space<vmem>> -> memref<120x128xf32, #tpu.memory_space<vmem>>
    %dma_start3A_413 = arith.constant 0 : i32
    %dma_start3A_414 = tpu.memref_slice %arg6[%add3A_404, %dma_start3A_413] : memref<10112x128xf32, #tpu.memory_space<vmem_shared>> -> memref<120x128xf32, #tpu.memory_space<vmem_shared>>
    tpu.enqueue_dma source(%dma_start3A_414 : memref<120x128xf32, #tpu.memory_space<vmem_shared>>) target(%dma_start3A_412 : memref<120x128xf32, #tpu.memory_space<vmem>>) target_semaphore(%arg15 : memref<!tpu.dma_semaphore, #tpu.memory_space<semaphore_mem>>)
    %mul3A_415 = arith.constant 632 : i32
    %mul3A_416 = arith.muli %arg1, %mul3A_415 : i32
    %add3A_417 = arith.constant 512 : i32
    %add3A_418 = arith.addi %mul3A_416, %add3A_417 : i32
    %dma_wait3A_419 = arith.constant 0 : i32
    %dma_wait3A_420 = arith.constant 0 : i32
    %dma_wait3A_421 = tpu.memref_slice %arg12[%dma_wait3A_419, %dma_wait3A_420] : memref<128x128xf32, #tpu.memory_space<vmem>> -> memref<120x128xf32, #tpu.memory_space<vmem>>
    %dma_wait3A_422 = arith.constant 0 : i32
    %dma_wait3A_423 = tpu.memref_slice %arg6[%add3A_418, %dma_wait3A_422] : memref<10112x128xf32, #tpu.memory_space<vmem_shared>> -> memref<120x128xf32, #tpu.memory_space<vmem_shared>>
    %dma_wait3A_424 = arith.constant 0 : i32
    %dma_wait3A_425 = arith.constant 0 : i32
    %dma_wait3A_426 = tpu.memref_slice %arg12[%dma_wait3A_424, %dma_wait3A_425] : memref<128x128xf32, #tpu.memory_space<vmem>> -> memref<120x128xf32, #tpu.memory_space<vmem>>
    %dma_wait3A_427 = arith.constant 0 : i32
    %dma_wait3A_428 = tpu.memref_slice %arg6[%add3A_418, %dma_wait3A_427] : memref<10112x128xf32, #tpu.memory_space<vmem_shared>> -> memref<120x128xf32, #tpu.memory_space<vmem_shared>>
    tpu.wait_dma2 semaphore(%arg15 : memref<!tpu.dma_semaphore, #tpu.memory_space<semaphore_mem>>) src(%dma_wait3A_428 : memref<120x128xf32, #tpu.memory_space<vmem_shared>>) dst(%dma_wait3A_426 : memref<120x128xf32, #tpu.memory_space<vmem>>)
    %mul3A_429 = arith.constant 632 : i32
    %mul3A_430 = arith.muli %arg1, %mul3A_429 : i32
    %add3A_431 = arith.constant 512 : i32
    %add3A_432 = arith.addi %mul3A_430, %add3A_431 : i32
    %dma_start3A_433 = arith.constant 0 : i32
    %dma_start3A_434 = arith.constant 0 : i32
    %dma_start3A_435 = tpu.memref_slice %arg12[%dma_start3A_433, %dma_start3A_434] : memref<128x128xf32, #tpu.memory_space<vmem>> -> memref<120x128xf32, #tpu.memory_space<vmem>>
    %dma_start3A_436 = arith.constant 0 : i32
    %dma_start3A_437 = tpu.memref_slice %arg5[%arg0, %add3A_432, %dma_start3A_436] : memref<2x10112x128xf32, #tpu.memory_space<hbm>> -> memref<1x120x128xf32, #tpu.memory_space<hbm>>
    %dma_start3A_438 = tpu.memref_squeeze %dma_start3A_437 : memref<1x120x128xf32, #tpu.memory_space<hbm>> -> memref<120x128xf32, #tpu.memory_space<hbm>>
    %dma_start3A_439 = arith.constant 0 : i32
    %dma_start3A_440 = tpu.memref_slice %arg5[%arg0, %add3A_432, %dma_start3A_439] : memref<2x10112x128xf32, #tpu.memory_space<hbm>> -> memref<1x120x128xf32, #tpu.memory_space<hbm>>
    %dma_start3A_441 = tpu.memref_squeeze %dma_start3A_440 : memref<1x120x128xf32, #tpu.memory_space<hbm>> -> memref<120x128xf32, #tpu.memory_space<hbm>>
    %dma_start3A_442 = arith.constant 0 : i32
    %dma_start3A_443 = arith.constant 0 : i32
    %dma_start3A_444 = tpu.memref_slice %arg12[%dma_start3A_442, %dma_start3A_443] : memref<128x128xf32, #tpu.memory_space<vmem>> -> memref<120x128xf32, #tpu.memory_space<vmem>>
    tpu.enqueue_dma source(%dma_start3A_444 : memref<120x128xf32, #tpu.memory_space<vmem>>) target(%dma_start3A_441 : memref<120x128xf32, #tpu.memory_space<hbm>>) target_semaphore(%arg16 : memref<!tpu.dma_semaphore, #tpu.memory_space<semaphore_mem>>)
    %mul3A_445 = arith.constant 632 : i32
    %mul3A_446 = arith.muli %arg1, %mul3A_445 : i32
    %add3A_447 = arith.constant 256 : i32
    %add3A_448 = arith.addi %mul3A_446, %add3A_447 : i32
    %dma_wait3A_449 = arith.constant 0 : i32
    %dma_wait3A_450 = arith.constant 0 : i32
    %dma_wait3A_451 = tpu.memref_slice %arg17[%dma_wait3A_449, %dma_wait3A_450] : memref<128x128xf32, #tpu.memory_space<vmem>> -> memref<128x128xf32, #tpu.memory_space<vmem>>
    %dma_wait3A_452 = arith.constant 0 : i32
    %dma_wait3A_453 = tpu.memref_slice %arg5[%arg0, %add3A_448, %dma_wait3A_452] : memref<2x10112x128xf32, #tpu.memory_space<hbm>> -> memref<1x128x128xf32, #tpu.memory_space<hbm>>
    %dma_wait3A_454 = tpu.memref_squeeze %dma_wait3A_453 : memref<1x128x128xf32, #tpu.memory_space<hbm>> -> memref<128x128xf32, #tpu.memory_space<hbm>>
    %dma_wait3A_455 = arith.constant 0 : i32
    %dma_wait3A_456 = tpu.memref_slice %arg5[%arg0, %add3A_448, %dma_wait3A_455] : memref<2x10112x128xf32, #tpu.memory_space<hbm>> -> memref<1x128x128xf32, #tpu.memory_space<hbm>>
    %dma_wait3A_457 = tpu.memref_squeeze %dma_wait3A_456 : memref<1x128x128xf32, #tpu.memory_space<hbm>> -> memref<128x128xf32, #tpu.memory_space<hbm>>
    %dma_wait3A_458 = arith.constant 0 : i32
    %dma_wait3A_459 = arith.constant 0 : i32
    %dma_wait3A_460 = tpu.memref_slice %arg17[%dma_wait3A_458, %dma_wait3A_459] : memref<128x128xf32, #tpu.memory_space<vmem>> -> memref<128x128xf32, #tpu.memory_space<vmem>>
    tpu.wait_dma2 semaphore(%arg21 : memref<!tpu.dma_semaphore, #tpu.memory_space<semaphore_mem>>) src(%dma_wait3A_460 : memref<128x128xf32, #tpu.memory_space<vmem>>) dst(%dma_wait3A_457 : memref<128x128xf32, #tpu.memory_space<hbm>>)
    %mul3A_461 = arith.constant 632 : i32
    %mul3A_462 = arith.muli %arg1, %mul3A_461 : i32
    %add3A_463 = arith.constant 384 : i32
    %add3A_464 = arith.addi %mul3A_462, %add3A_463 : i32
    %dma_wait3A_465 = arith.constant 0 : i32
    %dma_wait3A_466 = arith.constant 0 : i32
    %dma_wait3A_467 = tpu.memref_slice %arg7[%dma_wait3A_465, %dma_wait3A_466] : memref<128x128xf32, #tpu.memory_space<vmem>> -> memref<128x128xf32, #tpu.memory_space<vmem>>
    %dma_wait3A_468 = arith.constant 0 : i32
    %dma_wait3A_469 = tpu.memref_slice %arg5[%arg0, %add3A_464, %dma_wait3A_468] : memref<2x10112x128xf32, #tpu.memory_space<hbm>> -> memref<1x128x128xf32, #tpu.memory_space<hbm>>
    %dma_wait3A_470 = tpu.memref_squeeze %dma_wait3A_469 : memref<1x128x128xf32, #tpu.memory_space<hbm>> -> memref<128x128xf32, #tpu.memory_space<hbm>>
    %dma_wait3A_471 = arith.constant 0 : i32
    %dma_wait3A_472 = tpu.memref_slice %arg5[%arg0, %add3A_464, %dma_wait3A_471] : memref<2x10112x128xf32, #tpu.memory_space<hbm>> -> memref<1x128x128xf32, #tpu.memory_space<hbm>>
    %dma_wait3A_473 = tpu.memref_squeeze %dma_wait3A_472 : memref<1x128x128xf32, #tpu.memory_space<hbm>> -> memref<128x128xf32, #tpu.memory_space<hbm>>
    %dma_wait3A_474 = arith.constant 0 : i32
    %dma_wait3A_475 = arith.constant 0 : i32
    %dma_wait3A_476 = tpu.memref_slice %arg7[%dma_wait3A_474, %dma_wait3A_475] : memref<128x128xf32, #tpu.memory_space<vmem>> -> memref<128x128xf32, #tpu.memory_space<vmem>>
    tpu.wait_dma2 semaphore(%arg11 : memref<!tpu.dma_semaphore, #tpu.memory_space<semaphore_mem>>) src(%dma_wait3A_476 : memref<128x128xf32, #tpu.memory_space<vmem>>) dst(%dma_wait3A_473 : memref<128x128xf32, #tpu.memory_space<hbm>>)
    %mul3A_477 = arith.constant 632 : i32
    %mul3A_478 = arith.muli %arg1, %mul3A_477 : i32
    %add3A_479 = arith.constant 512 : i32
    %add3A_480 = arith.addi %mul3A_478, %add3A_479 : i32
    %dma_wait3A_481 = arith.constant 0 : i32
    %dma_wait3A_482 = arith.constant 0 : i32
    %dma_wait3A_483 = tpu.memref_slice %arg12[%dma_wait3A_481, %dma_wait3A_482] : memref<128x128xf32, #tpu.memory_space<vmem>> -> memref<120x128xf32, #tpu.memory_space<vmem>>
    %dma_wait3A_484 = arith.constant 0 : i32
    %dma_wait3A_485 = tpu.memref_slice %arg5[%arg0, %add3A_480, %dma_wait3A_484] : memref<2x10112x128xf32, #tpu.memory_space<hbm>> -> memref<1x120x128xf32, #tpu.memory_space<hbm>>
    %dma_wait3A_486 = tpu.memref_squeeze %dma_wait3A_485 : memref<1x120x128xf32, #tpu.memory_space<hbm>> -> memref<120x128xf32, #tpu.memory_space<hbm>>
    %dma_wait3A_487 = arith.constant 0 : i32
    %dma_wait3A_488 = tpu.memref_slice %arg5[%arg0, %add3A_480, %dma_wait3A_487] : memref<2x10112x128xf32, #tpu.memory_space<hbm>> -> memref<1x120x128xf32, #tpu.memory_space<hbm>>
    %dma_wait3A_489 = tpu.memref_squeeze %dma_wait3A_488 : memref<1x120x128xf32, #tpu.memory_space<hbm>> -> memref<120x128xf32, #tpu.memory_space<hbm>>
    %dma_wait3A_490 = arith.constant 0 : i32
    %dma_wait3A_491 = arith.constant 0 : i32
    %dma_wait3A_492 = tpu.memref_slice %arg12[%dma_wait3A_490, %dma_wait3A_491] : memref<128x128xf32, #tpu.memory_space<vmem>> -> memref<120x128xf32, #tpu.memory_space<vmem>>
    tpu.wait_dma2 semaphore(%arg16 : memref<!tpu.dma_semaphore, #tpu.memory_space<semaphore_mem>>) src(%dma_wait3A_492 : memref<120x128xf32, #tpu.memory_space<vmem>>) dst(%dma_wait3A_489 : memref<120x128xf32, #tpu.memory_space<hbm>>)
    return
  }
}

#map = affine_map<(d0, d1) -> (0, 0)>
#map1 = affine_map<(d0, d1) -> (0)>
#map2 = affine_map<(d0, d1) -> (0, 0, 0)>
module attributes {stable_mosaic.version = 14 : i64} {
  func.func @_segsum_body(%arg0: i32, %arg1: i32, %arg2: memref<10000x128xf32, #tpu.memory_space<hbm>>, %arg3: memref<320000xi32, #tpu.memory_space<hbm>>, %arg4: memref<320000xi32, #tpu.memory_space<hbm>>, %arg5: memref<2x10112x128xf32, #tpu.memory_space<hbm>>, %arg6: memref<10112x128xf32, #tpu.memory_space<vmem_shared>>, %arg7: memref<128x128xf32, #tpu.memory_space<vmem>>, %arg8: memref<128xi32, #tpu.memory_space<vmem>>, %arg9: memref<128xi32, #tpu.memory_space<vmem>>, %arg10: memref<!tpu.dma_semaphore, #tpu.memory_space<semaphore_mem>>, %arg11: memref<!tpu.dma_semaphore, #tpu.memory_space<semaphore_mem>>, %arg12: memref<128x128xf32, #tpu.memory_space<vmem>>, %arg13: memref<128xi32, #tpu.memory_space<vmem>>, %arg14: memref<128xi32, #tpu.memory_space<vmem>>, %arg15: memref<!tpu.dma_semaphore, #tpu.memory_space<semaphore_mem>>, %arg16: memref<!tpu.dma_semaphore, #tpu.memory_space<semaphore_mem>>, %arg17: memref<128x128xf32, #tpu.memory_space<vmem>>, %arg18: memref<128xi32, #tpu.memory_space<vmem>>, %arg19: memref<128xi32, #tpu.memory_space<vmem>>, %arg20: memref<!tpu.dma_semaphore, #tpu.memory_space<semaphore_mem>>, %arg21: memref<!tpu.dma_semaphore, #tpu.memory_space<semaphore_mem>>, %arg22: memref<16xi32, #tpu.memory_space<vmem>>, %arg23: memref<16xi32, #tpu.memory_space<vmem>>) attributes {dimension_semantics = [#tpu.dimension_semantics<core_parallel>, #tpu.dimension_semantics<subcore_parallel>], iteration_bounds = array<i64: 2, 16>, scalar_prefetch = 0 : i64, scratch_operands = 18 : i64, tpu.core_type = #tpu.core_type<sc_vector_subcore>, window_params = [{transform_indices = #map}, {transform_indices = #map1}, {transform_indices = #map1}, {transform_indices = #map2}]} {
    %mul3A = arith.constant 2 : i32
    %mul3A_0 = arith.muli %arg1, %mul3A : i32
    %add3A = arith.addi %mul3A_0, %arg0 : i32
    %scan3A = arith.constant 0 : i32
    %scan3A_1 = arith.constant 0 : i32
    %scan3A_2 = arith.constant 128 : i32
    %scan3A_3 = arith.addi %scan3A_1, %scan3A_2 : i32
    %scan3A_4 = arith.constant 1 : i32
    %scan3A_5 = scf.for %scan3A_493 = %scan3A_1 to %scan3A_3 step %scan3A_4 iter_args(%scan3A_494 = %scan3A) -> (i32)  : i32 {
      %scan3A_495 = arith.constant 0 : i32
      %scan3A_496 = arith.constant 0 : i32
      %scan3A_497 = arith.constant 8 : i32
      %scan3A_498 = arith.addi %scan3A_496, %scan3A_497 : i32
      %scan3A_499 = arith.constant 1 : i32
      %scan3A_500 = scf.for %scan3A_502 = %scan3A_496 to %scan3A_498 step %scan3A_499 iter_args(%scan3A_503 = %scan3A_495) -> (i32)  : i32 {
        %broadcast_in_dim3A = arith.constant 0.000000e+00 : f32
        %broadcast_in_dim3A_504 = vector.broadcast %broadcast_in_dim3A : f32 to vector<16xf32>
        %mul3A_505 = arith.constant 16 : i32
        %mul3A_506 = arith.muli %scan3A_502, %mul3A_505 : i32
        %swap3A = arith.index_cast %scan3A_493 : i32 to index
        %swap3A_507 = arith.index_cast %mul3A_506 : i32 to index
        %swap3A_508 = tpu.vector_load %arg7[%swap3A, %swap3A_507] {strides = array<i32>} : memref<128x128xf32, #tpu.memory_space<vmem>>, vector<1x16xf32>,
        %swap3A_509 = vector.shape_cast %swap3A_508 : vector<1x16xf32> to vector<16xf32>
        %swap3A_510 = vector.shape_cast %broadcast_in_dim3A_504 : vector<16xf32> to vector<1x16xf32>
        tpu.vector_store %arg7[%swap3A, %swap3A_507], %swap3A_510 {strides = array<i32>} : memref<128x128xf32, #tpu.memory_space<vmem>>, vector<1x16xf32>,
        %scan3A_511 = arith.constant 0 : i32
        scf.yield %scan3A_511 : i32
      }
      %scan3A_501 = arith.constant 8 : i32
      scf.yield %scan3A_500 : i32
    }
    %scan3A_6 = arith.constant 128 : i32
    %mul3A_7 = arith.constant 632 : i32
    %mul3A_8 = arith.muli %arg1, %mul3A_7 : i32
    %add3A_9 = arith.constant 0 : i32
    %add3A_10 = arith.addi %mul3A_8, %add3A_9 : i32
    %dma_start3A = arith.constant 0 : i32
    %dma_start3A_11 = arith.constant 0 : i32
    %dma_start3A_12 = tpu.memref_slice %arg7[%dma_start3A, %dma_start3A_11] : memref<128x128xf32, #tpu.memory_space<vmem>> -> memref<128x128xf32, #tpu.memory_space<vmem>>
    %dma_start3A_13 = arith.constant 0 : i32
    %dma_start3A_14 = tpu.memref_slice %arg6[%add3A_10, %dma_start3A_13] : memref<10112x128xf32, #tpu.memory_space<vmem_shared>> -> memref<128x128xf32, #tpu.memory_space<vmem_shared>>
    %dma_start3A_15 = arith.constant 0 : i32
    %dma_start3A_16 = tpu.memref_slice %arg6[%add3A_10, %dma_start3A_15] : memref<10112x128xf32, #tpu.memory_space<vmem_shared>> -> memref<128x128xf32, #tpu.memory_space<vmem_shared>>
    %dma_start3A_17 = arith.constant 0 : i32
    %dma_start3A_18 = arith.constant 0 : i32
    %dma_start3A_19 = tpu.memref_slice %arg7[%dma_start3A_17, %dma_start3A_18] : memref<128x128xf32, #tpu.memory_space<vmem>> -> memref<128x128xf32, #tpu.memory_space<vmem>>
    tpu.enqueue_dma source(%dma_start3A_19 : memref<128x128xf32, #tpu.memory_space<vmem>>) target(%dma_start3A_16 : memref<128x128xf32, #tpu.memory_space<vmem_shared>>) target_semaphore(%arg10 : memref<!tpu.dma_semaphore, #tpu.memory_space<semaphore_mem>>)
    %mul3A_20 = arith.constant 632 : i32
    %mul3A_21 = arith.muli %arg1, %mul3A_20 : i32
    %add3A_22 = arith.constant 128 : i32
    %add3A_23 = arith.addi %mul3A_21, %add3A_22 : i32
    %dma_start3A_24 = arith.constant 0 : i32
    %dma_start3A_25 = arith.constant 0 : i32
    %dma_start3A_26 = tpu.memref_slice %arg7[%dma_start3A_24, %dma_start3A_25] : memref<128x128xf32, #tpu.memory_space<vmem>> -> memref<128x128xf32, #tpu.memory_space<vmem>>
    %dma_start3A_27 = arith.constant 0 : i32
    %dma_start3A_28 = tpu.memref_slice %arg6[%add3A_23, %dma_start3A_27] : memref<10112x128xf32, #tpu.memory_space<vmem_shared>> -> memref<128x128xf32, #tpu.memory_space<vmem_shared>>
    %dma_start3A_29 = arith.constant 0 : i32
    %dma_start3A_30 = tpu.memref_slice %arg6[%add3A_23, %dma_start3A_29] : memref<10112x128xf32, #tpu.memory_space<vmem_shared>> -> memref<128x128xf32, #tpu.memory_space<vmem_shared>>
    %dma_start3A_31 = arith.constant 0 : i32
    %dma_start3A_32 = arith.constant 0 : i32
    %dma_start3A_33 = tpu.memref_slice %arg7[%dma_start3A_31, %dma_start3A_32] : memref<128x128xf32, #tpu.memory_space<vmem>> -> memref<128x128xf32, #tpu.memory_space<vmem>>
    tpu.enqueue_dma source(%dma_start3A_33 : memref<128x128xf32, #tpu.memory_space<vmem>>) target(%dma_start3A_30 : memref<128x128xf32, #tpu.memory_space<vmem_shared>>) target_semaphore(%arg10 : memref<!tpu.dma_semaphore, #tpu.memory_space<semaphore_mem>>)
    %mul3A_34 = arith.constant 632 : i32
    %mul3A_35 = arith.muli %arg1, %mul3A_34 : i32
    %add3A_36 = arith.constant 256 : i32
    %add3A_37 = arith.addi %mul3A_35, %add3A_36 : i32
    %dma_start3A_38 = arith.constant 0 : i32
    %dma_start3A_39 = arith.constant 0 : i32
    %dma_start3A_40 = tpu.memref_slice %arg7[%dma_start3A_38, %dma_start3A_39] : memref<128x128xf32, #tpu.memory_space<vmem>> -> memref<128x128xf32, #tpu.memory_space<vmem>>
    %dma_start3A_41 = arith.constant 0 : i32
    %dma_start3A_42 = tpu.memref_slice %arg6[%add3A_37, %dma_start3A_41] : memref<10112x128xf32, #tpu.memory_space<vmem_shared>> -> memref<128x128xf32, #tpu.memory_space<vmem_shared>>
    %dma_start3A_43 = arith.constant 0 : i32
    %dma_start3A_44 = tpu.memref_slice %arg6[%add3A_37, %dma_start3A_43] : memref<10112x128xf32, #tpu.memory_space<vmem_shared>> -> memref<128x128xf32, #tpu.memory_space<vmem_shared>>
    %dma_start3A_45 = arith.constant 0 : i32
    %dma_start3A_46 = arith.constant 0 : i32
    %dma_start3A_47 = tpu.memref_slice %arg7[%dma_start3A_45, %dma_start3A_46] : memref<128x128xf32, #tpu.memory_space<vmem>> -> memref<128x128xf32, #tpu.memory_space<vmem>>
    tpu.enqueue_dma source(%dma_start3A_47 : memref<128x128xf32, #tpu.memory_space<vmem>>) target(%dma_start3A_44 : memref<128x128xf32, #tpu.memory_space<vmem_shared>>) target_semaphore(%arg10 : memref<!tpu.dma_semaphore, #tpu.memory_space<semaphore_mem>>)
    %mul3A_48 = arith.constant 632 : i32
    %mul3A_49 = arith.muli %arg1, %mul3A_48 : i32
    %add3A_50 = arith.constant 384 : i32
    %add3A_51 = arith.addi %mul3A_49, %add3A_50 : i32
    %dma_start3A_52 = arith.constant 0 : i32
    %dma_start3A_53 = arith.constant 0 : i32
    %dma_start3A_54 = tpu.memref_slice %arg7[%dma_start3A_52, %dma_start3A_53] : memref<128x128xf32, #tpu.memory_space<vmem>> -> memref<128x128xf32, #tpu.memory_space<vmem>>
    %dma_start3A_55 = arith.constant 0 : i32
    %dma_start3A_56 = tpu.memref_slice %arg6[%add3A_51, %dma_start3A_55] : memref<10112x128xf32, #tpu.memory_space<vmem_shared>> -> memref<128x128xf32, #tpu.memory_space<vmem_shared>>
    %dma_start3A_57 = arith.constant 0 : i32
    %dma_start3A_58 = tpu.memref_slice %arg6[%add3A_51, %dma_start3A_57] : memref<10112x128xf32, #tpu.memory_space<vmem_shared>> -> memref<128x128xf32, #tpu.memory_space<vmem_shared>>
    %dma_start3A_59 = arith.constant 0 : i32
    %dma_start3A_60 = arith.constant 0 : i32
    %dma_start3A_61 = tpu.memref_slice %arg7[%dma_start3A_59, %dma_start3A_60] : memref<128x128xf32, #tpu.memory_space<vmem>> -> memref<128x128xf32, #tpu.memory_space<vmem>>
    tpu.enqueue_dma source(%dma_start3A_61 : memref<128x128xf32, #tpu.memory_space<vmem>>) target(%dma_start3A_58 : memref<128x128xf32, #tpu.memory_space<vmem_shared>>) target_semaphore(%arg10 : memref<!tpu.dma_semaphore, #tpu.memory_space<semaphore_mem>>)
    %mul3A_62 = arith.constant 632 : i32
    %mul3A_63 = arith.muli %arg1, %mul3A_62 : i32
    %add3A_64 = arith.constant 512 : i32
    %add3A_65 = arith.addi %mul3A_63, %add3A_64 : i32
    %dma_start3A_66 = arith.constant 0 : i32
    %dma_start3A_67 = arith.constant 0 : i32
    %dma_start3A_68 = tpu.memref_slice %arg7[%dma_start3A_66, %dma_start3A_67] : memref<128x128xf32, #tpu.memory_space<vmem>> -> memref<120x128xf32, #tpu.memory_space<vmem>>
    %dma_start3A_69 = arith.constant 0 : i32
    %dma_start3A_70 = tpu.memref_slice %arg6[%add3A_65, %dma_start3A_69] : memref<10112x128xf32, #tpu.memory_space<vmem_shared>> -> memref<120x128xf32, #tpu.memory_space<vmem_shared>>
    %dma_start3A_71 = arith.constant 0 : i32
    %dma_start3A_72 = tpu.memref_slice %arg6[%add3A_65, %dma_start3A_71] : memref<10112x128xf32, #tpu.memory_space<vmem_shared>> -> memref<120x128xf32, #tpu.memory_space<vmem_shared>>
    %dma_start3A_73 = arith.constant 0 : i32
    %dma_start3A_74 = arith.constant 0 : i32
    %dma_start3A_75 = tpu.memref_slice %arg7[%dma_start3A_73, %dma_start3A_74] : memref<128x128xf32, #tpu.memory_space<vmem>> -> memref<120x128xf32, #tpu.memory_space<vmem>>
    tpu.enqueue_dma source(%dma_start3A_75 : memref<120x128xf32, #tpu.memory_space<vmem>>) target(%dma_start3A_72 : memref<120x128xf32, #tpu.memory_space<vmem_shared>>) target_semaphore(%arg10 : memref<!tpu.dma_semaphore, #tpu.memory_space<semaphore_mem>>)
    %mul3A_76 = arith.constant 632 : i32
    %mul3A_77 = arith.muli %arg1, %mul3A_76 : i32
    %add3A_78 = arith.constant 0 : i32
    %add3A_79 = arith.addi %mul3A_77, %add3A_78 : i32
    %dma_wait3A = arith.constant 0 : i32
    %dma_wait3A_80 = arith.constant 0 : i32
    %dma_wait3A_81 = tpu.memref_slice %arg7[%dma_wait3A, %dma_wait3A_80] : memref<128x128xf32, #tpu.memory_space<vmem>> -> memref<128x128xf32, #tpu.memory_space<vmem>>
    %dma_wait3A_82 = arith.constant 0 : i32
    %dma_wait3A_83 = tpu.memref_slice %arg6[%add3A_79, %dma_wait3A_82] : memref<10112x128xf32, #tpu.memory_space<vmem_shared>> -> memref<128x128xf32, #tpu.memory_space<vmem_shared>>
    %dma_wait3A_84 = arith.constant 0 : i32
    %dma_wait3A_85 = tpu.memref_slice %arg6[%add3A_79, %dma_wait3A_84] : memref<10112x128xf32, #tpu.memory_space<vmem_shared>> -> memref<128x128xf32, #tpu.memory_space<vmem_shared>>
    %dma_wait3A_86 = arith.constant 0 : i32
    %dma_wait3A_87 = arith.constant 0 : i32
    %dma_wait3A_88 = tpu.memref_slice %arg7[%dma_wait3A_86, %dma_wait3A_87] : memref<128x128xf32, #tpu.memory_space<vmem>> -> memref<128x128xf32, #tpu.memory_space<vmem>>
    tpu.wait_dma2 semaphore(%arg10 : memref<!tpu.dma_semaphore, #tpu.memory_space<semaphore_mem>>) src(%dma_wait3A_88 : memref<128x128xf32, #tpu.memory_space<vmem>>) dst(%dma_wait3A_85 : memref<128x128xf32, #tpu.memory_space<vmem_shared>>)
    %mul3A_89 = arith.constant 632 : i32
    %mul3A_90 = arith.muli %arg1, %mul3A_89 : i32
    %add3A_91 = arith.constant 128 : i32
    %add3A_92 = arith.addi %mul3A_90, %add3A_91 : i32
    %dma_wait3A_93 = arith.constant 0 : i32
    %dma_wait3A_94 = arith.constant 0 : i32
    %dma_wait3A_95 = tpu.memref_slice %arg7[%dma_wait3A_93, %dma_wait3A_94] : memref<128x128xf32, #tpu.memory_space<vmem>> -> memref<128x128xf32, #tpu.memory_space<vmem>>
    %dma_wait3A_96 = arith.constant 0 : i32
    %dma_wait3A_97 = tpu.memref_slice %arg6[%add3A_92, %dma_wait3A_96] : memref<10112x128xf32, #tpu.memory_space<vmem_shared>> -> memref<128x128xf32, #tpu.memory_space<vmem_shared>>
    %dma_wait3A_98 = arith.constant 0 : i32
    %dma_wait3A_99 = tpu.memref_slice %arg6[%add3A_92, %dma_wait3A_98] : memref<10112x128xf32, #tpu.memory_space<vmem_shared>> -> memref<128x128xf32, #tpu.memory_space<vmem_shared>>
    %dma_wait3A_100 = arith.constant 0 : i32
    %dma_wait3A_101 = arith.constant 0 : i32
    %dma_wait3A_102 = tpu.memref_slice %arg7[%dma_wait3A_100, %dma_wait3A_101] : memref<128x128xf32, #tpu.memory_space<vmem>> -> memref<128x128xf32, #tpu.memory_space<vmem>>
    tpu.wait_dma2 semaphore(%arg10 : memref<!tpu.dma_semaphore, #tpu.memory_space<semaphore_mem>>) src(%dma_wait3A_102 : memref<128x128xf32, #tpu.memory_space<vmem>>) dst(%dma_wait3A_99 : memref<128x128xf32, #tpu.memory_space<vmem_shared>>)
    %mul3A_103 = arith.constant 632 : i32
    %mul3A_104 = arith.muli %arg1, %mul3A_103 : i32
    %add3A_105 = arith.constant 256 : i32
    %add3A_106 = arith.addi %mul3A_104, %add3A_105 : i32
    %dma_wait3A_107 = arith.constant 0 : i32
    %dma_wait3A_108 = arith.constant 0 : i32
    %dma_wait3A_109 = tpu.memref_slice %arg7[%dma_wait3A_107, %dma_wait3A_108] : memref<128x128xf32, #tpu.memory_space<vmem>> -> memref<128x128xf32, #tpu.memory_space<vmem>>
    %dma_wait3A_110 = arith.constant 0 : i32
    %dma_wait3A_111 = tpu.memref_slice %arg6[%add3A_106, %dma_wait3A_110] : memref<10112x128xf32, #tpu.memory_space<vmem_shared>> -> memref<128x128xf32, #tpu.memory_space<vmem_shared>>
    %dma_wait3A_112 = arith.constant 0 : i32
    %dma_wait3A_113 = tpu.memref_slice %arg6[%add3A_106, %dma_wait3A_112] : memref<10112x128xf32, #tpu.memory_space<vmem_shared>> -> memref<128x128xf32, #tpu.memory_space<vmem_shared>>
    %dma_wait3A_114 = arith.constant 0 : i32
    %dma_wait3A_115 = arith.constant 0 : i32
    %dma_wait3A_116 = tpu.memref_slice %arg7[%dma_wait3A_114, %dma_wait3A_115] : memref<128x128xf32, #tpu.memory_space<vmem>> -> memref<128x128xf32, #tpu.memory_space<vmem>>
    tpu.wait_dma2 semaphore(%arg10 : memref<!tpu.dma_semaphore, #tpu.memory_space<semaphore_mem>>) src(%dma_wait3A_116 : memref<128x128xf32, #tpu.memory_space<vmem>>) dst(%dma_wait3A_113 : memref<128x128xf32, #tpu.memory_space<vmem_shared>>)
    %mul3A_117 = arith.constant 632 : i32
    %mul3A_118 = arith.muli %arg1, %mul3A_117 : i32
    %add3A_119 = arith.constant 384 : i32
    %add3A_120 = arith.addi %mul3A_118, %add3A_119 : i32
    %dma_wait3A_121 = arith.constant 0 : i32
    %dma_wait3A_122 = arith.constant 0 : i32
    %dma_wait3A_123 = tpu.memref_slice %arg7[%dma_wait3A_121, %dma_wait3A_122] : memref<128x128xf32, #tpu.memory_space<vmem>> -> memref<128x128xf32, #tpu.memory_space<vmem>>
    %dma_wait3A_124 = arith.constant 0 : i32
    %dma_wait3A_125 = tpu.memref_slice %arg6[%add3A_120, %dma_wait3A_124] : memref<10112x128xf32, #tpu.memory_space<vmem_shared>> -> memref<128x128xf32, #tpu.memory_space<vmem_shared>>
    %dma_wait3A_126 = arith.constant 0 : i32
    %dma_wait3A_127 = tpu.memref_slice %arg6[%add3A_120, %dma_wait3A_126] : memref<10112x128xf32, #tpu.memory_space<vmem_shared>> -> memref<128x128xf32, #tpu.memory_space<vmem_shared>>
    %dma_wait3A_128 = arith.constant 0 : i32
    %dma_wait3A_129 = arith.constant 0 : i32
    %dma_wait3A_130 = tpu.memref_slice %arg7[%dma_wait3A_128, %dma_wait3A_129] : memref<128x128xf32, #tpu.memory_space<vmem>> -> memref<128x128xf32, #tpu.memory_space<vmem>>
    tpu.wait_dma2 semaphore(%arg10 : memref<!tpu.dma_semaphore, #tpu.memory_space<semaphore_mem>>) src(%dma_wait3A_130 : memref<128x128xf32, #tpu.memory_space<vmem>>) dst(%dma_wait3A_127 : memref<128x128xf32, #tpu.memory_space<vmem_shared>>)
    %mul3A_131 = arith.constant 632 : i32
    %mul3A_132 = arith.muli %arg1, %mul3A_131 : i32
    %add3A_133 = arith.constant 512 : i32
    %add3A_134 = arith.addi %mul3A_132, %add3A_133 : i32
    %dma_wait3A_135 = arith.constant 0 : i32
    %dma_wait3A_136 = arith.constant 0 : i32
    %dma_wait3A_137 = tpu.memref_slice %arg7[%dma_wait3A_135, %dma_wait3A_136] : memref<128x128xf32, #tpu.memory_space<vmem>> -> memref<120x128xf32, #tpu.memory_space<vmem>>
    %dma_wait3A_138 = arith.constant 0 : i32
    %dma_wait3A_139 = tpu.memref_slice %arg6[%add3A_134, %dma_wait3A_138] : memref<10112x128xf32, #tpu.memory_space<vmem_shared>> -> memref<120x128xf32, #tpu.memory_space<vmem_shared>>
    %dma_wait3A_140 = arith.constant 0 : i32
    %dma_wait3A_141 = tpu.memref_slice %arg6[%add3A_134, %dma_wait3A_140] : memref<10112x128xf32, #tpu.memory_space<vmem_shared>> -> memref<120x128xf32, #tpu.memory_space<vmem_shared>>
    %dma_wait3A_142 = arith.constant 0 : i32
    %dma_wait3A_143 = arith.constant 0 : i32
    %dma_wait3A_144 = tpu.memref_slice %arg7[%dma_wait3A_142, %dma_wait3A_143] : memref<128x128xf32, #tpu.memory_space<vmem>> -> memref<120x128xf32, #tpu.memory_space<vmem>>
    tpu.wait_dma2 semaphore(%arg10 : memref<!tpu.dma_semaphore, #tpu.memory_space<semaphore_mem>>) src(%dma_wait3A_144 : memref<120x128xf32, #tpu.memory_space<vmem>>) dst(%dma_wait3A_141 : memref<120x128xf32, #tpu.memory_space<vmem_shared>>)
    %barrier3A = arith.constant 0 : index
    tpu.barrier barrier_id(%barrier3A)
    %mul3A_145 = arith.constant 10000 : i32
    %mul3A_146 = arith.muli %add3A, %mul3A_145 : i32
    %add3A_147 = arith.constant 0 : i32
    %add3A_148 = arith.addi %mul3A_146, %add3A_147 : i32
    "tpu.region"() ({
      %run_scoped3A = tpu.sem_alloc : memref<!tpu.dma_semaphore, #tpu.memory_space<semaphore_mem>>
      %dma_start3A_493 = tpu.memref_slice %arg3[%add3A_148] : memref<320000xi32, #tpu.memory_space<hbm>> -> memref<128xi32, #tpu.memory_space<hbm>>
      %dma_start3A_494 = tpu.memref_slice %arg3[%add3A_148] : memref<320000xi32, #tpu.memory_space<hbm>> -> memref<128xi32, #tpu.memory_space<hbm>>
      tpu.enqueue_dma source(%dma_start3A_494 : memref<128xi32, #tpu.memory_space<hbm>>) target(%arg8 : memref<128xi32, #tpu.memory_space<vmem>>) target_semaphore(%run_scoped3A : memref<!tpu.dma_semaphore, #tpu.memory_space<semaphore_mem>>)
      %dma_wait3A_495 = tpu.memref_slice %arg3[%add3A_148] : memref<320000xi32, #tpu.memory_space<hbm>> -> memref<128xi32, #tpu.memory_space<hbm>>
      %dma_wait3A_496 = tpu.memref_slice %arg3[%add3A_148] : memref<320000xi32, #tpu.memory_space<hbm>> -> memref<128xi32, #tpu.memory_space<hbm>>
      tpu.wait_dma2 semaphore(%run_scoped3A : memref<!tpu.dma_semaphore, #tpu.memory_space<semaphore_mem>>) src(%dma_wait3A_496 : memref<128xi32, #tpu.memory_space<hbm>>) dst(%arg8 : memref<128xi32, #tpu.memory_space<vmem>>)
      tpu.yield
    }) : () -> ()
    "tpu.region"() ({
      %run_scoped3A = tpu.sem_alloc : memref<!tpu.dma_semaphore, #tpu.memory_space<semaphore_mem>>
      %dma_start3A_493 = tpu.memref_slice %arg4[%add3A_148] : memref<320000xi32, #tpu.memory_space<hbm>> -> memref<128xi32, #tpu.memory_space<hbm>>
      %dma_start3A_494 = tpu.memref_slice %arg4[%add3A_148] : memref<320000xi32, #tpu.memory_space<hbm>> -> memref<128xi32, #tpu.memory_space<hbm>>
      tpu.enqueue_dma source(%dma_start3A_494 : memref<128xi32, #tpu.memory_space<hbm>>) target(%arg9 : memref<128xi32, #tpu.memory_space<vmem>>) target_semaphore(%run_scoped3A : memref<!tpu.dma_semaphore, #tpu.memory_space<semaphore_mem>>)
      %dma_wait3A_495 = tpu.memref_slice %arg4[%add3A_148] : memref<320000xi32, #tpu.memory_space<hbm>> -> memref<128xi32, #tpu.memory_space<hbm>>
      %dma_wait3A_496 = tpu.memref_slice %arg4[%add3A_148] : memref<320000xi32, #tpu.memory_space<hbm>> -> memref<128xi32, #tpu.memory_space<hbm>>
      tpu.wait_dma2 semaphore(%run_scoped3A : memref<!tpu.dma_semaphore, #tpu.memory_space<semaphore_mem>>) src(%dma_wait3A_496 : memref<128xi32, #tpu.memory_space<hbm>>) dst(%arg9 : memref<128xi32, #tpu.memory_space<vmem>>)
      tpu.yield
    }) : () -> ()
    %dma_start3A_149 = arith.constant 0 : i32
    %dma_start3A_150 = arith.constant 0 : i32
    %dma_start3A_151 = tpu.memref_slice %arg2[%dma_start3A_149, %dma_start3A_150] : memref<10000x128xf32, #tpu.memory_space<hbm>> -> memref<10000x128xf32, #tpu.memory_space<hbm>>
    tpu.enqueue_indirect_dma source(%dma_start3A_151 : memref<10000x128xf32, #tpu.memory_space<hbm>>) target(%arg7 : memref<128x128xf32, #tpu.memory_space<vmem>>) offsets(%arg8 : memref<128xi32, #tpu.memory_space<vmem>>) semaphore(%arg10 : memref<!tpu.dma_semaphore, #tpu.memory_space<semaphore_mem>>)
    %add3A_152 = arith.constant 128 : i32
    %add3A_153 = arith.addi %mul3A_146, %add3A_152 : i32
    "tpu.region"() ({
      %run_scoped3A = tpu.sem_alloc : memref<!tpu.dma_semaphore, #tpu.memory_space<semaphore_mem>>
      %dma_start3A_493 = tpu.memref_slice %arg3[%add3A_153] : memref<320000xi32, #tpu.memory_space<hbm>> -> memref<128xi32, #tpu.memory_space<hbm>>
      %dma_start3A_494 = tpu.memref_slice %arg3[%add3A_153] : memref<320000xi32, #tpu.memory_space<hbm>> -> memref<128xi32, #tpu.memory_space<hbm>>
      tpu.enqueue_dma source(%dma_start3A_494 : memref<128xi32, #tpu.memory_space<hbm>>) target(%arg13 : memref<128xi32, #tpu.memory_space<vmem>>) target_semaphore(%run_scoped3A : memref<!tpu.dma_semaphore, #tpu.memory_space<semaphore_mem>>)
      %dma_wait3A_495 = tpu.memref_slice %arg3[%add3A_153] : memref<320000xi32, #tpu.memory_space<hbm>> -> memref<128xi32, #tpu.memory_space<hbm>>
      %dma_wait3A_496 = tpu.memref_slice %arg3[%add3A_153] : memref<320000xi32, #tpu.memory_space<hbm>> -> memref<128xi32, #tpu.memory_space<hbm>>
      tpu.wait_dma2 semaphore(%run_scoped3A : memref<!tpu.dma_semaphore, #tpu.memory_space<semaphore_mem>>) src(%dma_wait3A_496 : memref<128xi32, #tpu.memory_space<hbm>>) dst(%arg13 : memref<128xi32, #tpu.memory_space<vmem>>)
      tpu.yield
    }) : () -> ()
    "tpu.region"() ({
      %run_scoped3A = tpu.sem_alloc : memref<!tpu.dma_semaphore, #tpu.memory_space<semaphore_mem>>
      %dma_start3A_493 = tpu.memref_slice %arg4[%add3A_153] : memref<320000xi32, #tpu.memory_space<hbm>> -> memref<128xi32, #tpu.memory_space<hbm>>
      %dma_start3A_494 = tpu.memref_slice %arg4[%add3A_153] : memref<320000xi32, #tpu.memory_space<hbm>> -> memref<128xi32, #tpu.memory_space<hbm>>
      tpu.enqueue_dma source(%dma_start3A_494 : memref<128xi32, #tpu.memory_space<hbm>>) target(%arg14 : memref<128xi32, #tpu.memory_space<vmem>>) target_semaphore(%run_scoped3A : memref<!tpu.dma_semaphore, #tpu.memory_space<semaphore_mem>>)
      %dma_wait3A_495 = tpu.memref_slice %arg4[%add3A_153] : memref<320000xi32, #tpu.memory_space<hbm>> -> memref<128xi32, #tpu.memory_space<hbm>>
      %dma_wait3A_496 = tpu.memref_slice %arg4[%add3A_153] : memref<320000xi32, #tpu.memory_space<hbm>> -> memref<128xi32, #tpu.memory_space<hbm>>
      tpu.wait_dma2 semaphore(%run_scoped3A : memref<!tpu.dma_semaphore, #tpu.memory_space<semaphore_mem>>) src(%dma_wait3A_496 : memref<128xi32, #tpu.memory_space<hbm>>) dst(%arg14 : memref<128xi32, #tpu.memory_space<vmem>>)
      tpu.yield
    }) : () -> ()
    %dma_start3A_154 = arith.constant 0 : i32
    %dma_start3A_155 = arith.constant 0 : i32
    %dma_start3A_156 = tpu.memref_slice %arg2[%dma_start3A_154, %dma_start3A_155] : memref<10000x128xf32, #tpu.memory_space<hbm>> -> memref<10000x128xf32, #tpu.memory_space<hbm>>
    tpu.enqueue_indirect_dma source(%dma_start3A_156 : memref<10000x128xf32, #tpu.memory_space<hbm>>) target(%arg12 : memref<128x128xf32, #tpu.memory_space<vmem>>) offsets(%arg13 : memref<128xi32, #tpu.memory_space<vmem>>) semaphore(%arg15 : memref<!tpu.dma_semaphore, #tpu.memory_space<semaphore_mem>>)
    %add3A_157 = arith.constant 256 : i32
    %add3A_158 = arith.addi %mul3A_146, %add3A_157 : i32
    "tpu.region"() ({
      %run_scoped3A = tpu.sem_alloc : memref<!tpu.dma_semaphore, #tpu.memory_space<semaphore_mem>>
      %dma_start3A_493 = tpu.memref_slice %arg3[%add3A_158] : memref<320000xi32, #tpu.memory_space<hbm>> -> memref<128xi32, #tpu.memory_space<hbm>>
      %dma_start3A_494 = tpu.memref_slice %arg3[%add3A_158] : memref<320000xi32, #tpu.memory_space<hbm>> -> memref<128xi32, #tpu.memory_space<hbm>>
      tpu.enqueue_dma source(%dma_start3A_494 : memref<128xi32, #tpu.memory_space<hbm>>) target(%arg18 : memref<128xi32, #tpu.memory_space<vmem>>) target_semaphore(%run_scoped3A : memref<!tpu.dma_semaphore, #tpu.memory_space<semaphore_mem>>)
      %dma_wait3A_495 = tpu.memref_slice %arg3[%add3A_158] : memref<320000xi32, #tpu.memory_space<hbm>> -> memref<128xi32, #tpu.memory_space<hbm>>
      %dma_wait3A_496 = tpu.memref_slice %arg3[%add3A_158] : memref<320000xi32, #tpu.memory_space<hbm>> -> memref<128xi32, #tpu.memory_space<hbm>>
      tpu.wait_dma2 semaphore(%run_scoped3A : memref<!tpu.dma_semaphore, #tpu.memory_space<semaphore_mem>>) src(%dma_wait3A_496 : memref<128xi32, #tpu.memory_space<hbm>>) dst(%arg18 : memref<128xi32, #tpu.memory_space<vmem>>)
      tpu.yield
    }) : () -> ()
    "tpu.region"() ({
      %run_scoped3A = tpu.sem_alloc : memref<!tpu.dma_semaphore, #tpu.memory_space<semaphore_mem>>
      %dma_start3A_493 = tpu.memref_slice %arg4[%add3A_158] : memref<320000xi32, #tpu.memory_space<hbm>> -> memref<128xi32, #tpu.memory_space<hbm>>
      %dma_start3A_494 = tpu.memref_slice %arg4[%add3A_158] : memref<320000xi32, #tpu.memory_space<hbm>> -> memref<128xi32, #tpu.memory_space<hbm>>
      tpu.enqueue_dma source(%dma_start3A_494 : memref<128xi32, #tpu.memory_space<hbm>>) target(%arg19 : memref<128xi32, #tpu.memory_space<vmem>>) target_semaphore(%run_scoped3A : memref<!tpu.dma_semaphore, #tpu.memory_space<semaphore_mem>>)
      %dma_wait3A_495 = tpu.memref_slice %arg4[%add3A_158] : memref<320000xi32, #tpu.memory_space<hbm>> -> memref<128xi32, #tpu.memory_space<hbm>>
      %dma_wait3A_496 = tpu.memref_slice %arg4[%add3A_158] : memref<320000xi32, #tpu.memory_space<hbm>> -> memref<128xi32, #tpu.memory_space<hbm>>
      tpu.wait_dma2 semaphore(%run_scoped3A : memref<!tpu.dma_semaphore, #tpu.memory_space<semaphore_mem>>) src(%dma_wait3A_496 : memref<128xi32, #tpu.memory_space<hbm>>) dst(%arg19 : memref<128xi32, #tpu.memory_space<vmem>>)
      tpu.yield
    }) : () -> ()
    %dma_start3A_159 = arith.constant 0 : i32
    %dma_start3A_160 = arith.constant 0 : i32
    %dma_start3A_161 = tpu.memref_slice %arg2[%dma_start3A_159, %dma_start3A_160] : memref<10000x128xf32, #tpu.memory_space<hbm>> -> memref<10000x128xf32, #tpu.memory_space<hbm>>
    tpu.enqueue_indirect_dma source(%dma_start3A_161 : memref<10000x128xf32, #tpu.memory_space<hbm>>) target(%arg17 : memref<128x128xf32, #tpu.memory_space<vmem>>) offsets(%arg18 : memref<128xi32, #tpu.memory_space<vmem>>) semaphore(%arg20 : memref<!tpu.dma_semaphore, #tpu.memory_space<semaphore_mem>>)
    %scan3A_162 = arith.constant 0 : i32
    %scan3A_163 = arith.constant 0 : i32
    %scan3A_164 = arith.constant 26 : i32
    %scan3A_165 = arith.addi %scan3A_163, %scan3A_164 : i32
    %scan3A_166 = arith.constant 1 : i32
    %scan3A_167 = scf.for %scan3A_493 = %scan3A_163 to %scan3A_165 step %scan3A_166 iter_args(%scan3A_494 = %scan3A_162) -> (i32)  : i32 {
      %dma_wait3A_495 = arith.constant 0 : i32
      %dma_wait3A_496 = arith.constant 0 : i32
      %dma_wait3A_497 = tpu.memref_slice %arg2[%dma_wait3A_495, %dma_wait3A_496] : memref<10000x128xf32, #tpu.memory_space<hbm>> -> memref<10000x128xf32, #tpu.memory_space<hbm>>
      tpu.wait_indirect_dma semaphore(%arg10 : memref<!tpu.dma_semaphore, #tpu.memory_space<semaphore_mem>>) src(%dma_wait3A_497 : memref<10000x128xf32, #tpu.memory_space<hbm>>) dst(%arg7 : memref<128x128xf32, #tpu.memory_space<vmem>>)
      %dma_start3A_498 = arith.constant 0 : i32
      %dma_start3A_499 = arith.constant 0 : i32
      %dma_start3A_500 = tpu.memref_slice %arg6[%dma_start3A_498, %dma_start3A_499] : memref<10112x128xf32, #tpu.memory_space<vmem_shared>> -> memref<10112x128xf32, #tpu.memory_space<vmem_shared>>
      tpu.enqueue_indirect_dma source(%arg7 : memref<128x128xf32, #tpu.memory_space<vmem>>) target(%dma_start3A_500 : memref<10112x128xf32, #tpu.memory_space<vmem_shared>>) offsets(%arg9 : memref<128xi32, #tpu.memory_space<vmem>>) semaphore(%arg11 : memref<!tpu.dma_semaphore, #tpu.memory_space<semaphore_mem>>) {add = true}
      %dma_wait3A_501 = arith.constant 0 : i32
      %dma_wait3A_502 = arith.constant 0 : i32
      %dma_wait3A_503 = tpu.memref_slice %arg2[%dma_wait3A_501, %dma_wait3A_502] : memref<10000x128xf32, #tpu.memory_space<hbm>> -> memref<10000x128xf32, #tpu.memory_space<hbm>>
      tpu.wait_indirect_dma semaphore(%arg15 : memref<!tpu.dma_semaphore, #tpu.memory_space<semaphore_mem>>) src(%dma_wait3A_503 : memref<10000x128xf32, #tpu.memory_space<hbm>>) dst(%arg12 : memref<128x128xf32, #tpu.memory_space<vmem>>)
      %dma_start3A_504 = arith.constant 0 : i32
      %dma_start3A_505 = arith.constant 0 : i32
      %dma_start3A_506 = tpu.memref_slice %arg6[%dma_start3A_504, %dma_start3A_505] : memref<10112x128xf32, #tpu.memory_space<vmem_shared>> -> memref<10112x128xf32, #tpu.memory_space<vmem_shared>>
      tpu.enqueue_indirect_dma source(%arg12 : memref<128x128xf32, #tpu.memory_space<vmem>>) target(%dma_start3A_506 : memref<10112x128xf32, #tpu.memory_space<vmem_shared>>) offsets(%arg14 : memref<128xi32, #tpu.memory_space<vmem>>) semaphore(%arg16 : memref<!tpu.dma_semaphore, #tpu.memory_space<semaphore_mem>>) {add = true}
      %dma_wait3A_507 = arith.constant 0 : i32
      %dma_wait3A_508 = arith.constant 0 : i32
      %dma_wait3A_509 = tpu.memref_slice %arg2[%dma_wait3A_507, %dma_wait3A_508] : memref<10000x128xf32, #tpu.memory_space<hbm>> -> memref<10000x128xf32, #tpu.memory_space<hbm>>
      tpu.wait_indirect_dma semaphore(%arg20 : memref<!tpu.dma_semaphore, #tpu.memory_space<semaphore_mem>>) src(%dma_wait3A_509 : memref<10000x128xf32, #tpu.memory_space<hbm>>) dst(%arg17 : memref<128x128xf32, #tpu.memory_space<vmem>>)
      %dma_start3A_510 = arith.constant 0 : i32
      %dma_start3A_511 = arith.constant 0 : i32
      %dma_start3A_512 = tpu.memref_slice %arg6[%dma_start3A_510, %dma_start3A_511] : memref<10112x128xf32, #tpu.memory_space<vmem_shared>> -> memref<10112x128xf32, #tpu.memory_space<vmem_shared>>
      tpu.enqueue_indirect_dma source(%arg17 : memref<128x128xf32, #tpu.memory_space<vmem>>) target(%dma_start3A_512 : memref<10112x128xf32, #tpu.memory_space<vmem_shared>>) offsets(%arg19 : memref<128xi32, #tpu.memory_space<vmem>>) semaphore(%arg21 : memref<!tpu.dma_semaphore, #tpu.memory_space<semaphore_mem>>) {add = true}
      %mul3A_513 = arith.constant 3 : i32
      %mul3A_514 = arith.muli %mul3A_513, %scan3A_493 : i32
      %add3A_515 = arith.constant 0 : i32
      %add3A_516 = arith.addi %mul3A_514, %add3A_515 : i32
      %add3A_517 = arith.constant 3 : i32
      %add3A_518 = arith.addi %add3A_516, %add3A_517 : i32
      %lt3A = arith.constant 78 : i32
      %lt3A_519 = arith.cmpi slt, %add3A_518, %lt3A : i32
      %convert_element_type3A = arith.extui %lt3A_519 : i1 to i32
      %cond3A = arith.constant 0 : i32
      %cond3A_520 = arith.cmpi ne, %convert_element_type3A, %cond3A : i32
      scf.if %cond3A_520 {
        %dma_wait3A_544 = arith.constant 0 : i32
        %dma_wait3A_545 = arith.constant 0 : i32
        %dma_wait3A_546 = tpu.memref_slice %arg6[%dma_wait3A_544, %dma_wait3A_545] : memref<10112x128xf32, #tpu.memory_space<vmem_shared>> -> memref<10112x128xf32, #tpu.memory_space<vmem_shared>>
        tpu.wait_indirect_dma semaphore(%arg11 : memref<!tpu.dma_semaphore, #tpu.memory_space<semaphore_mem>>) src(%arg7 : memref<128x128xf32, #tpu.memory_space<vmem>>) dst(%dma_wait3A_546 : memref<10112x128xf32, #tpu.memory_space<vmem_shared>>)
        %mul3A_547 = arith.constant 128 : i32
        %mul3A_548 = arith.muli %add3A_518, %mul3A_547 : i32
        %add3A_549 = arith.addi %mul3A_146, %mul3A_548 : i32
        "tpu.region"() ({
          %run_scoped3A = tpu.sem_alloc : memref<!tpu.dma_semaphore, #tpu.memory_space<semaphore_mem>>
          %dma_start3A_553 = tpu.memref_slice %arg3[%add3A_549] : memref<320000xi32, #tpu.memory_space<hbm>> -> memref<128xi32, #tpu.memory_space<hbm>>
          %dma_start3A_554 = tpu.memref_slice %arg3[%add3A_549] : memref<320000xi32, #tpu.memory_space<hbm>> -> memref<128xi32, #tpu.memory_space<hbm>>
          tpu.enqueue_dma source(%dma_start3A_554 : memref<128xi32, #tpu.memory_space<hbm>>) target(%arg8 : memref<128xi32, #tpu.memory_space<vmem>>) target_semaphore(%run_scoped3A : memref<!tpu.dma_semaphore, #tpu.memory_space<semaphore_mem>>)
          %dma_wait3A_555 = tpu.memref_slice %arg3[%add3A_549] : memref<320000xi32, #tpu.memory_space<hbm>> -> memref<128xi32, #tpu.memory_space<hbm>>
          %dma_wait3A_556 = tpu.memref_slice %arg3[%add3A_549] : memref<320000xi32, #tpu.memory_space<hbm>> -> memref<128xi32, #tpu.memory_space<hbm>>
          tpu.wait_dma2 semaphore(%run_scoped3A : memref<!tpu.dma_semaphore, #tpu.memory_space<semaphore_mem>>) src(%dma_wait3A_556 : memref<128xi32, #tpu.memory_space<hbm>>) dst(%arg8 : memref<128xi32, #tpu.memory_space<vmem>>)
          tpu.yield
        }) : () -> ()
        "tpu.region"() ({
          %run_scoped3A = tpu.sem_alloc : memref<!tpu.dma_semaphore, #tpu.memory_space<semaphore_mem>>
          %dma_start3A_553 = tpu.memref_slice %arg4[%add3A_549] : memref<320000xi32, #tpu.memory_space<hbm>> -> memref<128xi32, #tpu.memory_space<hbm>>
          %dma_start3A_554 = tpu.memref_slice %arg4[%add3A_549] : memref<320000xi32, #tpu.memory_space<hbm>> -> memref<128xi32, #tpu.memory_space<hbm>>
          tpu.enqueue_dma source(%dma_start3A_554 : memref<128xi32, #tpu.memory_space<hbm>>) target(%arg9 : memref<128xi32, #tpu.memory_space<vmem>>) target_semaphore(%run_scoped3A : memref<!tpu.dma_semaphore, #tpu.memory_space<semaphore_mem>>)
          %dma_wait3A_555 = tpu.memref_slice %arg4[%add3A_549] : memref<320000xi32, #tpu.memory_space<hbm>> -> memref<128xi32, #tpu.memory_space<hbm>>
          %dma_wait3A_556 = tpu.memref_slice %arg4[%add3A_549] : memref<320000xi32, #tpu.memory_space<hbm>> -> memref<128xi32, #tpu.memory_space<hbm>>
          tpu.wait_dma2 semaphore(%run_scoped3A : memref<!tpu.dma_semaphore, #tpu.memory_space<semaphore_mem>>) src(%dma_wait3A_556 : memref<128xi32, #tpu.memory_space<hbm>>) dst(%arg9 : memref<128xi32, #tpu.memory_space<vmem>>)
          tpu.yield
        }) : () -> ()
        %dma_start3A_550 = arith.constant 0 : i32
        %dma_start3A_551 = arith.constant 0 : i32
        %dma_start3A_552 = tpu.memref_slice %arg2[%dma_start3A_550, %dma_start3A_551] : memref<10000x128xf32, #tpu.memory_space<hbm>> -> memref<10000x128xf32, #tpu.memory_space<hbm>>
        tpu.enqueue_indirect_dma source(%dma_start3A_552 : memref<10000x128xf32, #tpu.memory_space<hbm>>) target(%arg7 : memref<128x128xf32, #tpu.memory_space<vmem>>) offsets(%arg8 : memref<128xi32, #tpu.memory_space<vmem>>) semaphore(%arg10 : memref<!tpu.dma_semaphore, #tpu.memory_space<semaphore_mem>>)
      } else {
      }
      %mul3A_521 = arith.constant 3 : i32
      %mul3A_522 = arith.muli %mul3A_521, %scan3A_493 : i32
      %add3A_523 = arith.constant 1 : i32
      %add3A_524 = arith.addi %mul3A_522, %add3A_523 : i32
      %add3A_525 = arith.constant 3 : i32
      %add3A_526 = arith.addi %add3A_524, %add3A_525 : i32
      %lt3A_527 = arith.constant 78 : i32
      %lt3A_528 = arith.cmpi slt, %add3A_526, %lt3A_527 : i32
      %convert_element_type3A_529 = arith.extui %lt3A_528 : i1 to i32
      %cond3A_530 = arith.constant 0 : i32
      %cond3A_531 = arith.cmpi ne, %convert_element_type3A_529, %cond3A_530 : i32
      scf.if %cond3A_531 {
        %dma_wait3A_544 = arith.constant 0 : i32
        %dma_wait3A_545 = arith.constant 0 : i32
        %dma_wait3A_546 = tpu.memref_slice %arg6[%dma_wait3A_544, %dma_wait3A_545] : memref<10112x128xf32, #tpu.memory_space<vmem_shared>> -> memref<10112x128xf32, #tpu.memory_space<vmem_shared>>
        tpu.wait_indirect_dma semaphore(%arg16 : memref<!tpu.dma_semaphore, #tpu.memory_space<semaphore_mem>>) src(%arg12 : memref<128x128xf32, #tpu.memory_space<vmem>>) dst(%dma_wait3A_546 : memref<10112x128xf32, #tpu.memory_space<vmem_shared>>)
        %mul3A_547 = arith.constant 128 : i32
        %mul3A_548 = arith.muli %add3A_526, %mul3A_547 : i32
        %add3A_549 = arith.addi %mul3A_146, %mul3A_548 : i32
        "tpu.region"() ({
          %run_scoped3A = tpu.sem_alloc : memref<!tpu.dma_semaphore, #tpu.memory_space<semaphore_mem>>
          %dma_start3A_553 = tpu.memref_slice %arg3[%add3A_549] : memref<320000xi32, #tpu.memory_space<hbm>> -> memref<128xi32, #tpu.memory_space<hbm>>
          %dma_start3A_554 = tpu.memref_slice %arg3[%add3A_549] : memref<320000xi32, #tpu.memory_space<hbm>> -> memref<128xi32, #tpu.memory_space<hbm>>
          tpu.enqueue_dma source(%dma_start3A_554 : memref<128xi32, #tpu.memory_space<hbm>>) target(%arg13 : memref<128xi32, #tpu.memory_space<vmem>>) target_semaphore(%run_scoped3A : memref<!tpu.dma_semaphore, #tpu.memory_space<semaphore_mem>>)
          %dma_wait3A_555 = tpu.memref_slice %arg3[%add3A_549] : memref<320000xi32, #tpu.memory_space<hbm>> -> memref<128xi32, #tpu.memory_space<hbm>>
          %dma_wait3A_556 = tpu.memref_slice %arg3[%add3A_549] : memref<320000xi32, #tpu.memory_space<hbm>> -> memref<128xi32, #tpu.memory_space<hbm>>
          tpu.wait_dma2 semaphore(%run_scoped3A : memref<!tpu.dma_semaphore, #tpu.memory_space<semaphore_mem>>) src(%dma_wait3A_556 : memref<128xi32, #tpu.memory_space<hbm>>) dst(%arg13 : memref<128xi32, #tpu.memory_space<vmem>>)
          tpu.yield
        }) : () -> ()
        "tpu.region"() ({
          %run_scoped3A = tpu.sem_alloc : memref<!tpu.dma_semaphore, #tpu.memory_space<semaphore_mem>>
          %dma_start3A_553 = tpu.memref_slice %arg4[%add3A_549] : memref<320000xi32, #tpu.memory_space<hbm>> -> memref<128xi32, #tpu.memory_space<hbm>>
          %dma_start3A_554 = tpu.memref_slice %arg4[%add3A_549] : memref<320000xi32, #tpu.memory_space<hbm>> -> memref<128xi32, #tpu.memory_space<hbm>>
          tpu.enqueue_dma source(%dma_start3A_554 : memref<128xi32, #tpu.memory_space<hbm>>) target(%arg14 : memref<128xi32, #tpu.memory_space<vmem>>) target_semaphore(%run_scoped3A : memref<!tpu.dma_semaphore, #tpu.memory_space<semaphore_mem>>)
          %dma_wait3A_555 = tpu.memref_slice %arg4[%add3A_549] : memref<320000xi32, #tpu.memory_space<hbm>> -> memref<128xi32, #tpu.memory_space<hbm>>
          %dma_wait3A_556 = tpu.memref_slice %arg4[%add3A_549] : memref<320000xi32, #tpu.memory_space<hbm>> -> memref<128xi32, #tpu.memory_space<hbm>>
          tpu.wait_dma2 semaphore(%run_scoped3A : memref<!tpu.dma_semaphore, #tpu.memory_space<semaphore_mem>>) src(%dma_wait3A_556 : memref<128xi32, #tpu.memory_space<hbm>>) dst(%arg14 : memref<128xi32, #tpu.memory_space<vmem>>)
          tpu.yield
        }) : () -> ()
        %dma_start3A_550 = arith.constant 0 : i32
        %dma_start3A_551 = arith.constant 0 : i32
        %dma_start3A_552 = tpu.memref_slice %arg2[%dma_start3A_550, %dma_start3A_551] : memref<10000x128xf32, #tpu.memory_space<hbm>> -> memref<10000x128xf32, #tpu.memory_space<hbm>>
        tpu.enqueue_indirect_dma source(%dma_start3A_552 : memref<10000x128xf32, #tpu.memory_space<hbm>>) target(%arg12 : memref<128x128xf32, #tpu.memory_space<vmem>>) offsets(%arg13 : memref<128xi32, #tpu.memory_space<vmem>>) semaphore(%arg15 : memref<!tpu.dma_semaphore, #tpu.memory_space<semaphore_mem>>)
      } else {
      }
      %mul3A_532 = arith.constant 3 : i32
      %mul3A_533 = arith.muli %mul3A_532, %scan3A_493 : i32
      %add3A_534 = arith.constant 2 : i32
      %add3A_535 = arith.addi %mul3A_533, %add3A_534 : i32
      %add3A_536 = arith.constant 3 : i32
      %add3A_537 = arith.addi %add3A_535, %add3A_536 : i32
      %lt3A_538 = arith.constant 78 : i32
      %lt3A_539 = arith.cmpi slt, %add3A_537, %lt3A_538 : i32
      %convert_element_type3A_540 = arith.extui %lt3A_539 : i1 to i32
      %cond3A_541 = arith.constant 0 : i32
      %cond3A_542 = arith.cmpi ne, %convert_element_type3A_540, %cond3A_541 : i32
      scf.if %cond3A_542 {
        %dma_wait3A_544 = arith.constant 0 : i32
        %dma_wait3A_545 = arith.constant 0 : i32
        %dma_wait3A_546 = tpu.memref_slice %arg6[%dma_wait3A_544, %dma_wait3A_545] : memref<10112x128xf32, #tpu.memory_space<vmem_shared>> -> memref<10112x128xf32, #tpu.memory_space<vmem_shared>>
        tpu.wait_indirect_dma semaphore(%arg21 : memref<!tpu.dma_semaphore, #tpu.memory_space<semaphore_mem>>) src(%arg17 : memref<128x128xf32, #tpu.memory_space<vmem>>) dst(%dma_wait3A_546 : memref<10112x128xf32, #tpu.memory_space<vmem_shared>>)
        %mul3A_547 = arith.constant 128 : i32
        %mul3A_548 = arith.muli %add3A_537, %mul3A_547 : i32
        %add3A_549 = arith.addi %mul3A_146, %mul3A_548 : i32
        "tpu.region"() ({
          %run_scoped3A = tpu.sem_alloc : memref<!tpu.dma_semaphore, #tpu.memory_space<semaphore_mem>>
          %dma_start3A_553 = tpu.memref_slice %arg3[%add3A_549] : memref<320000xi32, #tpu.memory_space<hbm>> -> memref<128xi32, #tpu.memory_space<hbm>>
          %dma_start3A_554 = tpu.memref_slice %arg3[%add3A_549] : memref<320000xi32, #tpu.memory_space<hbm>> -> memref<128xi32, #tpu.memory_space<hbm>>
          tpu.enqueue_dma source(%dma_start3A_554 : memref<128xi32, #tpu.memory_space<hbm>>) target(%arg18 : memref<128xi32, #tpu.memory_space<vmem>>) target_semaphore(%run_scoped3A : memref<!tpu.dma_semaphore, #tpu.memory_space<semaphore_mem>>)
          %dma_wait3A_555 = tpu.memref_slice %arg3[%add3A_549] : memref<320000xi32, #tpu.memory_space<hbm>> -> memref<128xi32, #tpu.memory_space<hbm>>
          %dma_wait3A_556 = tpu.memref_slice %arg3[%add3A_549] : memref<320000xi32, #tpu.memory_space<hbm>> -> memref<128xi32, #tpu.memory_space<hbm>>
          tpu.wait_dma2 semaphore(%run_scoped3A : memref<!tpu.dma_semaphore, #tpu.memory_space<semaphore_mem>>) src(%dma_wait3A_556 : memref<128xi32, #tpu.memory_space<hbm>>) dst(%arg18 : memref<128xi32, #tpu.memory_space<vmem>>)
          tpu.yield
        }) : () -> ()
        "tpu.region"() ({
          %run_scoped3A = tpu.sem_alloc : memref<!tpu.dma_semaphore, #tpu.memory_space<semaphore_mem>>
          %dma_start3A_553 = tpu.memref_slice %arg4[%add3A_549] : memref<320000xi32, #tpu.memory_space<hbm>> -> memref<128xi32, #tpu.memory_space<hbm>>
          %dma_start3A_554 = tpu.memref_slice %arg4[%add3A_549] : memref<320000xi32, #tpu.memory_space<hbm>> -> memref<128xi32, #tpu.memory_space<hbm>>
          tpu.enqueue_dma source(%dma_start3A_554 : memref<128xi32, #tpu.memory_space<hbm>>) target(%arg19 : memref<128xi32, #tpu.memory_space<vmem>>) target_semaphore(%run_scoped3A : memref<!tpu.dma_semaphore, #tpu.memory_space<semaphore_mem>>)
          %dma_wait3A_555 = tpu.memref_slice %arg4[%add3A_549] : memref<320000xi32, #tpu.memory_space<hbm>> -> memref<128xi32, #tpu.memory_space<hbm>>
          %dma_wait3A_556 = tpu.memref_slice %arg4[%add3A_549] : memref<320000xi32, #tpu.memory_space<hbm>> -> memref<128xi32, #tpu.memory_space<hbm>>
          tpu.wait_dma2 semaphore(%run_scoped3A : memref<!tpu.dma_semaphore, #tpu.memory_space<semaphore_mem>>) src(%dma_wait3A_556 : memref<128xi32, #tpu.memory_space<hbm>>) dst(%arg19 : memref<128xi32, #tpu.memory_space<vmem>>)
          tpu.yield
        }) : () -> ()
        %dma_start3A_550 = arith.constant 0 : i32
        %dma_start3A_551 = arith.constant 0 : i32
        %dma_start3A_552 = tpu.memref_slice %arg2[%dma_start3A_550, %dma_start3A_551] : memref<10000x128xf32, #tpu.memory_space<hbm>> -> memref<10000x128xf32, #tpu.memory_space<hbm>>
        tpu.enqueue_indirect_dma source(%dma_start3A_552 : memref<10000x128xf32, #tpu.memory_space<hbm>>) target(%arg17 : memref<128x128xf32, #tpu.memory_space<vmem>>) offsets(%arg18 : memref<128xi32, #tpu.memory_space<vmem>>) semaphore(%arg20 : memref<!tpu.dma_semaphore, #tpu.memory_space<semaphore_mem>>)
      } else {
      }
      %scan3A_543 = arith.constant 0 : i32
      scf.yield %scan3A_543 : i32
    }
    %scan3A_168 = arith.constant 26 : i32
    %dma_wait3A_169 = arith.constant 0 : i32
    %dma_wait3A_170 = arith.constant 0 : i32
    %dma_wait3A_171 = tpu.memref_slice %arg6[%dma_wait3A_169, %dma_wait3A_170] : memref<10112x128xf32, #tpu.memory_space<vmem_shared>> -> memref<10112x128xf32, #tpu.memory_space<vmem_shared>>
    tpu.wait_indirect_dma semaphore(%arg11 : memref<!tpu.dma_semaphore, #tpu.memory_space<semaphore_mem>>) src(%arg7 : memref<128x128xf32, #tpu.memory_space<vmem>>) dst(%dma_wait3A_171 : memref<10112x128xf32, #tpu.memory_space<vmem_shared>>)
    %dma_wait3A_172 = arith.constant 0 : i32
    %dma_wait3A_173 = arith.constant 0 : i32
    %dma_wait3A_174 = tpu.memref_slice %arg6[%dma_wait3A_172, %dma_wait3A_173] : memref<10112x128xf32, #tpu.memory_space<vmem_shared>> -> memref<10112x128xf32, #tpu.memory_space<vmem_shared>>
    tpu.wait_indirect_dma semaphore(%arg16 : memref<!tpu.dma_semaphore, #tpu.memory_space<semaphore_mem>>) src(%arg12 : memref<128x128xf32, #tpu.memory_space<vmem>>) dst(%dma_wait3A_174 : memref<10112x128xf32, #tpu.memory_space<vmem_shared>>)
    %dma_wait3A_175 = arith.constant 0 : i32
    %dma_wait3A_176 = arith.constant 0 : i32
    %dma_wait3A_177 = tpu.memref_slice %arg6[%dma_wait3A_175, %dma_wait3A_176] : memref<10112x128xf32, #tpu.memory_space<vmem_shared>> -> memref<10112x128xf32, #tpu.memory_space<vmem_shared>>
    tpu.wait_indirect_dma semaphore(%arg21 : memref<!tpu.dma_semaphore, #tpu.memory_space<semaphore_mem>>) src(%arg17 : memref<128x128xf32, #tpu.memory_space<vmem>>) dst(%dma_wait3A_177 : memref<10112x128xf32, #tpu.memory_space<vmem_shared>>)
    %add3A_178 = arith.constant 9984 : i32
    %add3A_179 = arith.addi %mul3A_146, %add3A_178 : i32
    "tpu.region"() ({
      %run_scoped3A = tpu.sem_alloc : memref<!tpu.dma_semaphore, #tpu.memory_space<semaphore_mem>>
      %dma_start3A_493 = tpu.memref_slice %arg3[%add3A_179] : memref<320000xi32, #tpu.memory_space<hbm>> -> memref<16xi32, #tpu.memory_space<hbm>>
      %dma_start3A_494 = tpu.memref_slice %arg3[%add3A_179] : memref<320000xi32, #tpu.memory_space<hbm>> -> memref<16xi32, #tpu.memory_space<hbm>>
      tpu.enqueue_dma source(%dma_start3A_494 : memref<16xi32, #tpu.memory_space<hbm>>) target(%arg22 : memref<16xi32, #tpu.memory_space<vmem>>) target_semaphore(%run_scoped3A : memref<!tpu.dma_semaphore, #tpu.memory_space<semaphore_mem>>)
      %dma_wait3A_495 = tpu.memref_slice %arg3[%add3A_179] : memref<320000xi32, #tpu.memory_space<hbm>> -> memref<16xi32, #tpu.memory_space<hbm>>
      %dma_wait3A_496 = tpu.memref_slice %arg3[%add3A_179] : memref<320000xi32, #tpu.memory_space<hbm>> -> memref<16xi32, #tpu.memory_space<hbm>>
      tpu.wait_dma2 semaphore(%run_scoped3A : memref<!tpu.dma_semaphore, #tpu.memory_space<semaphore_mem>>) src(%dma_wait3A_496 : memref<16xi32, #tpu.memory_space<hbm>>) dst(%arg22 : memref<16xi32, #tpu.memory_space<vmem>>)
      tpu.yield
    }) : () -> ()
    "tpu.region"() ({
      %run_scoped3A = tpu.sem_alloc : memref<!tpu.dma_semaphore, #tpu.memory_space<semaphore_mem>>
      %dma_start3A_493 = tpu.memref_slice %arg4[%add3A_179] : memref<320000xi32, #tpu.memory_space<hbm>> -> memref<16xi32, #tpu.memory_space<hbm>>
      %dma_start3A_494 = tpu.memref_slice %arg4[%add3A_179] : memref<320000xi32, #tpu.memory_space<hbm>> -> memref<16xi32, #tpu.memory_space<hbm>>
      tpu.enqueue_dma source(%dma_start3A_494 : memref<16xi32, #tpu.memory_space<hbm>>) target(%arg23 : memref<16xi32, #tpu.memory_space<vmem>>) target_semaphore(%run_scoped3A : memref<!tpu.dma_semaphore, #tpu.memory_space<semaphore_mem>>)
      %dma_wait3A_495 = tpu.memref_slice %arg4[%add3A_179] : memref<320000xi32, #tpu.memory_space<hbm>> -> memref<16xi32, #tpu.memory_space<hbm>>
      %dma_wait3A_496 = tpu.memref_slice %arg4[%add3A_179] : memref<320000xi32, #tpu.memory_space<hbm>> -> memref<16xi32, #tpu.memory_space<hbm>>
      tpu.wait_dma2 semaphore(%run_scoped3A : memref<!tpu.dma_semaphore, #tpu.memory_space<semaphore_mem>>) src(%dma_wait3A_496 : memref<16xi32, #tpu.memory_space<hbm>>) dst(%arg23 : memref<16xi32, #tpu.memory_space<vmem>>)
      tpu.yield
    }) : () -> ()
    %dma_start3A_180 = arith.constant 0 : i32
    %dma_start3A_181 = arith.constant 0 : i32
    %dma_start3A_182 = tpu.memref_slice %arg7[%dma_start3A_180, %dma_start3A_181] : memref<128x128xf32, #tpu.memory_space<vmem>> -> memref<16x128xf32, #tpu.memory_space<vmem>>
    %dma_start3A_183 = arith.constant 0 : i32
    %dma_start3A_184 = arith.constant 0 : i32
    %dma_start3A_185 = tpu.memref_slice %arg2[%dma_start3A_183, %dma_start3A_184] : memref<10000x128xf32, #tpu.memory_space<hbm>> -> memref<10000x128xf32, #tpu.memory_space<hbm>>
    tpu.enqueue_indirect_dma source(%dma_start3A_185 : memref<10000x128xf32, #tpu.memory_space<hbm>>) target(%dma_start3A_182 : memref<16x128xf32, #tpu.memory_space<vmem>>) offsets(%arg22 : memref<16xi32, #tpu.memory_space<vmem>>) semaphore(%arg10 : memref<!tpu.dma_semaphore, #tpu.memory_space<semaphore_mem>>)
    %dma_wait3A_186 = arith.constant 0 : i32
    %dma_wait3A_187 = arith.constant 0 : i32
    %dma_wait3A_188 = tpu.memref_slice %arg7[%dma_wait3A_186, %dma_wait3A_187] : memref<128x128xf32, #tpu.memory_space<vmem>> -> memref<16x128xf32, #tpu.memory_space<vmem>>
    %dma_wait3A_189 = arith.constant 0 : i32
    %dma_wait3A_190 = arith.constant 0 : i32
    %dma_wait3A_191 = tpu.memref_slice %arg2[%dma_wait3A_189, %dma_wait3A_190] : memref<10000x128xf32, #tpu.memory_space<hbm>> -> memref<10000x128xf32, #tpu.memory_space<hbm>>
    tpu.wait_indirect_dma semaphore(%arg10 : memref<!tpu.dma_semaphore, #tpu.memory_space<semaphore_mem>>) src(%dma_wait3A_191 : memref<10000x128xf32, #tpu.memory_space<hbm>>) dst(%dma_wait3A_188 : memref<16x128xf32, #tpu.memory_space<vmem>>)
    "tpu.region"() ({
      %run_scoped3A = tpu.sem_alloc : memref<!tpu.dma_semaphore, #tpu.memory_space<semaphore_mem>>
      %dma_start3A_493 = arith.constant 0 : i32
      %dma_start3A_494 = arith.constant 0 : i32
      %dma_start3A_495 = tpu.memref_slice %arg7[%dma_start3A_493, %dma_start3A_494] : memref<128x128xf32, #tpu.memory_space<vmem>> -> memref<16x128xf32, #tpu.memory_space<vmem>>
      %dma_start3A_496 = arith.constant 0 : i32
      %dma_start3A_497 = arith.constant 0 : i32
      %dma_start3A_498 = tpu.memref_slice %arg6[%dma_start3A_496, %dma_start3A_497] : memref<10112x128xf32, #tpu.memory_space<vmem_shared>> -> memref<10112x128xf32, #tpu.memory_space<vmem_shared>>
      tpu.enqueue_indirect_dma source(%dma_start3A_495 : memref<16x128xf32, #tpu.memory_space<vmem>>) target(%dma_start3A_498 : memref<10112x128xf32, #tpu.memory_space<vmem_shared>>) offsets(%arg23 : memref<16xi32, #tpu.memory_space<vmem>>) semaphore(%run_scoped3A : memref<!tpu.dma_semaphore, #tpu.memory_space<semaphore_mem>>) {add = true}
      %dma_wait3A_499 = arith.constant 0 : i32
      %dma_wait3A_500 = arith.constant 0 : i32
      %dma_wait3A_501 = tpu.memref_slice %arg7[%dma_wait3A_499, %dma_wait3A_500] : memref<128x128xf32, #tpu.memory_space<vmem>> -> memref<16x128xf32, #tpu.memory_space<vmem>>
      %dma_wait3A_502 = arith.constant 0 : i32
      %dma_wait3A_503 = arith.constant 0 : i32
      %dma_wait3A_504 = tpu.memref_slice %arg6[%dma_wait3A_502, %dma_wait3A_503] : memref<10112x128xf32, #tpu.memory_space<vmem_shared>> -> memref<10112x128xf32, #tpu.memory_space<vmem_shared>>
      tpu.wait_indirect_dma semaphore(%run_scoped3A : memref<!tpu.dma_semaphore, #tpu.memory_space<semaphore_mem>>) src(%dma_wait3A_501 : memref<16x128xf32, #tpu.memory_space<vmem>>) dst(%dma_wait3A_504 : memref<10112x128xf32, #tpu.memory_space<vmem_shared>>)
      tpu.yield
    }) : () -> ()
    %barrier3A_192 = arith.constant 0 : index
    tpu.barrier barrier_id(%barrier3A_192)
    %mul3A_193 = arith.constant 632 : i32
    %mul3A_194 = arith.muli %arg1, %mul3A_193 : i32
    %add3A_195 = arith.constant 0 : i32
    %add3A_196 = arith.addi %mul3A_194, %add3A_195 : i32
    %dma_start3A_197 = arith.constant 0 : i32
    %dma_start3A_198 = arith.constant 0 : i32
    %dma_start3A_199 = tpu.memref_slice %arg7[%dma_start3A_197, %dma_start3A_198] : memref<128x128xf32, #tpu.memory_space<vmem>> -> memref<128x128xf32, #tpu.memory_space<vmem>>
    %dma_start3A_200 = arith.constant 0 : i32
    %dma_start3A_201 = tpu.memref_slice %arg6[%add3A_196, %dma_start3A_200] : memref<10112x128xf32, #tpu.memory_space<vmem_shared>> -> memref<128x128xf32, #tpu.memory_space<vmem_shared>>
    %dma_start3A_202 = arith.constant 0 : i32
    %dma_start3A_203 = arith.constant 0 : i32
    %dma_start3A_204 = tpu.memref_slice %arg7[%dma_start3A_202, %dma_start3A_203] : memref<128x128xf32, #tpu.memory_space<vmem>> -> memref<128x128xf32, #tpu.memory_space<vmem>>
    %dma_start3A_205 = arith.constant 0 : i32
    %dma_start3A_206 = tpu.memref_slice %arg6[%add3A_196, %dma_start3A_205] : memref<10112x128xf32, #tpu.memory_space<vmem_shared>> -> memref<128x128xf32, #tpu.memory_space<vmem_shared>>
    tpu.enqueue_dma source(%dma_start3A_206 : memref<128x128xf32, #tpu.memory_space<vmem_shared>>) target(%dma_start3A_204 : memref<128x128xf32, #tpu.memory_space<vmem>>) target_semaphore(%arg10 : memref<!tpu.dma_semaphore, #tpu.memory_space<semaphore_mem>>)
    %mul3A_207 = arith.constant 632 : i32
    %mul3A_208 = arith.muli %arg1, %mul3A_207 : i32
    %add3A_209 = arith.constant 0 : i32
    %add3A_210 = arith.addi %mul3A_208, %add3A_209 : i32
    %dma_wait3A_211 = arith.constant 0 : i32
    %dma_wait3A_212 = arith.constant 0 : i32
    %dma_wait3A_213 = tpu.memref_slice %arg7[%dma_wait3A_211, %dma_wait3A_212] : memref<128x128xf32, #tpu.memory_space<vmem>> -> memref<128x128xf32, #tpu.memory_space<vmem>>
    %dma_wait3A_214 = arith.constant 0 : i32
    %dma_wait3A_215 = tpu.memref_slice %arg6[%add3A_210, %dma_wait3A_214] : memref<10112x128xf32, #tpu.memory_space<vmem_shared>> -> memref<128x128xf32, #tpu.memory_space<vmem_shared>>
    %dma_wait3A_216 = arith.constant 0 : i32
    %dma_wait3A_217 = arith.constant 0 : i32
    %dma_wait3A_218 = tpu.memref_slice %arg7[%dma_wait3A_216, %dma_wait3A_217] : memref<128x128xf32, #tpu.memory_space<vmem>> -> memref<128x128xf32, #tpu.memory_space<vmem>>
    %dma_wait3A_219 = arith.constant 0 : i32
    %dma_wait3A_220 = tpu.memref_slice %arg6[%add3A_210, %dma_wait3A_219] : memref<10112x128xf32, #tpu.memory_space<vmem_shared>> -> memref<128x128xf32, #tpu.memory_space<vmem_shared>>
    tpu.wait_dma2 semaphore(%arg10 : memref<!tpu.dma_semaphore, #tpu.memory_space<semaphore_mem>>) src(%dma_wait3A_220 : memref<128x128xf32, #tpu.memory_space<vmem_shared>>) dst(%dma_wait3A_218 : memref<128x128xf32, #tpu.memory_space<vmem>>)
    %mul3A_221 = arith.constant 632 : i32
    %mul3A_222 = arith.muli %arg1, %mul3A_221 : i32
    %add3A_223 = arith.constant 0 : i32
    %add3A_224 = arith.addi %mul3A_222, %add3A_223 : i32
    %dma_start3A_225 = arith.constant 0 : i32
    %dma_start3A_226 = arith.constant 0 : i32
    %dma_start3A_227 = tpu.memref_slice %arg7[%dma_start3A_225, %dma_start3A_226] : memref<128x128xf32, #tpu.memory_space<vmem>> -> memref<128x128xf32, #tpu.memory_space<vmem>>
    %dma_start3A_228 = arith.constant 0 : i32
    %dma_start3A_229 = tpu.memref_slice %arg5[%arg0, %add3A_224, %dma_start3A_228] : memref<2x10112x128xf32, #tpu.memory_space<hbm>> -> memref<1x128x128xf32, #tpu.memory_space<hbm>>
    %dma_start3A_230 = tpu.memref_squeeze %dma_start3A_229 : memref<1x128x128xf32, #tpu.memory_space<hbm>> -> memref<128x128xf32, #tpu.memory_space<hbm>>
    %dma_start3A_231 = arith.constant 0 : i32
    %dma_start3A_232 = tpu.memref_slice %arg5[%arg0, %add3A_224, %dma_start3A_231] : memref<2x10112x128xf32, #tpu.memory_space<hbm>> -> memref<1x128x128xf32, #tpu.memory_space<hbm>>
    %dma_start3A_233 = tpu.memref_squeeze %dma_start3A_232 : memref<1x128x128xf32, #tpu.memory_space<hbm>> -> memref<128x128xf32, #tpu.memory_space<hbm>>
    %dma_start3A_234 = arith.constant 0 : i32
    %dma_start3A_235 = arith.constant 0 : i32
    %dma_start3A_236 = tpu.memref_slice %arg7[%dma_start3A_234, %dma_start3A_235] : memref<128x128xf32, #tpu.memory_space<vmem>> -> memref<128x128xf32, #tpu.memory_space<vmem>>
    tpu.enqueue_dma source(%dma_start3A_236 : memref<128x128xf32, #tpu.memory_space<vmem>>) target(%dma_start3A_233 : memref<128x128xf32, #tpu.memory_space<hbm>>) target_semaphore(%arg11 : memref<!tpu.dma_semaphore, #tpu.memory_space<semaphore_mem>>)
    %mul3A_237 = arith.constant 632 : i32
    %mul3A_238 = arith.muli %arg1, %mul3A_237 : i32
    %add3A_239 = arith.constant 128 : i32
    %add3A_240 = arith.addi %mul3A_238, %add3A_239 : i32
    %dma_start3A_241 = arith.constant 0 : i32
    %dma_start3A_242 = arith.constant 0 : i32
    %dma_start3A_243 = tpu.memref_slice %arg12[%dma_start3A_241, %dma_start3A_242] : memref<128x128xf32, #tpu.memory_space<vmem>> -> memref<128x128xf32, #tpu.memory_space<vmem>>
    %dma_start3A_244 = arith.constant 0 : i32
    %dma_start3A_245 = tpu.memref_slice %arg6[%add3A_240, %dma_start3A_244] : memref<10112x128xf32, #tpu.memory_space<vmem_shared>> -> memref<128x128xf32, #tpu.memory_space<vmem_shared>>
    %dma_start3A_246 = arith.constant 0 : i32
    %dma_start3A_247 = arith.constant 0 : i32
    %dma_start3A_248 = tpu.memref_slice %arg12[%dma_start3A_246, %dma_start3A_247] : memref<128x128xf32, #tpu.memory_space<vmem>> -> memref<128x128xf32, #tpu.memory_space<vmem>>
    %dma_start3A_249 = arith.constant 0 : i32
    %dma_start3A_250 = tpu.memref_slice %arg6[%add3A_240, %dma_start3A_249] : memref<10112x128xf32, #tpu.memory_space<vmem_shared>> -> memref<128x128xf32, #tpu.memory_space<vmem_shared>>
    tpu.enqueue_dma source(%dma_start3A_250 : memref<128x128xf32, #tpu.memory_space<vmem_shared>>) target(%dma_start3A_248 : memref<128x128xf32, #tpu.memory_space<vmem>>) target_semaphore(%arg15 : memref<!tpu.dma_semaphore, #tpu.memory_space<semaphore_mem>>)
    %mul3A_251 = arith.constant 632 : i32
    %mul3A_252 = arith.muli %arg1, %mul3A_251 : i32
    %add3A_253 = arith.constant 128 : i32
    %add3A_254 = arith.addi %mul3A_252, %add3A_253 : i32
    %dma_wait3A_255 = arith.constant 0 : i32
    %dma_wait3A_256 = arith.constant 0 : i32
    %dma_wait3A_257 = tpu.memref_slice %arg12[%dma_wait3A_255, %dma_wait3A_256] : memref<128x128xf32, #tpu.memory_space<vmem>> -> memref<128x128xf32, #tpu.memory_space<vmem>>
    %dma_wait3A_258 = arith.constant 0 : i32
    %dma_wait3A_259 = tpu.memref_slice %arg6[%add3A_254, %dma_wait3A_258] : memref<10112x128xf32, #tpu.memory_space<vmem_shared>> -> memref<128x128xf32, #tpu.memory_space<vmem_shared>>
    %dma_wait3A_260 = arith.constant 0 : i32
    %dma_wait3A_261 = arith.constant 0 : i32
    %dma_wait3A_262 = tpu.memref_slice %arg12[%dma_wait3A_260, %dma_wait3A_261] : memref<128x128xf32, #tpu.memory_space<vmem>> -> memref<128x128xf32, #tpu.memory_space<vmem>>
    %dma_wait3A_263 = arith.constant 0 : i32
    %dma_wait3A_264 = tpu.memref_slice %arg6[%add3A_254, %dma_wait3A_263] : memref<10112x128xf32, #tpu.memory_space<vmem_shared>> -> memref<128x128xf32, #tpu.memory_space<vmem_shared>>
    tpu.wait_dma2 semaphore(%arg15 : memref<!tpu.dma_semaphore, #tpu.memory_space<semaphore_mem>>) src(%dma_wait3A_264 : memref<128x128xf32, #tpu.memory_space<vmem_shared>>) dst(%dma_wait3A_262 : memref<128x128xf32, #tpu.memory_space<vmem>>)
    %mul3A_265 = arith.constant 632 : i32
    %mul3A_266 = arith.muli %arg1, %mul3A_265 : i32
    %add3A_267 = arith.constant 128 : i32
    %add3A_268 = arith.addi %mul3A_266, %add3A_267 : i32
    %dma_start3A_269 = arith.constant 0 : i32
    %dma_start3A_270 = arith.constant 0 : i32
    %dma_start3A_271 = tpu.memref_slice %arg12[%dma_start3A_269, %dma_start3A_270] : memref<128x128xf32, #tpu.memory_space<vmem>> -> memref<128x128xf32, #tpu.memory_space<vmem>>
    %dma_start3A_272 = arith.constant 0 : i32
    %dma_start3A_273 = tpu.memref_slice %arg5[%arg0, %add3A_268, %dma_start3A_272] : memref<2x10112x128xf32, #tpu.memory_space<hbm>> -> memref<1x128x128xf32, #tpu.memory_space<hbm>>
    %dma_start3A_274 = tpu.memref_squeeze %dma_start3A_273 : memref<1x128x128xf32, #tpu.memory_space<hbm>> -> memref<128x128xf32, #tpu.memory_space<hbm>>
    %dma_start3A_275 = arith.constant 0 : i32
    %dma_start3A_276 = tpu.memref_slice %arg5[%arg0, %add3A_268, %dma_start3A_275] : memref<2x10112x128xf32, #tpu.memory_space<hbm>> -> memref<1x128x128xf32, #tpu.memory_space<hbm>>
    %dma_start3A_277 = tpu.memref_squeeze %dma_start3A_276 : memref<1x128x128xf32, #tpu.memory_space<hbm>> -> memref<128x128xf32, #tpu.memory_space<hbm>>
    %dma_start3A_278 = arith.constant 0 : i32
    %dma_start3A_279 = arith.constant 0 : i32
    %dma_start3A_280 = tpu.memref_slice %arg12[%dma_start3A_278, %dma_start3A_279] : memref<128x128xf32, #tpu.memory_space<vmem>> -> memref<128x128xf32, #tpu.memory_space<vmem>>
    tpu.enqueue_dma source(%dma_start3A_280 : memref<128x128xf32, #tpu.memory_space<vmem>>) target(%dma_start3A_277 : memref<128x128xf32, #tpu.memory_space<hbm>>) target_semaphore(%arg16 : memref<!tpu.dma_semaphore, #tpu.memory_space<semaphore_mem>>)
    %mul3A_281 = arith.constant 632 : i32
    %mul3A_282 = arith.muli %arg1, %mul3A_281 : i32
    %add3A_283 = arith.constant 256 : i32
    %add3A_284 = arith.addi %mul3A_282, %add3A_283 : i32
    %dma_start3A_285 = arith.constant 0 : i32
    %dma_start3A_286 = arith.constant 0 : i32
    %dma_start3A_287 = tpu.memref_slice %arg17[%dma_start3A_285, %dma_start3A_286] : memref<128x128xf32, #tpu.memory_space<vmem>> -> memref<128x128xf32, #tpu.memory_space<vmem>>
    %dma_start3A_288 = arith.constant 0 : i32
    %dma_start3A_289 = tpu.memref_slice %arg6[%add3A_284, %dma_start3A_288] : memref<10112x128xf32, #tpu.memory_space<vmem_shared>> -> memref<128x128xf32, #tpu.memory_space<vmem_shared>>
    %dma_start3A_290 = arith.constant 0 : i32
    %dma_start3A_291 = arith.constant 0 : i32
    %dma_start3A_292 = tpu.memref_slice %arg17[%dma_start3A_290, %dma_start3A_291] : memref<128x128xf32, #tpu.memory_space<vmem>> -> memref<128x128xf32, #tpu.memory_space<vmem>>
    %dma_start3A_293 = arith.constant 0 : i32
    %dma_start3A_294 = tpu.memref_slice %arg6[%add3A_284, %dma_start3A_293] : memref<10112x128xf32, #tpu.memory_space<vmem_shared>> -> memref<128x128xf32, #tpu.memory_space<vmem_shared>>
    tpu.enqueue_dma source(%dma_start3A_294 : memref<128x128xf32, #tpu.memory_space<vmem_shared>>) target(%dma_start3A_292 : memref<128x128xf32, #tpu.memory_space<vmem>>) target_semaphore(%arg20 : memref<!tpu.dma_semaphore, #tpu.memory_space<semaphore_mem>>)
    %mul3A_295 = arith.constant 632 : i32
    %mul3A_296 = arith.muli %arg1, %mul3A_295 : i32
    %add3A_297 = arith.constant 256 : i32
    %add3A_298 = arith.addi %mul3A_296, %add3A_297 : i32
    %dma_wait3A_299 = arith.constant 0 : i32
    %dma_wait3A_300 = arith.constant 0 : i32
    %dma_wait3A_301 = tpu.memref_slice %arg17[%dma_wait3A_299, %dma_wait3A_300] : memref<128x128xf32, #tpu.memory_space<vmem>> -> memref<128x128xf32, #tpu.memory_space<vmem>>
    %dma_wait3A_302 = arith.constant 0 : i32
    %dma_wait3A_303 = tpu.memref_slice %arg6[%add3A_298, %dma_wait3A_302] : memref<10112x128xf32, #tpu.memory_space<vmem_shared>> -> memref<128x128xf32, #tpu.memory_space<vmem_shared>>
    %dma_wait3A_304 = arith.constant 0 : i32
    %dma_wait3A_305 = arith.constant 0 : i32
    %dma_wait3A_306 = tpu.memref_slice %arg17[%dma_wait3A_304, %dma_wait3A_305] : memref<128x128xf32, #tpu.memory_space<vmem>> -> memref<128x128xf32, #tpu.memory_space<vmem>>
    %dma_wait3A_307 = arith.constant 0 : i32
    %dma_wait3A_308 = tpu.memref_slice %arg6[%add3A_298, %dma_wait3A_307] : memref<10112x128xf32, #tpu.memory_space<vmem_shared>> -> memref<128x128xf32, #tpu.memory_space<vmem_shared>>
    tpu.wait_dma2 semaphore(%arg20 : memref<!tpu.dma_semaphore, #tpu.memory_space<semaphore_mem>>) src(%dma_wait3A_308 : memref<128x128xf32, #tpu.memory_space<vmem_shared>>) dst(%dma_wait3A_306 : memref<128x128xf32, #tpu.memory_space<vmem>>)
    %mul3A_309 = arith.constant 632 : i32
    %mul3A_310 = arith.muli %arg1, %mul3A_309 : i32
    %add3A_311 = arith.constant 256 : i32
    %add3A_312 = arith.addi %mul3A_310, %add3A_311 : i32
    %dma_start3A_313 = arith.constant 0 : i32
    %dma_start3A_314 = arith.constant 0 : i32
    %dma_start3A_315 = tpu.memref_slice %arg17[%dma_start3A_313, %dma_start3A_314] : memref<128x128xf32, #tpu.memory_space<vmem>> -> memref<128x128xf32, #tpu.memory_space<vmem>>
    %dma_start3A_316 = arith.constant 0 : i32
    %dma_start3A_317 = tpu.memref_slice %arg5[%arg0, %add3A_312, %dma_start3A_316] : memref<2x10112x128xf32, #tpu.memory_space<hbm>> -> memref<1x128x128xf32, #tpu.memory_space<hbm>>
    %dma_start3A_318 = tpu.memref_squeeze %dma_start3A_317 : memref<1x128x128xf32, #tpu.memory_space<hbm>> -> memref<128x128xf32, #tpu.memory_space<hbm>>
    %dma_start3A_319 = arith.constant 0 : i32
    %dma_start3A_320 = tpu.memref_slice %arg5[%arg0, %add3A_312, %dma_start3A_319] : memref<2x10112x128xf32, #tpu.memory_space<hbm>> -> memref<1x128x128xf32, #tpu.memory_space<hbm>>
    %dma_start3A_321 = tpu.memref_squeeze %dma_start3A_320 : memref<1x128x128xf32, #tpu.memory_space<hbm>> -> memref<128x128xf32, #tpu.memory_space<hbm>>
    %dma_start3A_322 = arith.constant 0 : i32
    %dma_start3A_323 = arith.constant 0 : i32
    %dma_start3A_324 = tpu.memref_slice %arg17[%dma_start3A_322, %dma_start3A_323] : memref<128x128xf32, #tpu.memory_space<vmem>> -> memref<128x128xf32, #tpu.memory_space<vmem>>
    tpu.enqueue_dma source(%dma_start3A_324 : memref<128x128xf32, #tpu.memory_space<vmem>>) target(%dma_start3A_321 : memref<128x128xf32, #tpu.memory_space<hbm>>) target_semaphore(%arg21 : memref<!tpu.dma_semaphore, #tpu.memory_space<semaphore_mem>>)
    %mul3A_325 = arith.constant 632 : i32
    %mul3A_326 = arith.muli %arg1, %mul3A_325 : i32
    %add3A_327 = arith.constant 0 : i32
    %add3A_328 = arith.addi %mul3A_326, %add3A_327 : i32
    %dma_wait3A_329 = arith.constant 0 : i32
    %dma_wait3A_330 = arith.constant 0 : i32
    %dma_wait3A_331 = tpu.memref_slice %arg7[%dma_wait3A_329, %dma_wait3A_330] : memref<128x128xf32, #tpu.memory_space<vmem>> -> memref<128x128xf32, #tpu.memory_space<vmem>>
    %dma_wait3A_332 = arith.constant 0 : i32
    %dma_wait3A_333 = tpu.memref_slice %arg5[%arg0, %add3A_328, %dma_wait3A_332] : memref<2x10112x128xf32, #tpu.memory_space<hbm>> -> memref<1x128x128xf32, #tpu.memory_space<hbm>>
    %dma_wait3A_334 = tpu.memref_squeeze %dma_wait3A_333 : memref<1x128x128xf32, #tpu.memory_space<hbm>> -> memref<128x128xf32, #tpu.memory_space<hbm>>
    %dma_wait3A_335 = arith.constant 0 : i32
    %dma_wait3A_336 = tpu.memref_slice %arg5[%arg0, %add3A_328, %dma_wait3A_335] : memref<2x10112x128xf32, #tpu.memory_space<hbm>> -> memref<1x128x128xf32, #tpu.memory_space<hbm>>
    %dma_wait3A_337 = tpu.memref_squeeze %dma_wait3A_336 : memref<1x128x128xf32, #tpu.memory_space<hbm>> -> memref<128x128xf32, #tpu.memory_space<hbm>>
    %dma_wait3A_338 = arith.constant 0 : i32
    %dma_wait3A_339 = arith.constant 0 : i32
    %dma_wait3A_340 = tpu.memref_slice %arg7[%dma_wait3A_338, %dma_wait3A_339] : memref<128x128xf32, #tpu.memory_space<vmem>> -> memref<128x128xf32, #tpu.memory_space<vmem>>
    tpu.wait_dma2 semaphore(%arg11 : memref<!tpu.dma_semaphore, #tpu.memory_space<semaphore_mem>>) src(%dma_wait3A_340 : memref<128x128xf32, #tpu.memory_space<vmem>>) dst(%dma_wait3A_337 : memref<128x128xf32, #tpu.memory_space<hbm>>)
    %mul3A_341 = arith.constant 632 : i32
    %mul3A_342 = arith.muli %arg1, %mul3A_341 : i32
    %add3A_343 = arith.constant 384 : i32
    %add3A_344 = arith.addi %mul3A_342, %add3A_343 : i32
    %dma_start3A_345 = arith.constant 0 : i32
    %dma_start3A_346 = arith.constant 0 : i32
    %dma_start3A_347 = tpu.memref_slice %arg7[%dma_start3A_345, %dma_start3A_346] : memref<128x128xf32, #tpu.memory_space<vmem>> -> memref<128x128xf32, #tpu.memory_space<vmem>>
    %dma_start3A_348 = arith.constant 0 : i32
    %dma_start3A_349 = tpu.memref_slice %arg6[%add3A_344, %dma_start3A_348] : memref<10112x128xf32, #tpu.memory_space<vmem_shared>> -> memref<128x128xf32, #tpu.memory_space<vmem_shared>>
    %dma_start3A_350 = arith.constant 0 : i32
    %dma_start3A_351 = arith.constant 0 : i32
    %dma_start3A_352 = tpu.memref_slice %arg7[%dma_start3A_350, %dma_start3A_351] : memref<128x128xf32, #tpu.memory_space<vmem>> -> memref<128x128xf32, #tpu.memory_space<vmem>>
    %dma_start3A_353 = arith.constant 0 : i32
    %dma_start3A_354 = tpu.memref_slice %arg6[%add3A_344, %dma_start3A_353] : memref<10112x128xf32, #tpu.memory_space<vmem_shared>> -> memref<128x128xf32, #tpu.memory_space<vmem_shared>>
    tpu.enqueue_dma source(%dma_start3A_354 : memref<128x128xf32, #tpu.memory_space<vmem_shared>>) target(%dma_start3A_352 : memref<128x128xf32, #tpu.memory_space<vmem>>) target_semaphore(%arg10 : memref<!tpu.dma_semaphore, #tpu.memory_space<semaphore_mem>>)
    %mul3A_355 = arith.constant 632 : i32
    %mul3A_356 = arith.muli %arg1, %mul3A_355 : i32
    %add3A_357 = arith.constant 384 : i32
    %add3A_358 = arith.addi %mul3A_356, %add3A_357 : i32
    %dma_wait3A_359 = arith.constant 0 : i32
    %dma_wait3A_360 = arith.constant 0 : i32
    %dma_wait3A_361 = tpu.memref_slice %arg7[%dma_wait3A_359, %dma_wait3A_360] : memref<128x128xf32, #tpu.memory_space<vmem>> -> memref<128x128xf32, #tpu.memory_space<vmem>>
    %dma_wait3A_362 = arith.constant 0 : i32
    %dma_wait3A_363 = tpu.memref_slice %arg6[%add3A_358, %dma_wait3A_362] : memref<10112x128xf32, #tpu.memory_space<vmem_shared>> -> memref<128x128xf32, #tpu.memory_space<vmem_shared>>
    %dma_wait3A_364 = arith.constant 0 : i32
    %dma_wait3A_365 = arith.constant 0 : i32
    %dma_wait3A_366 = tpu.memref_slice %arg7[%dma_wait3A_364, %dma_wait3A_365] : memref<128x128xf32, #tpu.memory_space<vmem>> -> memref<128x128xf32, #tpu.memory_space<vmem>>
    %dma_wait3A_367 = arith.constant 0 : i32
    %dma_wait3A_368 = tpu.memref_slice %arg6[%add3A_358, %dma_wait3A_367] : memref<10112x128xf32, #tpu.memory_space<vmem_shared>> -> memref<128x128xf32, #tpu.memory_space<vmem_shared>>
    tpu.wait_dma2 semaphore(%arg10 : memref<!tpu.dma_semaphore, #tpu.memory_space<semaphore_mem>>) src(%dma_wait3A_368 : memref<128x128xf32, #tpu.memory_space<vmem_shared>>) dst(%dma_wait3A_366 : memref<128x128xf32, #tpu.memory_space<vmem>>)
    %mul3A_369 = arith.constant 632 : i32
    %mul3A_370 = arith.muli %arg1, %mul3A_369 : i32
    %add3A_371 = arith.constant 384 : i32
    %add3A_372 = arith.addi %mul3A_370, %add3A_371 : i32
    %dma_start3A_373 = arith.constant 0 : i32
    %dma_start3A_374 = arith.constant 0 : i32
    %dma_start3A_375 = tpu.memref_slice %arg7[%dma_start3A_373, %dma_start3A_374] : memref<128x128xf32, #tpu.memory_space<vmem>> -> memref<128x128xf32, #tpu.memory_space<vmem>>
    %dma_start3A_376 = arith.constant 0 : i32
    %dma_start3A_377 = tpu.memref_slice %arg5[%arg0, %add3A_372, %dma_start3A_376] : memref<2x10112x128xf32, #tpu.memory_space<hbm>> -> memref<1x128x128xf32, #tpu.memory_space<hbm>>
    %dma_start3A_378 = tpu.memref_squeeze %dma_start3A_377 : memref<1x128x128xf32, #tpu.memory_space<hbm>> -> memref<128x128xf32, #tpu.memory_space<hbm>>
    %dma_start3A_379 = arith.constant 0 : i32
    %dma_start3A_380 = tpu.memref_slice %arg5[%arg0, %add3A_372, %dma_start3A_379] : memref<2x10112x128xf32, #tpu.memory_space<hbm>> -> memref<1x128x128xf32, #tpu.memory_space<hbm>>
    %dma_start3A_381 = tpu.memref_squeeze %dma_start3A_380 : memref<1x128x128xf32, #tpu.memory_space<hbm>> -> memref<128x128xf32, #tpu.memory_space<hbm>>
    %dma_start3A_382 = arith.constant 0 : i32
    %dma_start3A_383 = arith.constant 0 : i32
    %dma_start3A_384 = tpu.memref_slice %arg7[%dma_start3A_382, %dma_start3A_383] : memref<128x128xf32, #tpu.memory_space<vmem>> -> memref<128x128xf32, #tpu.memory_space<vmem>>
    tpu.enqueue_dma source(%dma_start3A_384 : memref<128x128xf32, #tpu.memory_space<vmem>>) target(%dma_start3A_381 : memref<128x128xf32, #tpu.memory_space<hbm>>) target_semaphore(%arg11 : memref<!tpu.dma_semaphore, #tpu.memory_space<semaphore_mem>>)
    %mul3A_385 = arith.constant 632 : i32
    %mul3A_386 = arith.muli %arg1, %mul3A_385 : i32
    %add3A_387 = arith.constant 128 : i32
    %add3A_388 = arith.addi %mul3A_386, %add3A_387 : i32
    %dma_wait3A_389 = arith.constant 0 : i32
    %dma_wait3A_390 = arith.constant 0 : i32
    %dma_wait3A_391 = tpu.memref_slice %arg12[%dma_wait3A_389, %dma_wait3A_390] : memref<128x128xf32, #tpu.memory_space<vmem>> -> memref<128x128xf32, #tpu.memory_space<vmem>>
    %dma_wait3A_392 = arith.constant 0 : i32
    %dma_wait3A_393 = tpu.memref_slice %arg5[%arg0, %add3A_388, %dma_wait3A_392] : memref<2x10112x128xf32, #tpu.memory_space<hbm>> -> memref<1x128x128xf32, #tpu.memory_space<hbm>>
    %dma_wait3A_394 = tpu.memref_squeeze %dma_wait3A_393 : memref<1x128x128xf32, #tpu.memory_space<hbm>> -> memref<128x128xf32, #tpu.memory_space<hbm>>
    %dma_wait3A_395 = arith.constant 0 : i32
    %dma_wait3A_396 = tpu.memref_slice %arg5[%arg0, %add3A_388, %dma_wait3A_395] : memref<2x10112x128xf32, #tpu.memory_space<hbm>> -> memref<1x128x128xf32, #tpu.memory_space<hbm>>
    %dma_wait3A_397 = tpu.memref_squeeze %dma_wait3A_396 : memref<1x128x128xf32, #tpu.memory_space<hbm>> -> memref<128x128xf32, #tpu.memory_space<hbm>>
    %dma_wait3A_398 = arith.constant 0 : i32
    %dma_wait3A_399 = arith.constant 0 : i32
    %dma_wait3A_400 = tpu.memref_slice %arg12[%dma_wait3A_398, %dma_wait3A_399] : memref<128x128xf32, #tpu.memory_space<vmem>> -> memref<128x128xf32, #tpu.memory_space<vmem>>
    tpu.wait_dma2 semaphore(%arg16 : memref<!tpu.dma_semaphore, #tpu.memory_space<semaphore_mem>>) src(%dma_wait3A_400 : memref<128x128xf32, #tpu.memory_space<vmem>>) dst(%dma_wait3A_397 : memref<128x128xf32, #tpu.memory_space<hbm>>)
    %mul3A_401 = arith.constant 632 : i32
    %mul3A_402 = arith.muli %arg1, %mul3A_401 : i32
    %add3A_403 = arith.constant 512 : i32
    %add3A_404 = arith.addi %mul3A_402, %add3A_403 : i32
    %dma_start3A_405 = arith.constant 0 : i32
    %dma_start3A_406 = arith.constant 0 : i32
    %dma_start3A_407 = tpu.memref_slice %arg12[%dma_start3A_405, %dma_start3A_406] : memref<128x128xf32, #tpu.memory_space<vmem>> -> memref<120x128xf32, #tpu.memory_space<vmem>>
    %dma_start3A_408 = arith.constant 0 : i32
    %dma_start3A_409 = tpu.memref_slice %arg6[%add3A_404, %dma_start3A_408] : memref<10112x128xf32, #tpu.memory_space<vmem_shared>> -> memref<120x128xf32, #tpu.memory_space<vmem_shared>>
    %dma_start3A_410 = arith.constant 0 : i32
    %dma_start3A_411 = arith.constant 0 : i32
    %dma_start3A_412 = tpu.memref_slice %arg12[%dma_start3A_410, %dma_start3A_411] : memref<128x128xf32, #tpu.memory_space<vmem>> -> memref<120x128xf32, #tpu.memory_space<vmem>>
    %dma_start3A_413 = arith.constant 0 : i32
    %dma_start3A_414 = tpu.memref_slice %arg6[%add3A_404, %dma_start3A_413] : memref<10112x128xf32, #tpu.memory_space<vmem_shared>> -> memref<120x128xf32, #tpu.memory_space<vmem_shared>>
    tpu.enqueue_dma source(%dma_start3A_414 : memref<120x128xf32, #tpu.memory_space<vmem_shared>>) target(%dma_start3A_412 : memref<120x128xf32, #tpu.memory_space<vmem>>) target_semaphore(%arg15 : memref<!tpu.dma_semaphore, #tpu.memory_space<semaphore_mem>>)
    %mul3A_415 = arith.constant 632 : i32
    %mul3A_416 = arith.muli %arg1, %mul3A_415 : i32
    %add3A_417 = arith.constant 512 : i32
    %add3A_418 = arith.addi %mul3A_416, %add3A_417 : i32
    %dma_wait3A_419 = arith.constant 0 : i32
    %dma_wait3A_420 = arith.constant 0 : i32
    %dma_wait3A_421 = tpu.memref_slice %arg12[%dma_wait3A_419, %dma_wait3A_420] : memref<128x128xf32, #tpu.memory_space<vmem>> -> memref<120x128xf32, #tpu.memory_space<vmem>>
    %dma_wait3A_422 = arith.constant 0 : i32
    %dma_wait3A_423 = tpu.memref_slice %arg6[%add3A_418, %dma_wait3A_422] : memref<10112x128xf32, #tpu.memory_space<vmem_shared>> -> memref<120x128xf32, #tpu.memory_space<vmem_shared>>
    %dma_wait3A_424 = arith.constant 0 : i32
    %dma_wait3A_425 = arith.constant 0 : i32
    %dma_wait3A_426 = tpu.memref_slice %arg12[%dma_wait3A_424, %dma_wait3A_425] : memref<128x128xf32, #tpu.memory_space<vmem>> -> memref<120x128xf32, #tpu.memory_space<vmem>>
    %dma_wait3A_427 = arith.constant 0 : i32
    %dma_wait3A_428 = tpu.memref_slice %arg6[%add3A_418, %dma_wait3A_427] : memref<10112x128xf32, #tpu.memory_space<vmem_shared>> -> memref<120x128xf32, #tpu.memory_space<vmem_shared>>
    tpu.wait_dma2 semaphore(%arg15 : memref<!tpu.dma_semaphore, #tpu.memory_space<semaphore_mem>>) src(%dma_wait3A_428 : memref<120x128xf32, #tpu.memory_space<vmem_shared>>) dst(%dma_wait3A_426 : memref<120x128xf32, #tpu.memory_space<vmem>>)
    %mul3A_429 = arith.constant 632 : i32
    %mul3A_430 = arith.muli %arg1, %mul3A_429 : i32
    %add3A_431 = arith.constant 512 : i32
    %add3A_432 = arith.addi %mul3A_430, %add3A_431 : i32
    %dma_start3A_433 = arith.constant 0 : i32
    %dma_start3A_434 = arith.constant 0 : i32
    %dma_start3A_435 = tpu.memref_slice %arg12[%dma_start3A_433, %dma_start3A_434] : memref<128x128xf32, #tpu.memory_space<vmem>> -> memref<120x128xf32, #tpu.memory_space<vmem>>
    %dma_start3A_436 = arith.constant 0 : i32
    %dma_start3A_437 = tpu.memref_slice %arg5[%arg0, %add3A_432, %dma_start3A_436] : memref<2x10112x128xf32, #tpu.memory_space<hbm>> -> memref<1x120x128xf32, #tpu.memory_space<hbm>>
    %dma_start3A_438 = tpu.memref_squeeze %dma_start3A_437 : memref<1x120x128xf32, #tpu.memory_space<hbm>> -> memref<120x128xf32, #tpu.memory_space<hbm>>
    %dma_start3A_439 = arith.constant 0 : i32
    %dma_start3A_440 = tpu.memref_slice %arg5[%arg0, %add3A_432, %dma_start3A_439] : memref<2x10112x128xf32, #tpu.memory_space<hbm>> -> memref<1x120x128xf32, #tpu.memory_space<hbm>>
    %dma_start3A_441 = tpu.memref_squeeze %dma_start3A_440 : memref<1x120x128xf32, #tpu.memory_space<hbm>> -> memref<120x128xf32, #tpu.memory_space<hbm>>
    %dma_start3A_442 = arith.constant 0 : i32
    %dma_start3A_443 = arith.constant 0 : i32
    %dma_start3A_444 = tpu.memref_slice %arg12[%dma_start3A_442, %dma_start3A_443] : memref<128x128xf32, #tpu.memory_space<vmem>> -> memref<120x128xf32, #tpu.memory_space<vmem>>
    tpu.enqueue_dma source(%dma_start3A_444 : memref<120x128xf32, #tpu.memory_space<vmem>>) target(%dma_start3A_441 : memref<120x128xf32, #tpu.memory_space<hbm>>) target_semaphore(%arg16 : memref<!tpu.dma_semaphore, #tpu.memory_space<semaphore_mem>>)
    %mul3A_445 = arith.constant 632 : i32
    %mul3A_446 = arith.muli %arg1, %mul3A_445 : i32
    %add3A_447 = arith.constant 256 : i32
    %add3A_448 = arith.addi %mul3A_446, %add3A_447 : i32
    %dma_wait3A_449 = arith.constant 0 : i32
    %dma_wait3A_450 = arith.constant 0 : i32
    %dma_wait3A_451 = tpu.memref_slice %arg17[%dma_wait3A_449, %dma_wait3A_450] : memref<128x128xf32, #tpu.memory_space<vmem>> -> memref<128x128xf32, #tpu.memory_space<vmem>>
    %dma_wait3A_452 = arith.constant 0 : i32
    %dma_wait3A_453 = tpu.memref_slice %arg5[%arg0, %add3A_448, %dma_wait3A_452] : memref<2x10112x128xf32, #tpu.memory_space<hbm>> -> memref<1x128x128xf32, #tpu.memory_space<hbm>>
    %dma_wait3A_454 = tpu.memref_squeeze %dma_wait3A_453 : memref<1x128x128xf32, #tpu.memory_space<hbm>> -> memref<128x128xf32, #tpu.memory_space<hbm>>
    %dma_wait3A_455 = arith.constant 0 : i32
    %dma_wait3A_456 = tpu.memref_slice %arg5[%arg0, %add3A_448, %dma_wait3A_455] : memref<2x10112x128xf32, #tpu.memory_space<hbm>> -> memref<1x128x128xf32, #tpu.memory_space<hbm>>
    %dma_wait3A_457 = tpu.memref_squeeze %dma_wait3A_456 : memref<1x128x128xf32, #tpu.memory_space<hbm>> -> memref<128x128xf32, #tpu.memory_space<hbm>>
    %dma_wait3A_458 = arith.constant 0 : i32
    %dma_wait3A_459 = arith.constant 0 : i32
    %dma_wait3A_460 = tpu.memref_slice %arg17[%dma_wait3A_458, %dma_wait3A_459] : memref<128x128xf32, #tpu.memory_space<vmem>> -> memref<128x128xf32, #tpu.memory_space<vmem>>
    tpu.wait_dma2 semaphore(%arg21 : memref<!tpu.dma_semaphore, #tpu.memory_space<semaphore_mem>>) src(%dma_wait3A_460 : memref<128x128xf32, #tpu.memory_space<vmem>>) dst(%dma_wait3A_457 : memref<128x128xf32, #tpu.memory_space<hbm>>)
    %mul3A_461 = arith.constant 632 : i32
    %mul3A_462 = arith.muli %arg1, %mul3A_461 : i32
    %add3A_463 = arith.constant 384 : i32
    %add3A_464 = arith.addi %mul3A_462, %add3A_463 : i32
    %dma_wait3A_465 = arith.constant 0 : i32
    %dma_wait3A_466 = arith.constant 0 : i32
    %dma_wait3A_467 = tpu.memref_slice %arg7[%dma_wait3A_465, %dma_wait3A_466] : memref<128x128xf32, #tpu.memory_space<vmem>> -> memref<128x128xf32, #tpu.memory_space<vmem>>
    %dma_wait3A_468 = arith.constant 0 : i32
    %dma_wait3A_469 = tpu.memref_slice %arg5[%arg0, %add3A_464, %dma_wait3A_468] : memref<2x10112x128xf32, #tpu.memory_space<hbm>> -> memref<1x128x128xf32, #tpu.memory_space<hbm>>
    %dma_wait3A_470 = tpu.memref_squeeze %dma_wait3A_469 : memref<1x128x128xf32, #tpu.memory_space<hbm>> -> memref<128x128xf32, #tpu.memory_space<hbm>>
    %dma_wait3A_471 = arith.constant 0 : i32
    %dma_wait3A_472 = tpu.memref_slice %arg5[%arg0, %add3A_464, %dma_wait3A_471] : memref<2x10112x128xf32, #tpu.memory_space<hbm>> -> memref<1x128x128xf32, #tpu.memory_space<hbm>>
    %dma_wait3A_473 = tpu.memref_squeeze %dma_wait3A_472 : memref<1x128x128xf32, #tpu.memory_space<hbm>> -> memref<128x128xf32, #tpu.memory_space<hbm>>
    %dma_wait3A_474 = arith.constant 0 : i32
    %dma_wait3A_475 = arith.constant 0 : i32
    %dma_wait3A_476 = tpu.memref_slice %arg7[%dma_wait3A_474, %dma_wait3A_475] : memref<128x128xf32, #tpu.memory_space<vmem>> -> memref<128x128xf32, #tpu.memory_space<vmem>>
    tpu.wait_dma2 semaphore(%arg11 : memref<!tpu.dma_semaphore, #tpu.memory_space<semaphore_mem>>) src(%dma_wait3A_476 : memref<128x128xf32, #tpu.memory_space<vmem>>) dst(%dma_wait3A_473 : memref<128x128xf32, #tpu.memory_space<hbm>>)
    %mul3A_477 = arith.constant 632 : i32
    %mul3A_478 = arith.muli %arg1, %mul3A_477 : i32
    %add3A_479 = arith.constant 512 : i32
    %add3A_480 = arith.addi %mul3A_478, %add3A_479 : i32
    %dma_wait3A_481 = arith.constant 0 : i32
    %dma_wait3A_482 = arith.constant 0 : i32
    %dma_wait3A_483 = tpu.memref_slice %arg12[%dma_wait3A_481, %dma_wait3A_482] : memref<128x128xf32, #tpu.memory_space<vmem>> -> memref<120x128xf32, #tpu.memory_space<vmem>>
    %dma_wait3A_484 = arith.constant 0 : i32
    %dma_wait3A_485 = tpu.memref_slice %arg5[%arg0, %add3A_480, %dma_wait3A_484] : memref<2x10112x128xf32, #tpu.memory_space<hbm>> -> memref<1x120x128xf32, #tpu.memory_space<hbm>>
    %dma_wait3A_486 = tpu.memref_squeeze %dma_wait3A_485 : memref<1x120x128xf32, #tpu.memory_space<hbm>> -> memref<120x128xf32, #tpu.memory_space<hbm>>
    %dma_wait3A_487 = arith.constant 0 : i32
    %dma_wait3A_488 = tpu.memref_slice %arg5[%arg0, %add3A_480, %dma_wait3A_487] : memref<2x10112x128xf32, #tpu.memory_space<hbm>> -> memref<1x120x128xf32, #tpu.memory_space<hbm>>
    %dma_wait3A_489 = tpu.memref_squeeze %dma_wait3A_488 : memref<1x120x128xf32, #tpu.memory_space<hbm>> -> memref<120x128xf32, #tpu.memory_space<hbm>>
    %dma_wait3A_490 = arith.constant 0 : i32
    %dma_wait3A_491 = arith.constant 0 : i32
    %dma_wait3A_492 = tpu.memref_slice %arg12[%dma_wait3A_490, %dma_wait3A_491] : memref<128x128xf32, #tpu.memory_space<vmem>> -> memref<120x128xf32, #tpu.memory_space<vmem>>
    tpu.wait_dma2 semaphore(%arg16 : memref<!tpu.dma_semaphore, #tpu.memory_space<semaphore_mem>>) src(%dma_wait3A_492 : memref<120x128xf32, #tpu.memory_space<vmem>>) dst(%dma_wait3A_489 : memref<120x128xf32, #tpu.memory_space<hbm>>)
    return
  }
}

#map = affine_map<(d0, d1) -> (0, 0)>
#map1 = affine_map<(d0, d1) -> (0)>
#map2 = affine_map<(d0, d1) -> (0, 0, 0)>
module attributes {stable_mosaic.version = 14 : i64} {
  func.func @_segsum_body(%arg0: i32, %arg1: i32, %arg2: memref<10000x128xf32, #tpu.memory_space<hbm>>, %arg3: memref<320000xi32, #tpu.memory_space<hbm>>, %arg4: memref<320000xi32, #tpu.memory_space<hbm>>, %arg5: memref<2x10112x128xf32, #tpu.memory_space<hbm>>, %arg6: memref<10112x128xf32, #tpu.memory_space<vmem_shared>>, %arg7: memref<128x128xf32, #tpu.memory_space<vmem>>, %arg8: memref<128xi32, #tpu.memory_space<vmem>>, %arg9: memref<128xi32, #tpu.memory_space<vmem>>, %arg10: memref<!tpu.dma_semaphore, #tpu.memory_space<semaphore_mem>>, %arg11: memref<!tpu.dma_semaphore, #tpu.memory_space<semaphore_mem>>, %arg12: memref<128x128xf32, #tpu.memory_space<vmem>>, %arg13: memref<128xi32, #tpu.memory_space<vmem>>, %arg14: memref<128xi32, #tpu.memory_space<vmem>>, %arg15: memref<!tpu.dma_semaphore, #tpu.memory_space<semaphore_mem>>, %arg16: memref<!tpu.dma_semaphore, #tpu.memory_space<semaphore_mem>>, %arg17: memref<128x128xf32, #tpu.memory_space<vmem>>, %arg18: memref<128xi32, #tpu.memory_space<vmem>>, %arg19: memref<128xi32, #tpu.memory_space<vmem>>, %arg20: memref<!tpu.dma_semaphore, #tpu.memory_space<semaphore_mem>>, %arg21: memref<!tpu.dma_semaphore, #tpu.memory_space<semaphore_mem>>, %arg22: memref<16xi32, #tpu.memory_space<vmem>>, %arg23: memref<16xi32, #tpu.memory_space<vmem>>) attributes {dimension_semantics = [#tpu.dimension_semantics<core_parallel>, #tpu.dimension_semantics<subcore_parallel>], iteration_bounds = array<i64: 2, 16>, scalar_prefetch = 0 : i64, scratch_operands = 18 : i64, tpu.core_type = #tpu.core_type<sc_vector_subcore>, window_params = [{transform_indices = #map}, {transform_indices = #map1}, {transform_indices = #map1}, {transform_indices = #map2}]} {
    %mul3A = arith.constant 2 : i32
    %mul3A_0 = arith.muli %arg1, %mul3A : i32
    %add3A = arith.addi %mul3A_0, %arg0 : i32
    %scan3A = arith.constant 0 : i32
    %scan3A_1 = arith.constant 0 : i32
    %scan3A_2 = arith.constant 128 : i32
    %scan3A_3 = arith.addi %scan3A_1, %scan3A_2 : i32
    %scan3A_4 = arith.constant 1 : i32
    %scan3A_5 = scf.for %scan3A_493 = %scan3A_1 to %scan3A_3 step %scan3A_4 iter_args(%scan3A_494 = %scan3A) -> (i32)  : i32 {
      %scan3A_495 = arith.constant 0 : i32
      %scan3A_496 = arith.constant 0 : i32
      %scan3A_497 = arith.constant 8 : i32
      %scan3A_498 = arith.addi %scan3A_496, %scan3A_497 : i32
      %scan3A_499 = arith.constant 1 : i32
      %scan3A_500 = scf.for %scan3A_502 = %scan3A_496 to %scan3A_498 step %scan3A_499 iter_args(%scan3A_503 = %scan3A_495) -> (i32)  : i32 {
        %broadcast_in_dim3A = arith.constant 0.000000e+00 : f32
        %broadcast_in_dim3A_504 = vector.broadcast %broadcast_in_dim3A : f32 to vector<16xf32>
        %mul3A_505 = arith.constant 16 : i32
        %mul3A_506 = arith.muli %scan3A_502, %mul3A_505 : i32
        %swap3A = arith.index_cast %scan3A_493 : i32 to index
        %swap3A_507 = arith.index_cast %mul3A_506 : i32 to index
        %swap3A_508 = tpu.vector_load %arg7[%swap3A, %swap3A_507] {strides = array<i32>} : memref<128x128xf32, #tpu.memory_space<vmem>>, vector<1x16xf32>,
        %swap3A_509 = vector.shape_cast %swap3A_508 : vector<1x16xf32> to vector<16xf32>
        %swap3A_510 = vector.shape_cast %broadcast_in_dim3A_504 : vector<16xf32> to vector<1x16xf32>
        tpu.vector_store %arg7[%swap3A, %swap3A_507], %swap3A_510 {strides = array<i32>} : memref<128x128xf32, #tpu.memory_space<vmem>>, vector<1x16xf32>,
        %scan3A_511 = arith.constant 0 : i32
        scf.yield %scan3A_511 : i32
      }
      %scan3A_501 = arith.constant 8 : i32
      scf.yield %scan3A_500 : i32
    }
    %scan3A_6 = arith.constant 128 : i32
    %mul3A_7 = arith.constant 632 : i32
    %mul3A_8 = arith.muli %arg1, %mul3A_7 : i32
    %add3A_9 = arith.constant 0 : i32
    %add3A_10 = arith.addi %mul3A_8, %add3A_9 : i32
    %dma_start3A = arith.constant 0 : i32
    %dma_start3A_11 = arith.constant 0 : i32
    %dma_start3A_12 = tpu.memref_slice %arg7[%dma_start3A, %dma_start3A_11] : memref<128x128xf32, #tpu.memory_space<vmem>> -> memref<128x128xf32, #tpu.memory_space<vmem>>
    %dma_start3A_13 = arith.constant 0 : i32
    %dma_start3A_14 = tpu.memref_slice %arg6[%add3A_10, %dma_start3A_13] : memref<10112x128xf32, #tpu.memory_space<vmem_shared>> -> memref<128x128xf32, #tpu.memory_space<vmem_shared>>
    %dma_start3A_15 = arith.constant 0 : i32
    %dma_start3A_16 = tpu.memref_slice %arg6[%add3A_10, %dma_start3A_15] : memref<10112x128xf32, #tpu.memory_space<vmem_shared>> -> memref<128x128xf32, #tpu.memory_space<vmem_shared>>
    %dma_start3A_17 = arith.constant 0 : i32
    %dma_start3A_18 = arith.constant 0 : i32
    %dma_start3A_19 = tpu.memref_slice %arg7[%dma_start3A_17, %dma_start3A_18] : memref<128x128xf32, #tpu.memory_space<vmem>> -> memref<128x128xf32, #tpu.memory_space<vmem>>
    tpu.enqueue_dma source(%dma_start3A_19 : memref<128x128xf32, #tpu.memory_space<vmem>>) target(%dma_start3A_16 : memref<128x128xf32, #tpu.memory_space<vmem_shared>>) target_semaphore(%arg10 : memref<!tpu.dma_semaphore, #tpu.memory_space<semaphore_mem>>)
    %mul3A_20 = arith.constant 632 : i32
    %mul3A_21 = arith.muli %arg1, %mul3A_20 : i32
    %add3A_22 = arith.constant 128 : i32
    %add3A_23 = arith.addi %mul3A_21, %add3A_22 : i32
    %dma_start3A_24 = arith.constant 0 : i32
    %dma_start3A_25 = arith.constant 0 : i32
    %dma_start3A_26 = tpu.memref_slice %arg7[%dma_start3A_24, %dma_start3A_25] : memref<128x128xf32, #tpu.memory_space<vmem>> -> memref<128x128xf32, #tpu.memory_space<vmem>>
    %dma_start3A_27 = arith.constant 0 : i32
    %dma_start3A_28 = tpu.memref_slice %arg6[%add3A_23, %dma_start3A_27] : memref<10112x128xf32, #tpu.memory_space<vmem_shared>> -> memref<128x128xf32, #tpu.memory_space<vmem_shared>>
    %dma_start3A_29 = arith.constant 0 : i32
    %dma_start3A_30 = tpu.memref_slice %arg6[%add3A_23, %dma_start3A_29] : memref<10112x128xf32, #tpu.memory_space<vmem_shared>> -> memref<128x128xf32, #tpu.memory_space<vmem_shared>>
    %dma_start3A_31 = arith.constant 0 : i32
    %dma_start3A_32 = arith.constant 0 : i32
    %dma_start3A_33 = tpu.memref_slice %arg7[%dma_start3A_31, %dma_start3A_32] : memref<128x128xf32, #tpu.memory_space<vmem>> -> memref<128x128xf32, #tpu.memory_space<vmem>>
    tpu.enqueue_dma source(%dma_start3A_33 : memref<128x128xf32, #tpu.memory_space<vmem>>) target(%dma_start3A_30 : memref<128x128xf32, #tpu.memory_space<vmem_shared>>) target_semaphore(%arg10 : memref<!tpu.dma_semaphore, #tpu.memory_space<semaphore_mem>>)
    %mul3A_34 = arith.constant 632 : i32
    %mul3A_35 = arith.muli %arg1, %mul3A_34 : i32
    %add3A_36 = arith.constant 256 : i32
    %add3A_37 = arith.addi %mul3A_35, %add3A_36 : i32
    %dma_start3A_38 = arith.constant 0 : i32
    %dma_start3A_39 = arith.constant 0 : i32
    %dma_start3A_40 = tpu.memref_slice %arg7[%dma_start3A_38, %dma_start3A_39] : memref<128x128xf32, #tpu.memory_space<vmem>> -> memref<128x128xf32, #tpu.memory_space<vmem>>
    %dma_start3A_41 = arith.constant 0 : i32
    %dma_start3A_42 = tpu.memref_slice %arg6[%add3A_37, %dma_start3A_41] : memref<10112x128xf32, #tpu.memory_space<vmem_shared>> -> memref<128x128xf32, #tpu.memory_space<vmem_shared>>
    %dma_start3A_43 = arith.constant 0 : i32
    %dma_start3A_44 = tpu.memref_slice %arg6[%add3A_37, %dma_start3A_43] : memref<10112x128xf32, #tpu.memory_space<vmem_shared>> -> memref<128x128xf32, #tpu.memory_space<vmem_shared>>
    %dma_start3A_45 = arith.constant 0 : i32
    %dma_start3A_46 = arith.constant 0 : i32
    %dma_start3A_47 = tpu.memref_slice %arg7[%dma_start3A_45, %dma_start3A_46] : memref<128x128xf32, #tpu.memory_space<vmem>> -> memref<128x128xf32, #tpu.memory_space<vmem>>
    tpu.enqueue_dma source(%dma_start3A_47 : memref<128x128xf32, #tpu.memory_space<vmem>>) target(%dma_start3A_44 : memref<128x128xf32, #tpu.memory_space<vmem_shared>>) target_semaphore(%arg10 : memref<!tpu.dma_semaphore, #tpu.memory_space<semaphore_mem>>)
    %mul3A_48 = arith.constant 632 : i32
    %mul3A_49 = arith.muli %arg1, %mul3A_48 : i32
    %add3A_50 = arith.constant 384 : i32
    %add3A_51 = arith.addi %mul3A_49, %add3A_50 : i32
    %dma_start3A_52 = arith.constant 0 : i32
    %dma_start3A_53 = arith.constant 0 : i32
    %dma_start3A_54 = tpu.memref_slice %arg7[%dma_start3A_52, %dma_start3A_53] : memref<128x128xf32, #tpu.memory_space<vmem>> -> memref<128x128xf32, #tpu.memory_space<vmem>>
    %dma_start3A_55 = arith.constant 0 : i32
    %dma_start3A_56 = tpu.memref_slice %arg6[%add3A_51, %dma_start3A_55] : memref<10112x128xf32, #tpu.memory_space<vmem_shared>> -> memref<128x128xf32, #tpu.memory_space<vmem_shared>>
    %dma_start3A_57 = arith.constant 0 : i32
    %dma_start3A_58 = tpu.memref_slice %arg6[%add3A_51, %dma_start3A_57] : memref<10112x128xf32, #tpu.memory_space<vmem_shared>> -> memref<128x128xf32, #tpu.memory_space<vmem_shared>>
    %dma_start3A_59 = arith.constant 0 : i32
    %dma_start3A_60 = arith.constant 0 : i32
    %dma_start3A_61 = tpu.memref_slice %arg7[%dma_start3A_59, %dma_start3A_60] : memref<128x128xf32, #tpu.memory_space<vmem>> -> memref<128x128xf32, #tpu.memory_space<vmem>>
    tpu.enqueue_dma source(%dma_start3A_61 : memref<128x128xf32, #tpu.memory_space<vmem>>) target(%dma_start3A_58 : memref<128x128xf32, #tpu.memory_space<vmem_shared>>) target_semaphore(%arg10 : memref<!tpu.dma_semaphore, #tpu.memory_space<semaphore_mem>>)
    %mul3A_62 = arith.constant 632 : i32
    %mul3A_63 = arith.muli %arg1, %mul3A_62 : i32
    %add3A_64 = arith.constant 512 : i32
    %add3A_65 = arith.addi %mul3A_63, %add3A_64 : i32
    %dma_start3A_66 = arith.constant 0 : i32
    %dma_start3A_67 = arith.constant 0 : i32
    %dma_start3A_68 = tpu.memref_slice %arg7[%dma_start3A_66, %dma_start3A_67] : memref<128x128xf32, #tpu.memory_space<vmem>> -> memref<120x128xf32, #tpu.memory_space<vmem>>
    %dma_start3A_69 = arith.constant 0 : i32
    %dma_start3A_70 = tpu.memref_slice %arg6[%add3A_65, %dma_start3A_69] : memref<10112x128xf32, #tpu.memory_space<vmem_shared>> -> memref<120x128xf32, #tpu.memory_space<vmem_shared>>
    %dma_start3A_71 = arith.constant 0 : i32
    %dma_start3A_72 = tpu.memref_slice %arg6[%add3A_65, %dma_start3A_71] : memref<10112x128xf32, #tpu.memory_space<vmem_shared>> -> memref<120x128xf32, #tpu.memory_space<vmem_shared>>
    %dma_start3A_73 = arith.constant 0 : i32
    %dma_start3A_74 = arith.constant 0 : i32
    %dma_start3A_75 = tpu.memref_slice %arg7[%dma_start3A_73, %dma_start3A_74] : memref<128x128xf32, #tpu.memory_space<vmem>> -> memref<120x128xf32, #tpu.memory_space<vmem>>
    tpu.enqueue_dma source(%dma_start3A_75 : memref<120x128xf32, #tpu.memory_space<vmem>>) target(%dma_start3A_72 : memref<120x128xf32, #tpu.memory_space<vmem_shared>>) target_semaphore(%arg10 : memref<!tpu.dma_semaphore, #tpu.memory_space<semaphore_mem>>)
    %mul3A_76 = arith.constant 632 : i32
    %mul3A_77 = arith.muli %arg1, %mul3A_76 : i32
    %add3A_78 = arith.constant 0 : i32
    %add3A_79 = arith.addi %mul3A_77, %add3A_78 : i32
    %dma_wait3A = arith.constant 0 : i32
    %dma_wait3A_80 = arith.constant 0 : i32
    %dma_wait3A_81 = tpu.memref_slice %arg7[%dma_wait3A, %dma_wait3A_80] : memref<128x128xf32, #tpu.memory_space<vmem>> -> memref<128x128xf32, #tpu.memory_space<vmem>>
    %dma_wait3A_82 = arith.constant 0 : i32
    %dma_wait3A_83 = tpu.memref_slice %arg6[%add3A_79, %dma_wait3A_82] : memref<10112x128xf32, #tpu.memory_space<vmem_shared>> -> memref<128x128xf32, #tpu.memory_space<vmem_shared>>
    %dma_wait3A_84 = arith.constant 0 : i32
    %dma_wait3A_85 = tpu.memref_slice %arg6[%add3A_79, %dma_wait3A_84] : memref<10112x128xf32, #tpu.memory_space<vmem_shared>> -> memref<128x128xf32, #tpu.memory_space<vmem_shared>>
    %dma_wait3A_86 = arith.constant 0 : i32
    %dma_wait3A_87 = arith.constant 0 : i32
    %dma_wait3A_88 = tpu.memref_slice %arg7[%dma_wait3A_86, %dma_wait3A_87] : memref<128x128xf32, #tpu.memory_space<vmem>> -> memref<128x128xf32, #tpu.memory_space<vmem>>
    tpu.wait_dma2 semaphore(%arg10 : memref<!tpu.dma_semaphore, #tpu.memory_space<semaphore_mem>>) src(%dma_wait3A_88 : memref<128x128xf32, #tpu.memory_space<vmem>>) dst(%dma_wait3A_85 : memref<128x128xf32, #tpu.memory_space<vmem_shared>>)
    %mul3A_89 = arith.constant 632 : i32
    %mul3A_90 = arith.muli %arg1, %mul3A_89 : i32
    %add3A_91 = arith.constant 128 : i32
    %add3A_92 = arith.addi %mul3A_90, %add3A_91 : i32
    %dma_wait3A_93 = arith.constant 0 : i32
    %dma_wait3A_94 = arith.constant 0 : i32
    %dma_wait3A_95 = tpu.memref_slice %arg7[%dma_wait3A_93, %dma_wait3A_94] : memref<128x128xf32, #tpu.memory_space<vmem>> -> memref<128x128xf32, #tpu.memory_space<vmem>>
    %dma_wait3A_96 = arith.constant 0 : i32
    %dma_wait3A_97 = tpu.memref_slice %arg6[%add3A_92, %dma_wait3A_96] : memref<10112x128xf32, #tpu.memory_space<vmem_shared>> -> memref<128x128xf32, #tpu.memory_space<vmem_shared>>
    %dma_wait3A_98 = arith.constant 0 : i32
    %dma_wait3A_99 = tpu.memref_slice %arg6[%add3A_92, %dma_wait3A_98] : memref<10112x128xf32, #tpu.memory_space<vmem_shared>> -> memref<128x128xf32, #tpu.memory_space<vmem_shared>>
    %dma_wait3A_100 = arith.constant 0 : i32
    %dma_wait3A_101 = arith.constant 0 : i32
    %dma_wait3A_102 = tpu.memref_slice %arg7[%dma_wait3A_100, %dma_wait3A_101] : memref<128x128xf32, #tpu.memory_space<vmem>> -> memref<128x128xf32, #tpu.memory_space<vmem>>
    tpu.wait_dma2 semaphore(%arg10 : memref<!tpu.dma_semaphore, #tpu.memory_space<semaphore_mem>>) src(%dma_wait3A_102 : memref<128x128xf32, #tpu.memory_space<vmem>>) dst(%dma_wait3A_99 : memref<128x128xf32, #tpu.memory_space<vmem_shared>>)
    %mul3A_103 = arith.constant 632 : i32
    %mul3A_104 = arith.muli %arg1, %mul3A_103 : i32
    %add3A_105 = arith.constant 256 : i32
    %add3A_106 = arith.addi %mul3A_104, %add3A_105 : i32
    %dma_wait3A_107 = arith.constant 0 : i32
    %dma_wait3A_108 = arith.constant 0 : i32
    %dma_wait3A_109 = tpu.memref_slice %arg7[%dma_wait3A_107, %dma_wait3A_108] : memref<128x128xf32, #tpu.memory_space<vmem>> -> memref<128x128xf32, #tpu.memory_space<vmem>>
    %dma_wait3A_110 = arith.constant 0 : i32
    %dma_wait3A_111 = tpu.memref_slice %arg6[%add3A_106, %dma_wait3A_110] : memref<10112x128xf32, #tpu.memory_space<vmem_shared>> -> memref<128x128xf32, #tpu.memory_space<vmem_shared>>
    %dma_wait3A_112 = arith.constant 0 : i32
    %dma_wait3A_113 = tpu.memref_slice %arg6[%add3A_106, %dma_wait3A_112] : memref<10112x128xf32, #tpu.memory_space<vmem_shared>> -> memref<128x128xf32, #tpu.memory_space<vmem_shared>>
    %dma_wait3A_114 = arith.constant 0 : i32
    %dma_wait3A_115 = arith.constant 0 : i32
    %dma_wait3A_116 = tpu.memref_slice %arg7[%dma_wait3A_114, %dma_wait3A_115] : memref<128x128xf32, #tpu.memory_space<vmem>> -> memref<128x128xf32, #tpu.memory_space<vmem>>
    tpu.wait_dma2 semaphore(%arg10 : memref<!tpu.dma_semaphore, #tpu.memory_space<semaphore_mem>>) src(%dma_wait3A_116 : memref<128x128xf32, #tpu.memory_space<vmem>>) dst(%dma_wait3A_113 : memref<128x128xf32, #tpu.memory_space<vmem_shared>>)
    %mul3A_117 = arith.constant 632 : i32
    %mul3A_118 = arith.muli %arg1, %mul3A_117 : i32
    %add3A_119 = arith.constant 384 : i32
    %add3A_120 = arith.addi %mul3A_118, %add3A_119 : i32
    %dma_wait3A_121 = arith.constant 0 : i32
    %dma_wait3A_122 = arith.constant 0 : i32
    %dma_wait3A_123 = tpu.memref_slice %arg7[%dma_wait3A_121, %dma_wait3A_122] : memref<128x128xf32, #tpu.memory_space<vmem>> -> memref<128x128xf32, #tpu.memory_space<vmem>>
    %dma_wait3A_124 = arith.constant 0 : i32
    %dma_wait3A_125 = tpu.memref_slice %arg6[%add3A_120, %dma_wait3A_124] : memref<10112x128xf32, #tpu.memory_space<vmem_shared>> -> memref<128x128xf32, #tpu.memory_space<vmem_shared>>
    %dma_wait3A_126 = arith.constant 0 : i32
    %dma_wait3A_127 = tpu.memref_slice %arg6[%add3A_120, %dma_wait3A_126] : memref<10112x128xf32, #tpu.memory_space<vmem_shared>> -> memref<128x128xf32, #tpu.memory_space<vmem_shared>>
    %dma_wait3A_128 = arith.constant 0 : i32
    %dma_wait3A_129 = arith.constant 0 : i32
    %dma_wait3A_130 = tpu.memref_slice %arg7[%dma_wait3A_128, %dma_wait3A_129] : memref<128x128xf32, #tpu.memory_space<vmem>> -> memref<128x128xf32, #tpu.memory_space<vmem>>
    tpu.wait_dma2 semaphore(%arg10 : memref<!tpu.dma_semaphore, #tpu.memory_space<semaphore_mem>>) src(%dma_wait3A_130 : memref<128x128xf32, #tpu.memory_space<vmem>>) dst(%dma_wait3A_127 : memref<128x128xf32, #tpu.memory_space<vmem_shared>>)
    %mul3A_131 = arith.constant 632 : i32
    %mul3A_132 = arith.muli %arg1, %mul3A_131 : i32
    %add3A_133 = arith.constant 512 : i32
    %add3A_134 = arith.addi %mul3A_132, %add3A_133 : i32
    %dma_wait3A_135 = arith.constant 0 : i32
    %dma_wait3A_136 = arith.constant 0 : i32
    %dma_wait3A_137 = tpu.memref_slice %arg7[%dma_wait3A_135, %dma_wait3A_136] : memref<128x128xf32, #tpu.memory_space<vmem>> -> memref<120x128xf32, #tpu.memory_space<vmem>>
    %dma_wait3A_138 = arith.constant 0 : i32
    %dma_wait3A_139 = tpu.memref_slice %arg6[%add3A_134, %dma_wait3A_138] : memref<10112x128xf32, #tpu.memory_space<vmem_shared>> -> memref<120x128xf32, #tpu.memory_space<vmem_shared>>
    %dma_wait3A_140 = arith.constant 0 : i32
    %dma_wait3A_141 = tpu.memref_slice %arg6[%add3A_134, %dma_wait3A_140] : memref<10112x128xf32, #tpu.memory_space<vmem_shared>> -> memref<120x128xf32, #tpu.memory_space<vmem_shared>>
    %dma_wait3A_142 = arith.constant 0 : i32
    %dma_wait3A_143 = arith.constant 0 : i32
    %dma_wait3A_144 = tpu.memref_slice %arg7[%dma_wait3A_142, %dma_wait3A_143] : memref<128x128xf32, #tpu.memory_space<vmem>> -> memref<120x128xf32, #tpu.memory_space<vmem>>
    tpu.wait_dma2 semaphore(%arg10 : memref<!tpu.dma_semaphore, #tpu.memory_space<semaphore_mem>>) src(%dma_wait3A_144 : memref<120x128xf32, #tpu.memory_space<vmem>>) dst(%dma_wait3A_141 : memref<120x128xf32, #tpu.memory_space<vmem_shared>>)
    %barrier3A = arith.constant 0 : index
    tpu.barrier barrier_id(%barrier3A)
    %mul3A_145 = arith.constant 10000 : i32
    %mul3A_146 = arith.muli %add3A, %mul3A_145 : i32
    %add3A_147 = arith.constant 0 : i32
    %add3A_148 = arith.addi %mul3A_146, %add3A_147 : i32
    "tpu.region"() ({
      %run_scoped3A = tpu.sem_alloc : memref<!tpu.dma_semaphore, #tpu.memory_space<semaphore_mem>>
      %dma_start3A_493 = tpu.memref_slice %arg3[%add3A_148] : memref<320000xi32, #tpu.memory_space<hbm>> -> memref<128xi32, #tpu.memory_space<hbm>>
      %dma_start3A_494 = tpu.memref_slice %arg3[%add3A_148] : memref<320000xi32, #tpu.memory_space<hbm>> -> memref<128xi32, #tpu.memory_space<hbm>>
      tpu.enqueue_dma source(%dma_start3A_494 : memref<128xi32, #tpu.memory_space<hbm>>) target(%arg8 : memref<128xi32, #tpu.memory_space<vmem>>) target_semaphore(%run_scoped3A : memref<!tpu.dma_semaphore, #tpu.memory_space<semaphore_mem>>)
      %dma_wait3A_495 = tpu.memref_slice %arg3[%add3A_148] : memref<320000xi32, #tpu.memory_space<hbm>> -> memref<128xi32, #tpu.memory_space<hbm>>
      %dma_wait3A_496 = tpu.memref_slice %arg3[%add3A_148] : memref<320000xi32, #tpu.memory_space<hbm>> -> memref<128xi32, #tpu.memory_space<hbm>>
      tpu.wait_dma2 semaphore(%run_scoped3A : memref<!tpu.dma_semaphore, #tpu.memory_space<semaphore_mem>>) src(%dma_wait3A_496 : memref<128xi32, #tpu.memory_space<hbm>>) dst(%arg8 : memref<128xi32, #tpu.memory_space<vmem>>)
      tpu.yield
    }) : () -> ()
    "tpu.region"() ({
      %run_scoped3A = tpu.sem_alloc : memref<!tpu.dma_semaphore, #tpu.memory_space<semaphore_mem>>
      %dma_start3A_493 = tpu.memref_slice %arg4[%add3A_148] : memref<320000xi32, #tpu.memory_space<hbm>> -> memref<128xi32, #tpu.memory_space<hbm>>
      %dma_start3A_494 = tpu.memref_slice %arg4[%add3A_148] : memref<320000xi32, #tpu.memory_space<hbm>> -> memref<128xi32, #tpu.memory_space<hbm>>
      tpu.enqueue_dma source(%dma_start3A_494 : memref<128xi32, #tpu.memory_space<hbm>>) target(%arg9 : memref<128xi32, #tpu.memory_space<vmem>>) target_semaphore(%run_scoped3A : memref<!tpu.dma_semaphore, #tpu.memory_space<semaphore_mem>>)
      %dma_wait3A_495 = tpu.memref_slice %arg4[%add3A_148] : memref<320000xi32, #tpu.memory_space<hbm>> -> memref<128xi32, #tpu.memory_space<hbm>>
      %dma_wait3A_496 = tpu.memref_slice %arg4[%add3A_148] : memref<320000xi32, #tpu.memory_space<hbm>> -> memref<128xi32, #tpu.memory_space<hbm>>
      tpu.wait_dma2 semaphore(%run_scoped3A : memref<!tpu.dma_semaphore, #tpu.memory_space<semaphore_mem>>) src(%dma_wait3A_496 : memref<128xi32, #tpu.memory_space<hbm>>) dst(%arg9 : memref<128xi32, #tpu.memory_space<vmem>>)
      tpu.yield
    }) : () -> ()
    %dma_start3A_149 = arith.constant 0 : i32
    %dma_start3A_150 = arith.constant 0 : i32
    %dma_start3A_151 = tpu.memref_slice %arg2[%dma_start3A_149, %dma_start3A_150] : memref<10000x128xf32, #tpu.memory_space<hbm>> -> memref<10000x128xf32, #tpu.memory_space<hbm>>
    tpu.enqueue_indirect_dma source(%dma_start3A_151 : memref<10000x128xf32, #tpu.memory_space<hbm>>) target(%arg7 : memref<128x128xf32, #tpu.memory_space<vmem>>) offsets(%arg8 : memref<128xi32, #tpu.memory_space<vmem>>) semaphore(%arg10 : memref<!tpu.dma_semaphore, #tpu.memory_space<semaphore_mem>>)
    %add3A_152 = arith.constant 128 : i32
    %add3A_153 = arith.addi %mul3A_146, %add3A_152 : i32
    "tpu.region"() ({
      %run_scoped3A = tpu.sem_alloc : memref<!tpu.dma_semaphore, #tpu.memory_space<semaphore_mem>>
      %dma_start3A_493 = tpu.memref_slice %arg3[%add3A_153] : memref<320000xi32, #tpu.memory_space<hbm>> -> memref<128xi32, #tpu.memory_space<hbm>>
      %dma_start3A_494 = tpu.memref_slice %arg3[%add3A_153] : memref<320000xi32, #tpu.memory_space<hbm>> -> memref<128xi32, #tpu.memory_space<hbm>>
      tpu.enqueue_dma source(%dma_start3A_494 : memref<128xi32, #tpu.memory_space<hbm>>) target(%arg13 : memref<128xi32, #tpu.memory_space<vmem>>) target_semaphore(%run_scoped3A : memref<!tpu.dma_semaphore, #tpu.memory_space<semaphore_mem>>)
      %dma_wait3A_495 = tpu.memref_slice %arg3[%add3A_153] : memref<320000xi32, #tpu.memory_space<hbm>> -> memref<128xi32, #tpu.memory_space<hbm>>
      %dma_wait3A_496 = tpu.memref_slice %arg3[%add3A_153] : memref<320000xi32, #tpu.memory_space<hbm>> -> memref<128xi32, #tpu.memory_space<hbm>>
      tpu.wait_dma2 semaphore(%run_scoped3A : memref<!tpu.dma_semaphore, #tpu.memory_space<semaphore_mem>>) src(%dma_wait3A_496 : memref<128xi32, #tpu.memory_space<hbm>>) dst(%arg13 : memref<128xi32, #tpu.memory_space<vmem>>)
      tpu.yield
    }) : () -> ()
    "tpu.region"() ({
      %run_scoped3A = tpu.sem_alloc : memref<!tpu.dma_semaphore, #tpu.memory_space<semaphore_mem>>
      %dma_start3A_493 = tpu.memref_slice %arg4[%add3A_153] : memref<320000xi32, #tpu.memory_space<hbm>> -> memref<128xi32, #tpu.memory_space<hbm>>
      %dma_start3A_494 = tpu.memref_slice %arg4[%add3A_153] : memref<320000xi32, #tpu.memory_space<hbm>> -> memref<128xi32, #tpu.memory_space<hbm>>
      tpu.enqueue_dma source(%dma_start3A_494 : memref<128xi32, #tpu.memory_space<hbm>>) target(%arg14 : memref<128xi32, #tpu.memory_space<vmem>>) target_semaphore(%run_scoped3A : memref<!tpu.dma_semaphore, #tpu.memory_space<semaphore_mem>>)
      %dma_wait3A_495 = tpu.memref_slice %arg4[%add3A_153] : memref<320000xi32, #tpu.memory_space<hbm>> -> memref<128xi32, #tpu.memory_space<hbm>>
      %dma_wait3A_496 = tpu.memref_slice %arg4[%add3A_153] : memref<320000xi32, #tpu.memory_space<hbm>> -> memref<128xi32, #tpu.memory_space<hbm>>
      tpu.wait_dma2 semaphore(%run_scoped3A : memref<!tpu.dma_semaphore, #tpu.memory_space<semaphore_mem>>) src(%dma_wait3A_496 : memref<128xi32, #tpu.memory_space<hbm>>) dst(%arg14 : memref<128xi32, #tpu.memory_space<vmem>>)
      tpu.yield
    }) : () -> ()
    %dma_start3A_154 = arith.constant 0 : i32
    %dma_start3A_155 = arith.constant 0 : i32
    %dma_start3A_156 = tpu.memref_slice %arg2[%dma_start3A_154, %dma_start3A_155] : memref<10000x128xf32, #tpu.memory_space<hbm>> -> memref<10000x128xf32, #tpu.memory_space<hbm>>
    tpu.enqueue_indirect_dma source(%dma_start3A_156 : memref<10000x128xf32, #tpu.memory_space<hbm>>) target(%arg12 : memref<128x128xf32, #tpu.memory_space<vmem>>) offsets(%arg13 : memref<128xi32, #tpu.memory_space<vmem>>) semaphore(%arg15 : memref<!tpu.dma_semaphore, #tpu.memory_space<semaphore_mem>>)
    %add3A_157 = arith.constant 256 : i32
    %add3A_158 = arith.addi %mul3A_146, %add3A_157 : i32
    "tpu.region"() ({
      %run_scoped3A = tpu.sem_alloc : memref<!tpu.dma_semaphore, #tpu.memory_space<semaphore_mem>>
      %dma_start3A_493 = tpu.memref_slice %arg3[%add3A_158] : memref<320000xi32, #tpu.memory_space<hbm>> -> memref<128xi32, #tpu.memory_space<hbm>>
      %dma_start3A_494 = tpu.memref_slice %arg3[%add3A_158] : memref<320000xi32, #tpu.memory_space<hbm>> -> memref<128xi32, #tpu.memory_space<hbm>>
      tpu.enqueue_dma source(%dma_start3A_494 : memref<128xi32, #tpu.memory_space<hbm>>) target(%arg18 : memref<128xi32, #tpu.memory_space<vmem>>) target_semaphore(%run_scoped3A : memref<!tpu.dma_semaphore, #tpu.memory_space<semaphore_mem>>)
      %dma_wait3A_495 = tpu.memref_slice %arg3[%add3A_158] : memref<320000xi32, #tpu.memory_space<hbm>> -> memref<128xi32, #tpu.memory_space<hbm>>
      %dma_wait3A_496 = tpu.memref_slice %arg3[%add3A_158] : memref<320000xi32, #tpu.memory_space<hbm>> -> memref<128xi32, #tpu.memory_space<hbm>>
      tpu.wait_dma2 semaphore(%run_scoped3A : memref<!tpu.dma_semaphore, #tpu.memory_space<semaphore_mem>>) src(%dma_wait3A_496 : memref<128xi32, #tpu.memory_space<hbm>>) dst(%arg18 : memref<128xi32, #tpu.memory_space<vmem>>)
      tpu.yield
    }) : () -> ()
    "tpu.region"() ({
      %run_scoped3A = tpu.sem_alloc : memref<!tpu.dma_semaphore, #tpu.memory_space<semaphore_mem>>
      %dma_start3A_493 = tpu.memref_slice %arg4[%add3A_158] : memref<320000xi32, #tpu.memory_space<hbm>> -> memref<128xi32, #tpu.memory_space<hbm>>
      %dma_start3A_494 = tpu.memref_slice %arg4[%add3A_158] : memref<320000xi32, #tpu.memory_space<hbm>> -> memref<128xi32, #tpu.memory_space<hbm>>
      tpu.enqueue_dma source(%dma_start3A_494 : memref<128xi32, #tpu.memory_space<hbm>>) target(%arg19 : memref<128xi32, #tpu.memory_space<vmem>>) target_semaphore(%run_scoped3A : memref<!tpu.dma_semaphore, #tpu.memory_space<semaphore_mem>>)
      %dma_wait3A_495 = tpu.memref_slice %arg4[%add3A_158] : memref<320000xi32, #tpu.memory_space<hbm>> -> memref<128xi32, #tpu.memory_space<hbm>>
      %dma_wait3A_496 = tpu.memref_slice %arg4[%add3A_158] : memref<320000xi32, #tpu.memory_space<hbm>> -> memref<128xi32, #tpu.memory_space<hbm>>
      tpu.wait_dma2 semaphore(%run_scoped3A : memref<!tpu.dma_semaphore, #tpu.memory_space<semaphore_mem>>) src(%dma_wait3A_496 : memref<128xi32, #tpu.memory_space<hbm>>) dst(%arg19 : memref<128xi32, #tpu.memory_space<vmem>>)
      tpu.yield
    }) : () -> ()
    %dma_start3A_159 = arith.constant 0 : i32
    %dma_start3A_160 = arith.constant 0 : i32
    %dma_start3A_161 = tpu.memref_slice %arg2[%dma_start3A_159, %dma_start3A_160] : memref<10000x128xf32, #tpu.memory_space<hbm>> -> memref<10000x128xf32, #tpu.memory_space<hbm>>
    tpu.enqueue_indirect_dma source(%dma_start3A_161 : memref<10000x128xf32, #tpu.memory_space<hbm>>) target(%arg17 : memref<128x128xf32, #tpu.memory_space<vmem>>) offsets(%arg18 : memref<128xi32, #tpu.memory_space<vmem>>) semaphore(%arg20 : memref<!tpu.dma_semaphore, #tpu.memory_space<semaphore_mem>>)
    %scan3A_162 = arith.constant 0 : i32
    %scan3A_163 = arith.constant 0 : i32
    %scan3A_164 = arith.constant 26 : i32
    %scan3A_165 = arith.addi %scan3A_163, %scan3A_164 : i32
    %scan3A_166 = arith.constant 1 : i32
    %scan3A_167 = scf.for %scan3A_493 = %scan3A_163 to %scan3A_165 step %scan3A_166 iter_args(%scan3A_494 = %scan3A_162) -> (i32)  : i32 {
      %dma_wait3A_495 = arith.constant 0 : i32
      %dma_wait3A_496 = arith.constant 0 : i32
      %dma_wait3A_497 = tpu.memref_slice %arg2[%dma_wait3A_495, %dma_wait3A_496] : memref<10000x128xf32, #tpu.memory_space<hbm>> -> memref<10000x128xf32, #tpu.memory_space<hbm>>
      tpu.wait_indirect_dma semaphore(%arg10 : memref<!tpu.dma_semaphore, #tpu.memory_space<semaphore_mem>>) src(%dma_wait3A_497 : memref<10000x128xf32, #tpu.memory_space<hbm>>) dst(%arg7 : memref<128x128xf32, #tpu.memory_space<vmem>>)
      %dma_start3A_498 = arith.constant 0 : i32
      %dma_start3A_499 = arith.constant 0 : i32
      %dma_start3A_500 = tpu.memref_slice %arg6[%dma_start3A_498, %dma_start3A_499] : memref<10112x128xf32, #tpu.memory_space<vmem_shared>> -> memref<10112x128xf32, #tpu.memory_space<vmem_shared>>
      tpu.enqueue_indirect_dma source(%arg7 : memref<128x128xf32, #tpu.memory_space<vmem>>) target(%dma_start3A_500 : memref<10112x128xf32, #tpu.memory_space<vmem_shared>>) offsets(%arg9 : memref<128xi32, #tpu.memory_space<vmem>>) semaphore(%arg11 : memref<!tpu.dma_semaphore, #tpu.memory_space<semaphore_mem>>) {add = true}
      %dma_wait3A_501 = arith.constant 0 : i32
      %dma_wait3A_502 = arith.constant 0 : i32
      %dma_wait3A_503 = tpu.memref_slice %arg2[%dma_wait3A_501, %dma_wait3A_502] : memref<10000x128xf32, #tpu.memory_space<hbm>> -> memref<10000x128xf32, #tpu.memory_space<hbm>>
      tpu.wait_indirect_dma semaphore(%arg15 : memref<!tpu.dma_semaphore, #tpu.memory_space<semaphore_mem>>) src(%dma_wait3A_503 : memref<10000x128xf32, #tpu.memory_space<hbm>>) dst(%arg12 : memref<128x128xf32, #tpu.memory_space<vmem>>)
      %dma_start3A_504 = arith.constant 0 : i32
      %dma_start3A_505 = arith.constant 0 : i32
      %dma_start3A_506 = tpu.memref_slice %arg6[%dma_start3A_504, %dma_start3A_505] : memref<10112x128xf32, #tpu.memory_space<vmem_shared>> -> memref<10112x128xf32, #tpu.memory_space<vmem_shared>>
      tpu.enqueue_indirect_dma source(%arg12 : memref<128x128xf32, #tpu.memory_space<vmem>>) target(%dma_start3A_506 : memref<10112x128xf32, #tpu.memory_space<vmem_shared>>) offsets(%arg14 : memref<128xi32, #tpu.memory_space<vmem>>) semaphore(%arg16 : memref<!tpu.dma_semaphore, #tpu.memory_space<semaphore_mem>>) {add = true}
      %dma_wait3A_507 = arith.constant 0 : i32
      %dma_wait3A_508 = arith.constant 0 : i32
      %dma_wait3A_509 = tpu.memref_slice %arg2[%dma_wait3A_507, %dma_wait3A_508] : memref<10000x128xf32, #tpu.memory_space<hbm>> -> memref<10000x128xf32, #tpu.memory_space<hbm>>
      tpu.wait_indirect_dma semaphore(%arg20 : memref<!tpu.dma_semaphore, #tpu.memory_space<semaphore_mem>>) src(%dma_wait3A_509 : memref<10000x128xf32, #tpu.memory_space<hbm>>) dst(%arg17 : memref<128x128xf32, #tpu.memory_space<vmem>>)
      %dma_start3A_510 = arith.constant 0 : i32
      %dma_start3A_511 = arith.constant 0 : i32
      %dma_start3A_512 = tpu.memref_slice %arg6[%dma_start3A_510, %dma_start3A_511] : memref<10112x128xf32, #tpu.memory_space<vmem_shared>> -> memref<10112x128xf32, #tpu.memory_space<vmem_shared>>
      tpu.enqueue_indirect_dma source(%arg17 : memref<128x128xf32, #tpu.memory_space<vmem>>) target(%dma_start3A_512 : memref<10112x128xf32, #tpu.memory_space<vmem_shared>>) offsets(%arg19 : memref<128xi32, #tpu.memory_space<vmem>>) semaphore(%arg21 : memref<!tpu.dma_semaphore, #tpu.memory_space<semaphore_mem>>) {add = true}
      %mul3A_513 = arith.constant 3 : i32
      %mul3A_514 = arith.muli %mul3A_513, %scan3A_493 : i32
      %add3A_515 = arith.constant 0 : i32
      %add3A_516 = arith.addi %mul3A_514, %add3A_515 : i32
      %add3A_517 = arith.constant 3 : i32
      %add3A_518 = arith.addi %add3A_516, %add3A_517 : i32
      %lt3A = arith.constant 78 : i32
      %lt3A_519 = arith.cmpi slt, %add3A_518, %lt3A : i32
      %convert_element_type3A = arith.extui %lt3A_519 : i1 to i32
      %cond3A = arith.constant 0 : i32
      %cond3A_520 = arith.cmpi ne, %convert_element_type3A, %cond3A : i32
      scf.if %cond3A_520 {
        %dma_wait3A_544 = arith.constant 0 : i32
        %dma_wait3A_545 = arith.constant 0 : i32
        %dma_wait3A_546 = tpu.memref_slice %arg6[%dma_wait3A_544, %dma_wait3A_545] : memref<10112x128xf32, #tpu.memory_space<vmem_shared>> -> memref<10112x128xf32, #tpu.memory_space<vmem_shared>>
        tpu.wait_indirect_dma semaphore(%arg11 : memref<!tpu.dma_semaphore, #tpu.memory_space<semaphore_mem>>) src(%arg7 : memref<128x128xf32, #tpu.memory_space<vmem>>) dst(%dma_wait3A_546 : memref<10112x128xf32, #tpu.memory_space<vmem_shared>>)
        %mul3A_547 = arith.constant 128 : i32
        %mul3A_548 = arith.muli %add3A_518, %mul3A_547 : i32
        %add3A_549 = arith.addi %mul3A_146, %mul3A_548 : i32
        "tpu.region"() ({
          %run_scoped3A = tpu.sem_alloc : memref<!tpu.dma_semaphore, #tpu.memory_space<semaphore_mem>>
          %dma_start3A_553 = tpu.memref_slice %arg3[%add3A_549] : memref<320000xi32, #tpu.memory_space<hbm>> -> memref<128xi32, #tpu.memory_space<hbm>>
          %dma_start3A_554 = tpu.memref_slice %arg3[%add3A_549] : memref<320000xi32, #tpu.memory_space<hbm>> -> memref<128xi32, #tpu.memory_space<hbm>>
          tpu.enqueue_dma source(%dma_start3A_554 : memref<128xi32, #tpu.memory_space<hbm>>) target(%arg8 : memref<128xi32, #tpu.memory_space<vmem>>) target_semaphore(%run_scoped3A : memref<!tpu.dma_semaphore, #tpu.memory_space<semaphore_mem>>)
          %dma_wait3A_555 = tpu.memref_slice %arg3[%add3A_549] : memref<320000xi32, #tpu.memory_space<hbm>> -> memref<128xi32, #tpu.memory_space<hbm>>
          %dma_wait3A_556 = tpu.memref_slice %arg3[%add3A_549] : memref<320000xi32, #tpu.memory_space<hbm>> -> memref<128xi32, #tpu.memory_space<hbm>>
          tpu.wait_dma2 semaphore(%run_scoped3A : memref<!tpu.dma_semaphore, #tpu.memory_space<semaphore_mem>>) src(%dma_wait3A_556 : memref<128xi32, #tpu.memory_space<hbm>>) dst(%arg8 : memref<128xi32, #tpu.memory_space<vmem>>)
          tpu.yield
        }) : () -> ()
        "tpu.region"() ({
          %run_scoped3A = tpu.sem_alloc : memref<!tpu.dma_semaphore, #tpu.memory_space<semaphore_mem>>
          %dma_start3A_553 = tpu.memref_slice %arg4[%add3A_549] : memref<320000xi32, #tpu.memory_space<hbm>> -> memref<128xi32, #tpu.memory_space<hbm>>
          %dma_start3A_554 = tpu.memref_slice %arg4[%add3A_549] : memref<320000xi32, #tpu.memory_space<hbm>> -> memref<128xi32, #tpu.memory_space<hbm>>
          tpu.enqueue_dma source(%dma_start3A_554 : memref<128xi32, #tpu.memory_space<hbm>>) target(%arg9 : memref<128xi32, #tpu.memory_space<vmem>>) target_semaphore(%run_scoped3A : memref<!tpu.dma_semaphore, #tpu.memory_space<semaphore_mem>>)
          %dma_wait3A_555 = tpu.memref_slice %arg4[%add3A_549] : memref<320000xi32, #tpu.memory_space<hbm>> -> memref<128xi32, #tpu.memory_space<hbm>>
          %dma_wait3A_556 = tpu.memref_slice %arg4[%add3A_549] : memref<320000xi32, #tpu.memory_space<hbm>> -> memref<128xi32, #tpu.memory_space<hbm>>
          tpu.wait_dma2 semaphore(%run_scoped3A : memref<!tpu.dma_semaphore, #tpu.memory_space<semaphore_mem>>) src(%dma_wait3A_556 : memref<128xi32, #tpu.memory_space<hbm>>) dst(%arg9 : memref<128xi32, #tpu.memory_space<vmem>>)
          tpu.yield
        }) : () -> ()
        %dma_start3A_550 = arith.constant 0 : i32
        %dma_start3A_551 = arith.constant 0 : i32
        %dma_start3A_552 = tpu.memref_slice %arg2[%dma_start3A_550, %dma_start3A_551] : memref<10000x128xf32, #tpu.memory_space<hbm>> -> memref<10000x128xf32, #tpu.memory_space<hbm>>
        tpu.enqueue_indirect_dma source(%dma_start3A_552 : memref<10000x128xf32, #tpu.memory_space<hbm>>) target(%arg7 : memref<128x128xf32, #tpu.memory_space<vmem>>) offsets(%arg8 : memref<128xi32, #tpu.memory_space<vmem>>) semaphore(%arg10 : memref<!tpu.dma_semaphore, #tpu.memory_space<semaphore_mem>>)
      } else {
      }
      %mul3A_521 = arith.constant 3 : i32
      %mul3A_522 = arith.muli %mul3A_521, %scan3A_493 : i32
      %add3A_523 = arith.constant 1 : i32
      %add3A_524 = arith.addi %mul3A_522, %add3A_523 : i32
      %add3A_525 = arith.constant 3 : i32
      %add3A_526 = arith.addi %add3A_524, %add3A_525 : i32
      %lt3A_527 = arith.constant 78 : i32
      %lt3A_528 = arith.cmpi slt, %add3A_526, %lt3A_527 : i32
      %convert_element_type3A_529 = arith.extui %lt3A_528 : i1 to i32
      %cond3A_530 = arith.constant 0 : i32
      %cond3A_531 = arith.cmpi ne, %convert_element_type3A_529, %cond3A_530 : i32
      scf.if %cond3A_531 {
        %dma_wait3A_544 = arith.constant 0 : i32
        %dma_wait3A_545 = arith.constant 0 : i32
        %dma_wait3A_546 = tpu.memref_slice %arg6[%dma_wait3A_544, %dma_wait3A_545] : memref<10112x128xf32, #tpu.memory_space<vmem_shared>> -> memref<10112x128xf32, #tpu.memory_space<vmem_shared>>
        tpu.wait_indirect_dma semaphore(%arg16 : memref<!tpu.dma_semaphore, #tpu.memory_space<semaphore_mem>>) src(%arg12 : memref<128x128xf32, #tpu.memory_space<vmem>>) dst(%dma_wait3A_546 : memref<10112x128xf32, #tpu.memory_space<vmem_shared>>)
        %mul3A_547 = arith.constant 128 : i32
        %mul3A_548 = arith.muli %add3A_526, %mul3A_547 : i32
        %add3A_549 = arith.addi %mul3A_146, %mul3A_548 : i32
        "tpu.region"() ({
          %run_scoped3A = tpu.sem_alloc : memref<!tpu.dma_semaphore, #tpu.memory_space<semaphore_mem>>
          %dma_start3A_553 = tpu.memref_slice %arg3[%add3A_549] : memref<320000xi32, #tpu.memory_space<hbm>> -> memref<128xi32, #tpu.memory_space<hbm>>
          %dma_start3A_554 = tpu.memref_slice %arg3[%add3A_549] : memref<320000xi32, #tpu.memory_space<hbm>> -> memref<128xi32, #tpu.memory_space<hbm>>
          tpu.enqueue_dma source(%dma_start3A_554 : memref<128xi32, #tpu.memory_space<hbm>>) target(%arg13 : memref<128xi32, #tpu.memory_space<vmem>>) target_semaphore(%run_scoped3A : memref<!tpu.dma_semaphore, #tpu.memory_space<semaphore_mem>>)
          %dma_wait3A_555 = tpu.memref_slice %arg3[%add3A_549] : memref<320000xi32, #tpu.memory_space<hbm>> -> memref<128xi32, #tpu.memory_space<hbm>>
          %dma_wait3A_556 = tpu.memref_slice %arg3[%add3A_549] : memref<320000xi32, #tpu.memory_space<hbm>> -> memref<128xi32, #tpu.memory_space<hbm>>
          tpu.wait_dma2 semaphore(%run_scoped3A : memref<!tpu.dma_semaphore, #tpu.memory_space<semaphore_mem>>) src(%dma_wait3A_556 : memref<128xi32, #tpu.memory_space<hbm>>) dst(%arg13 : memref<128xi32, #tpu.memory_space<vmem>>)
          tpu.yield
        }) : () -> ()
        "tpu.region"() ({
          %run_scoped3A = tpu.sem_alloc : memref<!tpu.dma_semaphore, #tpu.memory_space<semaphore_mem>>
          %dma_start3A_553 = tpu.memref_slice %arg4[%add3A_549] : memref<320000xi32, #tpu.memory_space<hbm>> -> memref<128xi32, #tpu.memory_space<hbm>>
          %dma_start3A_554 = tpu.memref_slice %arg4[%add3A_549] : memref<320000xi32, #tpu.memory_space<hbm>> -> memref<128xi32, #tpu.memory_space<hbm>>
          tpu.enqueue_dma source(%dma_start3A_554 : memref<128xi32, #tpu.memory_space<hbm>>) target(%arg14 : memref<128xi32, #tpu.memory_space<vmem>>) target_semaphore(%run_scoped3A : memref<!tpu.dma_semaphore, #tpu.memory_space<semaphore_mem>>)
          %dma_wait3A_555 = tpu.memref_slice %arg4[%add3A_549] : memref<320000xi32, #tpu.memory_space<hbm>> -> memref<128xi32, #tpu.memory_space<hbm>>
          %dma_wait3A_556 = tpu.memref_slice %arg4[%add3A_549] : memref<320000xi32, #tpu.memory_space<hbm>> -> memref<128xi32, #tpu.memory_space<hbm>>
          tpu.wait_dma2 semaphore(%run_scoped3A : memref<!tpu.dma_semaphore, #tpu.memory_space<semaphore_mem>>) src(%dma_wait3A_556 : memref<128xi32, #tpu.memory_space<hbm>>) dst(%arg14 : memref<128xi32, #tpu.memory_space<vmem>>)
          tpu.yield
        }) : () -> ()
        %dma_start3A_550 = arith.constant 0 : i32
        %dma_start3A_551 = arith.constant 0 : i32
        %dma_start3A_552 = tpu.memref_slice %arg2[%dma_start3A_550, %dma_start3A_551] : memref<10000x128xf32, #tpu.memory_space<hbm>> -> memref<10000x128xf32, #tpu.memory_space<hbm>>
        tpu.enqueue_indirect_dma source(%dma_start3A_552 : memref<10000x128xf32, #tpu.memory_space<hbm>>) target(%arg12 : memref<128x128xf32, #tpu.memory_space<vmem>>) offsets(%arg13 : memref<128xi32, #tpu.memory_space<vmem>>) semaphore(%arg15 : memref<!tpu.dma_semaphore, #tpu.memory_space<semaphore_mem>>)
      } else {
      }
      %mul3A_532 = arith.constant 3 : i32
      %mul3A_533 = arith.muli %mul3A_532, %scan3A_493 : i32
      %add3A_534 = arith.constant 2 : i32
      %add3A_535 = arith.addi %mul3A_533, %add3A_534 : i32
      %add3A_536 = arith.constant 3 : i32
      %add3A_537 = arith.addi %add3A_535, %add3A_536 : i32
      %lt3A_538 = arith.constant 78 : i32
      %lt3A_539 = arith.cmpi slt, %add3A_537, %lt3A_538 : i32
      %convert_element_type3A_540 = arith.extui %lt3A_539 : i1 to i32
      %cond3A_541 = arith.constant 0 : i32
      %cond3A_542 = arith.cmpi ne, %convert_element_type3A_540, %cond3A_541 : i32
      scf.if %cond3A_542 {
        %dma_wait3A_544 = arith.constant 0 : i32
        %dma_wait3A_545 = arith.constant 0 : i32
        %dma_wait3A_546 = tpu.memref_slice %arg6[%dma_wait3A_544, %dma_wait3A_545] : memref<10112x128xf32, #tpu.memory_space<vmem_shared>> -> memref<10112x128xf32, #tpu.memory_space<vmem_shared>>
        tpu.wait_indirect_dma semaphore(%arg21 : memref<!tpu.dma_semaphore, #tpu.memory_space<semaphore_mem>>) src(%arg17 : memref<128x128xf32, #tpu.memory_space<vmem>>) dst(%dma_wait3A_546 : memref<10112x128xf32, #tpu.memory_space<vmem_shared>>)
        %mul3A_547 = arith.constant 128 : i32
        %mul3A_548 = arith.muli %add3A_537, %mul3A_547 : i32
        %add3A_549 = arith.addi %mul3A_146, %mul3A_548 : i32
        "tpu.region"() ({
          %run_scoped3A = tpu.sem_alloc : memref<!tpu.dma_semaphore, #tpu.memory_space<semaphore_mem>>
          %dma_start3A_553 = tpu.memref_slice %arg3[%add3A_549] : memref<320000xi32, #tpu.memory_space<hbm>> -> memref<128xi32, #tpu.memory_space<hbm>>
          %dma_start3A_554 = tpu.memref_slice %arg3[%add3A_549] : memref<320000xi32, #tpu.memory_space<hbm>> -> memref<128xi32, #tpu.memory_space<hbm>>
          tpu.enqueue_dma source(%dma_start3A_554 : memref<128xi32, #tpu.memory_space<hbm>>) target(%arg18 : memref<128xi32, #tpu.memory_space<vmem>>) target_semaphore(%run_scoped3A : memref<!tpu.dma_semaphore, #tpu.memory_space<semaphore_mem>>)
          %dma_wait3A_555 = tpu.memref_slice %arg3[%add3A_549] : memref<320000xi32, #tpu.memory_space<hbm>> -> memref<128xi32, #tpu.memory_space<hbm>>
          %dma_wait3A_556 = tpu.memref_slice %arg3[%add3A_549] : memref<320000xi32, #tpu.memory_space<hbm>> -> memref<128xi32, #tpu.memory_space<hbm>>
          tpu.wait_dma2 semaphore(%run_scoped3A : memref<!tpu.dma_semaphore, #tpu.memory_space<semaphore_mem>>) src(%dma_wait3A_556 : memref<128xi32, #tpu.memory_space<hbm>>) dst(%arg18 : memref<128xi32, #tpu.memory_space<vmem>>)
          tpu.yield
        }) : () -> ()
        "tpu.region"() ({
          %run_scoped3A = tpu.sem_alloc : memref<!tpu.dma_semaphore, #tpu.memory_space<semaphore_mem>>
          %dma_start3A_553 = tpu.memref_slice %arg4[%add3A_549] : memref<320000xi32, #tpu.memory_space<hbm>> -> memref<128xi32, #tpu.memory_space<hbm>>
          %dma_start3A_554 = tpu.memref_slice %arg4[%add3A_549] : memref<320000xi32, #tpu.memory_space<hbm>> -> memref<128xi32, #tpu.memory_space<hbm>>
          tpu.enqueue_dma source(%dma_start3A_554 : memref<128xi32, #tpu.memory_space<hbm>>) target(%arg19 : memref<128xi32, #tpu.memory_space<vmem>>) target_semaphore(%run_scoped3A : memref<!tpu.dma_semaphore, #tpu.memory_space<semaphore_mem>>)
          %dma_wait3A_555 = tpu.memref_slice %arg4[%add3A_549] : memref<320000xi32, #tpu.memory_space<hbm>> -> memref<128xi32, #tpu.memory_space<hbm>>
          %dma_wait3A_556 = tpu.memref_slice %arg4[%add3A_549] : memref<320000xi32, #tpu.memory_space<hbm>> -> memref<128xi32, #tpu.memory_space<hbm>>
          tpu.wait_dma2 semaphore(%run_scoped3A : memref<!tpu.dma_semaphore, #tpu.memory_space<semaphore_mem>>) src(%dma_wait3A_556 : memref<128xi32, #tpu.memory_space<hbm>>) dst(%arg19 : memref<128xi32, #tpu.memory_space<vmem>>)
          tpu.yield
        }) : () -> ()
        %dma_start3A_550 = arith.constant 0 : i32
        %dma_start3A_551 = arith.constant 0 : i32
        %dma_start3A_552 = tpu.memref_slice %arg2[%dma_start3A_550, %dma_start3A_551] : memref<10000x128xf32, #tpu.memory_space<hbm>> -> memref<10000x128xf32, #tpu.memory_space<hbm>>
        tpu.enqueue_indirect_dma source(%dma_start3A_552 : memref<10000x128xf32, #tpu.memory_space<hbm>>) target(%arg17 : memref<128x128xf32, #tpu.memory_space<vmem>>) offsets(%arg18 : memref<128xi32, #tpu.memory_space<vmem>>) semaphore(%arg20 : memref<!tpu.dma_semaphore, #tpu.memory_space<semaphore_mem>>)
      } else {
      }
      %scan3A_543 = arith.constant 0 : i32
      scf.yield %scan3A_543 : i32
    }
    %scan3A_168 = arith.constant 26 : i32
    %dma_wait3A_169 = arith.constant 0 : i32
    %dma_wait3A_170 = arith.constant 0 : i32
    %dma_wait3A_171 = tpu.memref_slice %arg6[%dma_wait3A_169, %dma_wait3A_170] : memref<10112x128xf32, #tpu.memory_space<vmem_shared>> -> memref<10112x128xf32, #tpu.memory_space<vmem_shared>>
    tpu.wait_indirect_dma semaphore(%arg11 : memref<!tpu.dma_semaphore, #tpu.memory_space<semaphore_mem>>) src(%arg7 : memref<128x128xf32, #tpu.memory_space<vmem>>) dst(%dma_wait3A_171 : memref<10112x128xf32, #tpu.memory_space<vmem_shared>>)
    %dma_wait3A_172 = arith.constant 0 : i32
    %dma_wait3A_173 = arith.constant 0 : i32
    %dma_wait3A_174 = tpu.memref_slice %arg6[%dma_wait3A_172, %dma_wait3A_173] : memref<10112x128xf32, #tpu.memory_space<vmem_shared>> -> memref<10112x128xf32, #tpu.memory_space<vmem_shared>>
    tpu.wait_indirect_dma semaphore(%arg16 : memref<!tpu.dma_semaphore, #tpu.memory_space<semaphore_mem>>) src(%arg12 : memref<128x128xf32, #tpu.memory_space<vmem>>) dst(%dma_wait3A_174 : memref<10112x128xf32, #tpu.memory_space<vmem_shared>>)
    %dma_wait3A_175 = arith.constant 0 : i32
    %dma_wait3A_176 = arith.constant 0 : i32
    %dma_wait3A_177 = tpu.memref_slice %arg6[%dma_wait3A_175, %dma_wait3A_176] : memref<10112x128xf32, #tpu.memory_space<vmem_shared>> -> memref<10112x128xf32, #tpu.memory_space<vmem_shared>>
    tpu.wait_indirect_dma semaphore(%arg21 : memref<!tpu.dma_semaphore, #tpu.memory_space<semaphore_mem>>) src(%arg17 : memref<128x128xf32, #tpu.memory_space<vmem>>) dst(%dma_wait3A_177 : memref<10112x128xf32, #tpu.memory_space<vmem_shared>>)
    %add3A_178 = arith.constant 9984 : i32
    %add3A_179 = arith.addi %mul3A_146, %add3A_178 : i32
    "tpu.region"() ({
      %run_scoped3A = tpu.sem_alloc : memref<!tpu.dma_semaphore, #tpu.memory_space<semaphore_mem>>
      %dma_start3A_493 = tpu.memref_slice %arg3[%add3A_179] : memref<320000xi32, #tpu.memory_space<hbm>> -> memref<16xi32, #tpu.memory_space<hbm>>
      %dma_start3A_494 = tpu.memref_slice %arg3[%add3A_179] : memref<320000xi32, #tpu.memory_space<hbm>> -> memref<16xi32, #tpu.memory_space<hbm>>
      tpu.enqueue_dma source(%dma_start3A_494 : memref<16xi32, #tpu.memory_space<hbm>>) target(%arg22 : memref<16xi32, #tpu.memory_space<vmem>>) target_semaphore(%run_scoped3A : memref<!tpu.dma_semaphore, #tpu.memory_space<semaphore_mem>>)
      %dma_wait3A_495 = tpu.memref_slice %arg3[%add3A_179] : memref<320000xi32, #tpu.memory_space<hbm>> -> memref<16xi32, #tpu.memory_space<hbm>>
      %dma_wait3A_496 = tpu.memref_slice %arg3[%add3A_179] : memref<320000xi32, #tpu.memory_space<hbm>> -> memref<16xi32, #tpu.memory_space<hbm>>
      tpu.wait_dma2 semaphore(%run_scoped3A : memref<!tpu.dma_semaphore, #tpu.memory_space<semaphore_mem>>) src(%dma_wait3A_496 : memref<16xi32, #tpu.memory_space<hbm>>) dst(%arg22 : memref<16xi32, #tpu.memory_space<vmem>>)
      tpu.yield
    }) : () -> ()
    "tpu.region"() ({
      %run_scoped3A = tpu.sem_alloc : memref<!tpu.dma_semaphore, #tpu.memory_space<semaphore_mem>>
      %dma_start3A_493 = tpu.memref_slice %arg4[%add3A_179] : memref<320000xi32, #tpu.memory_space<hbm>> -> memref<16xi32, #tpu.memory_space<hbm>>
      %dma_start3A_494 = tpu.memref_slice %arg4[%add3A_179] : memref<320000xi32, #tpu.memory_space<hbm>> -> memref<16xi32, #tpu.memory_space<hbm>>
      tpu.enqueue_dma source(%dma_start3A_494 : memref<16xi32, #tpu.memory_space<hbm>>) target(%arg23 : memref<16xi32, #tpu.memory_space<vmem>>) target_semaphore(%run_scoped3A : memref<!tpu.dma_semaphore, #tpu.memory_space<semaphore_mem>>)
      %dma_wait3A_495 = tpu.memref_slice %arg4[%add3A_179] : memref<320000xi32, #tpu.memory_space<hbm>> -> memref<16xi32, #tpu.memory_space<hbm>>
      %dma_wait3A_496 = tpu.memref_slice %arg4[%add3A_179] : memref<320000xi32, #tpu.memory_space<hbm>> -> memref<16xi32, #tpu.memory_space<hbm>>
      tpu.wait_dma2 semaphore(%run_scoped3A : memref<!tpu.dma_semaphore, #tpu.memory_space<semaphore_mem>>) src(%dma_wait3A_496 : memref<16xi32, #tpu.memory_space<hbm>>) dst(%arg23 : memref<16xi32, #tpu.memory_space<vmem>>)
      tpu.yield
    }) : () -> ()
    %dma_start3A_180 = arith.constant 0 : i32
    %dma_start3A_181 = arith.constant 0 : i32
    %dma_start3A_182 = tpu.memref_slice %arg7[%dma_start3A_180, %dma_start3A_181] : memref<128x128xf32, #tpu.memory_space<vmem>> -> memref<16x128xf32, #tpu.memory_space<vmem>>
    %dma_start3A_183 = arith.constant 0 : i32
    %dma_start3A_184 = arith.constant 0 : i32
    %dma_start3A_185 = tpu.memref_slice %arg2[%dma_start3A_183, %dma_start3A_184] : memref<10000x128xf32, #tpu.memory_space<hbm>> -> memref<10000x128xf32, #tpu.memory_space<hbm>>
    tpu.enqueue_indirect_dma source(%dma_start3A_185 : memref<10000x128xf32, #tpu.memory_space<hbm>>) target(%dma_start3A_182 : memref<16x128xf32, #tpu.memory_space<vmem>>) offsets(%arg22 : memref<16xi32, #tpu.memory_space<vmem>>) semaphore(%arg10 : memref<!tpu.dma_semaphore, #tpu.memory_space<semaphore_mem>>)
    %dma_wait3A_186 = arith.constant 0 : i32
    %dma_wait3A_187 = arith.constant 0 : i32
    %dma_wait3A_188 = tpu.memref_slice %arg7[%dma_wait3A_186, %dma_wait3A_187] : memref<128x128xf32, #tpu.memory_space<vmem>> -> memref<16x128xf32, #tpu.memory_space<vmem>>
    %dma_wait3A_189 = arith.constant 0 : i32
    %dma_wait3A_190 = arith.constant 0 : i32
    %dma_wait3A_191 = tpu.memref_slice %arg2[%dma_wait3A_189, %dma_wait3A_190] : memref<10000x128xf32, #tpu.memory_space<hbm>> -> memref<10000x128xf32, #tpu.memory_space<hbm>>
    tpu.wait_indirect_dma semaphore(%arg10 : memref<!tpu.dma_semaphore, #tpu.memory_space<semaphore_mem>>) src(%dma_wait3A_191 : memref<10000x128xf32, #tpu.memory_space<hbm>>) dst(%dma_wait3A_188 : memref<16x128xf32, #tpu.memory_space<vmem>>)
    "tpu.region"() ({
      %run_scoped3A = tpu.sem_alloc : memref<!tpu.dma_semaphore, #tpu.memory_space<semaphore_mem>>
      %dma_start3A_493 = arith.constant 0 : i32
      %dma_start3A_494 = arith.constant 0 : i32
      %dma_start3A_495 = tpu.memref_slice %arg7[%dma_start3A_493, %dma_start3A_494] : memref<128x128xf32, #tpu.memory_space<vmem>> -> memref<16x128xf32, #tpu.memory_space<vmem>>
      %dma_start3A_496 = arith.constant 0 : i32
      %dma_start3A_497 = arith.constant 0 : i32
      %dma_start3A_498 = tpu.memref_slice %arg6[%dma_start3A_496, %dma_start3A_497] : memref<10112x128xf32, #tpu.memory_space<vmem_shared>> -> memref<10112x128xf32, #tpu.memory_space<vmem_shared>>
      tpu.enqueue_indirect_dma source(%dma_start3A_495 : memref<16x128xf32, #tpu.memory_space<vmem>>) target(%dma_start3A_498 : memref<10112x128xf32, #tpu.memory_space<vmem_shared>>) offsets(%arg23 : memref<16xi32, #tpu.memory_space<vmem>>) semaphore(%run_scoped3A : memref<!tpu.dma_semaphore, #tpu.memory_space<semaphore_mem>>) {add = true}
      %dma_wait3A_499 = arith.constant 0 : i32
      %dma_wait3A_500 = arith.constant 0 : i32
      %dma_wait3A_501 = tpu.memref_slice %arg7[%dma_wait3A_499, %dma_wait3A_500] : memref<128x128xf32, #tpu.memory_space<vmem>> -> memref<16x128xf32, #tpu.memory_space<vmem>>
      %dma_wait3A_502 = arith.constant 0 : i32
      %dma_wait3A_503 = arith.constant 0 : i32
      %dma_wait3A_504 = tpu.memref_slice %arg6[%dma_wait3A_502, %dma_wait3A_503] : memref<10112x128xf32, #tpu.memory_space<vmem_shared>> -> memref<10112x128xf32, #tpu.memory_space<vmem_shared>>
      tpu.wait_indirect_dma semaphore(%run_scoped3A : memref<!tpu.dma_semaphore, #tpu.memory_space<semaphore_mem>>) src(%dma_wait3A_501 : memref<16x128xf32, #tpu.memory_space<vmem>>) dst(%dma_wait3A_504 : memref<10112x128xf32, #tpu.memory_space<vmem_shared>>)
      tpu.yield
    }) : () -> ()
    %barrier3A_192 = arith.constant 0 : index
    tpu.barrier barrier_id(%barrier3A_192)
    %mul3A_193 = arith.constant 632 : i32
    %mul3A_194 = arith.muli %arg1, %mul3A_193 : i32
    %add3A_195 = arith.constant 0 : i32
    %add3A_196 = arith.addi %mul3A_194, %add3A_195 : i32
    %dma_start3A_197 = arith.constant 0 : i32
    %dma_start3A_198 = arith.constant 0 : i32
    %dma_start3A_199 = tpu.memref_slice %arg7[%dma_start3A_197, %dma_start3A_198] : memref<128x128xf32, #tpu.memory_space<vmem>> -> memref<128x128xf32, #tpu.memory_space<vmem>>
    %dma_start3A_200 = arith.constant 0 : i32
    %dma_start3A_201 = tpu.memref_slice %arg6[%add3A_196, %dma_start3A_200] : memref<10112x128xf32, #tpu.memory_space<vmem_shared>> -> memref<128x128xf32, #tpu.memory_space<vmem_shared>>
    %dma_start3A_202 = arith.constant 0 : i32
    %dma_start3A_203 = arith.constant 0 : i32
    %dma_start3A_204 = tpu.memref_slice %arg7[%dma_start3A_202, %dma_start3A_203] : memref<128x128xf32, #tpu.memory_space<vmem>> -> memref<128x128xf32, #tpu.memory_space<vmem>>
    %dma_start3A_205 = arith.constant 0 : i32
    %dma_start3A_206 = tpu.memref_slice %arg6[%add3A_196, %dma_start3A_205] : memref<10112x128xf32, #tpu.memory_space<vmem_shared>> -> memref<128x128xf32, #tpu.memory_space<vmem_shared>>
    tpu.enqueue_dma source(%dma_start3A_206 : memref<128x128xf32, #tpu.memory_space<vmem_shared>>) target(%dma_start3A_204 : memref<128x128xf32, #tpu.memory_space<vmem>>) target_semaphore(%arg10 : memref<!tpu.dma_semaphore, #tpu.memory_space<semaphore_mem>>)
    %mul3A_207 = arith.constant 632 : i32
    %mul3A_208 = arith.muli %arg1, %mul3A_207 : i32
    %add3A_209 = arith.constant 0 : i32
    %add3A_210 = arith.addi %mul3A_208, %add3A_209 : i32
    %dma_wait3A_211 = arith.constant 0 : i32
    %dma_wait3A_212 = arith.constant 0 : i32
    %dma_wait3A_213 = tpu.memref_slice %arg7[%dma_wait3A_211, %dma_wait3A_212] : memref<128x128xf32, #tpu.memory_space<vmem>> -> memref<128x128xf32, #tpu.memory_space<vmem>>
    %dma_wait3A_214 = arith.constant 0 : i32
    %dma_wait3A_215 = tpu.memref_slice %arg6[%add3A_210, %dma_wait3A_214] : memref<10112x128xf32, #tpu.memory_space<vmem_shared>> -> memref<128x128xf32, #tpu.memory_space<vmem_shared>>
    %dma_wait3A_216 = arith.constant 0 : i32
    %dma_wait3A_217 = arith.constant 0 : i32
    %dma_wait3A_218 = tpu.memref_slice %arg7[%dma_wait3A_216, %dma_wait3A_217] : memref<128x128xf32, #tpu.memory_space<vmem>> -> memref<128x128xf32, #tpu.memory_space<vmem>>
    %dma_wait3A_219 = arith.constant 0 : i32
    %dma_wait3A_220 = tpu.memref_slice %arg6[%add3A_210, %dma_wait3A_219] : memref<10112x128xf32, #tpu.memory_space<vmem_shared>> -> memref<128x128xf32, #tpu.memory_space<vmem_shared>>
    tpu.wait_dma2 semaphore(%arg10 : memref<!tpu.dma_semaphore, #tpu.memory_space<semaphore_mem>>) src(%dma_wait3A_220 : memref<128x128xf32, #tpu.memory_space<vmem_shared>>) dst(%dma_wait3A_218 : memref<128x128xf32, #tpu.memory_space<vmem>>)
    %mul3A_221 = arith.constant 632 : i32
    %mul3A_222 = arith.muli %arg1, %mul3A_221 : i32
    %add3A_223 = arith.constant 0 : i32
    %add3A_224 = arith.addi %mul3A_222, %add3A_223 : i32
    %dma_start3A_225 = arith.constant 0 : i32
    %dma_start3A_226 = arith.constant 0 : i32
    %dma_start3A_227 = tpu.memref_slice %arg7[%dma_start3A_225, %dma_start3A_226] : memref<128x128xf32, #tpu.memory_space<vmem>> -> memref<128x128xf32, #tpu.memory_space<vmem>>
    %dma_start3A_228 = arith.constant 0 : i32
    %dma_start3A_229 = tpu.memref_slice %arg5[%arg0, %add3A_224, %dma_start3A_228] : memref<2x10112x128xf32, #tpu.memory_space<hbm>> -> memref<1x128x128xf32, #tpu.memory_space<hbm>>
    %dma_start3A_230 = tpu.memref_squeeze %dma_start3A_229 : memref<1x128x128xf32, #tpu.memory_space<hbm>> -> memref<128x128xf32, #tpu.memory_space<hbm>>
    %dma_start3A_231 = arith.constant 0 : i32
    %dma_start3A_232 = tpu.memref_slice %arg5[%arg0, %add3A_224, %dma_start3A_231] : memref<2x10112x128xf32, #tpu.memory_space<hbm>> -> memref<1x128x128xf32, #tpu.memory_space<hbm>>
    %dma_start3A_233 = tpu.memref_squeeze %dma_start3A_232 : memref<1x128x128xf32, #tpu.memory_space<hbm>> -> memref<128x128xf32, #tpu.memory_space<hbm>>
    %dma_start3A_234 = arith.constant 0 : i32
    %dma_start3A_235 = arith.constant 0 : i32
    %dma_start3A_236 = tpu.memref_slice %arg7[%dma_start3A_234, %dma_start3A_235] : memref<128x128xf32, #tpu.memory_space<vmem>> -> memref<128x128xf32, #tpu.memory_space<vmem>>
    tpu.enqueue_dma source(%dma_start3A_236 : memref<128x128xf32, #tpu.memory_space<vmem>>) target(%dma_start3A_233 : memref<128x128xf32, #tpu.memory_space<hbm>>) target_semaphore(%arg11 : memref<!tpu.dma_semaphore, #tpu.memory_space<semaphore_mem>>)
    %mul3A_237 = arith.constant 632 : i32
    %mul3A_238 = arith.muli %arg1, %mul3A_237 : i32
    %add3A_239 = arith.constant 128 : i32
    %add3A_240 = arith.addi %mul3A_238, %add3A_239 : i32
    %dma_start3A_241 = arith.constant 0 : i32
    %dma_start3A_242 = arith.constant 0 : i32
    %dma_start3A_243 = tpu.memref_slice %arg12[%dma_start3A_241, %dma_start3A_242] : memref<128x128xf32, #tpu.memory_space<vmem>> -> memref<128x128xf32, #tpu.memory_space<vmem>>
    %dma_start3A_244 = arith.constant 0 : i32
    %dma_start3A_245 = tpu.memref_slice %arg6[%add3A_240, %dma_start3A_244] : memref<10112x128xf32, #tpu.memory_space<vmem_shared>> -> memref<128x128xf32, #tpu.memory_space<vmem_shared>>
    %dma_start3A_246 = arith.constant 0 : i32
    %dma_start3A_247 = arith.constant 0 : i32
    %dma_start3A_248 = tpu.memref_slice %arg12[%dma_start3A_246, %dma_start3A_247] : memref<128x128xf32, #tpu.memory_space<vmem>> -> memref<128x128xf32, #tpu.memory_space<vmem>>
    %dma_start3A_249 = arith.constant 0 : i32
    %dma_start3A_250 = tpu.memref_slice %arg6[%add3A_240, %dma_start3A_249] : memref<10112x128xf32, #tpu.memory_space<vmem_shared>> -> memref<128x128xf32, #tpu.memory_space<vmem_shared>>
    tpu.enqueue_dma source(%dma_start3A_250 : memref<128x128xf32, #tpu.memory_space<vmem_shared>>) target(%dma_start3A_248 : memref<128x128xf32, #tpu.memory_space<vmem>>) target_semaphore(%arg15 : memref<!tpu.dma_semaphore, #tpu.memory_space<semaphore_mem>>)
    %mul3A_251 = arith.constant 632 : i32
    %mul3A_252 = arith.muli %arg1, %mul3A_251 : i32
    %add3A_253 = arith.constant 128 : i32
    %add3A_254 = arith.addi %mul3A_252, %add3A_253 : i32
    %dma_wait3A_255 = arith.constant 0 : i32
    %dma_wait3A_256 = arith.constant 0 : i32
    %dma_wait3A_257 = tpu.memref_slice %arg12[%dma_wait3A_255, %dma_wait3A_256] : memref<128x128xf32, #tpu.memory_space<vmem>> -> memref<128x128xf32, #tpu.memory_space<vmem>>
    %dma_wait3A_258 = arith.constant 0 : i32
    %dma_wait3A_259 = tpu.memref_slice %arg6[%add3A_254, %dma_wait3A_258] : memref<10112x128xf32, #tpu.memory_space<vmem_shared>> -> memref<128x128xf32, #tpu.memory_space<vmem_shared>>
    %dma_wait3A_260 = arith.constant 0 : i32
    %dma_wait3A_261 = arith.constant 0 : i32
    %dma_wait3A_262 = tpu.memref_slice %arg12[%dma_wait3A_260, %dma_wait3A_261] : memref<128x128xf32, #tpu.memory_space<vmem>> -> memref<128x128xf32, #tpu.memory_space<vmem>>
    %dma_wait3A_263 = arith.constant 0 : i32
    %dma_wait3A_264 = tpu.memref_slice %arg6[%add3A_254, %dma_wait3A_263] : memref<10112x128xf32, #tpu.memory_space<vmem_shared>> -> memref<128x128xf32, #tpu.memory_space<vmem_shared>>
    tpu.wait_dma2 semaphore(%arg15 : memref<!tpu.dma_semaphore, #tpu.memory_space<semaphore_mem>>) src(%dma_wait3A_264 : memref<128x128xf32, #tpu.memory_space<vmem_shared>>) dst(%dma_wait3A_262 : memref<128x128xf32, #tpu.memory_space<vmem>>)
    %mul3A_265 = arith.constant 632 : i32
    %mul3A_266 = arith.muli %arg1, %mul3A_265 : i32
    %add3A_267 = arith.constant 128 : i32
    %add3A_268 = arith.addi %mul3A_266, %add3A_267 : i32
    %dma_start3A_269 = arith.constant 0 : i32
    %dma_start3A_270 = arith.constant 0 : i32
    %dma_start3A_271 = tpu.memref_slice %arg12[%dma_start3A_269, %dma_start3A_270] : memref<128x128xf32, #tpu.memory_space<vmem>> -> memref<128x128xf32, #tpu.memory_space<vmem>>
    %dma_start3A_272 = arith.constant 0 : i32
    %dma_start3A_273 = tpu.memref_slice %arg5[%arg0, %add3A_268, %dma_start3A_272] : memref<2x10112x128xf32, #tpu.memory_space<hbm>> -> memref<1x128x128xf32, #tpu.memory_space<hbm>>
    %dma_start3A_274 = tpu.memref_squeeze %dma_start3A_273 : memref<1x128x128xf32, #tpu.memory_space<hbm>> -> memref<128x128xf32, #tpu.memory_space<hbm>>
    %dma_start3A_275 = arith.constant 0 : i32
    %dma_start3A_276 = tpu.memref_slice %arg5[%arg0, %add3A_268, %dma_start3A_275] : memref<2x10112x128xf32, #tpu.memory_space<hbm>> -> memref<1x128x128xf32, #tpu.memory_space<hbm>>
    %dma_start3A_277 = tpu.memref_squeeze %dma_start3A_276 : memref<1x128x128xf32, #tpu.memory_space<hbm>> -> memref<128x128xf32, #tpu.memory_space<hbm>>
    %dma_start3A_278 = arith.constant 0 : i32
    %dma_start3A_279 = arith.constant 0 : i32
    %dma_start3A_280 = tpu.memref_slice %arg12[%dma_start3A_278, %dma_start3A_279] : memref<128x128xf32, #tpu.memory_space<vmem>> -> memref<128x128xf32, #tpu.memory_space<vmem>>
    tpu.enqueue_dma source(%dma_start3A_280 : memref<128x128xf32, #tpu.memory_space<vmem>>) target(%dma_start3A_277 : memref<128x128xf32, #tpu.memory_space<hbm>>) target_semaphore(%arg16 : memref<!tpu.dma_semaphore, #tpu.memory_space<semaphore_mem>>)
    %mul3A_281 = arith.constant 632 : i32
    %mul3A_282 = arith.muli %arg1, %mul3A_281 : i32
    %add3A_283 = arith.constant 256 : i32
    %add3A_284 = arith.addi %mul3A_282, %add3A_283 : i32
    %dma_start3A_285 = arith.constant 0 : i32
    %dma_start3A_286 = arith.constant 0 : i32
    %dma_start3A_287 = tpu.memref_slice %arg17[%dma_start3A_285, %dma_start3A_286] : memref<128x128xf32, #tpu.memory_space<vmem>> -> memref<128x128xf32, #tpu.memory_space<vmem>>
    %dma_start3A_288 = arith.constant 0 : i32
    %dma_start3A_289 = tpu.memref_slice %arg6[%add3A_284, %dma_start3A_288] : memref<10112x128xf32, #tpu.memory_space<vmem_shared>> -> memref<128x128xf32, #tpu.memory_space<vmem_shared>>
    %dma_start3A_290 = arith.constant 0 : i32
    %dma_start3A_291 = arith.constant 0 : i32
    %dma_start3A_292 = tpu.memref_slice %arg17[%dma_start3A_290, %dma_start3A_291] : memref<128x128xf32, #tpu.memory_space<vmem>> -> memref<128x128xf32, #tpu.memory_space<vmem>>
    %dma_start3A_293 = arith.constant 0 : i32
    %dma_start3A_294 = tpu.memref_slice %arg6[%add3A_284, %dma_start3A_293] : memref<10112x128xf32, #tpu.memory_space<vmem_shared>> -> memref<128x128xf32, #tpu.memory_space<vmem_shared>>
    tpu.enqueue_dma source(%dma_start3A_294 : memref<128x128xf32, #tpu.memory_space<vmem_shared>>) target(%dma_start3A_292 : memref<128x128xf32, #tpu.memory_space<vmem>>) target_semaphore(%arg20 : memref<!tpu.dma_semaphore, #tpu.memory_space<semaphore_mem>>)
    %mul3A_295 = arith.constant 632 : i32
    %mul3A_296 = arith.muli %arg1, %mul3A_295 : i32
    %add3A_297 = arith.constant 256 : i32
    %add3A_298 = arith.addi %mul3A_296, %add3A_297 : i32
    %dma_wait3A_299 = arith.constant 0 : i32
    %dma_wait3A_300 = arith.constant 0 : i32
    %dma_wait3A_301 = tpu.memref_slice %arg17[%dma_wait3A_299, %dma_wait3A_300] : memref<128x128xf32, #tpu.memory_space<vmem>> -> memref<128x128xf32, #tpu.memory_space<vmem>>
    %dma_wait3A_302 = arith.constant 0 : i32
    %dma_wait3A_303 = tpu.memref_slice %arg6[%add3A_298, %dma_wait3A_302] : memref<10112x128xf32, #tpu.memory_space<vmem_shared>> -> memref<128x128xf32, #tpu.memory_space<vmem_shared>>
    %dma_wait3A_304 = arith.constant 0 : i32
    %dma_wait3A_305 = arith.constant 0 : i32
    %dma_wait3A_306 = tpu.memref_slice %arg17[%dma_wait3A_304, %dma_wait3A_305] : memref<128x128xf32, #tpu.memory_space<vmem>> -> memref<128x128xf32, #tpu.memory_space<vmem>>
    %dma_wait3A_307 = arith.constant 0 : i32
    %dma_wait3A_308 = tpu.memref_slice %arg6[%add3A_298, %dma_wait3A_307] : memref<10112x128xf32, #tpu.memory_space<vmem_shared>> -> memref<128x128xf32, #tpu.memory_space<vmem_shared>>
    tpu.wait_dma2 semaphore(%arg20 : memref<!tpu.dma_semaphore, #tpu.memory_space<semaphore_mem>>) src(%dma_wait3A_308 : memref<128x128xf32, #tpu.memory_space<vmem_shared>>) dst(%dma_wait3A_306 : memref<128x128xf32, #tpu.memory_space<vmem>>)
    %mul3A_309 = arith.constant 632 : i32
    %mul3A_310 = arith.muli %arg1, %mul3A_309 : i32
    %add3A_311 = arith.constant 256 : i32
    %add3A_312 = arith.addi %mul3A_310, %add3A_311 : i32
    %dma_start3A_313 = arith.constant 0 : i32
    %dma_start3A_314 = arith.constant 0 : i32
    %dma_start3A_315 = tpu.memref_slice %arg17[%dma_start3A_313, %dma_start3A_314] : memref<128x128xf32, #tpu.memory_space<vmem>> -> memref<128x128xf32, #tpu.memory_space<vmem>>
    %dma_start3A_316 = arith.constant 0 : i32
    %dma_start3A_317 = tpu.memref_slice %arg5[%arg0, %add3A_312, %dma_start3A_316] : memref<2x10112x128xf32, #tpu.memory_space<hbm>> -> memref<1x128x128xf32, #tpu.memory_space<hbm>>
    %dma_start3A_318 = tpu.memref_squeeze %dma_start3A_317 : memref<1x128x128xf32, #tpu.memory_space<hbm>> -> memref<128x128xf32, #tpu.memory_space<hbm>>
    %dma_start3A_319 = arith.constant 0 : i32
    %dma_start3A_320 = tpu.memref_slice %arg5[%arg0, %add3A_312, %dma_start3A_319] : memref<2x10112x128xf32, #tpu.memory_space<hbm>> -> memref<1x128x128xf32, #tpu.memory_space<hbm>>
    %dma_start3A_321 = tpu.memref_squeeze %dma_start3A_320 : memref<1x128x128xf32, #tpu.memory_space<hbm>> -> memref<128x128xf32, #tpu.memory_space<hbm>>
    %dma_start3A_322 = arith.constant 0 : i32
    %dma_start3A_323 = arith.constant 0 : i32
    %dma_start3A_324 = tpu.memref_slice %arg17[%dma_start3A_322, %dma_start3A_323] : memref<128x128xf32, #tpu.memory_space<vmem>> -> memref<128x128xf32, #tpu.memory_space<vmem>>
    tpu.enqueue_dma source(%dma_start3A_324 : memref<128x128xf32, #tpu.memory_space<vmem>>) target(%dma_start3A_321 : memref<128x128xf32, #tpu.memory_space<hbm>>) target_semaphore(%arg21 : memref<!tpu.dma_semaphore, #tpu.memory_space<semaphore_mem>>)
    %mul3A_325 = arith.constant 632 : i32
    %mul3A_326 = arith.muli %arg1, %mul3A_325 : i32
    %add3A_327 = arith.constant 0 : i32
    %add3A_328 = arith.addi %mul3A_326, %add3A_327 : i32
    %dma_wait3A_329 = arith.constant 0 : i32
    %dma_wait3A_330 = arith.constant 0 : i32
    %dma_wait3A_331 = tpu.memref_slice %arg7[%dma_wait3A_329, %dma_wait3A_330] : memref<128x128xf32, #tpu.memory_space<vmem>> -> memref<128x128xf32, #tpu.memory_space<vmem>>
    %dma_wait3A_332 = arith.constant 0 : i32
    %dma_wait3A_333 = tpu.memref_slice %arg5[%arg0, %add3A_328, %dma_wait3A_332] : memref<2x10112x128xf32, #tpu.memory_space<hbm>> -> memref<1x128x128xf32, #tpu.memory_space<hbm>>
    %dma_wait3A_334 = tpu.memref_squeeze %dma_wait3A_333 : memref<1x128x128xf32, #tpu.memory_space<hbm>> -> memref<128x128xf32, #tpu.memory_space<hbm>>
    %dma_wait3A_335 = arith.constant 0 : i32
    %dma_wait3A_336 = tpu.memref_slice %arg5[%arg0, %add3A_328, %dma_wait3A_335] : memref<2x10112x128xf32, #tpu.memory_space<hbm>> -> memref<1x128x128xf32, #tpu.memory_space<hbm>>
    %dma_wait3A_337 = tpu.memref_squeeze %dma_wait3A_336 : memref<1x128x128xf32, #tpu.memory_space<hbm>> -> memref<128x128xf32, #tpu.memory_space<hbm>>
    %dma_wait3A_338 = arith.constant 0 : i32
    %dma_wait3A_339 = arith.constant 0 : i32
    %dma_wait3A_340 = tpu.memref_slice %arg7[%dma_wait3A_338, %dma_wait3A_339] : memref<128x128xf32, #tpu.memory_space<vmem>> -> memref<128x128xf32, #tpu.memory_space<vmem>>
    tpu.wait_dma2 semaphore(%arg11 : memref<!tpu.dma_semaphore, #tpu.memory_space<semaphore_mem>>) src(%dma_wait3A_340 : memref<128x128xf32, #tpu.memory_space<vmem>>) dst(%dma_wait3A_337 : memref<128x128xf32, #tpu.memory_space<hbm>>)
    %mul3A_341 = arith.constant 632 : i32
    %mul3A_342 = arith.muli %arg1, %mul3A_341 : i32
    %add3A_343 = arith.constant 384 : i32
    %add3A_344 = arith.addi %mul3A_342, %add3A_343 : i32
    %dma_start3A_345 = arith.constant 0 : i32
    %dma_start3A_346 = arith.constant 0 : i32
    %dma_start3A_347 = tpu.memref_slice %arg7[%dma_start3A_345, %dma_start3A_346] : memref<128x128xf32, #tpu.memory_space<vmem>> -> memref<128x128xf32, #tpu.memory_space<vmem>>
    %dma_start3A_348 = arith.constant 0 : i32
    %dma_start3A_349 = tpu.memref_slice %arg6[%add3A_344, %dma_start3A_348] : memref<10112x128xf32, #tpu.memory_space<vmem_shared>> -> memref<128x128xf32, #tpu.memory_space<vmem_shared>>
    %dma_start3A_350 = arith.constant 0 : i32
    %dma_start3A_351 = arith.constant 0 : i32
    %dma_start3A_352 = tpu.memref_slice %arg7[%dma_start3A_350, %dma_start3A_351] : memref<128x128xf32, #tpu.memory_space<vmem>> -> memref<128x128xf32, #tpu.memory_space<vmem>>
    %dma_start3A_353 = arith.constant 0 : i32
    %dma_start3A_354 = tpu.memref_slice %arg6[%add3A_344, %dma_start3A_353] : memref<10112x128xf32, #tpu.memory_space<vmem_shared>> -> memref<128x128xf32, #tpu.memory_space<vmem_shared>>
    tpu.enqueue_dma source(%dma_start3A_354 : memref<128x128xf32, #tpu.memory_space<vmem_shared>>) target(%dma_start3A_352 : memref<128x128xf32, #tpu.memory_space<vmem>>) target_semaphore(%arg10 : memref<!tpu.dma_semaphore, #tpu.memory_space<semaphore_mem>>)
    %mul3A_355 = arith.constant 632 : i32
    %mul3A_356 = arith.muli %arg1, %mul3A_355 : i32
    %add3A_357 = arith.constant 384 : i32
    %add3A_358 = arith.addi %mul3A_356, %add3A_357 : i32
    %dma_wait3A_359 = arith.constant 0 : i32
    %dma_wait3A_360 = arith.constant 0 : i32
    %dma_wait3A_361 = tpu.memref_slice %arg7[%dma_wait3A_359, %dma_wait3A_360] : memref<128x128xf32, #tpu.memory_space<vmem>> -> memref<128x128xf32, #tpu.memory_space<vmem>>
    %dma_wait3A_362 = arith.constant 0 : i32
    %dma_wait3A_363 = tpu.memref_slice %arg6[%add3A_358, %dma_wait3A_362] : memref<10112x128xf32, #tpu.memory_space<vmem_shared>> -> memref<128x128xf32, #tpu.memory_space<vmem_shared>>
    %dma_wait3A_364 = arith.constant 0 : i32
    %dma_wait3A_365 = arith.constant 0 : i32
    %dma_wait3A_366 = tpu.memref_slice %arg7[%dma_wait3A_364, %dma_wait3A_365] : memref<128x128xf32, #tpu.memory_space<vmem>> -> memref<128x128xf32, #tpu.memory_space<vmem>>
    %dma_wait3A_367 = arith.constant 0 : i32
    %dma_wait3A_368 = tpu.memref_slice %arg6[%add3A_358, %dma_wait3A_367] : memref<10112x128xf32, #tpu.memory_space<vmem_shared>> -> memref<128x128xf32, #tpu.memory_space<vmem_shared>>
    tpu.wait_dma2 semaphore(%arg10 : memref<!tpu.dma_semaphore, #tpu.memory_space<semaphore_mem>>) src(%dma_wait3A_368 : memref<128x128xf32, #tpu.memory_space<vmem_shared>>) dst(%dma_wait3A_366 : memref<128x128xf32, #tpu.memory_space<vmem>>)
    %mul3A_369 = arith.constant 632 : i32
    %mul3A_370 = arith.muli %arg1, %mul3A_369 : i32
    %add3A_371 = arith.constant 384 : i32
    %add3A_372 = arith.addi %mul3A_370, %add3A_371 : i32
    %dma_start3A_373 = arith.constant 0 : i32
    %dma_start3A_374 = arith.constant 0 : i32
    %dma_start3A_375 = tpu.memref_slice %arg7[%dma_start3A_373, %dma_start3A_374] : memref<128x128xf32, #tpu.memory_space<vmem>> -> memref<128x128xf32, #tpu.memory_space<vmem>>
    %dma_start3A_376 = arith.constant 0 : i32
    %dma_start3A_377 = tpu.memref_slice %arg5[%arg0, %add3A_372, %dma_start3A_376] : memref<2x10112x128xf32, #tpu.memory_space<hbm>> -> memref<1x128x128xf32, #tpu.memory_space<hbm>>
    %dma_start3A_378 = tpu.memref_squeeze %dma_start3A_377 : memref<1x128x128xf32, #tpu.memory_space<hbm>> -> memref<128x128xf32, #tpu.memory_space<hbm>>
    %dma_start3A_379 = arith.constant 0 : i32
    %dma_start3A_380 = tpu.memref_slice %arg5[%arg0, %add3A_372, %dma_start3A_379] : memref<2x10112x128xf32, #tpu.memory_space<hbm>> -> memref<1x128x128xf32, #tpu.memory_space<hbm>>
    %dma_start3A_381 = tpu.memref_squeeze %dma_start3A_380 : memref<1x128x128xf32, #tpu.memory_space<hbm>> -> memref<128x128xf32, #tpu.memory_space<hbm>>
    %dma_start3A_382 = arith.constant 0 : i32
    %dma_start3A_383 = arith.constant 0 : i32
    %dma_start3A_384 = tpu.memref_slice %arg7[%dma_start3A_382, %dma_start3A_383] : memref<128x128xf32, #tpu.memory_space<vmem>> -> memref<128x128xf32, #tpu.memory_space<vmem>>
    tpu.enqueue_dma source(%dma_start3A_384 : memref<128x128xf32, #tpu.memory_space<vmem>>) target(%dma_start3A_381 : memref<128x128xf32, #tpu.memory_space<hbm>>) target_semaphore(%arg11 : memref<!tpu.dma_semaphore, #tpu.memory_space<semaphore_mem>>)
    %mul3A_385 = arith.constant 632 : i32
    %mul3A_386 = arith.muli %arg1, %mul3A_385 : i32
    %add3A_387 = arith.constant 128 : i32
    %add3A_388 = arith.addi %mul3A_386, %add3A_387 : i32
    %dma_wait3A_389 = arith.constant 0 : i32
    %dma_wait3A_390 = arith.constant 0 : i32
    %dma_wait3A_391 = tpu.memref_slice %arg12[%dma_wait3A_389, %dma_wait3A_390] : memref<128x128xf32, #tpu.memory_space<vmem>> -> memref<128x128xf32, #tpu.memory_space<vmem>>
    %dma_wait3A_392 = arith.constant 0 : i32
    %dma_wait3A_393 = tpu.memref_slice %arg5[%arg0, %add3A_388, %dma_wait3A_392] : memref<2x10112x128xf32, #tpu.memory_space<hbm>> -> memref<1x128x128xf32, #tpu.memory_space<hbm>>
    %dma_wait3A_394 = tpu.memref_squeeze %dma_wait3A_393 : memref<1x128x128xf32, #tpu.memory_space<hbm>> -> memref<128x128xf32, #tpu.memory_space<hbm>>
    %dma_wait3A_395 = arith.constant 0 : i32
    %dma_wait3A_396 = tpu.memref_slice %arg5[%arg0, %add3A_388, %dma_wait3A_395] : memref<2x10112x128xf32, #tpu.memory_space<hbm>> -> memref<1x128x128xf32, #tpu.memory_space<hbm>>
    %dma_wait3A_397 = tpu.memref_squeeze %dma_wait3A_396 : memref<1x128x128xf32, #tpu.memory_space<hbm>> -> memref<128x128xf32, #tpu.memory_space<hbm>>
    %dma_wait3A_398 = arith.constant 0 : i32
    %dma_wait3A_399 = arith.constant 0 : i32
    %dma_wait3A_400 = tpu.memref_slice %arg12[%dma_wait3A_398, %dma_wait3A_399] : memref<128x128xf32, #tpu.memory_space<vmem>> -> memref<128x128xf32, #tpu.memory_space<vmem>>
    tpu.wait_dma2 semaphore(%arg16 : memref<!tpu.dma_semaphore, #tpu.memory_space<semaphore_mem>>) src(%dma_wait3A_400 : memref<128x128xf32, #tpu.memory_space<vmem>>) dst(%dma_wait3A_397 : memref<128x128xf32, #tpu.memory_space<hbm>>)
    %mul3A_401 = arith.constant 632 : i32
    %mul3A_402 = arith.muli %arg1, %mul3A_401 : i32
    %add3A_403 = arith.constant 512 : i32
    %add3A_404 = arith.addi %mul3A_402, %add3A_403 : i32
    %dma_start3A_405 = arith.constant 0 : i32
    %dma_start3A_406 = arith.constant 0 : i32
    %dma_start3A_407 = tpu.memref_slice %arg12[%dma_start3A_405, %dma_start3A_406] : memref<128x128xf32, #tpu.memory_space<vmem>> -> memref<120x128xf32, #tpu.memory_space<vmem>>
    %dma_start3A_408 = arith.constant 0 : i32
    %dma_start3A_409 = tpu.memref_slice %arg6[%add3A_404, %dma_start3A_408] : memref<10112x128xf32, #tpu.memory_space<vmem_shared>> -> memref<120x128xf32, #tpu.memory_space<vmem_shared>>
    %dma_start3A_410 = arith.constant 0 : i32
    %dma_start3A_411 = arith.constant 0 : i32
    %dma_start3A_412 = tpu.memref_slice %arg12[%dma_start3A_410, %dma_start3A_411] : memref<128x128xf32, #tpu.memory_space<vmem>> -> memref<120x128xf32, #tpu.memory_space<vmem>>
    %dma_start3A_413 = arith.constant 0 : i32
    %dma_start3A_414 = tpu.memref_slice %arg6[%add3A_404, %dma_start3A_413] : memref<10112x128xf32, #tpu.memory_space<vmem_shared>> -> memref<120x128xf32, #tpu.memory_space<vmem_shared>>
    tpu.enqueue_dma source(%dma_start3A_414 : memref<120x128xf32, #tpu.memory_space<vmem_shared>>) target(%dma_start3A_412 : memref<120x128xf32, #tpu.memory_space<vmem>>) target_semaphore(%arg15 : memref<!tpu.dma_semaphore, #tpu.memory_space<semaphore_mem>>)
    %mul3A_415 = arith.constant 632 : i32
    %mul3A_416 = arith.muli %arg1, %mul3A_415 : i32
    %add3A_417 = arith.constant 512 : i32
    %add3A_418 = arith.addi %mul3A_416, %add3A_417 : i32
    %dma_wait3A_419 = arith.constant 0 : i32
    %dma_wait3A_420 = arith.constant 0 : i32
    %dma_wait3A_421 = tpu.memref_slice %arg12[%dma_wait3A_419, %dma_wait3A_420] : memref<128x128xf32, #tpu.memory_space<vmem>> -> memref<120x128xf32, #tpu.memory_space<vmem>>
    %dma_wait3A_422 = arith.constant 0 : i32
    %dma_wait3A_423 = tpu.memref_slice %arg6[%add3A_418, %dma_wait3A_422] : memref<10112x128xf32, #tpu.memory_space<vmem_shared>> -> memref<120x128xf32, #tpu.memory_space<vmem_shared>>
    %dma_wait3A_424 = arith.constant 0 : i32
    %dma_wait3A_425 = arith.constant 0 : i32
    %dma_wait3A_426 = tpu.memref_slice %arg12[%dma_wait3A_424, %dma_wait3A_425] : memref<128x128xf32, #tpu.memory_space<vmem>> -> memref<120x128xf32, #tpu.memory_space<vmem>>
    %dma_wait3A_427 = arith.constant 0 : i32
    %dma_wait3A_428 = tpu.memref_slice %arg6[%add3A_418, %dma_wait3A_427] : memref<10112x128xf32, #tpu.memory_space<vmem_shared>> -> memref<120x128xf32, #tpu.memory_space<vmem_shared>>
    tpu.wait_dma2 semaphore(%arg15 : memref<!tpu.dma_semaphore, #tpu.memory_space<semaphore_mem>>) src(%dma_wait3A_428 : memref<120x128xf32, #tpu.memory_space<vmem_shared>>) dst(%dma_wait3A_426 : memref<120x128xf32, #tpu.memory_space<vmem>>)
    %mul3A_429 = arith.constant 632 : i32
    %mul3A_430 = arith.muli %arg1, %mul3A_429 : i32
    %add3A_431 = arith.constant 512 : i32
    %add3A_432 = arith.addi %mul3A_430, %add3A_431 : i32
    %dma_start3A_433 = arith.constant 0 : i32
    %dma_start3A_434 = arith.constant 0 : i32
    %dma_start3A_435 = tpu.memref_slice %arg12[%dma_start3A_433, %dma_start3A_434] : memref<128x128xf32, #tpu.memory_space<vmem>> -> memref<120x128xf32, #tpu.memory_space<vmem>>
    %dma_start3A_436 = arith.constant 0 : i32
    %dma_start3A_437 = tpu.memref_slice %arg5[%arg0, %add3A_432, %dma_start3A_436] : memref<2x10112x128xf32, #tpu.memory_space<hbm>> -> memref<1x120x128xf32, #tpu.memory_space<hbm>>
    %dma_start3A_438 = tpu.memref_squeeze %dma_start3A_437 : memref<1x120x128xf32, #tpu.memory_space<hbm>> -> memref<120x128xf32, #tpu.memory_space<hbm>>
    %dma_start3A_439 = arith.constant 0 : i32
    %dma_start3A_440 = tpu.memref_slice %arg5[%arg0, %add3A_432, %dma_start3A_439] : memref<2x10112x128xf32, #tpu.memory_space<hbm>> -> memref<1x120x128xf32, #tpu.memory_space<hbm>>
    %dma_start3A_441 = tpu.memref_squeeze %dma_start3A_440 : memref<1x120x128xf32, #tpu.memory_space<hbm>> -> memref<120x128xf32, #tpu.memory_space<hbm>>
    %dma_start3A_442 = arith.constant 0 : i32
    %dma_start3A_443 = arith.constant 0 : i32
    %dma_start3A_444 = tpu.memref_slice %arg12[%dma_start3A_442, %dma_start3A_443] : memref<128x128xf32, #tpu.memory_space<vmem>> -> memref<120x128xf32, #tpu.memory_space<vmem>>
    tpu.enqueue_dma source(%dma_start3A_444 : memref<120x128xf32, #tpu.memory_space<vmem>>) target(%dma_start3A_441 : memref<120x128xf32, #tpu.memory_space<hbm>>) target_semaphore(%arg16 : memref<!tpu.dma_semaphore, #tpu.memory_space<semaphore_mem>>)
    %mul3A_445 = arith.constant 632 : i32
    %mul3A_446 = arith.muli %arg1, %mul3A_445 : i32
    %add3A_447 = arith.constant 256 : i32
    %add3A_448 = arith.addi %mul3A_446, %add3A_447 : i32
    %dma_wait3A_449 = arith.constant 0 : i32
    %dma_wait3A_450 = arith.constant 0 : i32
    %dma_wait3A_451 = tpu.memref_slice %arg17[%dma_wait3A_449, %dma_wait3A_450] : memref<128x128xf32, #tpu.memory_space<vmem>> -> memref<128x128xf32, #tpu.memory_space<vmem>>
    %dma_wait3A_452 = arith.constant 0 : i32
    %dma_wait3A_453 = tpu.memref_slice %arg5[%arg0, %add3A_448, %dma_wait3A_452] : memref<2x10112x128xf32, #tpu.memory_space<hbm>> -> memref<1x128x128xf32, #tpu.memory_space<hbm>>
    %dma_wait3A_454 = tpu.memref_squeeze %dma_wait3A_453 : memref<1x128x128xf32, #tpu.memory_space<hbm>> -> memref<128x128xf32, #tpu.memory_space<hbm>>
    %dma_wait3A_455 = arith.constant 0 : i32
    %dma_wait3A_456 = tpu.memref_slice %arg5[%arg0, %add3A_448, %dma_wait3A_455] : memref<2x10112x128xf32, #tpu.memory_space<hbm>> -> memref<1x128x128xf32, #tpu.memory_space<hbm>>
    %dma_wait3A_457 = tpu.memref_squeeze %dma_wait3A_456 : memref<1x128x128xf32, #tpu.memory_space<hbm>> -> memref<128x128xf32, #tpu.memory_space<hbm>>
    %dma_wait3A_458 = arith.constant 0 : i32
    %dma_wait3A_459 = arith.constant 0 : i32
    %dma_wait3A_460 = tpu.memref_slice %arg17[%dma_wait3A_458, %dma_wait3A_459] : memref<128x128xf32, #tpu.memory_space<vmem>> -> memref<128x128xf32, #tpu.memory_space<vmem>>
    tpu.wait_dma2 semaphore(%arg21 : memref<!tpu.dma_semaphore, #tpu.memory_space<semaphore_mem>>) src(%dma_wait3A_460 : memref<128x128xf32, #tpu.memory_space<vmem>>) dst(%dma_wait3A_457 : memref<128x128xf32, #tpu.memory_space<hbm>>)
    %mul3A_461 = arith.constant 632 : i32
    %mul3A_462 = arith.muli %arg1, %mul3A_461 : i32
    %add3A_463 = arith.constant 384 : i32
    %add3A_464 = arith.addi %mul3A_462, %add3A_463 : i32
    %dma_wait3A_465 = arith.constant 0 : i32
    %dma_wait3A_466 = arith.constant 0 : i32
    %dma_wait3A_467 = tpu.memref_slice %arg7[%dma_wait3A_465, %dma_wait3A_466] : memref<128x128xf32, #tpu.memory_space<vmem>> -> memref<128x128xf32, #tpu.memory_space<vmem>>
    %dma_wait3A_468 = arith.constant 0 : i32
    %dma_wait3A_469 = tpu.memref_slice %arg5[%arg0, %add3A_464, %dma_wait3A_468] : memref<2x10112x128xf32, #tpu.memory_space<hbm>> -> memref<1x128x128xf32, #tpu.memory_space<hbm>>
    %dma_wait3A_470 = tpu.memref_squeeze %dma_wait3A_469 : memref<1x128x128xf32, #tpu.memory_space<hbm>> -> memref<128x128xf32, #tpu.memory_space<hbm>>
    %dma_wait3A_471 = arith.constant 0 : i32
    %dma_wait3A_472 = tpu.memref_slice %arg5[%arg0, %add3A_464, %dma_wait3A_471] : memref<2x10112x128xf32, #tpu.memory_space<hbm>> -> memref<1x128x128xf32, #tpu.memory_space<hbm>>
    %dma_wait3A_473 = tpu.memref_squeeze %dma_wait3A_472 : memref<1x128x128xf32, #tpu.memory_space<hbm>> -> memref<128x128xf32, #tpu.memory_space<hbm>>
    %dma_wait3A_474 = arith.constant 0 : i32
    %dma_wait3A_475 = arith.constant 0 : i32
    %dma_wait3A_476 = tpu.memref_slice %arg7[%dma_wait3A_474, %dma_wait3A_475] : memref<128x128xf32, #tpu.memory_space<vmem>> -> memref<128x128xf32, #tpu.memory_space<vmem>>
    tpu.wait_dma2 semaphore(%arg11 : memref<!tpu.dma_semaphore, #tpu.memory_space<semaphore_mem>>) src(%dma_wait3A_476 : memref<128x128xf32, #tpu.memory_space<vmem>>) dst(%dma_wait3A_473 : memref<128x128xf32, #tpu.memory_space<hbm>>)
    %mul3A_477 = arith.constant 632 : i32
    %mul3A_478 = arith.muli %arg1, %mul3A_477 : i32
    %add3A_479 = arith.constant 512 : i32
    %add3A_480 = arith.addi %mul3A_478, %add3A_479 : i32
    %dma_wait3A_481 = arith.constant 0 : i32
    %dma_wait3A_482 = arith.constant 0 : i32
    %dma_wait3A_483 = tpu.memref_slice %arg12[%dma_wait3A_481, %dma_wait3A_482] : memref<128x128xf32, #tpu.memory_space<vmem>> -> memref<120x128xf32, #tpu.memory_space<vmem>>
    %dma_wait3A_484 = arith.constant 0 : i32
    %dma_wait3A_485 = tpu.memref_slice %arg5[%arg0, %add3A_480, %dma_wait3A_484] : memref<2x10112x128xf32, #tpu.memory_space<hbm>> -> memref<1x120x128xf32, #tpu.memory_space<hbm>>
    %dma_wait3A_486 = tpu.memref_squeeze %dma_wait3A_485 : memref<1x120x128xf32, #tpu.memory_space<hbm>> -> memref<120x128xf32, #tpu.memory_space<hbm>>
    %dma_wait3A_487 = arith.constant 0 : i32
    %dma_wait3A_488 = tpu.memref_slice %arg5[%arg0, %add3A_480, %dma_wait3A_487] : memref<2x10112x128xf32, #tpu.memory_space<hbm>> -> memref<1x120x128xf32, #tpu.memory_space<hbm>>
    %dma_wait3A_489 = tpu.memref_squeeze %dma_wait3A_488 : memref<1x120x128xf32, #tpu.memory_space<hbm>> -> memref<120x128xf32, #tpu.memory_space<hbm>>
    %dma_wait3A_490 = arith.constant 0 : i32
    %dma_wait3A_491 = arith.constant 0 : i32
    %dma_wait3A_492 = tpu.memref_slice %arg12[%dma_wait3A_490, %dma_wait3A_491] : memref<128x128xf32, #tpu.memory_space<vmem>> -> memref<120x128xf32, #tpu.memory_space<vmem>>
    tpu.wait_dma2 semaphore(%arg16 : memref<!tpu.dma_semaphore, #tpu.memory_space<semaphore_mem>>) src(%dma_wait3A_492 : memref<120x128xf32, #tpu.memory_space<vmem>>) dst(%dma_wait3A_489 : memref<120x128xf32, #tpu.memory_space<hbm>>)
    return
  }
}

module attributes {stable_mosaic.version = 14 : i64} {
  func.func @_gin_mlp_body(%arg0: memref<10000x128xf32, #tpu.memory_space<vmem>>, %arg1: memref<2x10112x128xf32, #tpu.memory_space<vmem>>, %arg2: memref<1xf32, #tpu.memory_space<smem>>, %arg3: memref<128x128xf32, #tpu.memory_space<vmem>>, %arg4: memref<1x128xf32, #tpu.memory_space<vmem>>, %arg5: memref<1x128xf32, #tpu.memory_space<vmem>>, %arg6: memref<1x128xf32, #tpu.memory_space<vmem>>, %arg7: memref<128x128xf32, #tpu.memory_space<vmem>>, %arg8: memref<1x128xf32, #tpu.memory_space<vmem>>, %arg9: memref<10000x128xf32, #tpu.memory_space<vmem>>) attributes {dimension_semantics = [], scalar_prefetch = 0 : i64, scratch_operands = 0 : i64, tpu.core_type = #tpu.core_type<tc>} {
    %get3A = arith.constant 0 : index
    %get3A_0 = arith.constant 0 : index
    %get3A_1 = arith.constant 0 : index
    %get3A_2 = vector.load %arg1[%get3A, %get3A_0, %get3A_1] : memref<2x10112x128xf32, #tpu.memory_space<vmem>>, vector<1x10000x128xf32>
    %get3A_3 = vector.shape_cast %get3A_2 : vector<1x10000x128xf32> to vector<10000x128xf32>
    %get3A_4 = arith.constant 1 : index
    %get3A_5 = arith.constant 0 : index
    %get3A_6 = arith.constant 0 : index
    %get3A_7 = vector.load %arg1[%get3A_4, %get3A_5, %get3A_6] : memref<2x10112x128xf32, #tpu.memory_space<vmem>>, vector<1x10000x128xf32>
    %get3A_8 = vector.shape_cast %get3A_7 : vector<1x10000x128xf32> to vector<10000x128xf32>
    %add3A = arith.addf %get3A_3, %get3A_8 : vector<10000x128xf32>
    %get3A_9 = arith.constant 0 : index
    %get3A_10 = memref.load %arg2[%get3A_9] : memref<1xf32, #tpu.memory_space<smem>>
    %add3A_11 = arith.constant 1.000000e+00 : f32
    %add3A_12 = arith.addf %add3A_11, %get3A_10 : f32
    %get3A_13 = arith.constant 0 : index
    %get3A_14 = arith.constant 0 : index
    %get3A_15 = vector.load %arg0[%get3A_13, %get3A_14] : memref<10000x128xf32, #tpu.memory_space<vmem>>, vector<10000x128xf32>
    %mul3A = vector.broadcast %add3A_12 : f32 to vector<10000x128xf32>
    %mul3A_16 = arith.mulf %mul3A, %get3A_15 : vector<10000x128xf32>
    %add3A_17 = arith.addf %mul3A_16, %add3A : vector<10000x128xf32>
    %get3A_18 = arith.constant 0 : index
    %get3A_19 = arith.constant 0 : index
    %get3A_20 = vector.load %arg3[%get3A_18, %get3A_19] : memref<128x128xf32, #tpu.memory_space<vmem>>, vector<128x128xf32>
    %dot_general3A = arith.constant dense<0.000000e+00> : vector<10000x128xf32>
    %dot_general3A_21 = tpu.matmul %add3A_17, %get3A_20, %dot_general3A {dimension_numbers = #tpu.dot_dimension_numbers<[1], [1], [0], [0], [0, 0, 1, 0], [], []>, transpose_lhs_hint = false} : vector<10000x128xf32>, vector<128x128xf32>, vector<10000x128xf32> -> vector<10000x128xf32>
    %get3A_22 = arith.constant 0 : index
    %get3A_23 = arith.constant 0 : index
    %get3A_24 = vector.load %arg4[%get3A_22, %get3A_23] : memref<1x128xf32, #tpu.memory_space<vmem>>, vector<1x128xf32>
    %add3A_25 = vector.broadcast %get3A_24 : vector<1x128xf32> to vector<10000x128xf32>
    %add3A_26 = arith.addf %dot_general3A_21, %add3A_25 : vector<10000x128xf32>
    %reduce_sum3A = arith.constant dense<0.000000e+00> : vector<128xf32>
    %reduce_sum3A_27 = vector.multi_reduction <add>, %add3A_26, %reduce_sum3A [0] : vector<10000x128xf32> to vector<128xf32>
    %broadcast_in_dim3A = vector.shape_cast %reduce_sum3A_27 : vector<128xf32> to vector<1x128xf32>
    %div3A = arith.constant 1.000000e+04 : f32
    %div3A_28 = vector.broadcast %div3A : f32 to vector<1x128xf32>
    %div3A_29 = arith.divf %broadcast_in_dim3A, %div3A_28 : vector<1x128xf32>
    %sub3A = vector.broadcast %div3A_29 : vector<1x128xf32> to vector<10000x128xf32>
    %sub3A_30 = arith.subf %add3A_26, %sub3A : vector<10000x128xf32>
    %integer_pow3A = arith.mulf %sub3A_30, %sub3A_30 : vector<10000x128xf32>
    %reduce_sum3A_31 = arith.constant dense<0.000000e+00> : vector<128xf32>
    %reduce_sum3A_32 = vector.multi_reduction <add>, %integer_pow3A, %reduce_sum3A_31 [0] : vector<10000x128xf32> to vector<128xf32>
    %broadcast_in_dim3A_33 = vector.shape_cast %reduce_sum3A_32 : vector<128xf32> to vector<1x128xf32>
    %div3A_34 = arith.constant 1.000000e+04 : f32
    %div3A_35 = vector.broadcast %div3A_34 : f32 to vector<1x128xf32>
    %div3A_36 = arith.divf %broadcast_in_dim3A_33, %div3A_35 : vector<1x128xf32>
    %sub3A_37 = vector.broadcast %div3A_29 : vector<1x128xf32> to vector<10000x128xf32>
    %sub3A_38 = arith.subf %add3A_26, %sub3A_37 : vector<10000x128xf32>
    %add3A_39 = arith.constant 9.99999974E-6 : f32
    %add3A_40 = vector.broadcast %add3A_39 : f32 to vector<1x128xf32>
    %add3A_41 = arith.addf %div3A_36, %add3A_40 : vector<1x128xf32>
    %rsqrt3A = math.rsqrt %add3A_41 : vector<1x128xf32>
    %mul3A_42 = vector.broadcast %rsqrt3A : vector<1x128xf32> to vector<10000x128xf32>
    %mul3A_43 = arith.mulf %sub3A_38, %mul3A_42 : vector<10000x128xf32>
    %get3A_44 = arith.constant 0 : index
    %get3A_45 = arith.constant 0 : index
    %get3A_46 = vector.load %arg5[%get3A_44, %get3A_45] : memref<1x128xf32, #tpu.memory_space<vmem>>, vector<1x128xf32>
    %mul3A_47 = vector.broadcast %get3A_46 : vector<1x128xf32> to vector<10000x128xf32>
    %mul3A_48 = arith.mulf %mul3A_43, %mul3A_47 : vector<10000x128xf32>
    %get3A_49 = arith.constant 0 : index
    %get3A_50 = arith.constant 0 : index
    %get3A_51 = vector.load %arg6[%get3A_49, %get3A_50] : memref<1x128xf32, #tpu.memory_space<vmem>>, vector<1x128xf32>
    %add3A_52 = vector.broadcast %get3A_51 : vector<1x128xf32> to vector<10000x128xf32>
    %add3A_53 = arith.addf %mul3A_48, %add3A_52 : vector<10000x128xf32>
    %max3A = arith.constant 0.000000e+00 : f32
    %max3A_54 = vector.broadcast %max3A : f32 to vector<10000x128xf32>
    %max3A_55 = arith.maximumf %add3A_53, %max3A_54 : vector<10000x128xf32>
    %get3A_56 = arith.constant 0 : index
    %get3A_57 = arith.constant 0 : index
    %get3A_58 = vector.load %arg7[%get3A_56, %get3A_57] : memref<128x128xf32, #tpu.memory_space<vmem>>, vector<128x128xf32>
    %dot_general3A_59 = arith.constant dense<0.000000e+00> : vector<10000x128xf32>
    %dot_general3A_60 = tpu.matmul %max3A_55, %get3A_58, %dot_general3A_59 {dimension_numbers = #tpu.dot_dimension_numbers<[1], [1], [0], [0], [0, 0, 1, 0], [], []>, transpose_lhs_hint = false} : vector<10000x128xf32>, vector<128x128xf32>, vector<10000x128xf32> -> vector<10000x128xf32>
    %get3A_61 = arith.constant 0 : index
    %get3A_62 = arith.constant 0 : index
    %get3A_63 = vector.load %arg8[%get3A_61, %get3A_62] : memref<1x128xf32, #tpu.memory_space<vmem>>, vector<1x128xf32>
    %add3A_64 = vector.broadcast %get3A_63 : vector<1x128xf32> to vector<10000x128xf32>
    %add3A_65 = arith.addf %dot_general3A_60, %add3A_64 : vector<10000x128xf32>
    %max3A_66 = arith.constant 0.000000e+00 : f32
    %max3A_67 = vector.broadcast %max3A_66 : f32 to vector<10000x128xf32>
    %max3A_68 = arith.maximumf %add3A_65, %max3A_67 : vector<10000x128xf32>
    %swap3A = arith.constant 0 : index
    %swap3A_69 = arith.constant 0 : index
    %swap3A_70 = vector.load %arg9[%swap3A, %swap3A_69] : memref<10000x128xf32, #tpu.memory_space<vmem>>, vector<10000x128xf32>
    tpu.vector_store %arg9[%swap3A, %swap3A_69], %max3A_68 {strides = array<i32>} : memref<10000x128xf32, #tpu.memory_space<vmem>>, vector<10000x128xf32>,
    return
  }
}

module attributes {stable_mosaic.version = 14 : i64} {
  func.func @_lin_body(%arg0: memref<10000x128xf32, #tpu.memory_space<vmem>>, %arg1: memref<128x128xf32, #tpu.memory_space<vmem>>, %arg2: memref<1x128xf32, #tpu.memory_space<vmem>>, %arg3: memref<10000x128xf32, #tpu.memory_space<vmem>>) attributes {dimension_semantics = [], scalar_prefetch = 0 : i64, scratch_operands = 0 : i64, tpu.core_type = #tpu.core_type<tc>} {
    %get3A = arith.constant 0 : index
    %get3A_0 = arith.constant 0 : index
    %get3A_1 = vector.load %arg0[%get3A, %get3A_0] : memref<10000x128xf32, #tpu.memory_space<vmem>>, vector<10000x128xf32>
    %get3A_2 = arith.constant 0 : index
    %get3A_3 = arith.constant 0 : index
    %get3A_4 = vector.load %arg1[%get3A_2, %get3A_3] : memref<128x128xf32, #tpu.memory_space<vmem>>, vector<128x128xf32>
    %dot_general3A = arith.constant dense<0.000000e+00> : vector<10000x128xf32>
    %dot_general3A_5 = tpu.matmul %get3A_1, %get3A_4, %dot_general3A {dimension_numbers = #tpu.dot_dimension_numbers<[1], [1], [0], [0], [0, 0, 1, 0], [], []>, transpose_lhs_hint = false} : vector<10000x128xf32>, vector<128x128xf32>, vector<10000x128xf32> -> vector<10000x128xf32>
    %get3A_6 = arith.constant 0 : index
    %get3A_7 = arith.constant 0 : index
    %get3A_8 = vector.load %arg2[%get3A_6, %get3A_7] : memref<1x128xf32, #tpu.memory_space<vmem>>, vector<1x128xf32>
    %add3A = vector.broadcast %get3A_8 : vector<1x128xf32> to vector<10000x128xf32>
    %add3A_9 = arith.addf %dot_general3A_5, %add3A : vector<10000x128xf32>
    %swap3A = arith.constant 0 : index
    %swap3A_10 = arith.constant 0 : index
    %swap3A_11 = vector.load %arg3[%swap3A, %swap3A_10] : memref<10000x128xf32, #tpu.memory_space<vmem>>, vector<10000x128xf32>
    tpu.vector_store %arg3[%swap3A, %swap3A_10], %add3A_9 {strides = array<i32>} : memref<10000x128xf32, #tpu.memory_space<vmem>>, vector<10000x128xf32>,
    return
  }
}

module attributes {stable_mosaic.version = 14 : i64} {
  func.func @_gin_mlp_final_body(%arg0: memref<10000x128xf32, #tpu.memory_space<vmem>>, %arg1: memref<2x10112x128xf32, #tpu.memory_space<vmem>>, %arg2: memref<1xf32, #tpu.memory_space<smem>>, %arg3: memref<128x128xf32, #tpu.memory_space<vmem>>, %arg4: memref<1x128xf32, #tpu.memory_space<vmem>>, %arg5: memref<1x128xf32, #tpu.memory_space<vmem>>, %arg6: memref<1x128xf32, #tpu.memory_space<vmem>>, %arg7: memref<128x128xf32, #tpu.memory_space<vmem>>, %arg8: memref<1x128xf32, #tpu.memory_space<vmem>>, %arg9: memref<40x128xf32, #tpu.memory_space<vmem>>, %arg10: memref<1x40xf32, #tpu.memory_space<vmem>>, %arg11: memref<10000x40xf32, #tpu.memory_space<vmem>>) attributes {dimension_semantics = [], scalar_prefetch = 0 : i64, scratch_operands = 0 : i64, tpu.core_type = #tpu.core_type<tc>} {
    %get3A = arith.constant 0 : index
    %get3A_0 = arith.constant 0 : index
    %get3A_1 = arith.constant 0 : index
    %get3A_2 = vector.load %arg1[%get3A, %get3A_0, %get3A_1] : memref<2x10112x128xf32, #tpu.memory_space<vmem>>, vector<1x10000x128xf32>
    %get3A_3 = vector.shape_cast %get3A_2 : vector<1x10000x128xf32> to vector<10000x128xf32>
    %get3A_4 = arith.constant 1 : index
    %get3A_5 = arith.constant 0 : index
    %get3A_6 = arith.constant 0 : index
    %get3A_7 = vector.load %arg1[%get3A_4, %get3A_5, %get3A_6] : memref<2x10112x128xf32, #tpu.memory_space<vmem>>, vector<1x10000x128xf32>
    %get3A_8 = vector.shape_cast %get3A_7 : vector<1x10000x128xf32> to vector<10000x128xf32>
    %add3A = arith.addf %get3A_3, %get3A_8 : vector<10000x128xf32>
    %get3A_9 = arith.constant 0 : index
    %get3A_10 = memref.load %arg2[%get3A_9] : memref<1xf32, #tpu.memory_space<smem>>
    %add3A_11 = arith.constant 1.000000e+00 : f32
    %add3A_12 = arith.addf %add3A_11, %get3A_10 : f32
    %get3A_13 = arith.constant 0 : index
    %get3A_14 = arith.constant 0 : index
    %get3A_15 = vector.load %arg0[%get3A_13, %get3A_14] : memref<10000x128xf32, #tpu.memory_space<vmem>>, vector<10000x128xf32>
    %mul3A = vector.broadcast %add3A_12 : f32 to vector<10000x128xf32>
    %mul3A_16 = arith.mulf %mul3A, %get3A_15 : vector<10000x128xf32>
    %add3A_17 = arith.addf %mul3A_16, %add3A : vector<10000x128xf32>
    %get3A_18 = arith.constant 0 : index
    %get3A_19 = arith.constant 0 : index
    %get3A_20 = vector.load %arg3[%get3A_18, %get3A_19] : memref<128x128xf32, #tpu.memory_space<vmem>>, vector<128x128xf32>
    %dot_general3A = arith.constant dense<0.000000e+00> : vector<10000x128xf32>
    %dot_general3A_21 = tpu.matmul %add3A_17, %get3A_20, %dot_general3A {dimension_numbers = #tpu.dot_dimension_numbers<[1], [1], [0], [0], [0, 0, 1, 0], [], []>, transpose_lhs_hint = false} : vector<10000x128xf32>, vector<128x128xf32>, vector<10000x128xf32> -> vector<10000x128xf32>
    %get3A_22 = arith.constant 0 : index
    %get3A_23 = arith.constant 0 : index
    %get3A_24 = vector.load %arg4[%get3A_22, %get3A_23] : memref<1x128xf32, #tpu.memory_space<vmem>>, vector<1x128xf32>
    %add3A_25 = vector.broadcast %get3A_24 : vector<1x128xf32> to vector<10000x128xf32>
    %add3A_26 = arith.addf %dot_general3A_21, %add3A_25 : vector<10000x128xf32>
    %reduce_sum3A = arith.constant dense<0.000000e+00> : vector<128xf32>
    %reduce_sum3A_27 = vector.multi_reduction <add>, %add3A_26, %reduce_sum3A [0] : vector<10000x128xf32> to vector<128xf32>
    %broadcast_in_dim3A = vector.shape_cast %reduce_sum3A_27 : vector<128xf32> to vector<1x128xf32>
    %div3A = arith.constant 1.000000e+04 : f32
    %div3A_28 = vector.broadcast %div3A : f32 to vector<1x128xf32>
    %div3A_29 = arith.divf %broadcast_in_dim3A, %div3A_28 : vector<1x128xf32>
    %sub3A = vector.broadcast %div3A_29 : vector<1x128xf32> to vector<10000x128xf32>
    %sub3A_30 = arith.subf %add3A_26, %sub3A : vector<10000x128xf32>
    %integer_pow3A = arith.mulf %sub3A_30, %sub3A_30 : vector<10000x128xf32>
    %reduce_sum3A_31 = arith.constant dense<0.000000e+00> : vector<128xf32>
    %reduce_sum3A_32 = vector.multi_reduction <add>, %integer_pow3A, %reduce_sum3A_31 [0] : vector<10000x128xf32> to vector<128xf32>
    %broadcast_in_dim3A_33 = vector.shape_cast %reduce_sum3A_32 : vector<128xf32> to vector<1x128xf32>
    %div3A_34 = arith.constant 1.000000e+04 : f32
    %div3A_35 = vector.broadcast %div3A_34 : f32 to vector<1x128xf32>
    %div3A_36 = arith.divf %broadcast_in_dim3A_33, %div3A_35 : vector<1x128xf32>
    %sub3A_37 = vector.broadcast %div3A_29 : vector<1x128xf32> to vector<10000x128xf32>
    %sub3A_38 = arith.subf %add3A_26, %sub3A_37 : vector<10000x128xf32>
    %add3A_39 = arith.constant 9.99999974E-6 : f32
    %add3A_40 = vector.broadcast %add3A_39 : f32 to vector<1x128xf32>
    %add3A_41 = arith.addf %div3A_36, %add3A_40 : vector<1x128xf32>
    %rsqrt3A = math.rsqrt %add3A_41 : vector<1x128xf32>
    %mul3A_42 = vector.broadcast %rsqrt3A : vector<1x128xf32> to vector<10000x128xf32>
    %mul3A_43 = arith.mulf %sub3A_38, %mul3A_42 : vector<10000x128xf32>
    %get3A_44 = arith.constant 0 : index
    %get3A_45 = arith.constant 0 : index
    %get3A_46 = vector.load %arg5[%get3A_44, %get3A_45] : memref<1x128xf32, #tpu.memory_space<vmem>>, vector<1x128xf32>
    %mul3A_47 = vector.broadcast %get3A_46 : vector<1x128xf32> to vector<10000x128xf32>
    %mul3A_48 = arith.mulf %mul3A_43, %mul3A_47 : vector<10000x128xf32>
    %get3A_49 = arith.constant 0 : index
    %get3A_50 = arith.constant 0 : index
    %get3A_51 = vector.load %arg6[%get3A_49, %get3A_50] : memref<1x128xf32, #tpu.memory_space<vmem>>, vector<1x128xf32>
    %add3A_52 = vector.broadcast %get3A_51 : vector<1x128xf32> to vector<10000x128xf32>
    %add3A_53 = arith.addf %mul3A_48, %add3A_52 : vector<10000x128xf32>
    %max3A = arith.constant 0.000000e+00 : f32
    %max3A_54 = vector.broadcast %max3A : f32 to vector<10000x128xf32>
    %max3A_55 = arith.maximumf %add3A_53, %max3A_54 : vector<10000x128xf32>
    %get3A_56 = arith.constant 0 : index
    %get3A_57 = arith.constant 0 : index
    %get3A_58 = vector.load %arg7[%get3A_56, %get3A_57] : memref<128x128xf32, #tpu.memory_space<vmem>>, vector<128x128xf32>
    %dot_general3A_59 = arith.constant dense<0.000000e+00> : vector<10000x128xf32>
    %dot_general3A_60 = tpu.matmul %max3A_55, %get3A_58, %dot_general3A_59 {dimension_numbers = #tpu.dot_dimension_numbers<[1], [1], [0], [0], [0, 0, 1, 0], [], []>, transpose_lhs_hint = false} : vector<10000x128xf32>, vector<128x128xf32>, vector<10000x128xf32> -> vector<10000x128xf32>
    %get3A_61 = arith.constant 0 : index
    %get3A_62 = arith.constant 0 : index
    %get3A_63 = vector.load %arg8[%get3A_61, %get3A_62] : memref<1x128xf32, #tpu.memory_space<vmem>>, vector<1x128xf32>
    %add3A_64 = vector.broadcast %get3A_63 : vector<1x128xf32> to vector<10000x128xf32>
    %add3A_65 = arith.addf %dot_general3A_60, %add3A_64 : vector<10000x128xf32>
    %max3A_66 = arith.constant 0.000000e+00 : f32
    %max3A_67 = vector.broadcast %max3A_66 : f32 to vector<10000x128xf32>
    %max3A_68 = arith.maximumf %add3A_65, %max3A_67 : vector<10000x128xf32>
    %get3A_69 = arith.constant 0 : index
    %get3A_70 = arith.constant 0 : index
    %get3A_71 = vector.load %arg9[%get3A_69, %get3A_70] : memref<40x128xf32, #tpu.memory_space<vmem>>, vector<40x128xf32>
    %dot_general3A_72 = arith.constant dense<0.000000e+00> : vector<10000x40xf32>
    %dot_general3A_73 = tpu.matmul %max3A_68, %get3A_71, %dot_general3A_72 {dimension_numbers = #tpu.dot_dimension_numbers<[1], [1], [0], [0], [0, 0, 1, 0], [], []>, transpose_lhs_hint = false} : vector<10000x128xf32>, vector<40x128xf32>, vector<10000x40xf32> -> vector<10000x40xf32>
    %get3A_74 = arith.constant 0 : index
    %get3A_75 = arith.constant 0 : index
    %get3A_76 = vector.load %arg10[%get3A_74, %get3A_75] : memref<1x40xf32, #tpu.memory_space<vmem>>, vector<1x40xf32>
    %add3A_77 = vector.broadcast %get3A_76 : vector<1x40xf32> to vector<10000x40xf32>
    %add3A_78 = arith.addf %dot_general3A_73, %add3A_77 : vector<10000x40xf32>
    %swap3A = arith.constant 0 : index
    %swap3A_79 = arith.constant 0 : index
    %swap3A_80 = vector.load %arg11[%swap3A, %swap3A_79] : memref<10000x40xf32, #tpu.memory_space<vmem>>, vector<10000x40xf32>
    tpu.vector_store %arg11[%swap3A, %swap3A_79], %add3A_78 {strides = array<i32>} : memref<10000x40xf32, #tpu.memory_space<vmem>>, vector<10000x40xf32>,
    return
  }
}

</mosaic_0001>

<sc_bundles>
// kernel: kernel.10.cloned.1.call-start
scs
__scs_entry_jumppad:
0x0: {  	(pc) =	sbr.rel $0x88, $3  }
0x1: {  	(tag) =	ssettag $0x0;
	lr =	simm.s32 $0x1  }
0x2: {  	[smem:$0x3F82] =	sst lr;
	_ =	strace $0xD0000000  }
0x3: {  	_ = 	snop  }
0x4: {  	_ = 	snop  }
0x5: {  	_ = 	snop  }
0x6: {  	_ = 	snop  }
0x7: {  	_ = 	snop  }
__scs_overlays_trampoline_lowered:
0x8: {  	[smem:$0x3F91] =	sst s0  }
0x9: {  	[smem:$0x3F92] =	sst s1  }
0xa: {  	[smem:$0x3F93] =	sst s2  }
0xb: {  	[smem:$0x3F94] =	sst s3  }
0xc: {  	[smem:$0x3F95] =	sst s4  }
0xd: {  	[smem:$0x3F96] =	sst s5  }
0xe: {  	[smem:$0x3F97] =	sst s6  }
0xf: {  	[smem:$0x3F98] =	sst s7  }
0x10: {  	[smem:$0x3F99] =	sst s8  }
0x11: {  	[smem:$0x3F9A] =	sst s9;
	s0 =	simm.s32 @!p0 $0x0  }
0x12: {  	s1 =	sld [smem:$0x3F80];
	s0 =	simm.s32 @p0 $0x1  }
0x13: {  	[smem:$0x3F9B] =	sst s0;
	s0 =	simm.s32 @!p1 $0x0  }
0x14: {  	s2 =	sld [smem:$0x3F7F];
	s0 =	simm.s32 @p1 $0x1  }
0x15: {  	[smem:$0x3F9C] =	sst s0;
	s0 =	simm.s32 @!p2 $0x0  }
0x16: {  	s3 =	sld [smem:$0x3FDB];
	s0 =	simm.s32 @p2 $0x1  }
0x17: {  	s4 =	simm.s32 $0x1BF5;
	[smem:$0x3F9E] =	sst s0  }
0x18: {  	s0 =	sld [smem:$0x3F81];
	_ =	swait.ge [sflag:s4], $0x0  }
0x19: {  	s7 =	sld [smem:$0x3F82]  }
0x1a: {  	s8 =	sadd.s32 $0xFFFFE003, lr  }
0x1b: {  	s9 =	sadd.s32 $0xFFFFFEF7, lr;
	s5 =	simm.s32 $0xFFFFFFFF;
	p2 =	slt.u32 s8, $0xFFFFF086  }
0x1c: {  	p1 =	slt.u32 s9, $0xF7A;
	s5 =	simm.s32 @!p2 $0x0  }
0x1d: {  	s5 =	simm.s32 @p1 $0x1;
	p0 =	seq.s32 s7, s2  }
0x1e: {  	s7 =	smul.u32 @!p0 $0xF7A, s2;
	p2 =	seq.s32 @!p0 s5, $0x0  }
0x1f: {  	s9 =	smul.u32 $0xF7A, s1;
	s8 =	simm.s32 @!p0 $0x1BF5;
	p2 =	por !p2, p0  }
0x20: {  	[sflag:s8] =	ssyncset.s32 @!p0 $0xFFFFF086;
	s6 =	sadd.s32 @!p0 s3, s7;
	s7 =	simm.s32 @!p0 $0x108  }
0x21: {  	s3 =	sadd.s32 s3, s9;
	s6 =	sadd.s32 @!p0 $0x88, s6;
	s7 =	simm.s32 @p2 $0x1082  }
0x22: {  	[simem:s7], [sflag:s8] =	dma.local @!p0 [hbm:s6], $0xF7A  }
0x23: {  	s9 =	sor.u32 $0xD0000000, s2;
	s6 =	simm.s32 $0x108;
	_ =	swait.ge @!p0 [sflag:s8], $0x0  }
0x24: {  	s3 =	sadd.s32 $0x88, s3;
	s6 =	simm.s32 @!p1 $0x1082;
	[sflag:s4] =	ssyncset.s32 $0xFFFFF086  }
0x25: {  	[simem:s6], [sflag:s4] =	dma.local [hbm:s3], $0xF7A  }
0x26: {  	[smem:$0x3F82] =	sst s1;
	(tag) =	ssettag s2;
	_ =	strace s9  }
0x27: {  	s1 =	sld [smem:$0x3F92]  }
0x28: {  	s2 =	sld [smem:$0x3F93]  }
0x29: {  	s4 =	sld [smem:$0x3F95]  }
0x2a: {  	p0 =	seq.s32 s5, $0x0;
	s5 =	sld [smem:$0x3F96]  }
0x2b: {  	s6 =	sld [smem:$0x3F97]  }
0x2c: {  	s7 =	sld [smem:$0x3F98]  }
0x2d: {  	s3 =	simm.s32 $0x108;
	s8 =	sld [smem:$0x3F99]  }
0x2e: {  	s3 =	simm.s32 @!p0 $0x1082;
	s9 =	sld [smem:$0x3F9A]  }
0x2f: {  	lr =	sadd.s32 s0, s3;
	s0 =	sld [smem:$0x3F91]  }
0x30: {  	s3 =	sld [smem:$0x3F94]  }
0x31: {  	[smem:$0x3F9D] =	sst s10  }
0x32: {  	s10 =	sld [smem:$0x3F9B];
	_ =	sdelay $0x3  }
0x33: {  	p0 =	seq.s32 s10, $0x1;
	s10 =	sld [smem:$0x3F9D];
	_ =	sdelay $0x3  }
0x34: {  	[smem:$0x3F9D] =	sst s10  }
0x35: {  	s10 =	sld [smem:$0x3F9C];
	_ =	sdelay $0x3  }
0x36: {  	p1 =	seq.s32 s10, $0x1;
	s10 =	sld [smem:$0x3F9D];
	_ =	sdelay $0x3  }
0x37: {  	[smem:$0x3F9D] =	sst s10  }
0x38: {  	s10 =	sld [smem:$0x3F9E]  }
0x39: {  	_ = 	snop;
	(pc) =	sbr.ind lr, $3  }
0x3a: {  	_ = 	snop  }
0x3b: {  	_ = 	snop  }
0x3c: {  	p2 =	seq.s32 s10, $0x1;
	s10 =	sld [smem:$0x3F9D]  }
0x3d: {  	_ =	shalt  }
0x3e: {  	_ =	shalt  }
0x3f: {  	_ =	shalt  }
0x40: {  	_ =	shalt  }
0x41: {  	_ =	shalt  }
0x42: {  	_ =	shalt  }
0x43: {  	_ =	shalt  }
0x44: {  	_ =	shalt  }
0x45: {  	_ =	shalt  }
0x46: {  	_ =	shalt  }
0x47: {  	_ =	shalt  }
0x48: {  	_ =	shalt  }
0x49: {  	_ =	shalt  }
0x4a: {  	_ =	shalt  }
0x4b: {  	_ =	shalt  }
0x4c: {  	_ =	shalt  }
0x4d: {  	_ =	shalt  }
0x4e: {  	_ =	shalt  }
0x4f: {  	_ =	shalt  }
0x50: {  	_ =	shalt  }
0x51: {  	_ =	shalt  }
0x52: {  	_ =	shalt  }
0x53: {  	_ =	shalt  }
0x54: {  	_ =	shalt  }
0x55: {  	_ =	shalt  }
0x56: {  	_ =	shalt  }
0x57: {  	_ =	shalt  }
0x58: {  	_ =	shalt  }
0x59: {  	_ =	shalt  }
0x5a: {  	_ =	shalt  }
0x5b: {  	_ =	shalt  }
0x5c: {  	_ =	shalt  }
0x5d: {  	_ =	shalt  }
0x5e: {  	_ =	shalt  }
0x5f: {  	_ =	shalt  }
0x60: {  	_ =	shalt  }
0x61: {  	_ =	shalt  }
0x62: {  	_ =	shalt  }
0x63: {  	_ =	shalt  }
0x64: {  	_ =	shalt  }
0x65: {  	_ =	shalt  }
0x66: {  	_ =	shalt  }
0x67: {  	_ =	shalt  }
0x68: {  	_ =	shalt  }
0x69: {  	_ =	shalt  }
0x6a: {  	_ =	shalt  }
0x6b: {  	_ =	shalt  }
0x6c: {  	_ =	shalt  }
0x6d: {  	_ =	shalt  }
0x6e: {  	_ =	shalt  }
0x6f: {  	_ =	shalt  }
0x70: {  	_ =	shalt  }
0x71: {  	_ =	shalt  }
0x72: {  	_ =	shalt  }
0x73: {  	_ =	shalt  }
0x74: {  	_ =	shalt  }
0x75: {  	_ =	shalt  }
0x76: {  	_ =	shalt  }
0x77: {  	_ =	shalt  }
0x78: {  	_ =	shalt  }
0x79: {  	_ =	shalt  }
0x7a: {  	_ =	shalt  }
0x7b: {  	_ =	shalt  }
0x7c: {  	_ =	shalt  }
0x7d: {  	_ =	shalt  }
0x7e: {  	_ =	shalt  }
0x7f: {  	_ =	shalt  }
0x80: {  	_ =	shalt  }
0x81: {  	_ =	shalt  }
0x82: {  	_ =	shalt  }
0x83: {  	_ =	shalt  }
0x84: {  	_ =	shalt  }
0x85: {  	_ =	shalt  }
0x86: {  	_ =	shalt  }
0x87: {  	_ =	shalt  }
.Lfunc_end0:
.L_simem_size_0:
called_computation_lowered:
.L_overlay_start_0:
0x88: {  	s2 =	sld [smem:$0x3FD9]  }
0x89: {  	s3 =	sld [smem:$0x3FFE];
	_ =	sdelay $0x1  }
0x8a: {  	s1 =	srdreg.scid  }
0x8b: {  	s0 =	sand.u32 $0x1, s1  }
0x8c: {  	s16 =	sshll.u32 s0, $0xA;
	s2 =	sadd.s32 s3, s2  }
0x8d: {  	s2 =	sadd.s32 s2, s16  }
0x8e: {  	[smem:$0x3FA9] =	sst s2  }
0x8f: {  	_ = 	snop  }
0x90: {  	(tm) =	ssettm $0x1  }
0x91: {  	s17 =	sld [smem:$0x3FFB];
	_ =	sdelay $0x3  }
0x92: {  	_ =	strace s17  }
0x93: {  	s2 =	sld [smem:$0x3FFC];
	_ =	sdelay $0x3  }
0x94: {  	_ =	strace s2  }
0x95: {  	s2 =	sld [smem:$0x3FFD];
	_ =	sdelay $0x3  }
0x96: {  	_ =	strace s2  }
0x97: {  	_ =	strace $0x8FFFFFFF  }
0x98: {  	s18 =	sld [smem:$0x3FDB];
	_ =	sdelay $0x1  }
0x99: {  	s19 =	simm.s32 $_scs_section_size  }
0x9a: {  	s4 =	simm.s32 $_size__tile_overlayer_lowered;
	s5 =	simm.s32 $_tile_overlayer_lowered  }
0x9b: {  	s22 =	simm.s32 $0x1BFF;
	s21 =	sshll.u32 s5, $0x1;
	s2 =	sadd.s32 s19, s18  }
0x9c: {  	s6 =	simm.s32 $0x0;
	s20 =	sshll.u32 s4, $0x1;
	s4 =	sadd.s32 s21, s2  }
0x9d: {  	[timem:s6], [sflag:s22] =	dma.local [hbm:s4], s20  }
0x9e: {  	_ =	swait.ge [sflag:s22], s20  }
0x9f: {  	s3 =	ssub.s32 $0x0, s20;
	[sflag:s22] =	ssyncset.done $0x0  }
0xa0: {  	[sflag:s22] =	ssyncadd.s32 s3;
	_ =	sdelay $0x1  }
0xa1: {  	s23 =	simm.s32 $0x1B8B  }
0xa2: {  	_ =	swait.ge [sflag:s23], $0x1  }
0xa3: {  	[sflag:s23] =	ssyncset.done $0x0  }
0xa4: {  	s25 =	simm.s32 $0x1B8E;
	s24 =	sld [smem:$0x3FFE];
	[sflag:s23] =	ssyncadd.s32 $0xFFFFFFFF  }
0xa5: {  	s26 =	simm.s32 $execute0_lowered;
	[smem:$0x3FD2] =	sst s25  }
0xa6: {  	s4 =	sshll.u32 s26, $0x1;
	_ =	strace $0x80000046;
	[dreg:$0x1] =	wrdreg $0xFFFFFFFF  }
0xa7: {  	s28 =	simm.s32 $_size_execute0_lowered;
	s2 =	sadd.s32 s2, s4;
	[dreg:$0x0] =	wrdreg $0x0  }
0xa8: {  	s4 =	sshll.u32 s28, $0x1;
	[dreg:$0x2] =	wrdreg s2  }
0xa9: {  	[dreg:$0x3] =	wrdreg s4  }
0xaa: {  	[dreg:$0x4] =	wrdreg $0xC0  }
0xab: {  	_ =	task [dreg:s6], $0x5FFFF  }
0xac: {  	[dreg:$0x1] =	wrdreg $0xFFFFFFFF  }
0xad: {  	[dreg:$0x0] =	wrdreg $0x60  }
0xae: {  	[dreg:$0x2] =	wrdreg s24  }
0xaf: {  	[dreg:$0x3] =	wrdreg $0x0  }
0xb0: {  	[dreg:$0x4] =	wrdreg $0xA  }
0xb1: {  	_ =	task.clear_ibuf [dreg:s6], $0x5FFFF;
	_ =	strace $0x90000046  }
0xb2: {  	s29 =	simm.s32 $0xA;
	_ =	strace $0x80000048  }
0xb3: {  	_ =	swait.ge [sflag:s29], $0x1  }
0xb4: {  	[sflag:s29] =	ssyncadd.s32 $0xFFFFFFFF  }
0xb5: {  	_ =	strace $0x90000048  }
0xb6: {  	_ =	sfence  }
0xb7: {  	s30 =	sld [smem:$0x0];
	_ =	sdelay $0x2  }
0xb8: {  	s31 =	sshll.u32 s1, $0xD;
	s1 =	sshrl.u32 s1, $0x2  }
0xb9: {  	s3 =	sand.u32 $0x4000, s31;
	s1 =	sadd.s32 s1, s30  }
0xba: {  	s0 =	sor.u32 s3, s0;
	s1 =	sshll.u32 s1, $0x11  }
0xbb: {  	s0 =	sor.u32 s1, s0  }
0xbc: {  	s0 =	sadd.s32 $0x8F2B, s0  }
0xbd: {  	[sflag:s0] =	ssyncadd.remote.s32 $0x1  }
0xbe: {  	_ =	sfence.sel $0xFFFF  }
0xbf: {  	[dreg:$0x0] =	wrdreg $0xFFFFFFFF;
	(pc) =	sbr.abs _section_cstart, $3  }
0xc0: {  	[dreg:$0x1] =	wrdreg $0xFFFFFFFF  }
0xc1: {  	_ =	task.clear_ibuf [dreg:s6], $0x2FFFF;
	_ =	strace $0x9FFFFFFF  }
0xc2: {  	(tm) =	ssettm $0x7FFFFFFF  }
0xc3: {  	_ =	shalt  }
tec
execute0_lowered:
.L_overlay_start_1:
0x0: {  	(tag) =	ssettag $0x1  }
0x1: {  	s0 =	rddreg [dreg:$0x0]  }
0x2: {  	s1 =	rddreg [dreg:$0x1]  }
0x3: {  	s3 =	simm.s32 $0x0;
	s2 =	srdreg.scid;
	s10 =	stileid.u32  }
0x4: {  	s31 =	simm.s32 $0x6;
	[smem:$0x7FF] =	sst s3;
	s2 =	sand.u32 $0x1, s2  }
0x5: {  	s4 =	sadd.s32 $0x18E00, s0;
	s8 =	smul.u32 $0x4F000, s10;
	s5 =	sadd.s32 $0xF000, s0  }
0x6: {  	s12 =	smul.u32 $0x13C00, s10;
	s6 =	sadd.s32 $0x5200, s0;
	s0 =	sadd.s32 $0x40000, s0  }
0x7: {  	s17 =	sshll.u32 s10, $0x1;
	_ =	strace $0x80000047;
	s7 =	ssub.s32 $0x2, s2  }
0x8: {  	s16 =	smul.u32 $0x13C000, s2;
	s9 =	sshrl.u32 s7, $0x1;
	s8 =	sshrl.u32 s8, $0x2  }
0x9: {  	s13 =	sadd.s32 $0x4000, s12;
	s19 =	sadd.s32 $0x8000, s12;
	s14 =	sadd.s32 $0xC000, s12  }
0xa: {  	s15 =	sadd.s32 $0x10000, s12;
	s7 =	ssub.s32 s7, s9;
	s8 =	sadd.s32 s8, s1  }
0xb: {  	s9 =	sor.u32 s2, s17;
	s18 =	sadd.s32 s13, s1;
	[dreg:$0x3] =	wrdreg s8  }
0xc: {  	s11 =	sadd.s32 s19, s1;
	s20 =	sadd.s32 s14, s1;
	[dreg:$0x4] =	wrdreg s18  }
0xd: {  	s21 =	sadd.s32 s15, s1;
	s12 =	sadd.s32 s12, s16;
	[dreg:$0x5] =	wrdreg s11  }
0xe: {  	s13 =	sadd.s32 s16, s13;
	s2 =	smul.u32 $0x2710, s2;
	[dreg:$0x6] =	wrdreg s20  }
0xf: {  	s9 =	smul.u32 $0x2710, s9;
	[dreg:$0x7] =	wrdreg s21;
	s12 =	sshrl.u32 s12, $0x3  }
0x10: {  	s13 =	sshrl.u32 s13, $0x3;
	s8 =	sadd.s32 s16, s19;
	s7 =	smax.u32 s7, $0x1  }
0x11: {  	s26 =	sadd.s32 s0, s12;
	s12 =	sadd.s32 s0, s13;
	s13 =	sadd.s32 s16, s14  }
0x12: {  	s14 =	sadd.s32 s16, s15;
	s15 =	smul.u32 $0x4E20, s10;
	[dreg:$0x15] =	wrdreg s7  }
0x13: {  	s8 =	sshrl.u32 s8, $0x3;
	s7 =	simm.s32 $0x0;
	[dreg:$0xc] =	wrdreg s26  }
0x14: {  	s9 =	sshrl.u32 s9, $0x3;
	[dreg:$0xd] =	wrdreg s12;
	s12 =	sshrl.u32 s13, $0x3  }
0x15: {  	s8 =	sadd.s32 s0, s8;
	s13 =	simm.s32 $0x7;
	s22 =	sadd.s32 s5, s9  }
0x16: {  	s23 =	sadd.s32 s6, s9;
	s17 =	sadd.s32 $0x10, s9;
	[dreg:$0xe] =	wrdreg s8  }
0x17: {  	s16 =	sadd.s32 s0, s12;
	s18 =	sadd.s32 $0x20, s9;
	s2 =	sadd.s32 s2, s15  }
0x18: {  	s20 =	sadd.s32 $0x4E0, s9;
	s12 =	simm.s32 $0x17C00;
	[dreg:$0x8] =	wrdreg s22  }
0x19: {  	s15 =	simm.s32 $0x80;
	[dreg:$0x9] =	wrdreg s23;
	s24 =	sadd.s32 s5, s17  }
0x1a: {  	s25 =	sadd.s32 s6, s17;
	[dreg:$0xf] =	wrdreg s16;
	s17 =	sshrl.u32 s14, $0x3  }
0x1b: {  	s19 =	sadd.s32 s5, s18;
	s21 =	sadd.s32 s5, s20;
	[dreg:$0xa] =	wrdreg s24  }
0x1c: {  	s22 =	sadd.s32 $0x280, s2;
	s23 =	sadd.s32 $0x200, s2;
	[dreg:$0xb] =	wrdreg s25  }
0x1d: {  	s14 =	simm.s32 $0x17C80;
	s16 =	simm.s32 $0x1BD00;
	[dreg:$0x11] =	wrdreg s19  }
0x1e: {  	s0 =	sadd.s32 s0, s17;
	[dreg:$0x13] =	wrdreg s21;
	s24 =	sshrl.u32 s23, $0x3  }
0x1f: {  	s25 =	sadd.s32 $0x180, s2;
	s2 =	simm.s32 $0x1;
	s17 =	simm.s32 $0x1BD80  }
0x20: {  	s19 =	simm.s32 $0x1FE00;
	s21 =	simm.s32 $0x1BE00;
	s23 =	simm.s32 $0x5  }
0x21: {  	[dreg:$0x10] =	wrdreg s0;
	s0 =	sadd.s32 s6, s18;
	s29 =	sadd.s32 s24, s6  }
.Ltmp0:
0x22: {  	s30 =	sadd.s32 s24, s5;
	[dreg:$0x16] =	wrdreg s25;
	(pc) =	sbr.rel .LBB2_1-.Ltmp0, $4  }
0x23: {  	s18 =	simm.s32 $0x17D00;
	s24 =	simm.s32 $0x2;
	s25 =	simm.s32 $0x4  }
0x24: {  	[dreg:$0x12] =	wrdreg s0;
	s0 =	sadd.s32 s6, s20;
	s20 =	simm.s32 $0x1FE80  }
0x25: {  	[dreg:$0x14] =	wrdreg s0;
	s0 =	sshrl.u32 s22, $0x3;
	s22 =	simm.s32 $0x3  }
0x26: {  	v0 =	vimm.f32 $0.0e+00;
	s26 =	sadd.s32 s0, s6;
	s28 =	sadd.s32 s0, s5;
	s0 =	simm.s32 $0x13C00  }
.LBB2_6:
0x27: {  	_ =	swait.ge [sflag:s25], $0x4000  }
0x28: {  	[sflag:s25] =	ssyncset.done $0x0  }
0x29: {  	[sflag:s25] =	ssyncadd.s32 $0xFFFFC000  }
0x2a: {  	_ =	swait.ge [sflag:s31], $0x4000  }
0x2b: {  	[sflag:s31] =	ssyncset.done $0x0  }
0x2c: {  	s9 =	simm.s32 $0x1FF00;
	s8 =	rddreg [dreg:$0x13];
	[sflag:s31] =	ssyncadd.s32 $0xFFFFC000  }
0x2d: {  	[tilespmem:s9], [sflag:$0x7] =	stream.linear.gather [hbm4b:s8+s3], $0x10, $0x38;
	v63 =	vld [tilespmem:$0x0]  }
0x2e: {  	_ =	swait.ge [sflag:s13], $0x10  }
0x2f: {  	[sflag:s13] =	ssyncset.done $0x0  }
0x30: {  	s10 =	simm.s32 $0x1FF80;
	s11 =	rddreg [dreg:$0x14];
	[sflag:s13] =	ssyncadd.s32 $0xFFFFFFF0  }
0x31: {  	[tilespmem:s10], [sflag:$0x7] =	stream.linear.gather [hbm4b:s11+s3], $0x10, $0x38;
	v63 =	vld [tilespmem:$0x0]  }
0x32: {  	_ =	swait.ge [sflag:s13], $0x10  }
0x33: {  	[sflag:s13] =	ssyncset.done $0x0  }
0x34: {  	s11 =	simm.s32 $0x10;
	[sflag:s13] =	ssyncadd.s32 $0xFFFFFFF0  }
0x35: {  	[tilespmem:s0], [sflag:$0x1] =	stream.indirect.gather [hbm4b:s4+s11], $0x80, s9, s11, $0xb8;
	v63 =	vld [tilespmem:$0x0]  }
0x36: {  	_ =	swait.ge [sflag:s2], $0x800  }
0x37: {  	[sflag:s2] =	ssyncset.done $0x0  }
0x38: {  	[sflag:s2] =	ssyncadd.s32 $0xFFFFF800  }
0x39: {  	[spmem:s1] =	stream.indirect.scatter.add.f32 [tilespmem:s0], [sflag:$0x7], $0x80, s10, s11, $0xb8;
	v63 =	vld [tilespmem:$0x0]  }
0x3a: {  	_ =	swait.ge [sflag:s13], $0x800  }
0x3b: {  	[sflag:s13] =	ssyncset.done $0x0  }
0x3c: {  	[sflag:s13] =	ssyncadd.s32 $0xFFFFF800  }
0x3d: {  	[bflag:$0x0] =	sbarrier.arrive $0xFFFF  }
0x3e: {  	s10 =	rddreg [dreg:$0x3]  }
0x3f: {  	[tilespmem:s0], [sflag:$0x1] =	stream.linear.gather [spmem:s10], $0x4000, $0x38;
	v63 =	vld [tilespmem:$0x0]  }
0x40: {  	_ =	swait.ge [sflag:s2], $0x4000  }
0x41: {  	[sflag:s2] =	ssyncset.done $0x0  }
0x42: {  	s11 =	rddreg [dreg:$0xc];
	[sflag:s2] =	ssyncadd.s32 $0xFFFFC000  }
0x43: {  	[hbm4b:s11+s3] =	stream.linear.scatter [tilespmem:s0], [sflag:$0x2], $0x4000, $0x38;
	v63 =	vld [tilespmem:$0x0]  }
0x44: {  	s9 =	rddreg [dreg:$0x4]  }
0x45: {  	[tilespmem:s18], [sflag:$0x3] =	stream.linear.gather [spmem:s9], $0x4000, $0x38;
	v63 =	vld [tilespmem:$0x0]  }
0x46: {  	_ =	swait.ge [sflag:s22], $0x4000  }
0x47: {  	[sflag:s22] =	ssyncset.done $0x0  }
0x48: {  	s10 =	rddreg [dreg:$0xd];
	[sflag:s22] =	ssyncadd.s32 $0xFFFFC000  }
0x49: {  	[hbm4b:s10+s3] =	stream.linear.scatter [tilespmem:s18], [sflag:$0x4], $0x4000, $0x38;
	v63 =	vld [tilespmem:$0x0]  }
0x4a: {  	s11 =	rddreg [dreg:$0x5]  }
0x4b: {  	[tilespmem:s21], [sflag:$0x5] =	stream.linear.gather [spmem:s11], $0x4000, $0x38;
	v63 =	vld [tilespmem:$0x0]  }
0x4c: {  	_ =	swait.ge [sflag:s23], $0x4000  }
0x4d: {  	[sflag:s23] =	ssyncset.done $0x0  }
0x4e: {  	s9 =	rddreg [dreg:$0xe];
	[sflag:s23] =	ssyncadd.s32 $0xFFFFC000  }
0x4f: {  	[hbm4b:s9+s3] =	stream.linear.scatter [tilespmem:s21], [sflag:$0x6], $0x4000, $0x38;
	v63 =	vld [tilespmem:$0x0]  }
0x50: {  	_ =	swait.ge [sflag:s24], $0x4000  }
0x51: {  	[sflag:s24] =	ssyncset.done $0x0  }
0x52: {  	s10 =	rddreg [dreg:$0x6];
	[sflag:s24] =	ssyncadd.s32 $0xFFFFC000  }
0x53: {  	[tilespmem:s0], [sflag:$0x1] =	stream.linear.gather [spmem:s10], $0x4000, $0x38;
	v63 =	vld [tilespmem:$0x0]  }
0x54: {  	_ =	swait.ge [sflag:s2], $0x4000  }
0x55: {  	[sflag:s2] =	ssyncset.done $0x0  }
0x56: {  	s11 =	rddreg [dreg:$0xf];
	[sflag:s2] =	ssyncadd.s32 $0xFFFFC000  }
0x57: {  	[hbm4b:s11+s3] =	stream.linear.scatter [tilespmem:s0], [sflag:$0x2], $0x4000, $0x38;
	v63 =	vld [tilespmem:$0x0]  }
0x58: {  	_ =	swait.ge [sflag:s25], $0x4000  }
0x59: {  	[sflag:s25] =	ssyncset.done $0x0  }
0x5a: {  	s9 =	rddreg [dreg:$0x7];
	[sflag:s25] =	ssyncadd.s32 $0xFFFFC000  }
0x5b: {  	[tilespmem:s18], [sflag:$0x3] =	stream.linear.gather [spmem:s9], $0x3C00, $0x38;
	v63 =	vld [tilespmem:$0x0]  }
0x5c: {  	_ =	swait.ge [sflag:s22], $0x3C00  }
0x5d: {  	[sflag:s22] =	ssyncset.done $0x0  }
0x5e: {  	s10 =	rddreg [dreg:$0x10];
	[sflag:s22] =	ssyncadd.s32 $0xFFFFC400  }
0x5f: {  	[hbm4b:s10+s3] =	stream.linear.scatter [tilespmem:s18], [sflag:$0x4], $0x3C00, $0x38;
	v63 =	vld [tilespmem:$0x0]  }
0x60: {  	_ =	swait.ge [sflag:s31], $0x4000  }
0x61: {  	[sflag:s31] =	ssyncset.done $0x0  }
0x62: {  	[sflag:s31] =	ssyncadd.s32 $0xFFFFC000  }
0x63: {  	_ =	swait.ge [sflag:s24], $0x4000  }
0x64: {  	[sflag:s24] =	ssyncset.done $0x0  }
0x65: {  	[sflag:s24] =	ssyncadd.s32 $0xFFFFC000  }
0x66: {  	_ =	swait.ge [sflag:s25], $0x3C00  }
0x67: {  	s7 =	sadd.s32 $0x1, s7;
	s11 =	rddreg [dreg:$0x15]  }
0x68: {  	p0 =	sne.s32 s7, s11  }
.Ltmp1:
0x69: {  	_ = 	snop;
	(pc) =	sbr.rel @!p0 .LBB2_7-.Ltmp1, $3  }
0x6a: {  	_ =	sdelay $0x1  }
0x6b: {  	[sflag:s25] =	ssyncset.done $0x0  }
0x6c: {  	[sflag:s25] =	ssyncadd.s32 $0xFFFFC400  }
.LBB2_1:
0x6d: {  	s8 =	simm.s32 $0x0;
	s9 =	simm.s32 $0x200  }
.LBB2_2:
0x6e: {  	p0 =	sne.s32 s9, $0xFE00;
	[tilespmem:s8+$0x13C70] =	vst v0  }
0x6f: {  	[tilespmem:s8+$0x13C00] =	vst v0  }
0x70: {  	[tilespmem:s8+$0x13C10] =	vst v0  }
.Ltmp2:
0x71: {  	[tilespmem:s8+$0x13C20] =	vst v0;
	(pc) =	sbr.rel @p0 .LBB2_2-.Ltmp2, $4  }
0x72: {  	[tilespmem:s8+$0x13C30] =	vst v0  }
0x73: {  	[tilespmem:s8+$0x13C40] =	vst v0  }
0x74: {  	[tilespmem:s8+$0x13C50] =	vst v0  }
0x75: {  	[tilespmem:s8+$0x13C60] =	vst v0;
	s8 =	sshra.s32 s9, $0x2;
	s9 =	sadd.s32 $0x200, s9  }
0x76: {  	[tilespmem:s8+$0x13C70] =	vst v0  }
0x77: {  	[tilespmem:s8+$0x13C00] =	vst v0  }
0x78: {  	[tilespmem:s8+$0x13C10] =	vst v0  }
0x79: {  	[tilespmem:s8+$0x13C20] =	vst v0  }
0x7a: {  	[tilespmem:s8+$0x13C30] =	vst v0  }
0x7b: {  	[tilespmem:s8+$0x13C40] =	vst v0  }
0x7c: {  	[tilespmem:s8+$0x13C50] =	vst v0  }
0x7d: {  	[tilespmem:s8+$0x13C60] =	vst v0;
	s9 =	rddreg [dreg:$0x3]  }
0x7e: {  	[spmem:s9] =	stream.linear.scatter [tilespmem:s0], [sflag:$0x1], $0x4000, $0x38;
	v63 =	vld [tilespmem:$0x0]  }
0x7f: {  	s10 =	rddreg [dreg:$0x4]  }
0x80: {  	[spmem:s10] =	stream.linear.scatter [tilespmem:s0], [sflag:$0x1], $0x4000, $0x38;
	v63 =	vld [tilespmem:$0x0]  }
0x81: {  	s11 =	rddreg [dreg:$0x5]  }
0x82: {  	[spmem:s11] =	stream.linear.scatter [tilespmem:s0], [sflag:$0x1], $0x4000, $0x38;
	v63 =	vld [tilespmem:$0x0]  }
0x83: {  	s9 =	rddreg [dreg:$0x6]  }
0x84: {  	[spmem:s9] =	stream.linear.scatter [tilespmem:s0], [sflag:$0x1], $0x4000, $0x38;
	v63 =	vld [tilespmem:$0x0]  }
0x85: {  	s10 =	rddreg [dreg:$0x7]  }
0x86: {  	[spmem:s10] =	stream.linear.scatter [tilespmem:s0], [sflag:$0x1], $0x3C00, $0x38;
	v63 =	vld [tilespmem:$0x0]  }
0x87: {  	_ =	swait.ge [sflag:s2], $0x4000  }
0x88: {  	[sflag:s2] =	ssyncset.done $0x0  }
0x89: {  	[sflag:s2] =	ssyncadd.s32 $0xFFFFC000  }
0x8a: {  	_ =	swait.ge [sflag:s2], $0x4000  }
0x8b: {  	[sflag:s2] =	ssyncset.done $0x0  }
0x8c: {  	[sflag:s2] =	ssyncadd.s32 $0xFFFFC000  }
0x8d: {  	_ =	swait.ge [sflag:s2], $0x4000  }
0x8e: {  	[sflag:s2] =	ssyncset.done $0x0  }
0x8f: {  	[sflag:s2] =	ssyncadd.s32 $0xFFFFC000  }
0x90: {  	_ =	swait.ge [sflag:s2], $0x4000  }
0x91: {  	[sflag:s2] =	ssyncset.done $0x0  }
0x92: {  	[sflag:s2] =	ssyncadd.s32 $0xFFFFC000  }
0x93: {  	_ =	swait.ge [sflag:s2], $0x3C00  }
0x94: {  	[sflag:s2] =	ssyncset.done $0x0  }
0x95: {  	[sflag:s2] =	ssyncadd.s32 $0xFFFFC400  }
0x96: {  	[bflag:$0x0] =	sbarrier.arrive $0xFFFF  }
0x97: {  	s8 =	simm.s32 $0x0;
	s9 =	rddreg [dreg:$0x8]  }
0x98: {  	[tilespmem:s12], [sflag:$0x7] =	stream.linear.gather [hbm4b:s9+s8], $0x80, $0x38;
	v63 =	vld [tilespmem:$0x0]  }
0x99: {  	_ =	swait.ge [sflag:s13], $0x80  }
0x9a: {  	[sflag:s13] =	ssyncset.done $0x0  }
0x9b: {  	s11 =	rddreg [dreg:$0x9];
	[sflag:s13] =	ssyncadd.s32 $0xFFFFFF80  }
0x9c: {  	[tilespmem:s14], [sflag:$0x7] =	stream.linear.gather [hbm4b:s11+s8], $0x80, $0x38;
	v63 =	vld [tilespmem:$0x0]  }
0x9d: {  	_ =	swait.ge [sflag:s13], $0x80  }
0x9e: {  	[sflag:s13] =	ssyncset.done $0x0  }
0x9f: {  	[sflag:s13] =	ssyncadd.s32 $0xFFFFFF80  }
0xa0: {  	[tilespmem:s0], [sflag:$0x1] =	stream.indirect.gather [hbm4b:s4+s15], $0x80, s12, s15, $0xb8;
	v63 =	vld [tilespmem:$0x0]  }
0xa1: {  	s10 =	rddreg [dreg:$0xa]  }
0xa2: {  	[tilespmem:s16], [sflag:$0x7] =	stream.linear.gather [hbm4b:s10+s8], $0x80, $0x38;
	v63 =	vld [tilespmem:$0x0]  }
0xa3: {  	_ =	swait.ge [sflag:s13], $0x80  }
0xa4: {  	[sflag:s13] =	ssyncset.done $0x0  }
0xa5: {  	s11 =	rddreg [dreg:$0xb];
	[sflag:s13] =	ssyncadd.s32 $0xFFFFFF80  }
0xa6: {  	[tilespmem:s17], [sflag:$0x7] =	stream.linear.gather [hbm4b:s11+s8], $0x80, $0x38;
	v63 =	vld [tilespmem:$0x0]  }
0xa7: {  	_ =	swait.ge [sflag:s13], $0x80  }
0xa8: {  	[sflag:s13] =	ssyncset.done $0x0  }
0xa9: {  	[sflag:s13] =	ssyncadd.s32 $0xFFFFFF80  }
0xaa: {  	[tilespmem:s18], [sflag:$0x3] =	stream.indirect.gather [hbm4b:s4+s15], $0x80, s16, s15, $0xb8;
	v63 =	vld [tilespmem:$0x0]  }
0xab: {  	s10 =	rddreg [dreg:$0x11]  }
0xac: {  	[tilespmem:s19], [sflag:$0x7] =	stream.linear.gather [hbm4b:s10+s8], $0x80, $0x38;
	v63 =	vld [tilespmem:$0x0]  }
0xad: {  	_ =	swait.ge [sflag:s13], $0x80  }
0xae: {  	[sflag:s13] =	ssyncset.done $0x0  }
0xaf: {  	s11 =	rddreg [dreg:$0x12];
	[sflag:s13] =	ssyncadd.s32 $0xFFFFFF80  }
0xb0: {  	[tilespmem:s20], [sflag:$0x7] =	stream.linear.gather [hbm4b:s11+s8], $0x80, $0x38;
	v63 =	vld [tilespmem:$0x0]  }
0xb1: {  	_ =	swait.ge [sflag:s13], $0x80  }
0xb2: {  	[sflag:s13] =	ssyncset.done $0x0  }
0xb3: {  	s9 =	rddreg [dreg:$0x16];
	[sflag:s13] =	ssyncadd.s32 $0xFFFFFF80  }
0xb4: {  	[tilespmem:s21], [sflag:$0x5] =	stream.indirect.gather [hbm4b:s4+s15], $0x80, s19, s15, $0xb8;
	v63 =	vld [tilespmem:$0x0]  }
.LBB2_4:
0xb5: {  	_ =	swait.ge [sflag:s2], $0x4000  }
0xb6: {  	[sflag:s2] =	ssyncset.done $0x0  }
0xb7: {  	[sflag:s2] =	ssyncadd.s32 $0xFFFFC000  }
0xb8: {  	[spmem:s1] =	stream.indirect.scatter.add.f32 [tilespmem:s0], [sflag:$0x2], $0x80, s14, s15, $0xb8;
	v63 =	vld [tilespmem:$0x0]  }
0xb9: {  	_ =	swait.ge [sflag:s22], $0x4000  }
0xba: {  	[sflag:s22] =	ssyncset.done $0x0  }
0xbb: {  	[sflag:s22] =	ssyncadd.s32 $0xFFFFC000  }
0xbc: {  	[spmem:s1] =	stream.indirect.scatter.add.f32 [tilespmem:s18], [sflag:$0x4], $0x80, s17, s15, $0xb8;
	v63 =	vld [tilespmem:$0x0]  }
0xbd: {  	_ =	swait.ge [sflag:s23], $0x4000  }
0xbe: {  	p0 =	seq.s32 s8, $0x4B0;
	[sflag:s23] =	ssyncset.done $0x0  }
.Ltmp3:
0xbf: {  	[sflag:s23] =	ssyncadd.s32 $0xFFFFC000;
	(pc) =	sbr.rel @p0 .LBB2_6-.Ltmp3, $4  }
0xc0: {  	[spmem:s1] =	stream.indirect.scatter.add.f32 [tilespmem:s21], [sflag:$0x6], $0x80, s20, s15, $0xb8;
	v63 =	vld [tilespmem:$0x0]  }
0xc1: {  	_ =	swait.ge [sflag:s24], $0x4000  }
0xc2: {  	[sflag:s24] =	ssyncset.done $0x0  }
0xc3: {  	[sflag:s24] =	ssyncadd.s32 $0xFFFFC000  }
0xc4: {  	s10 =	sshrl.u32 s9, $0x3  }
0xc5: {  	s11 =	sadd.s32 s5, s10  }
0xc6: {  	[tilespmem:s12], [sflag:$0x7] =	stream.linear.gather [hbm4b:s11+s3], $0x80, $0x38;
	v63 =	vld [tilespmem:$0x0]  }
0xc7: {  	_ =	swait.ge [sflag:s13], $0x80  }
0xc8: {  	[sflag:s13] =	ssyncset.done $0x0  }
0xc9: {  	s10 =	sadd.s32 s6, s10;
	[sflag:s13] =	ssyncadd.s32 $0xFFFFFF80  }
0xca: {  	[tilespmem:s14], [sflag:$0x7] =	stream.linear.gather [hbm4b:s10+s3], $0x80, $0x38;
	v63 =	vld [tilespmem:$0x0]  }
0xcb: {  	_ =	swait.ge [sflag:s13], $0x80  }
0xcc: {  	[sflag:s13] =	ssyncset.done $0x0  }
0xcd: {  	[sflag:s13] =	ssyncadd.s32 $0xFFFFFF80  }
0xce: {  	[tilespmem:s0], [sflag:$0x1] =	stream.indirect.gather [hbm4b:s4+s15], $0x80, s12, s15, $0xb8;
	v63 =	vld [tilespmem:$0x0]  }
0xcf: {  	_ =	swait.ge [sflag:s25], $0x4000  }
0xd0: {  	[sflag:s25] =	ssyncset.done $0x0  }
0xd1: {  	s11 =	sadd.s32 s8, s30;
	[sflag:s25] =	ssyncadd.s32 $0xFFFFC000  }
0xd2: {  	[tilespmem:s16], [sflag:$0x7] =	stream.linear.gather [hbm4b:s11+s3], $0x80, $0x38;
	v63 =	vld [tilespmem:$0x0]  }
0xd3: {  	_ =	swait.ge [sflag:s13], $0x80  }
0xd4: {  	[sflag:s13] =	ssyncset.done $0x0  }
0xd5: {  	s11 =	sadd.s32 s8, s29;
	[sflag:s13] =	ssyncadd.s32 $0xFFFFFF80  }
0xd6: {  	[tilespmem:s17], [sflag:$0x7] =	stream.linear.gather [hbm4b:s11+s3], $0x80, $0x38;
	v63 =	vld [tilespmem:$0x0]  }
0xd7: {  	_ =	swait.ge [sflag:s13], $0x80  }
0xd8: {  	[sflag:s13] =	ssyncset.done $0x0  }
0xd9: {  	[sflag:s13] =	ssyncadd.s32 $0xFFFFFF80  }
0xda: {  	[tilespmem:s18], [sflag:$0x3] =	stream.indirect.gather [hbm4b:s4+s15], $0x80, s16, s15, $0xb8;
	v63 =	vld [tilespmem:$0x0]  }
0xdb: {  	_ =	swait.ge [sflag:s31], $0x4000  }
0xdc: {  	[sflag:s31] =	ssyncset.done $0x0  }
0xdd: {  	s11 =	sadd.s32 s8, s28;
	[sflag:s31] =	ssyncadd.s32 $0xFFFFC000  }
0xde: {  	[tilespmem:s19], [sflag:$0x7] =	stream.linear.gather [hbm4b:s11+s3], $0x80, $0x38;
	v63 =	vld [tilespmem:$0x0]  }
0xdf: {  	_ =	swait.ge [sflag:s13], $0x80  }
0xe0: {  	[sflag:s13] =	ssyncset.done $0x0  }
0xe1: {  	s11 =	sadd.s32 s8, s26;
	[sflag:s13] =	ssyncadd.s32 $0xFFFFFF80  }
0xe2: {  	[tilespmem:s20], [sflag:$0x7] =	stream.linear.gather [hbm4b:s11+s3], $0x80, $0x38;
	v63 =	vld [tilespmem:$0x0]  }
.Ltmp4:
0xe3: {  	_ = 	snop;
	(pc) =	sbr.rel .LBB2_4-.Ltmp4, $4  }
0xe4: {  	_ =	swait.ge [sflag:s13], $0x80  }
0xe5: {  	[sflag:s13] =	ssyncset.done $0x0  }
0xe6: {  	s9 =	sadd.s32 $0x180, s9;
	s8 =	sadd.s32 $0x30, s8;
	[sflag:s13] =	ssyncadd.s32 $0xFFFFFF80  }
0xe7: {  	[tilespmem:s21], [sflag:$0x5] =	stream.indirect.gather [hbm4b:s4+s15], $0x80, s19, s15, $0xb8;
	v63 =	vld [tilespmem:$0x0]  }
.LBB2_7:
0xe8: {  	_ =	sfence.sel $0x180000  }
0xe9: {  	[bflag:$0x0] =	sbarrier.arrive $0xFFFF  }
0xea: {  	_ =	strace $0x90000047  }
0xeb: {  	s0 =	stileid.u32;
	[bflag:$0x2] =	sbarrier.arrive $0xFFFF  }
0xec: {  	p0 =	sne.s32 s0, $0x0;
	s0 =	rddreg [dreg:$0x2]  }
0xed: {  	s0 =	sadd.s32 @!p0 $0x100000, s0  }
0xee: {  	[sflag:s0] =	ssyncadd.tile.s32 @!p0 $0x1;
	_ =	shalt  }
.Lfunc_end2:
_tile_overlayer_lowered:
.L_overlay_start_2:
0xef: {  	(tag) =	ssettag $0x2  }
0xf0: {  	s0 =	rddreg [dreg:$0x0];
	s2 =	stileid.u32  }
0xf1: {  	s1 =	rddreg [dreg:$0x1];
	p0 =	sne.s32 s2, $0x0  }
0xf2: {  	s3 =	rddreg [dreg:$0x2];
	[bflag:$0x3] =	sbarrier.arrive $0xFFFF;
	s2 =	simm.s32 @!p0 $0x1C07  }
0xf3: {  	[timem:s3], [sflag:s2] =	dma.local @!p0 [hbm:s0], s1  }
0xf4: {  	s0 =	simm.s32 @!p0 $0x7  }
0xf5: {  	_ =	swait.ge @!p0 [sflag:s0], s1  }
0xf6: {  	s1 =	ssub.s32 @!p0 $0x0, s1;
	[sflag:s0] =	ssyncset.done @!p0 $0x0  }
0xf7: {  	[sflag:s0] =	ssyncadd.s32 @!p0 s1  }
0xf8: {  	[bflag:$0x3] =	sbarrier.arrive $0xFFFF  }
0xf9: {  	_ =	shalt  }

// kernel: kernel.13.cloned.1.call-start
scs
__scs_entry_jumppad:
0x0: {  	(pc) =	sbr.rel $0x88, $3  }
0x1: {  	(tag) =	ssettag $0x0;
	lr =	simm.s32 $0x1  }
0x2: {  	[smem:$0x3F82] =	sst lr;
	_ =	strace $0xD0000000  }
0x3: {  	_ = 	snop  }
0x4: {  	_ = 	snop  }
0x5: {  	_ = 	snop  }
0x6: {  	_ = 	snop  }
0x7: {  	_ = 	snop  }
__scs_overlays_trampoline_lowered:
0x8: {  	[smem:$0x3F91] =	sst s0  }
0x9: {  	[smem:$0x3F92] =	sst s1  }
0xa: {  	[smem:$0x3F93] =	sst s2  }
0xb: {  	[smem:$0x3F94] =	sst s3  }
0xc: {  	[smem:$0x3F95] =	sst s4  }
0xd: {  	[smem:$0x3F96] =	sst s5  }
0xe: {  	[smem:$0x3F97] =	sst s6  }
0xf: {  	[smem:$0x3F98] =	sst s7  }
0x10: {  	[smem:$0x3F99] =	sst s8  }
0x11: {  	[smem:$0x3F9A] =	sst s9;
	s0 =	simm.s32 @!p0 $0x0  }
0x12: {  	s1 =	sld [smem:$0x3F80];
	s0 =	simm.s32 @p0 $0x1  }
0x13: {  	[smem:$0x3F9B] =	sst s0;
	s0 =	simm.s32 @!p1 $0x0  }
0x14: {  	s2 =	sld [smem:$0x3F7F];
	s0 =	simm.s32 @p1 $0x1  }
0x15: {  	[smem:$0x3F9C] =	sst s0;
	s0 =	simm.s32 @!p2 $0x0  }
0x16: {  	s3 =	sld [smem:$0x3FDB];
	s0 =	simm.s32 @p2 $0x1  }
0x17: {  	s4 =	simm.s32 $0x1BF5;
	[smem:$0x3F9E] =	sst s0  }
0x18: {  	s0 =	sld [smem:$0x3F81];
	_ =	swait.ge [sflag:s4], $0x0  }
0x19: {  	s7 =	sld [smem:$0x3F82]  }
0x1a: {  	s8 =	sadd.s32 $0xFFFFE003, lr  }
0x1b: {  	s9 =	sadd.s32 $0xFFFFFEF7, lr;
	s5 =	simm.s32 $0xFFFFFFFF;
	p2 =	slt.u32 s8, $0xFFFFF086  }
0x1c: {  	p1 =	slt.u32 s9, $0xF7A;
	s5 =	simm.s32 @!p2 $0x0  }
0x1d: {  	s5 =	simm.s32 @p1 $0x1;
	p0 =	seq.s32 s7, s2  }
0x1e: {  	s7 =	smul.u32 @!p0 $0xF7A, s2;
	p2 =	seq.s32 @!p0 s5, $0x0  }
0x1f: {  	s9 =	smul.u32 $0xF7A, s1;
	s8 =	simm.s32 @!p0 $0x1BF5;
	p2 =	por !p2, p0  }
0x20: {  	[sflag:s8] =	ssyncset.s32 @!p0 $0xFFFFF086;
	s6 =	sadd.s32 @!p0 s3, s7;
	s7 =	simm.s32 @!p0 $0x108  }
0x21: {  	s3 =	sadd.s32 s3, s9;
	s6 =	sadd.s32 @!p0 $0x88, s6;
	s7 =	simm.s32 @p2 $0x1082  }
0x22: {  	[simem:s7], [sflag:s8] =	dma.local @!p0 [hbm:s6], $0xF7A  }
0x23: {  	s9 =	sor.u32 $0xD0000000, s2;
	s6 =	simm.s32 $0x108;
	_ =	swait.ge @!p0 [sflag:s8], $0x0  }
0x24: {  	s3 =	sadd.s32 $0x88, s3;
	s6 =	simm.s32 @!p1 $0x1082;
	[sflag:s4] =	ssyncset.s32 $0xFFFFF086  }
0x25: {  	[simem:s6], [sflag:s4] =	dma.local [hbm:s3], $0xF7A  }
0x26: {  	[smem:$0x3F82] =	sst s1;
	(tag) =	ssettag s2;
	_ =	strace s9  }
0x27: {  	s1 =	sld [smem:$0x3F92]  }
0x28: {  	s2 =	sld [smem:$0x3F93]  }
0x29: {  	s4 =	sld [smem:$0x3F95]  }
0x2a: {  	p0 =	seq.s32 s5, $0x0;
	s5 =	sld [smem:$0x3F96]  }
0x2b: {  	s6 =	sld [smem:$0x3F97]  }
0x2c: {  	s7 =	sld [smem:$0x3F98]  }
0x2d: {  	s3 =	simm.s32 $0x108;
	s8 =	sld [smem:$0x3F99]  }
0x2e: {  	s3 =	simm.s32 @!p0 $0x1082;
	s9 =	sld [smem:$0x3F9A]  }
0x2f: {  	lr =	sadd.s32 s0, s3;
	s0 =	sld [smem:$0x3F91]  }
0x30: {  	s3 =	sld [smem:$0x3F94]  }
0x31: {  	[smem:$0x3F9D] =	sst s10  }
0x32: {  	s10 =	sld [smem:$0x3F9B];
	_ =	sdelay $0x3  }
0x33: {  	p0 =	seq.s32 s10, $0x1;
	s10 =	sld [smem:$0x3F9D];
	_ =	sdelay $0x3  }
0x34: {  	[smem:$0x3F9D] =	sst s10  }
0x35: {  	s10 =	sld [smem:$0x3F9C];
	_ =	sdelay $0x3  }
0x36: {  	p1 =	seq.s32 s10, $0x1;
	s10 =	sld [smem:$0x3F9D];
	_ =	sdelay $0x3  }
0x37: {  	[smem:$0x3F9D] =	sst s10  }
0x38: {  	s10 =	sld [smem:$0x3F9E]  }
0x39: {  	_ = 	snop;
	(pc) =	sbr.ind lr, $3  }
0x3a: {  	_ = 	snop  }
0x3b: {  	_ = 	snop  }
0x3c: {  	p2 =	seq.s32 s10, $0x1;
	s10 =	sld [smem:$0x3F9D]  }
0x3d: {  	_ =	shalt  }
0x3e: {  	_ =	shalt  }
0x3f: {  	_ =	shalt  }
0x40: {  	_ =	shalt  }
0x41: {  	_ =	shalt  }
0x42: {  	_ =	shalt  }
0x43: {  	_ =	shalt  }
0x44: {  	_ =	shalt  }
0x45: {  	_ =	shalt  }
0x46: {  	_ =	shalt  }
0x47: {  	_ =	shalt  }
0x48: {  	_ =	shalt  }
0x49: {  	_ =	shalt  }
0x4a: {  	_ =	shalt  }
0x4b: {  	_ =	shalt  }
0x4c: {  	_ =	shalt  }
0x4d: {  	_ =	shalt  }
0x4e: {  	_ =	shalt  }
0x4f: {  	_ =	shalt  }
0x50: {  	_ =	shalt  }
0x51: {  	_ =	shalt  }
0x52: {  	_ =	shalt  }
0x53: {  	_ =	shalt  }
0x54: {  	_ =	shalt  }
0x55: {  	_ =	shalt  }
0x56: {  	_ =	shalt  }
0x57: {  	_ =	shalt  }
0x58: {  	_ =	shalt  }
0x59: {  	_ =	shalt  }
0x5a: {  	_ =	shalt  }
0x5b: {  	_ =	shalt  }
0x5c: {  	_ =	shalt  }
0x5d: {  	_ =	shalt  }
0x5e: {  	_ =	shalt  }
0x5f: {  	_ =	shalt  }
0x60: {  	_ =	shalt  }
0x61: {  	_ =	shalt  }
0x62: {  	_ =	shalt  }
0x63: {  	_ =	shalt  }
0x64: {  	_ =	shalt  }
0x65: {  	_ =	shalt  }
0x66: {  	_ =	shalt  }
0x67: {  	_ =	shalt  }
0x68: {  	_ =	shalt  }
0x69: {  	_ =	shalt  }
0x6a: {  	_ =	shalt  }
0x6b: {  	_ =	shalt  }
0x6c: {  	_ =	shalt  }
0x6d: {  	_ =	shalt  }
0x6e: {  	_ =	shalt  }
0x6f: {  	_ =	shalt  }
0x70: {  	_ =	shalt  }
0x71: {  	_ =	shalt  }
0x72: {  	_ =	shalt  }
0x73: {  	_ =	shalt  }
0x74: {  	_ =	shalt  }
0x75: {  	_ =	shalt  }
0x76: {  	_ =	shalt  }
0x77: {  	_ =	shalt  }
0x78: {  	_ =	shalt  }
0x79: {  	_ =	shalt  }
0x7a: {  	_ =	shalt  }
0x7b: {  	_ =	shalt  }
0x7c: {  	_ =	shalt  }
0x7d: {  	_ =	shalt  }
0x7e: {  	_ =	shalt  }
0x7f: {  	_ =	shalt  }
0x80: {  	_ =	shalt  }
0x81: {  	_ =	shalt  }
0x82: {  	_ =	shalt  }
0x83: {  	_ =	shalt  }
0x84: {  	_ =	shalt  }
0x85: {  	_ =	shalt  }
0x86: {  	_ =	shalt  }
0x87: {  	_ =	shalt  }
.Lfunc_end0:
.L_simem_size_0:
called_computation.1_lowered:
.L_overlay_start_0:
0x88: {  	s2 =	sld [smem:$0x3FD9]  }
0x89: {  	s3 =	sld [smem:$0x3FFE];
	_ =	sdelay $0x1  }
0x8a: {  	s1 =	srdreg.scid  }
0x8b: {  	s0 =	sand.u32 $0x1, s1  }
0x8c: {  	s17 =	sshll.u32 s0, $0xA;
	s2 =	sadd.s32 s3, s2  }
0x8d: {  	s2 =	sadd.s32 s2, s17  }
0x8e: {  	[smem:$0x3FA9] =	sst s2  }
0x8f: {  	_ = 	snop  }
0x90: {  	s18 =	sld [smem:$0x3FD0];
	(tm) =	ssettm $0x1  }
0x91: {  	s19 =	sld [smem:$0x3FFB];
	_ =	sdelay $0x3  }
0x92: {  	_ =	strace s19  }
0x93: {  	s2 =	sld [smem:$0x3FFC];
	_ =	sdelay $0x3  }
0x94: {  	_ =	strace s2  }
0x95: {  	s2 =	sld [smem:$0x3FFD];
	_ =	sdelay $0x3  }
0x96: {  	_ =	strace s2  }
0x97: {  	_ =	strace $0x8FFFFFFF  }
0x98: {  	s20 =	sld [smem:$0x3FDB];
	_ =	sdelay $0x1  }
0x99: {  	s4 =	simm.s32 $_scs_section_size  }
0x9a: {  	s5 =	simm.s32 $_size__tile_overlayer_lowered;
	s6 =	simm.s32 $_tile_overlayer_lowered  }
0x9b: {  	s7 =	simm.s32 $0x1BFF;
	s21 =	sshll.u32 s6, $0x1;
	s4 =	sadd.s32 s4, s20  }
0x9c: {  	s22 =	simm.s32 $0x0;
	s5 =	sshll.u32 s5, $0x1;
	s6 =	sadd.s32 s21, s4  }
0x9d: {  	[timem:s22], [sflag:s7] =	dma.local [hbm:s6], s5  }
0x9e: {  	_ =	swait.ge [sflag:s7], s5  }
0x9f: {  	s5 =	ssub.s32 $0x0, s5;
	[sflag:s7] =	ssyncset.done $0x0  }
0xa0: {  	[sflag:s7] =	ssyncadd.s32 s5;
	_ =	sdelay $0x1  }
0xa1: {  	s23 =	simm.s32 $0x1B8B  }
0xa2: {  	_ =	swait.ge [sflag:s23], $0x1  }
0xa3: {  	[sflag:s23] =	ssyncset.done $0x0  }
0xa4: {  	[sflag:s23] =	ssyncadd.s32 $0xFFFFFFFF  }
0xa5: {  	s5 =	sld [smem:$0x0]  }
0xa6: {  	s6 =	sand.u32 $0xFFFFFFFE, s1  }
0xa7: {  	p0 =	sne.s32 s1, s6  }
0xa8: {  	s6 =	sshll.u32 @p0 s6, $0xE  }
0xa9: {  	s6 =	sadd.s32 @p0 $0x11B8D, s6;
	s7 =	sshll.u32 @p0 s5, $0x11  }
0xaa: {  	s6 =	sor.u32 @p0 s7, s6  }
0xab: {  	[sflag:s6] =	ssyncadd.remote.s32 @p0 $0x1;
	_ =	sdelay $0x1  }
0xac: {  	s6 =	simm.s32 @p0 $0x1B8D  }
0xad: {  	_ =	swait.eq @p0 [sflag:s6], $0x1  }
0xae: {  	[sflag:s6] =	ssyncadd.s32 @p0 $0xFFFFFFFF  }
0xaf: {  	s7 =	sshll.u32 @!p0 s1, $0xE  }
0xb0: {  	s7 =	sor.u32 @!p0 $0x4000, s7;
	s6 =	simm.s32 @!p0 $0x1B8D  }
0xb1: {  	s5 =	sshll.u32 @!p0 s5, $0x11;
	s7 =	sadd.s32 @!p0 $0x11B8D, s7;
	_ =	swait.eq @!p0 [sflag:s6], $0x1  }
0xb2: {  	s5 =	sor.u32 @!p0 s5, s7;
	[sflag:s6] =	ssyncadd.s32 @!p0 $0xFFFFFFFF  }
0xb3: {  	s25 =	simm.s32 $0x1B8E;
	s24 =	sld [smem:$0x3FFE];
	[sflag:s5] =	ssyncadd.remote.s32 @!p0 $0x1  }
0xb4: {  	s26 =	simm.s32 $execute0_lowered;
	[smem:$0x3FD2] =	sst s25  }
0xb5: {  	s6 =	sshll.u32 s26, $0x1;
	_ =	strace $0x80000049;
	[dreg:$0x1] =	wrdreg $0xFFFFFFFF  }
0xb6: {  	s28 =	simm.s32 $_size_execute0_lowered;
	s4 =	sadd.s32 s4, s6;
	[dreg:$0x0] =	wrdreg $0x0  }
0xb7: {  	s6 =	sshll.u32 s28, $0x1;
	[dreg:$0x2] =	wrdreg s4  }
0xb8: {  	[dreg:$0x3] =	wrdreg s6  }
0xb9: {  	[dreg:$0x4] =	wrdreg $0xC0  }
0xba: {  	_ =	task [dreg:s22], $0x5FFFF  }
0xbb: {  	[dreg:$0x1] =	wrdreg $0xFFFFFFFF  }
0xbc: {  	[dreg:$0x0] =	wrdreg $0x60  }
0xbd: {  	[dreg:$0x2] =	wrdreg s24  }
0xbe: {  	[dreg:$0x3] =	wrdreg s18  }
0xbf: {  	[dreg:$0x4] =	wrdreg $0x0  }
0xc0: {  	[dreg:$0x5] =	wrdreg $0x9  }
0xc1: {  	_ =	task.clear_ibuf [dreg:s22], $0x6FFFF;
	_ =	strace $0x90000049  }
0xc2: {  	s29 =	simm.s32 $0x9;
	_ =	strace $0x8000004B  }
0xc3: {  	_ =	swait.ge [sflag:s29], $0x1  }
0xc4: {  	[sflag:s29] =	ssyncadd.s32 $0xFFFFFFFF  }
0xc5: {  	_ =	strace $0x9000004B  }
0xc6: {  	_ =	sfence  }
0xc7: {  	s30 =	sld [smem:$0x0];
	_ =	sdelay $0x2  }
0xc8: {  	s31 =	sshll.u32 s1, $0xD;
	s1 =	sshrl.u32 s1, $0x2  }
0xc9: {  	s4 =	sand.u32 $0x4000, s31;
	s1 =	sadd.s32 s1, s30  }
0xca: {  	s0 =	sor.u32 s4, s0;
	s1 =	sshll.u32 s1, $0x11  }
0xcb: {  	s0 =	sor.u32 s1, s0  }
0xcc: {  	s0 =	sadd.s32 $0x8F2B, s0  }
0xcd: {  	[sflag:s0] =	ssyncadd.remote.s32 $0x1  }
0xce: {  	_ =	sfence.sel $0xFFFF  }
0xcf: {  	[dreg:$0x0] =	wrdreg $0xFFFFFFFF;
	(pc) =	sbr.abs _section_cstart, $3  }
0xd0: {  	[dreg:$0x1] =	wrdreg $0xFFFFFFFF  }
0xd1: {  	_ =	task.clear_ibuf [dreg:s22], $0x2FFFF;
	_ =	strace $0x9FFFFFFF  }
0xd2: {  	(tm) =	ssettm $0x7FFFFFFF  }
0xd3: {  	_ =	shalt  }
tec
execute0_lowered:
.L_overlay_start_1:
0x0: {  	(tag) =	ssettag $0x1  }
0x1: {  	s0 =	rddreg [dreg:$0x0]  }
0x2: {  	s1 =	rddreg [dreg:$0x1]  }
0x3: {  	s2 =	rddreg [dreg:$0x2];
	s4 =	simm.s32 $0x0;
	s3 =	srdreg.scid  }
0x4: {  	s10 =	stileid.u32;
	s31 =	simm.s32 $0x6;
	[smem:$0x7FF] =	sst s4  }
0x5: {  	s3 =	sand.u32 $0x1, s3;
	s8 =	smul.u32 $0x4F000, s10;
	s5 =	sadd.s32 $0x8F000, s0  }
0x6: {  	s12 =	smul.u32 $0x13C00, s10;
	s6 =	sadd.s32 $0xB6200, s0;
	s0 =	sadd.s32 $0xC0000, s0  }
0x7: {  	s17 =	sshll.u32 s10, $0x1;
	_ =	strace $0x8000004A;
	s7 =	ssub.s32 $0x2, s3  }
0x8: {  	s16 =	smul.u32 $0x13C000, s3;
	s9 =	sshrl.u32 s7, $0x1;
	s8 =	sshrl.u32 s8, $0x2  }
0x9: {  	s13 =	sadd.s32 $0x4000, s12;
	s19 =	sadd.s32 $0x8000, s12;
	s14 =	sadd.s32 $0xC000, s12  }
0xa: {  	s15 =	sadd.s32 $0x10000, s12;
	s7 =	ssub.s32 s7, s9;
	s8 =	sadd.s32 s8, s2  }
0xb: {  	s9 =	sor.u32 s3, s17;
	s18 =	sadd.s32 s13, s2;
	[dreg:$0x4] =	wrdreg s8  }
0xc: {  	s11 =	sadd.s32 s19, s2;
	s20 =	sadd.s32 s14, s2;
	[dreg:$0x5] =	wrdreg s18  }
0xd: {  	s21 =	sadd.s32 s15, s2;
	s12 =	sadd.s32 s12, s16;
	[dreg:$0x6] =	wrdreg s11  }
0xe: {  	s13 =	sadd.s32 s16, s13;
	s3 =	smul.u32 $0x2710, s3;
	[dreg:$0x7] =	wrdreg s20  }
0xf: {  	s9 =	smul.u32 $0x2710, s9;
	[dreg:$0x8] =	wrdreg s21;
	s12 =	sshrl.u32 s12, $0x3  }
0x10: {  	s13 =	sshrl.u32 s13, $0x3;
	s8 =	sadd.s32 s16, s19;
	s7 =	smax.u32 s7, $0x1  }
0x11: {  	s26 =	sadd.s32 s0, s12;
	s12 =	sadd.s32 s0, s13;
	s13 =	sadd.s32 s16, s14  }
0x12: {  	s14 =	sadd.s32 s16, s15;
	s15 =	smul.u32 $0x4E20, s10;
	[dreg:$0x16] =	wrdreg s7  }
0x13: {  	s8 =	sshrl.u32 s8, $0x3;
	s7 =	simm.s32 $0x0;
	[dreg:$0xd] =	wrdreg s26  }
0x14: {  	s9 =	sshrl.u32 s9, $0x3;
	[dreg:$0xe] =	wrdreg s12;
	s12 =	sshrl.u32 s13, $0x3  }
0x15: {  	s8 =	sadd.s32 s0, s8;
	s13 =	simm.s32 $0x7;
	s22 =	sadd.s32 s6, s9  }
0x16: {  	s23 =	sadd.s32 s1, s9;
	s17 =	sadd.s32 $0x10, s9;
	[dreg:$0xf] =	wrdreg s8  }
0x17: {  	s16 =	sadd.s32 s0, s12;
	s18 =	sadd.s32 $0x20, s9;
	s3 =	sadd.s32 s3, s15  }
0x18: {  	s20 =	sadd.s32 $0x4E0, s9;
	s12 =	simm.s32 $0x17C00;
	[dreg:$0x9] =	wrdreg s22  }
0x19: {  	s15 =	simm.s32 $0x80;
	[dreg:$0xa] =	wrdreg s23;
	s24 =	sadd.s32 s6, s17  }
0x1a: {  	s25 =	sadd.s32 s1, s17;
	[dreg:$0x10] =	wrdreg s16;
	s17 =	sshrl.u32 s14, $0x3  }
0x1b: {  	s19 =	sadd.s32 s6, s18;
	s21 =	sadd.s32 s6, s20;
	[dreg:$0xb] =	wrdreg s24  }
0x1c: {  	s22 =	sadd.s32 $0x280, s3;
	s23 =	sadd.s32 $0x200, s3;
	[dreg:$0xc] =	wrdreg s25  }
0x1d: {  	s14 =	simm.s32 $0x17C80;
	s16 =	simm.s32 $0x1BD00;
	[dreg:$0x12] =	wrdreg s19  }
0x1e: {  	s0 =	sadd.s32 s0, s17;
	[dreg:$0x14] =	wrdreg s21;
	s24 =	sshrl.u32 s23, $0x3  }
0x1f: {  	s25 =	sadd.s32 $0x180, s3;
	s3 =	simm.s32 $0x1;
	s17 =	simm.s32 $0x1BD80  }
0x20: {  	s19 =	simm.s32 $0x1FE00;
	s21 =	simm.s32 $0x1BE00;
	s23 =	simm.s32 $0x5  }
0x21: {  	[dreg:$0x11] =	wrdreg s0;
	s0 =	sadd.s32 s1, s18;
	s29 =	sadd.s32 s24, s1  }
.Ltmp0:
0x22: {  	s30 =	sadd.s32 s24, s6;
	[dreg:$0x17] =	wrdreg s25;
	(pc) =	sbr.rel .LBB2_1-.Ltmp0, $4  }
0x23: {  	s18 =	simm.s32 $0x17D00;
	s24 =	simm.s32 $0x2;
	s25 =	simm.s32 $0x4  }
0x24: {  	[dreg:$0x13] =	wrdreg s0;
	s0 =	sadd.s32 s1, s20;
	s20 =	simm.s32 $0x1FE80  }
0x25: {  	[dreg:$0x15] =	wrdreg s0;
	s0 =	sshrl.u32 s22, $0x3;
	s22 =	simm.s32 $0x3  }
0x26: {  	v0 =	vimm.f32 $0.0e+00;
	s26 =	sadd.s32 s0, s1;
	s28 =	sadd.s32 s0, s6;
	s0 =	simm.s32 $0x13C00  }
.LBB2_6:
0x27: {  	_ =	swait.ge [sflag:s25], $0x4000  }
0x28: {  	[sflag:s25] =	ssyncset.done $0x0  }
0x29: {  	[sflag:s25] =	ssyncadd.s32 $0xFFFFC000  }
0x2a: {  	_ =	swait.ge [sflag:s31], $0x4000  }
0x2b: {  	[sflag:s31] =	ssyncset.done $0x0  }
0x2c: {  	s9 =	simm.s32 $0x1FF00;
	s8 =	rddreg [dreg:$0x14];
	[sflag:s31] =	ssyncadd.s32 $0xFFFFC000  }
0x2d: {  	[tilespmem:s9], [sflag:$0x7] =	stream.linear.gather [hbm4b:s8+s4], $0x10, $0x38;
	v63 =	vld [tilespmem:$0x0]  }
0x2e: {  	_ =	swait.ge [sflag:s13], $0x10  }
0x2f: {  	[sflag:s13] =	ssyncset.done $0x0  }
0x30: {  	s10 =	simm.s32 $0x1FF80;
	s11 =	rddreg [dreg:$0x15];
	[sflag:s13] =	ssyncadd.s32 $0xFFFFFFF0  }
0x31: {  	[tilespmem:s10], [sflag:$0x7] =	stream.linear.gather [hbm4b:s11+s4], $0x10, $0x38;
	v63 =	vld [tilespmem:$0x0]  }
0x32: {  	_ =	swait.ge [sflag:s13], $0x10  }
0x33: {  	[sflag:s13] =	ssyncset.done $0x0  }
0x34: {  	s11 =	simm.s32 $0x10;
	[sflag:s13] =	ssyncadd.s32 $0xFFFFFFF0  }
0x35: {  	[tilespmem:s0], [sflag:$0x1] =	stream.indirect.gather [hbm4b:s5+s11], $0x80, s9, s11, $0xb8;
	v63 =	vld [tilespmem:$0x0]  }
0x36: {  	_ =	swait.ge [sflag:s3], $0x800  }
0x37: {  	[sflag:s3] =	ssyncset.done $0x0  }
0x38: {  	[sflag:s3] =	ssyncadd.s32 $0xFFFFF800  }
0x39: {  	[spmem:s2] =	stream.indirect.scatter.add.f32 [tilespmem:s0], [sflag:$0x7], $0x80, s10, s11, $0xb8;
	v63 =	vld [tilespmem:$0x0]  }
0x3a: {  	_ =	swait.ge [sflag:s13], $0x800  }
0x3b: {  	[sflag:s13] =	ssyncset.done $0x0  }
0x3c: {  	[sflag:s13] =	ssyncadd.s32 $0xFFFFF800  }
0x3d: {  	[bflag:$0x0] =	sbarrier.arrive $0xFFFF  }
0x3e: {  	s10 =	rddreg [dreg:$0x4]  }
0x3f: {  	[tilespmem:s0], [sflag:$0x1] =	stream.linear.gather [spmem:s10], $0x4000, $0x38;
	v63 =	vld [tilespmem:$0x0]  }
0x40: {  	_ =	swait.ge [sflag:s3], $0x4000  }
0x41: {  	[sflag:s3] =	ssyncset.done $0x0  }
0x42: {  	s11 =	rddreg [dreg:$0xd];
	[sflag:s3] =	ssyncadd.s32 $0xFFFFC000  }
0x43: {  	[hbm4b:s11+s4] =	stream.linear.scatter [tilespmem:s0], [sflag:$0x2], $0x4000, $0x38;
	v63 =	vld [tilespmem:$0x0]  }
0x44: {  	s9 =	rddreg [dreg:$0x5]  }
0x45: {  	[tilespmem:s18], [sflag:$0x3] =	stream.linear.gather [spmem:s9], $0x4000, $0x38;
	v63 =	vld [tilespmem:$0x0]  }
0x46: {  	_ =	swait.ge [sflag:s22], $0x4000  }
0x47: {  	[sflag:s22] =	ssyncset.done $0x0  }
0x48: {  	s10 =	rddreg [dreg:$0xe];
	[sflag:s22] =	ssyncadd.s32 $0xFFFFC000  }
0x49: {  	[hbm4b:s10+s4] =	stream.linear.scatter [tilespmem:s18], [sflag:$0x4], $0x4000, $0x38;
	v63 =	vld [tilespmem:$0x0]  }
0x4a: {  	s11 =	rddreg [dreg:$0x6]  }
0x4b: {  	[tilespmem:s21], [sflag:$0x5] =	stream.linear.gather [spmem:s11], $0x4000, $0x38;
	v63 =	vld [tilespmem:$0x0]  }
0x4c: {  	_ =	swait.ge [sflag:s23], $0x4000  }
0x4d: {  	[sflag:s23] =	ssyncset.done $0x0  }
0x4e: {  	s9 =	rddreg [dreg:$0xf];
	[sflag:s23] =	ssyncadd.s32 $0xFFFFC000  }
0x4f: {  	[hbm4b:s9+s4] =	stream.linear.scatter [tilespmem:s21], [sflag:$0x6], $0x4000, $0x38;
	v63 =	vld [tilespmem:$0x0]  }
0x50: {  	_ =	swait.ge [sflag:s24], $0x4000  }
0x51: {  	[sflag:s24] =	ssyncset.done $0x0  }
0x52: {  	s10 =	rddreg [dreg:$0x7];
	[sflag:s24] =	ssyncadd.s32 $0xFFFFC000  }
0x53: {  	[tilespmem:s0], [sflag:$0x1] =	stream.linear.gather [spmem:s10], $0x4000, $0x38;
	v63 =	vld [tilespmem:$0x0]  }
0x54: {  	_ =	swait.ge [sflag:s3], $0x4000  }
0x55: {  	[sflag:s3] =	ssyncset.done $0x0  }
0x56: {  	s11 =	rddreg [dreg:$0x10];
	[sflag:s3] =	ssyncadd.s32 $0xFFFFC000  }
0x57: {  	[hbm4b:s11+s4] =	stream.linear.scatter [tilespmem:s0], [sflag:$0x2], $0x4000, $0x38;
	v63 =	vld [tilespmem:$0x0]  }
0x58: {  	_ =	swait.ge [sflag:s25], $0x4000  }
0x59: {  	[sflag:s25] =	ssyncset.done $0x0  }
0x5a: {  	s9 =	rddreg [dreg:$0x8];
	[sflag:s25] =	ssyncadd.s32 $0xFFFFC000  }
0x5b: {  	[tilespmem:s18], [sflag:$0x3] =	stream.linear.gather [spmem:s9], $0x3C00, $0x38;
	v63 =	vld [tilespmem:$0x0]  }
0x5c: {  	_ =	swait.ge [sflag:s22], $0x3C00  }
0x5d: {  	[sflag:s22] =	ssyncset.done $0x0  }
0x5e: {  	s10 =	rddreg [dreg:$0x11];
	[sflag:s22] =	ssyncadd.s32 $0xFFFFC400  }
0x5f: {  	[hbm4b:s10+s4] =	stream.linear.scatter [tilespmem:s18], [sflag:$0x4], $0x3C00, $0x38;
	v63 =	vld [tilespmem:$0x0]  }
0x60: {  	_ =	swait.ge [sflag:s31], $0x4000  }
0x61: {  	[sflag:s31] =	ssyncset.done $0x0  }
0x62: {  	[sflag:s31] =	ssyncadd.s32 $0xFFFFC000  }
0x63: {  	_ =	swait.ge [sflag:s24], $0x4000  }
0x64: {  	[sflag:s24] =	ssyncset.done $0x0  }
0x65: {  	[sflag:s24] =	ssyncadd.s32 $0xFFFFC000  }
0x66: {  	_ =	swait.ge [sflag:s25], $0x3C00  }
0x67: {  	s7 =	sadd.s32 $0x1, s7;
	s11 =	rddreg [dreg:$0x16]  }
0x68: {  	p0 =	sne.s32 s7, s11  }
.Ltmp1:
0x69: {  	_ = 	snop;
	(pc) =	sbr.rel @!p0 .LBB2_7-.Ltmp1, $3  }
0x6a: {  	_ =	sdelay $0x1  }
0x6b: {  	[sflag:s25] =	ssyncset.done $0x0  }
0x6c: {  	[sflag:s25] =	ssyncadd.s32 $0xFFFFC400  }
.LBB2_1:
0x6d: {  	s8 =	simm.s32 $0x0;
	s9 =	simm.s32 $0x200  }
.LBB2_2:
0x6e: {  	p0 =	sne.s32 s9, $0xFE00;
	[tilespmem:s8+$0x13C70] =	vst v0  }
0x6f: {  	[tilespmem:s8+$0x13C00] =	vst v0  }
0x70: {  	[tilespmem:s8+$0x13C10] =	vst v0  }
.Ltmp2:
0x71: {  	[tilespmem:s8+$0x13C20] =	vst v0;
	(pc) =	sbr.rel @p0 .LBB2_2-.Ltmp2, $4  }
0x72: {  	[tilespmem:s8+$0x13C30] =	vst v0  }
0x73: {  	[tilespmem:s8+$0x13C40] =	vst v0  }
0x74: {  	[tilespmem:s8+$0x13C50] =	vst v0  }
0x75: {  	[tilespmem:s8+$0x13C60] =	vst v0;
	s8 =	sshra.s32 s9, $0x2;
	s9 =	sadd.s32 $0x200, s9  }
0x76: {  	[tilespmem:s8+$0x13C70] =	vst v0  }
0x77: {  	[tilespmem:s8+$0x13C00] =	vst v0  }
0x78: {  	[tilespmem:s8+$0x13C10] =	vst v0  }
0x79: {  	[tilespmem:s8+$0x13C20] =	vst v0  }
0x7a: {  	[tilespmem:s8+$0x13C30] =	vst v0  }
0x7b: {  	[tilespmem:s8+$0x13C40] =	vst v0  }
0x7c: {  	[tilespmem:s8+$0x13C50] =	vst v0  }
0x7d: {  	[tilespmem:s8+$0x13C60] =	vst v0;
	s9 =	rddreg [dreg:$0x4]  }
0x7e: {  	[spmem:s9] =	stream.linear.scatter [tilespmem:s0], [sflag:$0x1], $0x4000, $0x38;
	v63 =	vld [tilespmem:$0x0]  }
0x7f: {  	s10 =	rddreg [dreg:$0x5]  }
0x80: {  	[spmem:s10] =	stream.linear.scatter [tilespmem:s0], [sflag:$0x1], $0x4000, $0x38;
	v63 =	vld [tilespmem:$0x0]  }
0x81: {  	s11 =	rddreg [dreg:$0x6]  }
0x82: {  	[spmem:s11] =	stream.linear.scatter [tilespmem:s0], [sflag:$0x1], $0x4000, $0x38;
	v63 =	vld [tilespmem:$0x0]  }
0x83: {  	s9 =	rddreg [dreg:$0x7]  }
0x84: {  	[spmem:s9] =	stream.linear.scatter [tilespmem:s0], [sflag:$0x1], $0x4000, $0x38;
	v63 =	vld [tilespmem:$0x0]  }
0x85: {  	s10 =	rddreg [dreg:$0x8]  }
0x86: {  	[spmem:s10] =	stream.linear.scatter [tilespmem:s0], [sflag:$0x1], $0x3C00, $0x38;
	v63 =	vld [tilespmem:$0x0]  }
0x87: {  	_ =	swait.ge [sflag:s3], $0x4000  }
0x88: {  	[sflag:s3] =	ssyncset.done $0x0  }
0x89: {  	[sflag:s3] =	ssyncadd.s32 $0xFFFFC000  }
0x8a: {  	_ =	swait.ge [sflag:s3], $0x4000  }
0x8b: {  	[sflag:s3] =	ssyncset.done $0x0  }
0x8c: {  	[sflag:s3] =	ssyncadd.s32 $0xFFFFC000  }
0x8d: {  	_ =	swait.ge [sflag:s3], $0x4000  }
0x8e: {  	[sflag:s3] =	ssyncset.done $0x0  }
0x8f: {  	[sflag:s3] =	ssyncadd.s32 $0xFFFFC000  }
0x90: {  	_ =	swait.ge [sflag:s3], $0x4000  }
0x91: {  	[sflag:s3] =	ssyncset.done $0x0  }
0x92: {  	[sflag:s3] =	ssyncadd.s32 $0xFFFFC000  }
0x93: {  	_ =	swait.ge [sflag:s3], $0x3C00  }
0x94: {  	[sflag:s3] =	ssyncset.done $0x0  }
0x95: {  	[sflag:s3] =	ssyncadd.s32 $0xFFFFC400  }
0x96: {  	[bflag:$0x0] =	sbarrier.arrive $0xFFFF  }
0x97: {  	s8 =	simm.s32 $0x0;
	s9 =	rddreg [dreg:$0x9]  }
0x98: {  	[tilespmem:s12], [sflag:$0x7] =	stream.linear.gather [hbm4b:s9+s8], $0x80, $0x38;
	v63 =	vld [tilespmem:$0x0]  }
0x99: {  	_ =	swait.ge [sflag:s13], $0x80  }
0x9a: {  	[sflag:s13] =	ssyncset.done $0x0  }
0x9b: {  	s11 =	rddreg [dreg:$0xa];
	[sflag:s13] =	ssyncadd.s32 $0xFFFFFF80  }
0x9c: {  	[tilespmem:s14], [sflag:$0x7] =	stream.linear.gather [hbm4b:s11+s8], $0x80, $0x38;
	v63 =	vld [tilespmem:$0x0]  }
0x9d: {  	_ =	swait.ge [sflag:s13], $0x80  }
0x9e: {  	[sflag:s13] =	ssyncset.done $0x0  }
0x9f: {  	[sflag:s13] =	ssyncadd.s32 $0xFFFFFF80  }
0xa0: {  	[tilespmem:s0], [sflag:$0x1] =	stream.indirect.gather [hbm4b:s5+s15], $0x80, s12, s15, $0xb8;
	v63 =	vld [tilespmem:$0x0]  }
0xa1: {  	s10 =	rddreg [dreg:$0xb]  }
0xa2: {  	[tilespmem:s16], [sflag:$0x7] =	stream.linear.gather [hbm4b:s10+s8], $0x80, $0x38;
	v63 =	vld [tilespmem:$0x0]  }
0xa3: {  	_ =	swait.ge [sflag:s13], $0x80  }
0xa4: {  	[sflag:s13] =	ssyncset.done $0x0  }
0xa5: {  	s11 =	rddreg [dreg:$0xc];
	[sflag:s13] =	ssyncadd.s32 $0xFFFFFF80  }
0xa6: {  	[tilespmem:s17], [sflag:$0x7] =	stream.linear.gather [hbm4b:s11+s8], $0x80, $0x38;
	v63 =	vld [tilespmem:$0x0]  }
0xa7: {  	_ =	swait.ge [sflag:s13], $0x80  }
0xa8: {  	[sflag:s13] =	ssyncset.done $0x0  }
0xa9: {  	[sflag:s13] =	ssyncadd.s32 $0xFFFFFF80  }
0xaa: {  	[tilespmem:s18], [sflag:$0x3] =	stream.indirect.gather [hbm4b:s5+s15], $0x80, s16, s15, $0xb8;
	v63 =	vld [tilespmem:$0x0]  }
0xab: {  	s10 =	rddreg [dreg:$0x12]  }
0xac: {  	[tilespmem:s19], [sflag:$0x7] =	stream.linear.gather [hbm4b:s10+s8], $0x80, $0x38;
	v63 =	vld [tilespmem:$0x0]  }
0xad: {  	_ =	swait.ge [sflag:s13], $0x80  }
0xae: {  	[sflag:s13] =	ssyncset.done $0x0  }
0xaf: {  	s11 =	rddreg [dreg:$0x13];
	[sflag:s13] =	ssyncadd.s32 $0xFFFFFF80  }
0xb0: {  	[tilespmem:s20], [sflag:$0x7] =	stream.linear.gather [hbm4b:s11+s8], $0x80, $0x38;
	v63 =	vld [tilespmem:$0x0]  }
0xb1: {  	_ =	swait.ge [sflag:s13], $0x80  }
0xb2: {  	[sflag:s13] =	ssyncset.done $0x0  }
0xb3: {  	s9 =	rddreg [dreg:$0x17];
	[sflag:s13] =	ssyncadd.s32 $0xFFFFFF80  }
0xb4: {  	[tilespmem:s21], [sflag:$0x5] =	stream.indirect.gather [hbm4b:s5+s15], $0x80, s19, s15, $0xb8;
	v63 =	vld [tilespmem:$0x0]  }
.LBB2_4:
0xb5: {  	_ =	swait.ge [sflag:s3], $0x4000  }
0xb6: {  	[sflag:s3] =	ssyncset.done $0x0  }
0xb7: {  	[sflag:s3] =	ssyncadd.s32 $0xFFFFC000  }
0xb8: {  	[spmem:s2] =	stream.indirect.scatter.add.f32 [tilespmem:s0], [sflag:$0x2], $0x80, s14, s15, $0xb8;
	v63 =	vld [tilespmem:$0x0]  }
0xb9: {  	_ =	swait.ge [sflag:s22], $0x4000  }
0xba: {  	[sflag:s22] =	ssyncset.done $0x0  }
0xbb: {  	[sflag:s22] =	ssyncadd.s32 $0xFFFFC000  }
0xbc: {  	[spmem:s2] =	stream.indirect.scatter.add.f32 [tilespmem:s18], [sflag:$0x4], $0x80, s17, s15, $0xb8;
	v63 =	vld [tilespmem:$0x0]  }
0xbd: {  	_ =	swait.ge [sflag:s23], $0x4000  }
0xbe: {  	p0 =	seq.s32 s8, $0x4B0;
	[sflag:s23] =	ssyncset.done $0x0  }
.Ltmp3:
0xbf: {  	[sflag:s23] =	ssyncadd.s32 $0xFFFFC000;
	(pc) =	sbr.rel @p0 .LBB2_6-.Ltmp3, $4  }
0xc0: {  	[spmem:s2] =	stream.indirect.scatter.add.f32 [tilespmem:s21], [sflag:$0x6], $0x80, s20, s15, $0xb8;
	v63 =	vld [tilespmem:$0x0]  }
0xc1: {  	_ =	swait.ge [sflag:s24], $0x4000  }
0xc2: {  	[sflag:s24] =	ssyncset.done $0x0  }
0xc3: {  	[sflag:s24] =	ssyncadd.s32 $0xFFFFC000  }
0xc4: {  	s10 =	sshrl.u32 s9, $0x3  }
0xc5: {  	s11 =	sadd.s32 s6, s10  }
0xc6: {  	[tilespmem:s12], [sflag:$0x7] =	stream.linear.gather [hbm4b:s11+s4], $0x80, $0x38;
	v63 =	vld [tilespmem:$0x0]  }
0xc7: {  	_ =	swait.ge [sflag:s13], $0x80  }
0xc8: {  	[sflag:s13] =	ssyncset.done $0x0  }
0xc9: {  	s10 =	sadd.s32 s1, s10;
	[sflag:s13] =	ssyncadd.s32 $0xFFFFFF80  }
0xca: {  	[tilespmem:s14], [sflag:$0x7] =	stream.linear.gather [hbm4b:s10+s4], $0x80, $0x38;
	v63 =	vld [tilespmem:$0x0]  }
0xcb: {  	_ =	swait.ge [sflag:s13], $0x80  }
0xcc: {  	[sflag:s13] =	ssyncset.done $0x0  }
0xcd: {  	[sflag:s13] =	ssyncadd.s32 $0xFFFFFF80  }
0xce: {  	[tilespmem:s0], [sflag:$0x1] =	stream.indirect.gather [hbm4b:s5+s15], $0x80, s12, s15, $0xb8;
	v63 =	vld [tilespmem:$0x0]  }
0xcf: {  	_ =	swait.ge [sflag:s25], $0x4000  }
0xd0: {  	[sflag:s25] =	ssyncset.done $0x0  }
0xd1: {  	s11 =	sadd.s32 s8, s30;
	[sflag:s25] =	ssyncadd.s32 $0xFFFFC000  }
0xd2: {  	[tilespmem:s16], [sflag:$0x7] =	stream.linear.gather [hbm4b:s11+s4], $0x80, $0x38;
	v63 =	vld [tilespmem:$0x0]  }
0xd3: {  	_ =	swait.ge [sflag:s13], $0x80  }
0xd4: {  	[sflag:s13] =	ssyncset.done $0x0  }
0xd5: {  	s11 =	sadd.s32 s8, s29;
	[sflag:s13] =	ssyncadd.s32 $0xFFFFFF80  }
0xd6: {  	[tilespmem:s17], [sflag:$0x7] =	stream.linear.gather [hbm4b:s11+s4], $0x80, $0x38;
	v63 =	vld [tilespmem:$0x0]  }
0xd7: {  	_ =	swait.ge [sflag:s13], $0x80  }
0xd8: {  	[sflag:s13] =	ssyncset.done $0x0  }
0xd9: {  	[sflag:s13] =	ssyncadd.s32 $0xFFFFFF80  }
0xda: {  	[tilespmem:s18], [sflag:$0x3] =	stream.indirect.gather [hbm4b:s5+s15], $0x80, s16, s15, $0xb8;
	v63 =	vld [tilespmem:$0x0]  }
0xdb: {  	_ =	swait.ge [sflag:s31], $0x4000  }
0xdc: {  	[sflag:s31] =	ssyncset.done $0x0  }
0xdd: {  	s11 =	sadd.s32 s8, s28;
	[sflag:s31] =	ssyncadd.s32 $0xFFFFC000  }
0xde: {  	[tilespmem:s19], [sflag:$0x7] =	stream.linear.gather [hbm4b:s11+s4], $0x80, $0x38;
	v63 =	vld [tilespmem:$0x0]  }
0xdf: {  	_ =	swait.ge [sflag:s13], $0x80  }
0xe0: {  	[sflag:s13] =	ssyncset.done $0x0  }
0xe1: {  	s11 =	sadd.s32 s8, s26;
	[sflag:s13] =	ssyncadd.s32 $0xFFFFFF80  }
0xe2: {  	[tilespmem:s20], [sflag:$0x7] =	stream.linear.gather [hbm4b:s11+s4], $0x80, $0x38;
	v63 =	vld [tilespmem:$0x0]  }
.Ltmp4:
0xe3: {  	_ = 	snop;
	(pc) =	sbr.rel .LBB2_4-.Ltmp4, $4  }
0xe4: {  	_ =	swait.ge [sflag:s13], $0x80  }
0xe5: {  	[sflag:s13] =	ssyncset.done $0x0  }
0xe6: {  	s9 =	sadd.s32 $0x180, s9;
	s8 =	sadd.s32 $0x30, s8;
	[sflag:s13] =	ssyncadd.s32 $0xFFFFFF80  }
0xe7: {  	[tilespmem:s21], [sflag:$0x5] =	stream.indirect.gather [hbm4b:s5+s15], $0x80, s19, s15, $0xb8;
	v63 =	vld [tilespmem:$0x0]  }
.LBB2_7:
0xe8: {  	_ =	sfence.sel $0x180000  }
0xe9: {  	[bflag:$0x0] =	sbarrier.arrive $0xFFFF  }
0xea: {  	_ =	strace $0x9000004A  }
0xeb: {  	s0 =	stileid.u32;
	[bflag:$0x2] =	sbarrier.arrive $0xFFFF  }
0xec: {  	p0 =	sne.s32 s0, $0x0;
	s0 =	rddreg [dreg:$0x3]  }
0xed: {  	s0 =	sadd.s32 @!p0 $0x100000, s0  }
0xee: {  	[sflag:s0] =	ssyncadd.tile.s32 @!p0 $0x1;
	_ =	shalt  }
.Lfunc_end2:
_tile_overlayer_lowered:
.L_overlay_start_2:
0xef: {  	(tag) =	ssettag $0x2  }
0xf0: {  	s0 =	rddreg [dreg:$0x0];
	s2 =	stileid.u32  }
0xf1: {  	s1 =	rddreg [dreg:$0x1];
	p0 =	sne.s32 s2, $0x0  }
0xf2: {  	s3 =	rddreg [dreg:$0x2];
	[bflag:$0x3] =	sbarrier.arrive $0xFFFF;
	s2 =	simm.s32 @!p0 $0x1C07  }
0xf3: {  	[timem:s3], [sflag:s2] =	dma.local @!p0 [hbm:s0], s1  }
0xf4: {  	s0 =	simm.s32 @!p0 $0x7  }
0xf5: {  	_ =	swait.ge @!p0 [sflag:s0], s1  }
0xf6: {  	s1 =	ssub.s32 @!p0 $0x0, s1;
	[sflag:s0] =	ssyncset.done @!p0 $0x0  }
0xf7: {  	[sflag:s0] =	ssyncadd.s32 @!p0 s1  }
0xf8: {  	[bflag:$0x3] =	sbarrier.arrive $0xFFFF  }
0xf9: {  	_ =	shalt  }

// kernel: kernel.16.cloned.1.call-start
scs
__scs_entry_jumppad:
0x0: {  	(pc) =	sbr.rel $0x88, $3  }
0x1: {  	(tag) =	ssettag $0x0;
	lr =	simm.s32 $0x1  }
0x2: {  	[smem:$0x3F82] =	sst lr;
	_ =	strace $0xD0000000  }
0x3: {  	_ = 	snop  }
0x4: {  	_ = 	snop  }
0x5: {  	_ = 	snop  }
0x6: {  	_ = 	snop  }
0x7: {  	_ = 	snop  }
__scs_overlays_trampoline_lowered:
0x8: {  	[smem:$0x3F91] =	sst s0  }
0x9: {  	[smem:$0x3F92] =	sst s1  }
0xa: {  	[smem:$0x3F93] =	sst s2  }
0xb: {  	[smem:$0x3F94] =	sst s3  }
0xc: {  	[smem:$0x3F95] =	sst s4  }
0xd: {  	[smem:$0x3F96] =	sst s5  }
0xe: {  	[smem:$0x3F97] =	sst s6  }
0xf: {  	[smem:$0x3F98] =	sst s7  }
0x10: {  	[smem:$0x3F99] =	sst s8  }
0x11: {  	[smem:$0x3F9A] =	sst s9;
	s0 =	simm.s32 @!p0 $0x0  }
0x12: {  	s1 =	sld [smem:$0x3F80];
	s0 =	simm.s32 @p0 $0x1  }
0x13: {  	[smem:$0x3F9B] =	sst s0;
	s0 =	simm.s32 @!p1 $0x0  }
0x14: {  	s2 =	sld [smem:$0x3F7F];
	s0 =	simm.s32 @p1 $0x1  }
0x15: {  	[smem:$0x3F9C] =	sst s0;
	s0 =	simm.s32 @!p2 $0x0  }
0x16: {  	s3 =	sld [smem:$0x3FDB];
	s0 =	simm.s32 @p2 $0x1  }
0x17: {  	s4 =	simm.s32 $0x1BF5;
	[smem:$0x3F9E] =	sst s0  }
0x18: {  	s0 =	sld [smem:$0x3F81];
	_ =	swait.ge [sflag:s4], $0x0  }
0x19: {  	s7 =	sld [smem:$0x3F82]  }
0x1a: {  	s8 =	sadd.s32 $0xFFFFE003, lr  }
0x1b: {  	s9 =	sadd.s32 $0xFFFFFEF7, lr;
	s5 =	simm.s32 $0xFFFFFFFF;
	p2 =	slt.u32 s8, $0xFFFFF086  }
0x1c: {  	p1 =	slt.u32 s9, $0xF7A;
	s5 =	simm.s32 @!p2 $0x0  }
0x1d: {  	s5 =	simm.s32 @p1 $0x1;
	p0 =	seq.s32 s7, s2  }
0x1e: {  	s7 =	smul.u32 @!p0 $0xF7A, s2;
	p2 =	seq.s32 @!p0 s5, $0x0  }
0x1f: {  	s9 =	smul.u32 $0xF7A, s1;
	s8 =	simm.s32 @!p0 $0x1BF5;
	p2 =	por !p2, p0  }
0x20: {  	[sflag:s8] =	ssyncset.s32 @!p0 $0xFFFFF086;
	s6 =	sadd.s32 @!p0 s3, s7;
	s7 =	simm.s32 @!p0 $0x108  }
0x21: {  	s3 =	sadd.s32 s3, s9;
	s6 =	sadd.s32 @!p0 $0x88, s6;
	s7 =	simm.s32 @p2 $0x1082  }
0x22: {  	[simem:s7], [sflag:s8] =	dma.local @!p0 [hbm:s6], $0xF7A  }
0x23: {  	s9 =	sor.u32 $0xD0000000, s2;
	s6 =	simm.s32 $0x108;
	_ =	swait.ge @!p0 [sflag:s8], $0x0  }
0x24: {  	s3 =	sadd.s32 $0x88, s3;
	s6 =	simm.s32 @!p1 $0x1082;
	[sflag:s4] =	ssyncset.s32 $0xFFFFF086  }
0x25: {  	[simem:s6], [sflag:s4] =	dma.local [hbm:s3], $0xF7A  }
0x26: {  	[smem:$0x3F82] =	sst s1;
	(tag) =	ssettag s2;
	_ =	strace s9  }
0x27: {  	s1 =	sld [smem:$0x3F92]  }
0x28: {  	s2 =	sld [smem:$0x3F93]  }
0x29: {  	s4 =	sld [smem:$0x3F95]  }
0x2a: {  	p0 =	seq.s32 s5, $0x0;
	s5 =	sld [smem:$0x3F96]  }
0x2b: {  	s6 =	sld [smem:$0x3F97]  }
0x2c: {  	s7 =	sld [smem:$0x3F98]  }
0x2d: {  	s3 =	simm.s32 $0x108;
	s8 =	sld [smem:$0x3F99]  }
0x2e: {  	s3 =	simm.s32 @!p0 $0x1082;
	s9 =	sld [smem:$0x3F9A]  }
0x2f: {  	lr =	sadd.s32 s0, s3;
	s0 =	sld [smem:$0x3F91]  }
0x30: {  	s3 =	sld [smem:$0x3F94]  }
0x31: {  	[smem:$0x3F9D] =	sst s10  }
0x32: {  	s10 =	sld [smem:$0x3F9B];
	_ =	sdelay $0x3  }
0x33: {  	p0 =	seq.s32 s10, $0x1;
	s10 =	sld [smem:$0x3F9D];
	_ =	sdelay $0x3  }
0x34: {  	[smem:$0x3F9D] =	sst s10  }
0x35: {  	s10 =	sld [smem:$0x3F9C];
	_ =	sdelay $0x3  }
0x36: {  	p1 =	seq.s32 s10, $0x1;
	s10 =	sld [smem:$0x3F9D];
	_ =	sdelay $0x3  }
0x37: {  	[smem:$0x3F9D] =	sst s10  }
0x38: {  	s10 =	sld [smem:$0x3F9E]  }
0x39: {  	_ = 	snop;
	(pc) =	sbr.ind lr, $3  }
0x3a: {  	_ = 	snop  }
0x3b: {  	_ = 	snop  }
0x3c: {  	p2 =	seq.s32 s10, $0x1;
	s10 =	sld [smem:$0x3F9D]  }
0x3d: {  	_ =	shalt  }
0x3e: {  	_ =	shalt  }
0x3f: {  	_ =	shalt  }
0x40: {  	_ =	shalt  }
0x41: {  	_ =	shalt  }
0x42: {  	_ =	shalt  }
0x43: {  	_ =	shalt  }
0x44: {  	_ =	shalt  }
0x45: {  	_ =	shalt  }
0x46: {  	_ =	shalt  }
0x47: {  	_ =	shalt  }
0x48: {  	_ =	shalt  }
0x49: {  	_ =	shalt  }
0x4a: {  	_ =	shalt  }
0x4b: {  	_ =	shalt  }
0x4c: {  	_ =	shalt  }
0x4d: {  	_ =	shalt  }
0x4e: {  	_ =	shalt  }
0x4f: {  	_ =	shalt  }
0x50: {  	_ =	shalt  }
0x51: {  	_ =	shalt  }
0x52: {  	_ =	shalt  }
0x53: {  	_ =	shalt  }
0x54: {  	_ =	shalt  }
0x55: {  	_ =	shalt  }
0x56: {  	_ =	shalt  }
0x57: {  	_ =	shalt  }
0x58: {  	_ =	shalt  }
0x59: {  	_ =	shalt  }
0x5a: {  	_ =	shalt  }
0x5b: {  	_ =	shalt  }
0x5c: {  	_ =	shalt  }
0x5d: {  	_ =	shalt  }
0x5e: {  	_ =	shalt  }
0x5f: {  	_ =	shalt  }
0x60: {  	_ =	shalt  }
0x61: {  	_ =	shalt  }
0x62: {  	_ =	shalt  }
0x63: {  	_ =	shalt  }
0x64: {  	_ =	shalt  }
0x65: {  	_ =	shalt  }
0x66: {  	_ =	shalt  }
0x67: {  	_ =	shalt  }
0x68: {  	_ =	shalt  }
0x69: {  	_ =	shalt  }
0x6a: {  	_ =	shalt  }
0x6b: {  	_ =	shalt  }
0x6c: {  	_ =	shalt  }
0x6d: {  	_ =	shalt  }
0x6e: {  	_ =	shalt  }
0x6f: {  	_ =	shalt  }
0x70: {  	_ =	shalt  }
0x71: {  	_ =	shalt  }
0x72: {  	_ =	shalt  }
0x73: {  	_ =	shalt  }
0x74: {  	_ =	shalt  }
0x75: {  	_ =	shalt  }
0x76: {  	_ =	shalt  }
0x77: {  	_ =	shalt  }
0x78: {  	_ =	shalt  }
0x79: {  	_ =	shalt  }
0x7a: {  	_ =	shalt  }
0x7b: {  	_ =	shalt  }
0x7c: {  	_ =	shalt  }
0x7d: {  	_ =	shalt  }
0x7e: {  	_ =	shalt  }
0x7f: {  	_ =	shalt  }
0x80: {  	_ =	shalt  }
0x81: {  	_ =	shalt  }
0x82: {  	_ =	shalt  }
0x83: {  	_ =	shalt  }
0x84: {  	_ =	shalt  }
0x85: {  	_ =	shalt  }
0x86: {  	_ =	shalt  }
0x87: {  	_ =	shalt  }
.Lfunc_end0:
.L_simem_size_0:
called_computation.2_lowered:
.L_overlay_start_0:
0x88: {  	s2 =	sld [smem:$0x3FD9]  }
0x89: {  	s3 =	sld [smem:$0x3FFE];
	_ =	sdelay $0x1  }
0x8a: {  	s1 =	srdreg.scid  }
0x8b: {  	s0 =	sand.u32 $0x1, s1  }
0x8c: {  	s17 =	sshll.u32 s0, $0xA;
	s2 =	sadd.s32 s3, s2  }
0x8d: {  	s2 =	sadd.s32 s2, s17  }
0x8e: {  	[smem:$0x3FA9] =	sst s2  }
0x8f: {  	_ = 	snop  }
0x90: {  	s18 =	sld [smem:$0x3FD0];
	(tm) =	ssettm $0x1  }
0x91: {  	s19 =	sld [smem:$0x3FFB];
	_ =	sdelay $0x3  }
0x92: {  	_ =	strace s19  }
0x93: {  	s2 =	sld [smem:$0x3FFC];
	_ =	sdelay $0x3  }
0x94: {  	_ =	strace s2  }
0x95: {  	s2 =	sld [smem:$0x3FFD];
	_ =	sdelay $0x3  }
0x96: {  	_ =	strace s2  }
0x97: {  	_ =	strace $0x8FFFFFFF  }
0x98: {  	s20 =	sld [smem:$0x3FDB];
	_ =	sdelay $0x1  }
0x99: {  	s4 =	simm.s32 $_scs_section_size  }
0x9a: {  	s5 =	simm.s32 $_size__tile_overlayer_lowered;
	s6 =	simm.s32 $_tile_overlayer_lowered  }
0x9b: {  	s7 =	simm.s32 $0x1BFF;
	s21 =	sshll.u32 s6, $0x1;
	s4 =	sadd.s32 s4, s20  }
0x9c: {  	s22 =	simm.s32 $0x0;
	s5 =	sshll.u32 s5, $0x1;
	s6 =	sadd.s32 s21, s4  }
0x9d: {  	[timem:s22], [sflag:s7] =	dma.local [hbm:s6], s5  }
0x9e: {  	_ =	swait.ge [sflag:s7], s5  }
0x9f: {  	s5 =	ssub.s32 $0x0, s5;
	[sflag:s7] =	ssyncset.done $0x0  }
0xa0: {  	[sflag:s7] =	ssyncadd.s32 s5;
	_ =	sdelay $0x1  }
0xa1: {  	s23 =	simm.s32 $0x1B8B  }
0xa2: {  	_ =	swait.ge [sflag:s23], $0x1  }
0xa3: {  	[sflag:s23] =	ssyncset.done $0x0  }
0xa4: {  	[sflag:s23] =	ssyncadd.s32 $0xFFFFFFFF  }
0xa5: {  	s5 =	sld [smem:$0x0]  }
0xa6: {  	s6 =	sand.u32 $0xFFFFFFFE, s1  }
0xa7: {  	p0 =	sne.s32 s1, s6  }
0xa8: {  	s6 =	sshll.u32 @p0 s6, $0xE  }
0xa9: {  	s6 =	sadd.s32 @p0 $0x11B8D, s6;
	s7 =	sshll.u32 @p0 s5, $0x11  }
0xaa: {  	s6 =	sor.u32 @p0 s7, s6  }
0xab: {  	[sflag:s6] =	ssyncadd.remote.s32 @p0 $0x1;
	_ =	sdelay $0x1  }
0xac: {  	s6 =	simm.s32 @p0 $0x1B8D  }
0xad: {  	_ =	swait.eq @p0 [sflag:s6], $0x1  }
0xae: {  	[sflag:s6] =	ssyncadd.s32 @p0 $0xFFFFFFFF  }
0xaf: {  	s7 =	sshll.u32 @!p0 s1, $0xE  }
0xb0: {  	s7 =	sor.u32 @!p0 $0x4000, s7;
	s6 =	simm.s32 @!p0 $0x1B8D  }
0xb1: {  	s5 =	sshll.u32 @!p0 s5, $0x11;
	s7 =	sadd.s32 @!p0 $0x11B8D, s7;
	_ =	swait.eq @!p0 [sflag:s6], $0x1  }
0xb2: {  	s5 =	sor.u32 @!p0 s5, s7;
	[sflag:s6] =	ssyncadd.s32 @!p0 $0xFFFFFFFF  }
0xb3: {  	s25 =	simm.s32 $0x1B8E;
	s24 =	sld [smem:$0x3FFE];
	[sflag:s5] =	ssyncadd.remote.s32 @!p0 $0x1  }
0xb4: {  	s26 =	simm.s32 $execute0_lowered;
	[smem:$0x3FD2] =	sst s25  }
0xb5: {  	s6 =	sshll.u32 s26, $0x1;
	_ =	strace $0x8000004C;
	[dreg:$0x1] =	wrdreg $0xFFFFFFFF  }
0xb6: {  	s28 =	simm.s32 $_size_execute0_lowered;
	s4 =	sadd.s32 s4, s6;
	[dreg:$0x0] =	wrdreg $0x0  }
0xb7: {  	s6 =	sshll.u32 s28, $0x1;
	[dreg:$0x2] =	wrdreg s4  }
0xb8: {  	[dreg:$0x3] =	wrdreg s6  }
0xb9: {  	[dreg:$0x4] =	wrdreg $0xC0  }
0xba: {  	_ =	task [dreg:s22], $0x5FFFF  }
0xbb: {  	[dreg:$0x1] =	wrdreg $0xFFFFFFFF  }
0xbc: {  	[dreg:$0x0] =	wrdreg $0x60  }
0xbd: {  	[dreg:$0x2] =	wrdreg s24  }
0xbe: {  	[dreg:$0x3] =	wrdreg s18  }
0xbf: {  	[dreg:$0x4] =	wrdreg $0x0  }
0xc0: {  	[dreg:$0x5] =	wrdreg $0xA  }
0xc1: {  	_ =	task.clear_ibuf [dreg:s22], $0x6FFFF;
	_ =	strace $0x9000004C  }
0xc2: {  	s29 =	simm.s32 $0xA;
	_ =	strace $0x8000004E  }
0xc3: {  	_ =	swait.ge [sflag:s29], $0x1  }
0xc4: {  	[sflag:s29] =	ssyncadd.s32 $0xFFFFFFFF  }
0xc5: {  	_ =	strace $0x9000004E  }
0xc6: {  	_ =	sfence  }
0xc7: {  	s30 =	sld [smem:$0x0];
	_ =	sdelay $0x2  }
0xc8: {  	s31 =	sshll.u32 s1, $0xD;
	s1 =	sshrl.u32 s1, $0x2  }
0xc9: {  	s4 =	sand.u32 $0x4000, s31;
	s1 =	sadd.s32 s1, s30  }
0xca: {  	s0 =	sor.u32 s4, s0;
	s1 =	sshll.u32 s1, $0x11  }
0xcb: {  	s0 =	sor.u32 s1, s0  }
0xcc: {  	s0 =	sadd.s32 $0x8F2B, s0  }
0xcd: {  	[sflag:s0] =	ssyncadd.remote.s32 $0x1  }
0xce: {  	_ =	sfence.sel $0xFFFF  }
0xcf: {  	[dreg:$0x0] =	wrdreg $0xFFFFFFFF;
	(pc) =	sbr.abs _section_cstart, $3  }
0xd0: {  	[dreg:$0x1] =	wrdreg $0xFFFFFFFF  }
0xd1: {  	_ =	task.clear_ibuf [dreg:s22], $0x2FFFF;
	_ =	strace $0x9FFFFFFF  }
0xd2: {  	(tm) =	ssettm $0x7FFFFFFF  }
0xd3: {  	_ =	shalt  }
tec
execute0_lowered:
.L_overlay_start_1:
0x0: {  	(tag) =	ssettag $0x1  }
0x1: {  	s0 =	rddreg [dreg:$0x0]  }
0x2: {  	s1 =	rddreg [dreg:$0x1]  }
0x3: {  	s2 =	rddreg [dreg:$0x2];
	s4 =	simm.s32 $0x0;
	s3 =	srdreg.scid  }
0x4: {  	s10 =	stileid.u32;
	s31 =	simm.s32 $0x6;
	[smem:$0x7FF] =	sst s4  }
0x5: {  	s3 =	sand.u32 $0x1, s3;
	s8 =	smul.u32 $0x4F000, s10;
	s5 =	sadd.s32 $0x40000, s0  }
0x6: {  	s12 =	smul.u32 $0x13C00, s10;
	s6 =	sadd.s32 $0xB6200, s0;
	s0 =	sadd.s32 $0x10F000, s0  }
0x7: {  	s17 =	sshll.u32 s10, $0x1;
	_ =	strace $0x8000004D;
	s7 =	ssub.s32 $0x2, s3  }
0x8: {  	s16 =	smul.u32 $0x13C000, s3;
	s9 =	sshrl.u32 s7, $0x1;
	s8 =	sshrl.u32 s8, $0x2  }
0x9: {  	s13 =	sadd.s32 $0x4000, s12;
	s19 =	sadd.s32 $0x8000, s12;
	s14 =	sadd.s32 $0xC000, s12  }
0xa: {  	s15 =	sadd.s32 $0x10000, s12;
	s7 =	ssub.s32 s7, s9;
	s8 =	sadd.s32 s8, s2  }
0xb: {  	s9 =	sor.u32 s3, s17;
	s18 =	sadd.s32 s13, s2;
	[dreg:$0x4] =	wrdreg s8  }
0xc: {  	s11 =	sadd.s32 s19, s2;
	s20 =	sadd.s32 s14, s2;
	[dreg:$0x5] =	wrdreg s18  }
0xd: {  	s21 =	sadd.s32 s15, s2;
	s12 =	sadd.s32 s12, s16;
	[dreg:$0x6] =	wrdreg s11  }
0xe: {  	s13 =	sadd.s32 s16, s13;
	s3 =	smul.u32 $0x2710, s3;
	[dreg:$0x7] =	wrdreg s20  }
0xf: {  	s9 =	smul.u32 $0x2710, s9;
	[dreg:$0x8] =	wrdreg s21;
	s12 =	sshrl.u32 s12, $0x3  }
0x10: {  	s13 =	sshrl.u32 s13, $0x3;
	s8 =	sadd.s32 s16, s19;
	s7 =	smax.u32 s7, $0x1  }
0x11: {  	s26 =	sadd.s32 s0, s12;
	s12 =	sadd.s32 s0, s13;
	s13 =	sadd.s32 s16, s14  }
0x12: {  	s14 =	sadd.s32 s16, s15;
	s15 =	smul.u32 $0x4E20, s10;
	[dreg:$0x16] =	wrdreg s7  }
0x13: {  	s8 =	sshrl.u32 s8, $0x3;
	s7 =	simm.s32 $0x0;
	[dreg:$0xd] =	wrdreg s26  }
0x14: {  	s9 =	sshrl.u32 s9, $0x3;
	[dreg:$0xe] =	wrdreg s12;
	s12 =	sshrl.u32 s13, $0x3  }
0x15: {  	s8 =	sadd.s32 s0, s8;
	s13 =	simm.s32 $0x7;
	s22 =	sadd.s32 s6, s9  }
0x16: {  	s23 =	sadd.s32 s1, s9;
	s17 =	sadd.s32 $0x10, s9;
	[dreg:$0xf] =	wrdreg s8  }
0x17: {  	s16 =	sadd.s32 s0, s12;
	s18 =	sadd.s32 $0x20, s9;
	s3 =	sadd.s32 s3, s15  }
0x18: {  	s20 =	sadd.s32 $0x4E0, s9;
	s12 =	simm.s32 $0x17C00;
	[dreg:$0x9] =	wrdreg s22  }
0x19: {  	s15 =	simm.s32 $0x80;
	[dreg:$0xa] =	wrdreg s23;
	s24 =	sadd.s32 s6, s17  }
0x1a: {  	s25 =	sadd.s32 s1, s17;
	[dreg:$0x10] =	wrdreg s16;
	s17 =	sshrl.u32 s14, $0x3  }
0x1b: {  	s19 =	sadd.s32 s6, s18;
	s21 =	sadd.s32 s6, s20;
	[dreg:$0xb] =	wrdreg s24  }
0x1c: {  	s22 =	sadd.s32 $0x280, s3;
	s23 =	sadd.s32 $0x200, s3;
	[dreg:$0xc] =	wrdreg s25  }
0x1d: {  	s14 =	simm.s32 $0x17C80;
	s16 =	simm.s32 $0x1BD00;
	[dreg:$0x12] =	wrdreg s19  }
0x1e: {  	s0 =	sadd.s32 s0, s17;
	[dreg:$0x14] =	wrdreg s21;
	s24 =	sshrl.u32 s23, $0x3  }
0x1f: {  	s25 =	sadd.s32 $0x180, s3;
	s3 =	simm.s32 $0x1;
	s17 =	simm.s32 $0x1BD80  }
0x20: {  	s19 =	simm.s32 $0x1FE00;
	s21 =	simm.s32 $0x1BE00;
	s23 =	simm.s32 $0x5  }
0x21: {  	[dreg:$0x11] =	wrdreg s0;
	s0 =	sadd.s32 s1, s18;
	s29 =	sadd.s32 s24, s1  }
.Ltmp0:
0x22: {  	s30 =	sadd.s32 s24, s6;
	[dreg:$0x17] =	wrdreg s25;
	(pc) =	sbr.rel .LBB2_1-.Ltmp0, $4  }
0x23: {  	s18 =	simm.s32 $0x17D00;
	s24 =	simm.s32 $0x2;
	s25 =	simm.s32 $0x4  }
0x24: {  	[dreg:$0x13] =	wrdreg s0;
	s0 =	sadd.s32 s1, s20;
	s20 =	simm.s32 $0x1FE80  }
0x25: {  	[dreg:$0x15] =	wrdreg s0;
	s0 =	sshrl.u32 s22, $0x3;
	s22 =	simm.s32 $0x3  }
0x26: {  	v0 =	vimm.f32 $0.0e+00;
	s26 =	sadd.s32 s0, s1;
	s28 =	sadd.s32 s0, s6;
	s0 =	simm.s32 $0x13C00  }
.LBB2_6:
0x27: {  	_ =	swait.ge [sflag:s25], $0x4000  }
0x28: {  	[sflag:s25] =	ssyncset.done $0x0  }
0x29: {  	[sflag:s25] =	ssyncadd.s32 $0xFFFFC000  }
0x2a: {  	_ =	swait.ge [sflag:s31], $0x4000  }
0x2b: {  	[sflag:s31] =	ssyncset.done $0x0  }
0x2c: {  	s9 =	simm.s32 $0x1FF00;
	s8 =	rddreg [dreg:$0x14];
	[sflag:s31] =	ssyncadd.s32 $0xFFFFC000  }
0x2d: {  	[tilespmem:s9], [sflag:$0x7] =	stream.linear.gather [hbm4b:s8+s4], $0x10, $0x38;
	v63 =	vld [tilespmem:$0x0]  }
0x2e: {  	_ =	swait.ge [sflag:s13], $0x10  }
0x2f: {  	[sflag:s13] =	ssyncset.done $0x0  }
0x30: {  	s10 =	simm.s32 $0x1FF80;
	s11 =	rddreg [dreg:$0x15];
	[sflag:s13] =	ssyncadd.s32 $0xFFFFFFF0  }
0x31: {  	[tilespmem:s10], [sflag:$0x7] =	stream.linear.gather [hbm4b:s11+s4], $0x10, $0x38;
	v63 =	vld [tilespmem:$0x0]  }
0x32: {  	_ =	swait.ge [sflag:s13], $0x10  }
0x33: {  	[sflag:s13] =	ssyncset.done $0x0  }
0x34: {  	s11 =	simm.s32 $0x10;
	[sflag:s13] =	ssyncadd.s32 $0xFFFFFFF0  }
0x35: {  	[tilespmem:s0], [sflag:$0x1] =	stream.indirect.gather [hbm4b:s5+s11], $0x80, s9, s11, $0xb8;
	v63 =	vld [tilespmem:$0x0]  }
0x36: {  	_ =	swait.ge [sflag:s3], $0x800  }
0x37: {  	[sflag:s3] =	ssyncset.done $0x0  }
0x38: {  	[sflag:s3] =	ssyncadd.s32 $0xFFFFF800  }
0x39: {  	[spmem:s2] =	stream.indirect.scatter.add.f32 [tilespmem:s0], [sflag:$0x7], $0x80, s10, s11, $0xb8;
	v63 =	vld [tilespmem:$0x0]  }
0x3a: {  	_ =	swait.ge [sflag:s13], $0x800  }
0x3b: {  	[sflag:s13] =	ssyncset.done $0x0  }
0x3c: {  	[sflag:s13] =	ssyncadd.s32 $0xFFFFF800  }
0x3d: {  	[bflag:$0x0] =	sbarrier.arrive $0xFFFF  }
0x3e: {  	s10 =	rddreg [dreg:$0x4]  }
0x3f: {  	[tilespmem:s0], [sflag:$0x1] =	stream.linear.gather [spmem:s10], $0x4000, $0x38;
	v63 =	vld [tilespmem:$0x0]  }
0x40: {  	_ =	swait.ge [sflag:s3], $0x4000  }
0x41: {  	[sflag:s3] =	ssyncset.done $0x0  }
0x42: {  	s11 =	rddreg [dreg:$0xd];
	[sflag:s3] =	ssyncadd.s32 $0xFFFFC000  }
0x43: {  	[hbm4b:s11+s4] =	stream.linear.scatter [tilespmem:s0], [sflag:$0x2], $0x4000, $0x38;
	v63 =	vld [tilespmem:$0x0]  }
0x44: {  	s9 =	rddreg [dreg:$0x5]  }
0x45: {  	[tilespmem:s18], [sflag:$0x3] =	stream.linear.gather [spmem:s9], $0x4000, $0x38;
	v63 =	vld [tilespmem:$0x0]  }
0x46: {  	_ =	swait.ge [sflag:s22], $0x4000  }
0x47: {  	[sflag:s22] =	ssyncset.done $0x0  }
0x48: {  	s10 =	rddreg [dreg:$0xe];
	[sflag:s22] =	ssyncadd.s32 $0xFFFFC000  }
0x49: {  	[hbm4b:s10+s4] =	stream.linear.scatter [tilespmem:s18], [sflag:$0x4], $0x4000, $0x38;
	v63 =	vld [tilespmem:$0x0]  }
0x4a: {  	s11 =	rddreg [dreg:$0x6]  }
0x4b: {  	[tilespmem:s21], [sflag:$0x5] =	stream.linear.gather [spmem:s11], $0x4000, $0x38;
	v63 =	vld [tilespmem:$0x0]  }
0x4c: {  	_ =	swait.ge [sflag:s23], $0x4000  }
0x4d: {  	[sflag:s23] =	ssyncset.done $0x0  }
0x4e: {  	s9 =	rddreg [dreg:$0xf];
	[sflag:s23] =	ssyncadd.s32 $0xFFFFC000  }
0x4f: {  	[hbm4b:s9+s4] =	stream.linear.scatter [tilespmem:s21], [sflag:$0x6], $0x4000, $0x38;
	v63 =	vld [tilespmem:$0x0]  }
0x50: {  	_ =	swait.ge [sflag:s24], $0x4000  }
0x51: {  	[sflag:s24] =	ssyncset.done $0x0  }
0x52: {  	s10 =	rddreg [dreg:$0x7];
	[sflag:s24] =	ssyncadd.s32 $0xFFFFC000  }
0x53: {  	[tilespmem:s0], [sflag:$0x1] =	stream.linear.gather [spmem:s10], $0x4000, $0x38;
	v63 =	vld [tilespmem:$0x0]  }
0x54: {  	_ =	swait.ge [sflag:s3], $0x4000  }
0x55: {  	[sflag:s3] =	ssyncset.done $0x0  }
0x56: {  	s11 =	rddreg [dreg:$0x10];
	[sflag:s3] =	ssyncadd.s32 $0xFFFFC000  }
0x57: {  	[hbm4b:s11+s4] =	stream.linear.scatter [tilespmem:s0], [sflag:$0x2], $0x4000, $0x38;
	v63 =	vld [tilespmem:$0x0]  }
0x58: {  	_ =	swait.ge [sflag:s25], $0x4000  }
0x59: {  	[sflag:s25] =	ssyncset.done $0x0  }
0x5a: {  	s9 =	rddreg [dreg:$0x8];
	[sflag:s25] =	ssyncadd.s32 $0xFFFFC000  }
0x5b: {  	[tilespmem:s18], [sflag:$0x3] =	stream.linear.gather [spmem:s9], $0x3C00, $0x38;
	v63 =	vld [tilespmem:$0x0]  }
0x5c: {  	_ =	swait.ge [sflag:s22], $0x3C00  }
0x5d: {  	[sflag:s22] =	ssyncset.done $0x0  }
0x5e: {  	s10 =	rddreg [dreg:$0x11];
	[sflag:s22] =	ssyncadd.s32 $0xFFFFC400  }
0x5f: {  	[hbm4b:s10+s4] =	stream.linear.scatter [tilespmem:s18], [sflag:$0x4], $0x3C00, $0x38;
	v63 =	vld [tilespmem:$0x0]  }
0x60: {  	_ =	swait.ge [sflag:s31], $0x4000  }
0x61: {  	[sflag:s31] =	ssyncset.done $0x0  }
0x62: {  	[sflag:s31] =	ssyncadd.s32 $0xFFFFC000  }
0x63: {  	_ =	swait.ge [sflag:s24], $0x4000  }
0x64: {  	[sflag:s24] =	ssyncset.done $0x0  }
0x65: {  	[sflag:s24] =	ssyncadd.s32 $0xFFFFC000  }
0x66: {  	_ =	swait.ge [sflag:s25], $0x3C00  }
0x67: {  	s7 =	sadd.s32 $0x1, s7;
	s11 =	rddreg [dreg:$0x16]  }
0x68: {  	p0 =	sne.s32 s7, s11  }
.Ltmp1:
0x69: {  	_ = 	snop;
	(pc) =	sbr.rel @!p0 .LBB2_7-.Ltmp1, $3  }
0x6a: {  	_ =	sdelay $0x1  }
0x6b: {  	[sflag:s25] =	ssyncset.done $0x0  }
0x6c: {  	[sflag:s25] =	ssyncadd.s32 $0xFFFFC400  }
.LBB2_1:
0x6d: {  	s8 =	simm.s32 $0x0;
	s9 =	simm.s32 $0x200  }
.LBB2_2:
0x6e: {  	p0 =	sne.s32 s9, $0xFE00;
	[tilespmem:s8+$0x13C70] =	vst v0  }
0x6f: {  	[tilespmem:s8+$0x13C00] =	vst v0  }
0x70: {  	[tilespmem:s8+$0x13C10] =	vst v0  }
.Ltmp2:
0x71: {  	[tilespmem:s8+$0x13C20] =	vst v0;
	(pc) =	sbr.rel @p0 .LBB2_2-.Ltmp2, $4  }
0x72: {  	[tilespmem:s8+$0x13C30] =	vst v0  }
0x73: {  	[tilespmem:s8+$0x13C40] =	vst v0  }
0x74: {  	[tilespmem:s8+$0x13C50] =	vst v0  }
0x75: {  	[tilespmem:s8+$0x13C60] =	vst v0;
	s8 =	sshra.s32 s9, $0x2;
	s9 =	sadd.s32 $0x200, s9  }
0x76: {  	[tilespmem:s8+$0x13C70] =	vst v0  }
0x77: {  	[tilespmem:s8+$0x13C00] =	vst v0  }
0x78: {  	[tilespmem:s8+$0x13C10] =	vst v0  }
0x79: {  	[tilespmem:s8+$0x13C20] =	vst v0  }
0x7a: {  	[tilespmem:s8+$0x13C30] =	vst v0  }
0x7b: {  	[tilespmem:s8+$0x13C40] =	vst v0  }
0x7c: {  	[tilespmem:s8+$0x13C50] =	vst v0  }
0x7d: {  	[tilespmem:s8+$0x13C60] =	vst v0;
	s9 =	rddreg [dreg:$0x4]  }
0x7e: {  	[spmem:s9] =	stream.linear.scatter [tilespmem:s0], [sflag:$0x1], $0x4000, $0x38;
	v63 =	vld [tilespmem:$0x0]  }
0x7f: {  	s10 =	rddreg [dreg:$0x5]  }
0x80: {  	[spmem:s10] =	stream.linear.scatter [tilespmem:s0], [sflag:$0x1], $0x4000, $0x38;
	v63 =	vld [tilespmem:$0x0]  }
0x81: {  	s11 =	rddreg [dreg:$0x6]  }
0x82: {  	[spmem:s11] =	stream.linear.scatter [tilespmem:s0], [sflag:$0x1], $0x4000, $0x38;
	v63 =	vld [tilespmem:$0x0]  }
0x83: {  	s9 =	rddreg [dreg:$0x7]  }
0x84: {  	[spmem:s9] =	stream.linear.scatter [tilespmem:s0], [sflag:$0x1], $0x4000, $0x38;
	v63 =	vld [tilespmem:$0x0]  }
0x85: {  	s10 =	rddreg [dreg:$0x8]  }
0x86: {  	[spmem:s10] =	stream.linear.scatter [tilespmem:s0], [sflag:$0x1], $0x3C00, $0x38;
	v63 =	vld [tilespmem:$0x0]  }
0x87: {  	_ =	swait.ge [sflag:s3], $0x4000  }
0x88: {  	[sflag:s3] =	ssyncset.done $0x0  }
0x89: {  	[sflag:s3] =	ssyncadd.s32 $0xFFFFC000  }
0x8a: {  	_ =	swait.ge [sflag:s3], $0x4000  }
0x8b: {  	[sflag:s3] =	ssyncset.done $0x0  }
0x8c: {  	[sflag:s3] =	ssyncadd.s32 $0xFFFFC000  }
0x8d: {  	_ =	swait.ge [sflag:s3], $0x4000  }
0x8e: {  	[sflag:s3] =	ssyncset.done $0x0  }
0x8f: {  	[sflag:s3] =	ssyncadd.s32 $0xFFFFC000  }
0x90: {  	_ =	swait.ge [sflag:s3], $0x4000  }
0x91: {  	[sflag:s3] =	ssyncset.done $0x0  }
0x92: {  	[sflag:s3] =	ssyncadd.s32 $0xFFFFC000  }
0x93: {  	_ =	swait.ge [sflag:s3], $0x3C00  }
0x94: {  	[sflag:s3] =	ssyncset.done $0x0  }
0x95: {  	[sflag:s3] =	ssyncadd.s32 $0xFFFFC400  }
0x96: {  	[bflag:$0x0] =	sbarrier.arrive $0xFFFF  }
0x97: {  	s8 =	simm.s32 $0x0;
	s9 =	rddreg [dreg:$0x9]  }
0x98: {  	[tilespmem:s12], [sflag:$0x7] =	stream.linear.gather [hbm4b:s9+s8], $0x80, $0x38;
	v63 =	vld [tilespmem:$0x0]  }
0x99: {  	_ =	swait.ge [sflag:s13], $0x80  }
0x9a: {  	[sflag:s13] =	ssyncset.done $0x0  }
0x9b: {  	s11 =	rddreg [dreg:$0xa];
	[sflag:s13] =	ssyncadd.s32 $0xFFFFFF80  }
0x9c: {  	[tilespmem:s14], [sflag:$0x7] =	stream.linear.gather [hbm4b:s11+s8], $0x80, $0x38;
	v63 =	vld [tilespmem:$0x0]  }
0x9d: {  	_ =	swait.ge [sflag:s13], $0x80  }
0x9e: {  	[sflag:s13] =	ssyncset.done $0x0  }
0x9f: {  	[sflag:s13] =	ssyncadd.s32 $0xFFFFFF80  }
0xa0: {  	[tilespmem:s0], [sflag:$0x1] =	stream.indirect.gather [hbm4b:s5+s15], $0x80, s12, s15, $0xb8;
	v63 =	vld [tilespmem:$0x0]  }
0xa1: {  	s10 =	rddreg [dreg:$0xb]  }
0xa2: {  	[tilespmem:s16], [sflag:$0x7] =	stream.linear.gather [hbm4b:s10+s8], $0x80, $0x38;
	v63 =	vld [tilespmem:$0x0]  }
0xa3: {  	_ =	swait.ge [sflag:s13], $0x80  }
0xa4: {  	[sflag:s13] =	ssyncset.done $0x0  }
0xa5: {  	s11 =	rddreg [dreg:$0xc];
	[sflag:s13] =	ssyncadd.s32 $0xFFFFFF80  }
0xa6: {  	[tilespmem:s17], [sflag:$0x7] =	stream.linear.gather [hbm4b:s11+s8], $0x80, $0x38;
	v63 =	vld [tilespmem:$0x0]  }
0xa7: {  	_ =	swait.ge [sflag:s13], $0x80  }
0xa8: {  	[sflag:s13] =	ssyncset.done $0x0  }
0xa9: {  	[sflag:s13] =	ssyncadd.s32 $0xFFFFFF80  }
0xaa: {  	[tilespmem:s18], [sflag:$0x3] =	stream.indirect.gather [hbm4b:s5+s15], $0x80, s16, s15, $0xb8;
	v63 =	vld [tilespmem:$0x0]  }
0xab: {  	s10 =	rddreg [dreg:$0x12]  }
0xac: {  	[tilespmem:s19], [sflag:$0x7] =	stream.linear.gather [hbm4b:s10+s8], $0x80, $0x38;
	v63 =	vld [tilespmem:$0x0]  }
0xad: {  	_ =	swait.ge [sflag:s13], $0x80  }
0xae: {  	[sflag:s13] =	ssyncset.done $0x0  }
0xaf: {  	s11 =	rddreg [dreg:$0x13];
	[sflag:s13] =	ssyncadd.s32 $0xFFFFFF80  }
0xb0: {  	[tilespmem:s20], [sflag:$0x7] =	stream.linear.gather [hbm4b:s11+s8], $0x80, $0x38;
	v63 =	vld [tilespmem:$0x0]  }
0xb1: {  	_ =	swait.ge [sflag:s13], $0x80  }
0xb2: {  	[sflag:s13] =	ssyncset.done $0x0  }
0xb3: {  	s9 =	rddreg [dreg:$0x17];
	[sflag:s13] =	ssyncadd.s32 $0xFFFFFF80  }
0xb4: {  	[tilespmem:s21], [sflag:$0x5] =	stream.indirect.gather [hbm4b:s5+s15], $0x80, s19, s15, $0xb8;
	v63 =	vld [tilespmem:$0x0]  }
.LBB2_4:
0xb5: {  	_ =	swait.ge [sflag:s3], $0x4000  }
0xb6: {  	[sflag:s3] =	ssyncset.done $0x0  }
0xb7: {  	[sflag:s3] =	ssyncadd.s32 $0xFFFFC000  }
0xb8: {  	[spmem:s2] =	stream.indirect.scatter.add.f32 [tilespmem:s0], [sflag:$0x2], $0x80, s14, s15, $0xb8;
	v63 =	vld [tilespmem:$0x0]  }
0xb9: {  	_ =	swait.ge [sflag:s22], $0x4000  }
0xba: {  	[sflag:s22] =	ssyncset.done $0x0  }
0xbb: {  	[sflag:s22] =	ssyncadd.s32 $0xFFFFC000  }
0xbc: {  	[spmem:s2] =	stream.indirect.scatter.add.f32 [tilespmem:s18], [sflag:$0x4], $0x80, s17, s15, $0xb8;
	v63 =	vld [tilespmem:$0x0]  }
0xbd: {  	_ =	swait.ge [sflag:s23], $0x4000  }
0xbe: {  	p0 =	seq.s32 s8, $0x4B0;
	[sflag:s23] =	ssyncset.done $0x0  }
.Ltmp3:
0xbf: {  	[sflag:s23] =	ssyncadd.s32 $0xFFFFC000;
	(pc) =	sbr.rel @p0 .LBB2_6-.Ltmp3, $4  }
0xc0: {  	[spmem:s2] =	stream.indirect.scatter.add.f32 [tilespmem:s21], [sflag:$0x6], $0x80, s20, s15, $0xb8;
	v63 =	vld [tilespmem:$0x0]  }
0xc1: {  	_ =	swait.ge [sflag:s24], $0x4000  }
0xc2: {  	[sflag:s24] =	ssyncset.done $0x0  }
0xc3: {  	[sflag:s24] =	ssyncadd.s32 $0xFFFFC000  }
0xc4: {  	s10 =	sshrl.u32 s9, $0x3  }
0xc5: {  	s11 =	sadd.s32 s6, s10  }
0xc6: {  	[tilespmem:s12], [sflag:$0x7] =	stream.linear.gather [hbm4b:s11+s4], $0x80, $0x38;
	v63 =	vld [tilespmem:$0x0]  }
0xc7: {  	_ =	swait.ge [sflag:s13], $0x80  }
0xc8: {  	[sflag:s13] =	ssyncset.done $0x0  }
0xc9: {  	s10 =	sadd.s32 s1, s10;
	[sflag:s13] =	ssyncadd.s32 $0xFFFFFF80  }
0xca: {  	[tilespmem:s14], [sflag:$0x7] =	stream.linear.gather [hbm4b:s10+s4], $0x80, $0x38;
	v63 =	vld [tilespmem:$0x0]  }
0xcb: {  	_ =	swait.ge [sflag:s13], $0x80  }
0xcc: {  	[sflag:s13] =	ssyncset.done $0x0  }
0xcd: {  	[sflag:s13] =	ssyncadd.s32 $0xFFFFFF80  }
0xce: {  	[tilespmem:s0], [sflag:$0x1] =	stream.indirect.gather [hbm4b:s5+s15], $0x80, s12, s15, $0xb8;
	v63 =	vld [tilespmem:$0x0]  }
0xcf: {  	_ =	swait.ge [sflag:s25], $0x4000  }
0xd0: {  	[sflag:s25] =	ssyncset.done $0x0  }
0xd1: {  	s11 =	sadd.s32 s8, s30;
	[sflag:s25] =	ssyncadd.s32 $0xFFFFC000  }
0xd2: {  	[tilespmem:s16], [sflag:$0x7] =	stream.linear.gather [hbm4b:s11+s4], $0x80, $0x38;
	v63 =	vld [tilespmem:$0x0]  }
0xd3: {  	_ =	swait.ge [sflag:s13], $0x80  }
0xd4: {  	[sflag:s13] =	ssyncset.done $0x0  }
0xd5: {  	s11 =	sadd.s32 s8, s29;
	[sflag:s13] =	ssyncadd.s32 $0xFFFFFF80  }
0xd6: {  	[tilespmem:s17], [sflag:$0x7] =	stream.linear.gather [hbm4b:s11+s4], $0x80, $0x38;
	v63 =	vld [tilespmem:$0x0]  }
0xd7: {  	_ =	swait.ge [sflag:s13], $0x80  }
0xd8: {  	[sflag:s13] =	ssyncset.done $0x0  }
0xd9: {  	[sflag:s13] =	ssyncadd.s32 $0xFFFFFF80  }
0xda: {  	[tilespmem:s18], [sflag:$0x3] =	stream.indirect.gather [hbm4b:s5+s15], $0x80, s16, s15, $0xb8;
	v63 =	vld [tilespmem:$0x0]  }
0xdb: {  	_ =	swait.ge [sflag:s31], $0x4000  }
0xdc: {  	[sflag:s31] =	ssyncset.done $0x0  }
0xdd: {  	s11 =	sadd.s32 s8, s28;
	[sflag:s31] =	ssyncadd.s32 $0xFFFFC000  }
0xde: {  	[tilespmem:s19], [sflag:$0x7] =	stream.linear.gather [hbm4b:s11+s4], $0x80, $0x38;
	v63 =	vld [tilespmem:$0x0]  }
0xdf: {  	_ =	swait.ge [sflag:s13], $0x80  }
0xe0: {  	[sflag:s13] =	ssyncset.done $0x0  }
0xe1: {  	s11 =	sadd.s32 s8, s26;
	[sflag:s13] =	ssyncadd.s32 $0xFFFFFF80  }
0xe2: {  	[tilespmem:s20], [sflag:$0x7] =	stream.linear.gather [hbm4b:s11+s4], $0x80, $0x38;
	v63 =	vld [tilespmem:$0x0]  }
.Ltmp4:
0xe3: {  	_ = 	snop;
	(pc) =	sbr.rel .LBB2_4-.Ltmp4, $4  }
0xe4: {  	_ =	swait.ge [sflag:s13], $0x80  }
0xe5: {  	[sflag:s13] =	ssyncset.done $0x0  }
0xe6: {  	s9 =	sadd.s32 $0x180, s9;
	s8 =	sadd.s32 $0x30, s8;
	[sflag:s13] =	ssyncadd.s32 $0xFFFFFF80  }
0xe7: {  	[tilespmem:s21], [sflag:$0x5] =	stream.indirect.gather [hbm4b:s5+s15], $0x80, s19, s15, $0xb8;
	v63 =	vld [tilespmem:$0x0]  }
.LBB2_7:
0xe8: {  	_ =	sfence.sel $0x180000  }
0xe9: {  	[bflag:$0x0] =	sbarrier.arrive $0xFFFF  }
0xea: {  	_ =	strace $0x9000004D  }
0xeb: {  	s0 =	stileid.u32;
	[bflag:$0x2] =	sbarrier.arrive $0xFFFF  }
0xec: {  	p0 =	sne.s32 s0, $0x0;
	s0 =	rddreg [dreg:$0x3]  }
0xed: {  	s0 =	sadd.s32 @!p0 $0x100000, s0  }
0xee: {  	[sflag:s0] =	ssyncadd.tile.s32 @!p0 $0x1;
	_ =	shalt  }
.Lfunc_end2:
_tile_overlayer_lowered:
.L_overlay_start_2:
0xef: {  	(tag) =	ssettag $0x2  }
0xf0: {  	s0 =	rddreg [dreg:$0x0];
	s2 =	stileid.u32  }
0xf1: {  	s1 =	rddreg [dreg:$0x1];
	p0 =	sne.s32 s2, $0x0  }
0xf2: {  	s3 =	rddreg [dreg:$0x2];
	[bflag:$0x3] =	sbarrier.arrive $0xFFFF;
	s2 =	simm.s32 @!p0 $0x1C07  }
0xf3: {  	[timem:s3], [sflag:s2] =	dma.local @!p0 [hbm:s0], s1  }
0xf4: {  	s0 =	simm.s32 @!p0 $0x7  }
0xf5: {  	_ =	swait.ge @!p0 [sflag:s0], s1  }
0xf6: {  	s1 =	ssub.s32 @!p0 $0x0, s1;
	[sflag:s0] =	ssyncset.done @!p0 $0x0  }
0xf7: {  	[sflag:s0] =	ssyncadd.s32 @!p0 s1  }
0xf8: {  	[bflag:$0x3] =	sbarrier.arrive $0xFFFF  }
0xf9: {  	_ =	shalt  }

</sc_bundles>
